<compile_context>
chip_gen: v7x
topology: tpu7x:2x2x1
jax: 0.10.2.dev20260603
libtpu: 0.0.44.dev20260713+nightly
codegen_flags: <defaults>
</compile_context>

<pallas_src>
import jax
import jax.numpy as jnp
from jax import lax
from jax.experimental import pallas as pl
from jax.experimental.pallas import tpu as pltpu
from jax.experimental.pallas import tpu_sc as plsc

N = 10000
E = 160000
H = 256
NG = 4
GW = H // NG

NPAD = 10240
ROWS_PER_TILE = 640
DUMMY = 10008
CE = 128
NCHUNK = E // CE
NS = 16
CHUNKS_PER_TILE = -(-NCHUNK // NS)


def _node_pre_body(h_ref, wat_ref, wuat_ref, bm_ref, bu_ref, hw_ref, hu_ref):
    hblk = h_ref[...]
    hw = jnp.dot(hblk, wat_ref[...], preferred_element_type=jnp.float32) + bm_ref[...]
    for g in range(NG):
        hw_ref[g] = hw[:, g * GW:(g + 1) * GW]
    hu_ref[...] = (
        jnp.dot(hblk, wuat_ref[...], preferred_element_type=jnp.float32) + bu_ref[...]
    )


def _node_pre(h2, wat, wuat, bm, bu):
    nb = 10
    blk = N // nb
    return pl.pallas_call(
        _node_pre_body,
        grid=(nb,),
        in_specs=[
            pl.BlockSpec((blk, H), lambda i: (i, 0)),
            pl.BlockSpec((H, H), lambda i: (0, 0)),
            pl.BlockSpec((H, H), lambda i: (0, 0)),
            pl.BlockSpec((1, H), lambda i: (0, 0)),
            pl.BlockSpec((1, H), lambda i: (0, 0)),
        ],
        out_specs=[
            pl.BlockSpec((NG, blk, GW), lambda i: (0, i, 0)),
            pl.BlockSpec((blk, H), lambda i: (i, 0)),
        ],
        out_shape=[
            jax.ShapeDtypeStruct((NG, N, GW), jnp.float32),
            jax.ShapeDtypeStruct((N, H), jnp.float32),
        ],
    )(h2, wat, wuat, bm, bu)


def _edge_mm_body(ee_ref, wbt_ref, m1_ref):
    m = jnp.dot(ee_ref[...], wbt_ref[...], preferred_element_type=jnp.float32)
    for g in range(NG):
        m1_ref[g] = m[:, g * GW:(g + 1) * GW]


def _edge_mm(ee, wbt):
    nb = 160
    blk = E // nb
    return pl.pallas_call(
        _edge_mm_body,
        grid=(nb,),
        in_specs=[
            pl.BlockSpec((blk, H), lambda i: (i, 0)),
            pl.BlockSpec((H, H), lambda i: (0, 0)),
        ],
        out_specs=pl.BlockSpec((NG, blk, GW), lambda i: (0, i, 0)),
        out_shape=jax.ShapeDtypeStruct((NG, E, GW), jnp.float32),
    )(ee, wbt)


def _sc_body(hw_hbm, m1_hbm, src_hbm, dst_hbm, nvec_hbm, agg_out, cnt_out,
             sbuf2d, dbuf2d,
             m1buf0, m1buf1, m1buf2, gbuf0, gbuf1, gbuf2,
             ones, zbuf, nbuf, aggsp, cntsp,
             msem0, msem1, msem2, gsem0, gsem1, gsem2, bsem):
    cid = lax.axis_index("c")
    sid = lax.axis_index("s")
    row0 = sid * ROWS_PER_TILE
    slots = (
        (m1buf0, gbuf0, msem0, gsem0),
        (m1buf1, gbuf1, msem1, gsem1),
        (m1buf2, gbuf2, msem2, gsem2),
    )
    S = sid * 78 + jnp.minimum(sid, 2)
    ntile = 78 + (sid < 2).astype(jnp.int32)

    pltpu.async_copy(src_hbm.at[pl.ds(S, 78)], sbuf2d.at[pl.ds(0, 78)], bsem)
    pltpu.async_copy(dst_hbm.at[pl.ds(S, 78)], dbuf2d.at[pl.ds(0, 78)], bsem)

    @pl.when(sid < 2)
    def _():
        pltpu.async_copy(src_hbm.at[pl.ds(S + 78, 1)], sbuf2d.at[pl.ds(78, 1)], bsem)
        pltpu.async_copy(dst_hbm.at[pl.ds(S + 78, 1)], dbuf2d.at[pl.ds(78, 1)], bsem)

    def fill_small(r, _):
        ones[r, pl.ds(0, 16)] = jnp.full((16,), 1.0, jnp.float32)
        zbuf[r, pl.ds(0, 16)] = jnp.zeros((16,), jnp.float32)
        return 0
    lax.fori_loop(0, CE, fill_small, 0)
    pltpu.sync_copy(nvec_hbm, nbuf)
    nv = nbuf[...]

    pltpu.make_async_copy(src_hbm.at[pl.ds(0, 78)], sbuf2d.at[pl.ds(0, 78)], bsem).wait()
    pltpu.make_async_copy(src_hbm.at[pl.ds(0, 78)], dbuf2d.at[pl.ds(0, 78)], bsem).wait()

    @pl.when(sid < 2)
    def _():
        pltpu.make_async_copy(src_hbm.at[pl.ds(0, 1)], sbuf2d.at[pl.ds(0, 1)], bsem).wait()
        pltpu.make_async_copy(src_hbm.at[pl.ds(0, 1)], dbuf2d.at[pl.ds(0, 1)], bsem).wait()

    for p in range(2):
        g = cid * 2 + p

        def zero_rows(r, _):
            for q in range(GW // 16):
                gbuf0[r, pl.ds(q * 16, 16)] = jnp.zeros((16,), jnp.float32)
            return 0
        lax.fori_loop(0, CE, zero_rows, 0)

        for rep in range(ROWS_PER_TILE // CE):
            pltpu.sync_copy(gbuf0, aggsp.at[pl.ds(row0 + rep * CE, CE)])
            if p == 0:
                pltpu.sync_copy(zbuf, cntsp.at[pl.ds(row0 + rep * CE, CE)])

        plsc.subcore_barrier()

        def start_m1(j, slot):
            mb, gb, msem, gsem = slot

            @pl.when(j < ntile)
            def _():
                pltpu.async_copy(
                    m1_hbm.at[pl.ds(g * E + (S + j) * CE, CE)], mb, msem)

        def front(j, slot):
            mb, gb, msem, gsem = slot

            @pl.when(j < ntile)
            def _():
                pltpu.make_async_copy(m1_hbm.at[pl.ds(0, CE)], mb, msem).wait()

                if p == 0:
                    def ifix(q, _):
                        sl = pl.ds(q * 16, 16)
                        s16 = sbuf2d[j, sl]
                        d16 = dbuf2d[j, sl]
                        eid = (S + j) * CE + q * 16 + lax.iota(jnp.int32, 16)
                        sbuf2d[j, sl] = s16 + g * N
                        dbuf2d[j, sl] = jnp.where(eid < nv, d16, DUMMY)
                        return 0
                else:
                    def ifix(q, _):
                        sl = pl.ds(q * 16, 16)
                        sbuf2d[j, sl] = sbuf2d[j, sl] + N
                        return 0
                lax.fori_loop(0, CE // 16, ifix, 0)

                pltpu.async_copy(hw_hbm.at[sbuf2d.at[j]], gb, gsem)

        def back(j, slot):
            mb, gb, msem, gsem = slot

            @pl.when(j < ntile)
            def _():
                pltpu.make_async_copy(hw_hbm.at[sbuf2d.at[j]], gb, gsem).wait()

                def addrelu(r4, _):
                    for dr in range(4):
                        r = r4 * 4 + dr
                        for q in range(GW // 16):
                            sl = pl.ds(q * 16, 16)
                            v = gb[r, sl] + mb[r, sl]
                            gb[r, sl] = jnp.maximum(v, 0.0)
                    return 0
                lax.fori_loop(0, CE // 4, addrelu, 0)

                pltpu.sync_copy(gb, aggsp.at[dbuf2d.at[j]], add=True)

                if p == 0:
                    half = ntile // 2

                    @pl.when(jnp.where(cid == 0, j < half, j >= half))
                    def _():
                        pltpu.sync_copy(ones, cntsp.at[dbuf2d.at[j]], add=True)

        start_m1(0, slots[0])
        start_m1(1, slots[1])
        front(0, slots[0])
        start_m1(2, slots[2])
        front(1, slots[1])

        def tri_body(t, _):
            j = t * 3
            back(j, slots[0])
            start_m1(j + 3, slots[0])
            front(j + 2, slots[2])
            back(j + 1, slots[1])
            start_m1(j + 4, slots[1])
            front(j + 3, slots[0])
            back(j + 2, slots[2])
            start_m1(j + 5, slots[2])
            front(j + 4, slots[1])
            return 0

        lax.fori_loop(0, (CHUNKS_PER_TILE + 2) // 3, tri_body, 0)

        plsc.subcore_barrier()

        nrows_last = N - (NS - 1) * ROWS_PER_TILE

        @pl.when(sid < NS - 1)
        def _():
            pltpu.sync_copy(aggsp.at[pl.ds(row0, ROWS_PER_TILE)],
                            agg_out.at[g, pl.ds(row0, ROWS_PER_TILE)])
            if p == 0:
                pltpu.sync_copy(cntsp.at[pl.ds(row0, ROWS_PER_TILE)],
                                cnt_out.at[cid, pl.ds(row0, ROWS_PER_TILE)])

        @pl.when(sid == NS - 1)
        def _():
            pltpu.sync_copy(aggsp.at[pl.ds(row0, nrows_last)],
                            agg_out.at[g, pl.ds(row0, nrows_last)])
            if p == 0:
                pltpu.sync_copy(cntsp.at[pl.ds(row0, nrows_last)],
                                cnt_out.at[cid, pl.ds(row0, nrows_last)])

        plsc.subcore_barrier()


def _sc_gather_scatter(hwflat, m1flat, src, dst, nvec):
    mesh = plsc.VectorSubcoreMesh(core_axis_name="c", subcore_axis_name="s")
    kern = pl.kernel(
        _sc_body,
        out_type=[
            jax.ShapeDtypeStruct((NG, N, GW), jnp.float32),
            jax.ShapeDtypeStruct((2, N, 16), jnp.float32),
        ],
        mesh=mesh,
        compiler_params=pltpu.CompilerParams(use_tc_tiling_on_sc=False),
        scratch_types=(
            [pltpu.VMEM((CHUNKS_PER_TILE, CE), jnp.int32) for _ in range(2)]
            + [pltpu.VMEM((CE, GW), jnp.float32) for _ in range(6)]
            + [
                pltpu.VMEM((CE, 16), jnp.float32),
                pltpu.VMEM((CE, 16), jnp.float32),
                pltpu.VMEM((16,), jnp.int32),
                pltpu.VMEM_SHARED((NPAD, GW), jnp.float32),
                pltpu.VMEM_SHARED((NPAD, 16), jnp.float32),
            ]
            + [pltpu.SemaphoreType.DMA for _ in range(7)]
        ),
    )
    return kern(hwflat, m1flat, src, dst, nvec)


def _update_body(agg_ref, cnt_ref, hu_ref, wubt_ref, out_ref):
    agg = jnp.concatenate([agg_ref[g] for g in range(NG)], axis=-1)
    cnt = jnp.maximum(cnt_ref[0, :, 0:1] + cnt_ref[1, :, 0:1], 1.0)
    aggn = agg / cnt
    out = jnp.dot(aggn, wubt_ref[...], preferred_element_type=jnp.float32) + hu_ref[...]
    out_ref[...] = jnp.maximum(out, 0.0)


def _update(aggcat, cnt2d, hu, wubt):
    nb = 10
    blk = N // nb
    return pl.pallas_call(
        _update_body,
        grid=(nb,),
        in_specs=[
            pl.BlockSpec((NG, blk, GW), lambda i: (0, i, 0)),
            pl.BlockSpec((2, blk, 16), lambda i: (0, i, 0)),
            pl.BlockSpec((blk, H), lambda i: (i, 0)),
            pl.BlockSpec((H, H), lambda i: (0, 0)),
        ],
        out_specs=pl.BlockSpec((blk, H), lambda i: (i, 0)),
        out_shape=jax.ShapeDtypeStruct((N, H), jnp.float32),
    )(aggcat, cnt2d, hu, wubt)


def kernel(h, e_embed, edge_index, n_edges, W_msg, b_msg, W_upd, b_upd):
    h2 = h[0]
    ee = e_embed[0]
    src2d = edge_index[0, 0].reshape(NCHUNK, CE)
    dst2d = edge_index[0, 1].reshape(NCHUNK, CE)
    nvec = jnp.full((16,), n_edges[0, 0], dtype=jnp.int32)

    wat = W_msg[:, :H].T
    wbt = W_msg[:, H:].T
    wuat = W_upd[:, :H].T
    wubt = W_upd[:, H:].T
    bm = b_msg.reshape(1, H)
    bu = b_upd.reshape(1, H)

    hwcat, hu = _node_pre(h2, wat, wuat, bm, bu)
    m1cat = _edge_mm(ee, wbt)

    hwflat = hwcat.reshape(NG * N, GW)
    m1flat = m1cat.reshape(NG * E, GW)

    aggcat, cnt = _sc_gather_scatter(hwflat, m1flat, src2d, dst2d, nvec)

    h_new = _update(aggcat, cnt, hu, wubt)
    return h_new.reshape(1, N, H)

# --- scband reference (transcript-rebuilt; emitter-appended) ---
"""Pipeline reference for scband-message-passing-layer-18184891532161 (READ-ONLY COPY).

The authoritative reference and input builder live on the scoring server;
editing this copy changes nothing except your own understanding.
"""

import jax, jax.numpy as jnp
import numpy as np

B, N, E, H = 1, 10000, 160000, 256


def setup_inputs(seed: int = 0) -> dict:
    key = jax.random.key(seed)
    ks = jax.random.split(key, 8)
    h = jax.random.normal(ks[0], (B, N, H), dtype=jnp.float32)
    e_embed = jax.random.normal(ks[1], (B, E, H), dtype=jnp.float32)
    edge_index = jax.random.randint(ks[2], (B, 2, E), 0, N, dtype=jnp.int32)
    n_edges = jax.random.randint(ks[3], (B, 1), 0, E, dtype=jnp.int32)
    # nn.Linear(2H, H) weights: [out, in] = [H, 2H]
    W_msg = jax.random.normal(ks[4], (H, 2 * H), dtype=jnp.float32) * 0.04
    b_msg = jax.random.normal(ks[5], (H,), dtype=jnp.float32) * 0.01
    W_upd = jax.random.normal(ks[6], (H, 2 * H), dtype=jnp.float32) * 0.04
    b_upd = jax.random.normal(ks[7], (H,), dtype=jnp.float32) * 0.01
    return {"h": h, "e_embed": e_embed, "edge_index": edge_index, "n_edges": n_edges,
            "W_msg": W_msg, "b_msg": b_msg, "W_upd": W_upd, "b_upd": b_upd}


def reference(h, e_embed, edge_index, n_edges, W_msg, b_msg, W_upd, b_upd):
    Bb, max_nodes, hidden = h.shape
    max_edges = edge_index.shape[2]
    src_idx = edge_index[:, 0, :]  # [B, E]
    dst_idx = edge_index[:, 1, :]  # [B, E]
    # gather source node states: h.gather(1, src_exp)
    src_exp = jnp.broadcast_to(src_idx[:, :, None], (Bb, max_edges, hidden))
    src_h = jnp.take_along_axis(h, src_exp, axis=1)  # [B, E, H]
    # message MLP
    msg_in = jnp.concatenate([src_h, e_embed], axis=-1)  # [B, E, 2H]
    messages = jax.nn.relu(msg_in @ W_msg.T + b_msg)  # [B, E, H]
    # mask invalid (padded) edges
    edge_mask = (jnp.arange(max_edges)[None, :] < n_edges).astype(jnp.float32)  # [B, E]
    messages = messages * edge_mask[:, :, None]
    # scatter-add aggregation along node axis (per batch)
    def scatter_add(dst, msgs):
        return jnp.zeros((max_nodes, hidden), dtype=msgs.dtype).at[dst].add(msgs)
    agg = jax.vmap(scatter_add)(dst_idx, messages)  # [B, N, H]
    def scatter_count(dst, mask):
        return jnp.zeros((max_nodes,), dtype=mask.dtype).at[dst].add(mask)
    counts = jax.vmap(scatter_count)(dst_idx, edge_mask)[:, :, None]  # [B, N, 1]
    agg = agg / jnp.clip(counts, 1.0, None)
    # node update MLP
    upd_in = jnp.concatenate([h, agg], axis=-1)  # [B, N, 2H]
    h_new = jax.nn.relu(upd_in @ W_upd.T + b_upd)
    return h_new

if __name__ == "__main__":
    import jax
    _d = setup_inputs()
    print(jax.jit(kernel)(*tuple(_d.values())))

</pallas_src>

<mosaic_0001>
#map = affine_map<(d0, d1) -> (0, 0)>
#map1 = affine_map<(d0, d1) -> (0)>
#map2 = affine_map<(d0, d1) -> (0, 0, 0)>
module attributes {stable_mosaic.version = 14 : i64} {
  func.func @_sc_body(%arg0: i32, %arg1: i32, %arg2: memref<40000x64xf32, #tpu.memory_space<hbm>>, %arg3: memref<640000x64xf32, #tpu.memory_space<hbm>>, %arg4: memref<1250x128xi32, #tpu.memory_space<hbm>>, %arg5: memref<1250x128xi32, #tpu.memory_space<hbm>>, %arg6: memref<16xi32, #tpu.memory_space<hbm>>, %arg7: memref<4x10000x64xf32, #tpu.memory_space<hbm>>, %arg8: memref<2x10000x16xf32, #tpu.memory_space<hbm>>, %arg9: memref<79x128xi32, #tpu.memory_space<vmem>>, %arg10: memref<79x128xi32, #tpu.memory_space<vmem>>, %arg11: memref<128x64xf32, #tpu.memory_space<vmem>>, %arg12: memref<128x64xf32, #tpu.memory_space<vmem>>, %arg13: memref<128x64xf32, #tpu.memory_space<vmem>>, %arg14: memref<128x64xf32, #tpu.memory_space<vmem>>, %arg15: memref<128x64xf32, #tpu.memory_space<vmem>>, %arg16: memref<128x64xf32, #tpu.memory_space<vmem>>, %arg17: memref<128x16xf32, #tpu.memory_space<vmem>>, %arg18: memref<128x16xf32, #tpu.memory_space<vmem>>, %arg19: memref<16xi32, #tpu.memory_space<vmem>>, %arg20: memref<10240x64xf32, #tpu.memory_space<vmem_shared>>, %arg21: memref<10240x16xf32, #tpu.memory_space<vmem_shared>>, %arg22: memref<!tpu.dma_semaphore, #tpu.memory_space<semaphore_mem>>, %arg23: memref<!tpu.dma_semaphore, #tpu.memory_space<semaphore_mem>>, %arg24: memref<!tpu.dma_semaphore, #tpu.memory_space<semaphore_mem>>, %arg25: memref<!tpu.dma_semaphore, #tpu.memory_space<semaphore_mem>>, %arg26: memref<!tpu.dma_semaphore, #tpu.memory_space<semaphore_mem>>, %arg27: memref<!tpu.dma_semaphore, #tpu.memory_space<semaphore_mem>>, %arg28: memref<!tpu.dma_semaphore, #tpu.memory_space<semaphore_mem>>) attributes {dimension_semantics = [#tpu.dimension_semantics<core_parallel>, #tpu.dimension_semantics<subcore_parallel>], iteration_bounds = array<i64: 2, 16>, scalar_prefetch = 0 : i64, scratch_operands = 20 : i64, tpu.core_type = #tpu.core_type<sc_vector_subcore>, window_params = [{transform_indices = #map}, {transform_indices = #map}, {transform_indices = #map}, {transform_indices = #map}, {transform_indices = #map1}, {transform_indices = #map2}, {transform_indices = #map2}]} {
    %mul3A = arith.constant 640 : i32
    %mul3A_0 = arith.muli %arg1, %mul3A : i32
    %mul3A_1 = arith.constant 78 : i32
    %mul3A_2 = arith.muli %arg1, %mul3A_1 : i32
    %min3A = arith.constant 2 : i32
    %min3A_3 = arith.minsi %arg1, %min3A : i32
    %add3A = arith.addi %mul3A_2, %min3A_3 : i32
    %lt3A = arith.constant 2 : i32
    %lt3A_4 = arith.cmpi slt, %arg1, %lt3A : i32
    %convert_element_type3A = arith.extui %lt3A_4 : i1 to i32
    %add3A_5 = arith.constant 78 : i32
    %add3A_6 = arith.addi %add3A_5, %convert_element_type3A : i32
    %dma_start3A = arith.constant 0 : i32
    %dma_start3A_7 = arith.constant 0 : i32
    %dma_start3A_8 = tpu.memref_slice %arg9[%dma_start3A, %dma_start3A_7] : memref<79x128xi32, #tpu.memory_space<vmem>> -> memref<78x128xi32, #tpu.memory_space<vmem>>
    %dma_start3A_9 = arith.constant 0 : i32
    %dma_start3A_10 = tpu.memref_slice %arg4[%add3A, %dma_start3A_9] : memref<1250x128xi32, #tpu.memory_space<hbm>> -> memref<78x128xi32, #tpu.memory_space<hbm>>
    %dma_start3A_11 = arith.constant 0 : i32
    %dma_start3A_12 = arith.constant 0 : i32
    %dma_start3A_13 = tpu.memref_slice %arg9[%dma_start3A_11, %dma_start3A_12] : memref<79x128xi32, #tpu.memory_space<vmem>> -> memref<78x128xi32, #tpu.memory_space<vmem>>
    %dma_start3A_14 = arith.constant 0 : i32
    %dma_start3A_15 = tpu.memref_slice %arg4[%add3A, %dma_start3A_14] : memref<1250x128xi32, #tpu.memory_space<hbm>> -> memref<78x128xi32, #tpu.memory_space<hbm>>
    tpu.enqueue_dma source(%dma_start3A_15 : memref<78x128xi32, #tpu.memory_space<hbm>>) target(%dma_start3A_13 : memref<78x128xi32, #tpu.memory_space<vmem>>) target_semaphore(%arg28 : memref<!tpu.dma_semaphore, #tpu.memory_space<semaphore_mem>>)
    %dma_start3A_16 = arith.constant 0 : i32
    %dma_start3A_17 = arith.constant 0 : i32
    %dma_start3A_18 = tpu.memref_slice %arg10[%dma_start3A_16, %dma_start3A_17] : memref<79x128xi32, #tpu.memory_space<vmem>> -> memref<78x128xi32, #tpu.memory_space<vmem>>
    %dma_start3A_19 = arith.constant 0 : i32
    %dma_start3A_20 = tpu.memref_slice %arg5[%add3A, %dma_start3A_19] : memref<1250x128xi32, #tpu.memory_space<hbm>> -> memref<78x128xi32, #tpu.memory_space<hbm>>
    %dma_start3A_21 = arith.constant 0 : i32
    %dma_start3A_22 = arith.constant 0 : i32
    %dma_start3A_23 = tpu.memref_slice %arg10[%dma_start3A_21, %dma_start3A_22] : memref<79x128xi32, #tpu.memory_space<vmem>> -> memref<78x128xi32, #tpu.memory_space<vmem>>
    %dma_start3A_24 = arith.constant 0 : i32
    %dma_start3A_25 = tpu.memref_slice %arg5[%add3A, %dma_start3A_24] : memref<1250x128xi32, #tpu.memory_space<hbm>> -> memref<78x128xi32, #tpu.memory_space<hbm>>
    tpu.enqueue_dma source(%dma_start3A_25 : memref<78x128xi32, #tpu.memory_space<hbm>>) target(%dma_start3A_23 : memref<78x128xi32, #tpu.memory_space<vmem>>) target_semaphore(%arg28 : memref<!tpu.dma_semaphore, #tpu.memory_space<semaphore_mem>>)
    %lt3A_26 = arith.constant 2 : i32
    %lt3A_27 = arith.cmpi slt, %arg1, %lt3A_26 : i32
    %convert_element_type3A_28 = arith.extui %lt3A_27 : i1 to i32
    %cond3A = arith.constant 0 : i32
    %cond3A_29 = arith.cmpi ne, %convert_element_type3A_28, %cond3A : i32
    scf.if %cond3A_29 {
      %add3A_205 = arith.constant 78 : i32
      %add3A_206 = arith.addi %add3A, %add3A_205 : i32
      %dma_start3A_207 = arith.constant 78 : i32
      %dma_start3A_208 = arith.constant 0 : i32
      %dma_start3A_209 = tpu.memref_slice %arg9[%dma_start3A_207, %dma_start3A_208] : memref<79x128xi32, #tpu.memory_space<vmem>> -> memref<1x128xi32, #tpu.memory_space<vmem>>
      %dma_start3A_210 = arith.constant 0 : i32
      %dma_start3A_211 = tpu.memref_slice %arg4[%add3A_206, %dma_start3A_210] : memref<1250x128xi32, #tpu.memory_space<hbm>> -> memref<1x128xi32, #tpu.memory_space<hbm>>
      %dma_start3A_212 = arith.constant 78 : i32
      %dma_start3A_213 = arith.constant 0 : i32
      %dma_start3A_214 = tpu.memref_slice %arg9[%dma_start3A_212, %dma_start3A_213] : memref<79x128xi32, #tpu.memory_space<vmem>> -> memref<1x128xi32, #tpu.memory_space<vmem>>
      %dma_start3A_215 = arith.constant 0 : i32
      %dma_start3A_216 = tpu.memref_slice %arg4[%add3A_206, %dma_start3A_215] : memref<1250x128xi32, #tpu.memory_space<hbm>> -> memref<1x128xi32, #tpu.memory_space<hbm>>
      tpu.enqueue_dma source(%dma_start3A_216 : memref<1x128xi32, #tpu.memory_space<hbm>>) target(%dma_start3A_214 : memref<1x128xi32, #tpu.memory_space<vmem>>) target_semaphore(%arg28 : memref<!tpu.dma_semaphore, #tpu.memory_space<semaphore_mem>>)
      %add3A_217 = arith.constant 78 : i32
      %add3A_218 = arith.addi %add3A, %add3A_217 : i32
      %dma_start3A_219 = arith.constant 78 : i32
      %dma_start3A_220 = arith.constant 0 : i32
      %dma_start3A_221 = tpu.memref_slice %arg10[%dma_start3A_219, %dma_start3A_220] : memref<79x128xi32, #tpu.memory_space<vmem>> -> memref<1x128xi32, #tpu.memory_space<vmem>>
      %dma_start3A_222 = arith.constant 0 : i32
      %dma_start3A_223 = tpu.memref_slice %arg5[%add3A_218, %dma_start3A_222] : memref<1250x128xi32, #tpu.memory_space<hbm>> -> memref<1x128xi32, #tpu.memory_space<hbm>>
      %dma_start3A_224 = arith.constant 78 : i32
      %dma_start3A_225 = arith.constant 0 : i32
      %dma_start3A_226 = tpu.memref_slice %arg10[%dma_start3A_224, %dma_start3A_225] : memref<79x128xi32, #tpu.memory_space<vmem>> -> memref<1x128xi32, #tpu.memory_space<vmem>>
      %dma_start3A_227 = arith.constant 0 : i32
      %dma_start3A_228 = tpu.memref_slice %arg5[%add3A_218, %dma_start3A_227] : memref<1250x128xi32, #tpu.memory_space<hbm>> -> memref<1x128xi32, #tpu.memory_space<hbm>>
      tpu.enqueue_dma source(%dma_start3A_228 : memref<1x128xi32, #tpu.memory_space<hbm>>) target(%dma_start3A_226 : memref<1x128xi32, #tpu.memory_space<vmem>>) target_semaphore(%arg28 : memref<!tpu.dma_semaphore, #tpu.memory_space<semaphore_mem>>)
    } else {
    }
    %scan3A = arith.constant 0 : i32
    %scan3A_30 = arith.constant 0 : i32
    %scan3A_31 = arith.constant 128 : i32
    %scan3A_32 = arith.addi %scan3A_30, %scan3A_31 : i32
    %scan3A_33 = arith.constant 1 : i32
    %scan3A_34 = scf.for %scan3A_205 = %scan3A_30 to %scan3A_32 step %scan3A_33 iter_args(%scan3A_206 = %scan3A) -> (i32)  : i32 {
      %broadcast_in_dim3A = arith.constant 1.000000e+00 : f32
      %broadcast_in_dim3A_207 = vector.broadcast %broadcast_in_dim3A : f32 to vector<16xf32>
      %swap3A = arith.index_cast %scan3A_205 : i32 to index
      %swap3A_208 = arith.constant 0 : index
      %swap3A_209 = tpu.vector_load %arg17[%swap3A, %swap3A_208] {strides = array<i32>} : memref<128x16xf32, #tpu.memory_space<vmem>>, vector<1x16xf32>,
      %swap3A_210 = vector.shape_cast %swap3A_209 : vector<1x16xf32> to vector<16xf32>
      %swap3A_211 = vector.shape_cast %broadcast_in_dim3A_207 : vector<16xf32> to vector<1x16xf32>
      tpu.vector_store %arg17[%swap3A, %swap3A_208], %swap3A_211 {strides = array<i32>} : memref<128x16xf32, #tpu.memory_space<vmem>>, vector<1x16xf32>,
      %broadcast_in_dim3A_212 = arith.constant 0.000000e+00 : f32
      %broadcast_in_dim3A_213 = vector.broadcast %broadcast_in_dim3A_212 : f32 to vector<16xf32>
      %swap3A_214 = arith.index_cast %scan3A_205 : i32 to index
      %swap3A_215 = arith.constant 0 : index
      %swap3A_216 = tpu.vector_load %arg18[%swap3A_214, %swap3A_215] {strides = array<i32>} : memref<128x16xf32, #tpu.memory_space<vmem>>, vector<1x16xf32>,
      %swap3A_217 = vector.shape_cast %swap3A_216 : vector<1x16xf32> to vector<16xf32>
      %swap3A_218 = vector.shape_cast %broadcast_in_dim3A_213 : vector<16xf32> to vector<1x16xf32>
      tpu.vector_store %arg18[%swap3A_214, %swap3A_215], %swap3A_218 {strides = array<i32>} : memref<128x16xf32, #tpu.memory_space<vmem>>, vector<1x16xf32>,
      %scan3A_219 = arith.constant 0 : i32
      scf.yield %scan3A_219 : i32
    }
    %scan3A_35 = arith.constant 128 : i32
    "tpu.region"() ({
      %run_scoped3A = tpu.sem_alloc : memref<!tpu.dma_semaphore, #tpu.memory_space<semaphore_mem>>
      tpu.enqueue_dma source(%arg6 : memref<16xi32, #tpu.memory_space<hbm>>) target(%arg19 : memref<16xi32, #tpu.memory_space<vmem>>) target_semaphore(%run_scoped3A : memref<!tpu.dma_semaphore, #tpu.memory_space<semaphore_mem>>)
      tpu.wait_dma2 semaphore(%run_scoped3A : memref<!tpu.dma_semaphore, #tpu.memory_space<semaphore_mem>>) src(%arg6 : memref<16xi32, #tpu.memory_space<hbm>>) dst(%arg19 : memref<16xi32, #tpu.memory_space<vmem>>)
      tpu.yield
    }) : () -> ()
    %get3A = arith.constant 0 : index
    %get3A_36 = tpu.vector_load %arg19[%get3A] {strides = array<i32>} : memref<16xi32, #tpu.memory_space<vmem>>, vector<16xi32>,
    %get3A_37 = vector.shape_cast %get3A_36 : vector<16xi32> to vector<16xi32>
    %dma_wait3A = arith.constant 0 : i32
    %dma_wait3A_38 = arith.constant 0 : i32
    %dma_wait3A_39 = tpu.memref_slice %arg9[%dma_wait3A, %dma_wait3A_38] : memref<79x128xi32, #tpu.memory_space<vmem>> -> memref<78x128xi32, #tpu.memory_space<vmem>>
    %dma_wait3A_40 = arith.constant 0 : i32
    %dma_wait3A_41 = arith.constant 0 : i32
    %dma_wait3A_42 = tpu.memref_slice %arg4[%dma_wait3A_40, %dma_wait3A_41] : memref<1250x128xi32, #tpu.memory_space<hbm>> -> memref<78x128xi32, #tpu.memory_space<hbm>>
    %dma_wait3A_43 = arith.constant 0 : i32
    %dma_wait3A_44 = arith.constant 0 : i32
    %dma_wait3A_45 = tpu.memref_slice %arg9[%dma_wait3A_43, %dma_wait3A_44] : memref<79x128xi32, #tpu.memory_space<vmem>> -> memref<78x128xi32, #tpu.memory_space<vmem>>
    %dma_wait3A_46 = arith.constant 0 : i32
    %dma_wait3A_47 = arith.constant 0 : i32
    %dma_wait3A_48 = tpu.memref_slice %arg4[%dma_wait3A_46, %dma_wait3A_47] : memref<1250x128xi32, #tpu.memory_space<hbm>> -> memref<78x128xi32, #tpu.memory_space<hbm>>
    tpu.wait_dma2 semaphore(%arg28 : memref<!tpu.dma_semaphore, #tpu.memory_space<semaphore_mem>>) src(%dma_wait3A_48 : memref<78x128xi32, #tpu.memory_space<hbm>>) dst(%dma_wait3A_45 : memref<78x128xi32, #tpu.memory_space<vmem>>)
    %dma_wait3A_49 = arith.constant 0 : i32
    %dma_wait3A_50 = arith.constant 0 : i32
    %dma_wait3A_51 = tpu.memref_slice %arg10[%dma_wait3A_49, %dma_wait3A_50] : memref<79x128xi32, #tpu.memory_space<vmem>> -> memref<78x128xi32, #tpu.memory_space<vmem>>
    %dma_wait3A_52 = arith.constant 0 : i32
    %dma_wait3A_53 = arith.constant 0 : i32
    %dma_wait3A_54 = tpu.memref_slice %arg4[%dma_wait3A_52, %dma_wait3A_53] : memref<1250x128xi32, #tpu.memory_space<hbm>> -> memref<78x128xi32, #tpu.memory_space<hbm>>
    %dma_wait3A_55 = arith.constant 0 : i32
    %dma_wait3A_56 = arith.constant 0 : i32
    %dma_wait3A_57 = tpu.memref_slice %arg10[%dma_wait3A_55, %dma_wait3A_56] : memref<79x128xi32, #tpu.memory_space<vmem>> -> memref<78x128xi32, #tpu.memory_space<vmem>>
    %dma_wait3A_58 = arith.constant 0 : i32
    %dma_wait3A_59 = arith.constant 0 : i32
    %dma_wait3A_60 = tpu.memref_slice %arg4[%dma_wait3A_58, %dma_wait3A_59] : memref<1250x128xi32, #tpu.memory_space<hbm>> -> memref<78x128xi32, #tpu.memory_space<hbm>>
    tpu.wait_dma2 semaphore(%arg28 : memref<!tpu.dma_semaphore, #tpu.memory_space<semaphore_mem>>) src(%dma_wait3A_60 : memref<78x128xi32, #tpu.memory_space<hbm>>) dst(%dma_wait3A_57 : memref<78x128xi32, #tpu.memory_space<vmem>>)
    %lt3A_61 = arith.constant 2 : i32
    %lt3A_62 = arith.cmpi slt, %arg1, %lt3A_61 : i32
    %convert_element_type3A_63 = arith.extui %lt3A_62 : i1 to i32
    %cond3A_64 = arith.constant 0 : i32
    %cond3A_65 = arith.cmpi ne, %convert_element_type3A_63, %cond3A_64 : i32
    scf.if %cond3A_65 {
      %dma_wait3A_205 = arith.constant 0 : i32
      %dma_wait3A_206 = arith.constant 0 : i32
      %dma_wait3A_207 = tpu.memref_slice %arg9[%dma_wait3A_205, %dma_wait3A_206] : memref<79x128xi32, #tpu.memory_space<vmem>> -> memref<1x128xi32, #tpu.memory_space<vmem>>
      %dma_wait3A_208 = arith.constant 0 : i32
      %dma_wait3A_209 = arith.constant 0 : i32
      %dma_wait3A_210 = tpu.memref_slice %arg4[%dma_wait3A_208, %dma_wait3A_209] : memref<1250x128xi32, #tpu.memory_space<hbm>> -> memref<1x128xi32, #tpu.memory_space<hbm>>
      %dma_wait3A_211 = arith.constant 0 : i32
      %dma_wait3A_212 = arith.constant 0 : i32
      %dma_wait3A_213 = tpu.memref_slice %arg9[%dma_wait3A_211, %dma_wait3A_212] : memref<79x128xi32, #tpu.memory_space<vmem>> -> memref<1x128xi32, #tpu.memory_space<vmem>>
      %dma_wait3A_214 = arith.constant 0 : i32
      %dma_wait3A_215 = arith.constant 0 : i32
      %dma_wait3A_216 = tpu.memref_slice %arg4[%dma_wait3A_214, %dma_wait3A_215] : memref<1250x128xi32, #tpu.memory_space<hbm>> -> memref<1x128xi32, #tpu.memory_space<hbm>>
      tpu.wait_dma2 semaphore(%arg28 : memref<!tpu.dma_semaphore, #tpu.memory_space<semaphore_mem>>) src(%dma_wait3A_216 : memref<1x128xi32, #tpu.memory_space<hbm>>) dst(%dma_wait3A_213 : memref<1x128xi32, #tpu.memory_space<vmem>>)
      %dma_wait3A_217 = arith.constant 0 : i32
      %dma_wait3A_218 = arith.constant 0 : i32
      %dma_wait3A_219 = tpu.memref_slice %arg10[%dma_wait3A_217, %dma_wait3A_218] : memref<79x128xi32, #tpu.memory_space<vmem>> -> memref<1x128xi32, #tpu.memory_space<vmem>>
      %dma_wait3A_220 = arith.constant 0 : i32
      %dma_wait3A_221 = arith.constant 0 : i32
      %dma_wait3A_222 = tpu.memref_slice %arg4[%dma_wait3A_220, %dma_wait3A_221] : memref<1250x128xi32, #tpu.memory_space<hbm>> -> memref<1x128xi32, #tpu.memory_space<hbm>>
      %dma_wait3A_223 = arith.constant 0 : i32
      %dma_wait3A_224 = arith.constant 0 : i32
      %dma_wait3A_225 = tpu.memref_slice %arg10[%dma_wait3A_223, %dma_wait3A_224] : memref<79x128xi32, #tpu.memory_space<vmem>> -> memref<1x128xi32, #tpu.memory_space<vmem>>
      %dma_wait3A_226 = arith.constant 0 : i32
      %dma_wait3A_227 = arith.constant 0 : i32
      %dma_wait3A_228 = tpu.memref_slice %arg4[%dma_wait3A_226, %dma_wait3A_227] : memref<1250x128xi32, #tpu.memory_space<hbm>> -> memref<1x128xi32, #tpu.memory_space<hbm>>
      tpu.wait_dma2 semaphore(%arg28 : memref<!tpu.dma_semaphore, #tpu.memory_space<semaphore_mem>>) src(%dma_wait3A_228 : memref<1x128xi32, #tpu.memory_space<hbm>>) dst(%dma_wait3A_225 : memref<1x128xi32, #tpu.memory_space<vmem>>)
    } else {
    }
    %mul3A_66 = arith.constant 2 : i32
    %mul3A_67 = arith.muli %arg0, %mul3A_66 : i32
    %add3A_68 = arith.constant 0 : i32
    %add3A_69 = arith.addi %mul3A_67, %add3A_68 : i32
    %scan3A_70 = arith.constant 0 : i32
    %scan3A_71 = arith.constant 0 : i32
    %scan3A_72 = arith.constant 128 : i32
    %scan3A_73 = arith.addi %scan3A_71, %scan3A_72 : i32
    %scan3A_74 = arith.constant 1 : i32
    %scan3A_75 = scf.for %scan3A_205 = %scan3A_71 to %scan3A_73 step %scan3A_74 iter_args(%scan3A_206 = %scan3A_70) -> (i32)  : i32 {
      %broadcast_in_dim3A = arith.constant 0.000000e+00 : f32
      %broadcast_in_dim3A_207 = vector.broadcast %broadcast_in_dim3A : f32 to vector<16xf32>
      %swap3A = arith.index_cast %scan3A_205 : i32 to index
      %swap3A_208 = arith.constant 0 : index
      %swap3A_209 = tpu.vector_load %arg14[%swap3A, %swap3A_208] {strides = array<i32>} : memref<128x64xf32, #tpu.memory_space<vmem>>, vector<1x16xf32>,
      %swap3A_210 = vector.shape_cast %swap3A_209 : vector<1x16xf32> to vector<16xf32>
      %swap3A_211 = vector.shape_cast %broadcast_in_dim3A_207 : vector<16xf32> to vector<1x16xf32>
      tpu.vector_store %arg14[%swap3A, %swap3A_208], %swap3A_211 {strides = array<i32>} : memref<128x64xf32, #tpu.memory_space<vmem>>, vector<1x16xf32>,
      %broadcast_in_dim3A_212 = arith.constant 0.000000e+00 : f32
      %broadcast_in_dim3A_213 = vector.broadcast %broadcast_in_dim3A_212 : f32 to vector<16xf32>
      %swap3A_214 = arith.index_cast %scan3A_205 : i32 to index
      %swap3A_215 = arith.constant 16 : index
      %swap3A_216 = tpu.vector_load %arg14[%swap3A_214, %swap3A_215] {strides = array<i32>} : memref<128x64xf32, #tpu.memory_space<vmem>>, vector<1x16xf32>,
      %swap3A_217 = vector.shape_cast %swap3A_216 : vector<1x16xf32> to vector<16xf32>
      %swap3A_218 = vector.shape_cast %broadcast_in_dim3A_213 : vector<16xf32> to vector<1x16xf32>
      tpu.vector_store %arg14[%swap3A_214, %swap3A_215], %swap3A_218 {strides = array<i32>} : memref<128x64xf32, #tpu.memory_space<vmem>>, vector<1x16xf32>,
      %broadcast_in_dim3A_219 = arith.constant 0.000000e+00 : f32
      %broadcast_in_dim3A_220 = vector.broadcast %broadcast_in_dim3A_219 : f32 to vector<16xf32>
      %swap3A_221 = arith.index_cast %scan3A_205 : i32 to index
      %swap3A_222 = arith.constant 32 : index
      %swap3A_223 = tpu.vector_load %arg14[%swap3A_221, %swap3A_222] {strides = array<i32>} : memref<128x64xf32, #tpu.memory_space<vmem>>, vector<1x16xf32>,
      %swap3A_224 = vector.shape_cast %swap3A_223 : vector<1x16xf32> to vector<16xf32>
      %swap3A_225 = vector.shape_cast %broadcast_in_dim3A_220 : vector<16xf32> to vector<1x16xf32>
      tpu.vector_store %arg14[%swap3A_221, %swap3A_222], %swap3A_225 {strides = array<i32>} : memref<128x64xf32, #tpu.memory_space<vmem>>, vector<1x16xf32>,
      %broadcast_in_dim3A_226 = arith.constant 0.000000e+00 : f32
      %broadcast_in_dim3A_227 = vector.broadcast %broadcast_in_dim3A_226 : f32 to vector<16xf32>
      %swap3A_228 = arith.index_cast %scan3A_205 : i32 to index
      %swap3A_229 = arith.constant 48 : index
      %swap3A_230 = tpu.vector_load %arg14[%swap3A_228, %swap3A_229] {strides = array<i32>} : memref<128x64xf32, #tpu.memory_space<vmem>>, vector<1x16xf32>,
      %swap3A_231 = vector.shape_cast %swap3A_230 : vector<1x16xf32> to vector<16xf32>
      %swap3A_232 = vector.shape_cast %broadcast_in_dim3A_227 : vector<16xf32> to vector<1x16xf32>
      tpu.vector_store %arg14[%swap3A_228, %swap3A_229], %swap3A_232 {strides = array<i32>} : memref<128x64xf32, #tpu.memory_space<vmem>>, vector<1x16xf32>,
      %scan3A_233 = arith.constant 0 : i32
      scf.yield %scan3A_233 : i32
    }
    %scan3A_76 = arith.constant 128 : i32
    %add3A_77 = arith.constant 0 : i32
    %add3A_78 = arith.addi %mul3A_0, %add3A_77 : i32
    "tpu.region"() ({
      %run_scoped3A = tpu.sem_alloc : memref<!tpu.dma_semaphore, #tpu.memory_space<semaphore_mem>>
      %dma_start3A_205 = arith.constant 0 : i32
      %dma_start3A_206 = tpu.memref_slice %arg20[%add3A_78, %dma_start3A_205] : memref<10240x64xf32, #tpu.memory_space<vmem_shared>> -> memref<128x64xf32, #tpu.memory_space<vmem_shared>>
      %dma_start3A_207 = arith.constant 0 : i32
      %dma_start3A_208 = tpu.memref_slice %arg20[%add3A_78, %dma_start3A_207] : memref<10240x64xf32, #tpu.memory_space<vmem_shared>> -> memref<128x64xf32, #tpu.memory_space<vmem_shared>>
      tpu.enqueue_dma source(%arg14 : memref<128x64xf32, #tpu.memory_space<vmem>>) target(%dma_start3A_208 : memref<128x64xf32, #tpu.memory_space<vmem_shared>>) target_semaphore(%run_scoped3A : memref<!tpu.dma_semaphore, #tpu.memory_space<semaphore_mem>>)
      %dma_wait3A_209 = arith.constant 0 : i32
      %dma_wait3A_210 = tpu.memref_slice %arg20[%add3A_78, %dma_wait3A_209] : memref<10240x64xf32, #tpu.memory_space<vmem_shared>> -> memref<128x64xf32, #tpu.memory_space<vmem_shared>>
      %dma_wait3A_211 = arith.constant 0 : i32
      %dma_wait3A_212 = tpu.memref_slice %arg20[%add3A_78, %dma_wait3A_211] : memref<10240x64xf32, #tpu.memory_space<vmem_shared>> -> memref<128x64xf32, #tpu.memory_space<vmem_shared>>
      tpu.wait_dma2 semaphore(%run_scoped3A : memref<!tpu.dma_semaphore, #tpu.memory_space<semaphore_mem>>) src(%arg14 : memref<128x64xf32, #tpu.memory_space<vmem>>) dst(%dma_wait3A_212 : memref<128x64xf32, #tpu.memory_space<vmem_shared>>)
      tpu.yield
    }) : () -> ()
    %add3A_79 = arith.constant 0 : i32
    %add3A_80 = arith.addi %mul3A_0, %add3A_79 : i32
    "tpu.region"() ({
      %run_scoped3A = tpu.sem_alloc : memref<!tpu.dma_semaphore, #tpu.memory_space<semaphore_mem>>
      %dma_start3A_205 = arith.constant 0 : i32
      %dma_start3A_206 = tpu.memref_slice %arg21[%add3A_80, %dma_start3A_205] : memref<10240x16xf32, #tpu.memory_space<vmem_shared>> -> memref<128x16xf32, #tpu.memory_space<vmem_shared>>
      %dma_start3A_207 = arith.constant 0 : i32
      %dma_start3A_208 = tpu.memref_slice %arg21[%add3A_80, %dma_start3A_207] : memref<10240x16xf32, #tpu.memory_space<vmem_shared>> -> memref<128x16xf32, #tpu.memory_space<vmem_shared>>
      tpu.enqueue_dma source(%arg18 : memref<128x16xf32, #tpu.memory_space<vmem>>) target(%dma_start3A_208 : memref<128x16xf32, #tpu.memory_space<vmem_shared>>) target_semaphore(%run_scoped3A : memref<!tpu.dma_semaphore, #tpu.memory_space<semaphore_mem>>)
      %dma_wait3A_209 = arith.constant 0 : i32
      %dma_wait3A_210 = tpu.memref_slice %arg21[%add3A_80, %dma_wait3A_209] : memref<10240x16xf32, #tpu.memory_space<vmem_shared>> -> memref<128x16xf32, #tpu.memory_space<vmem_shared>>
      %dma_wait3A_211 = arith.constant 0 : i32
      %dma_wait3A_212 = tpu.memref_slice %arg21[%add3A_80, %dma_wait3A_211] : memref<10240x16xf32, #tpu.memory_space<vmem_shared>> -> memref<128x16xf32, #tpu.memory_space<vmem_shared>>
      tpu.wait_dma2 semaphore(%run_scoped3A : memref<!tpu.dma_semaphore, #tpu.memory_space<semaphore_mem>>) src(%arg18 : memref<128x16xf32, #tpu.memory_space<vmem>>) dst(%dma_wait3A_212 : memref<128x16xf32, #tpu.memory_space<vmem_shared>>)
      tpu.yield
    }) : () -> ()
    %add3A_81 = arith.constant 128 : i32
    %add3A_82 = arith.addi %mul3A_0, %add3A_81 : i32
    "tpu.region"() ({
      %run_scoped3A = tpu.sem_alloc : memref<!tpu.dma_semaphore, #tpu.memory_space<semaphore_mem>>
      %dma_start3A_205 = arith.constant 0 : i32
      %dma_start3A_206 = tpu.memref_slice %arg20[%add3A_82, %dma_start3A_205] : memref<10240x64xf32, #tpu.memory_space<vmem_shared>> -> memref<128x64xf32, #tpu.memory_space<vmem_shared>>
      %dma_start3A_207 = arith.constant 0 : i32
      %dma_start3A_208 = tpu.memref_slice %arg20[%add3A_82, %dma_start3A_207] : memref<10240x64xf32, #tpu.memory_space<vmem_shared>> -> memref<128x64xf32, #tpu.memory_space<vmem_shared>>
      tpu.enqueue_dma source(%arg14 : memref<128x64xf32, #tpu.memory_space<vmem>>) target(%dma_start3A_208 : memref<128x64xf32, #tpu.memory_space<vmem_shared>>) target_semaphore(%run_scoped3A : memref<!tpu.dma_semaphore, #tpu.memory_space<semaphore_mem>>)
      %dma_wait3A_209 = arith.constant 0 : i32
      %dma_wait3A_210 = tpu.memref_slice %arg20[%add3A_82, %dma_wait3A_209] : memref<10240x64xf32, #tpu.memory_space<vmem_shared>> -> memref<128x64xf32, #tpu.memory_space<vmem_shared>>
      %dma_wait3A_211 = arith.constant 0 : i32
      %dma_wait3A_212 = tpu.memref_slice %arg20[%add3A_82, %dma_wait3A_211] : memref<10240x64xf32, #tpu.memory_space<vmem_shared>> -> memref<128x64xf32, #tpu.memory_space<vmem_shared>>
      tpu.wait_dma2 semaphore(%run_scoped3A : memref<!tpu.dma_semaphore, #tpu.memory_space<semaphore_mem>>) src(%arg14 : memref<128x64xf32, #tpu.memory_space<vmem>>) dst(%dma_wait3A_212 : memref<128x64xf32, #tpu.memory_space<vmem_shared>>)
      tpu.yield
    }) : () -> ()
    %add3A_83 = arith.constant 128 : i32
    %add3A_84 = arith.addi %mul3A_0, %add3A_83 : i32
    "tpu.region"() ({
      %run_scoped3A = tpu.sem_alloc : memref<!tpu.dma_semaphore, #tpu.memory_space<semaphore_mem>>
      %dma_start3A_205 = arith.constant 0 : i32
      %dma_start3A_206 = tpu.memref_slice %arg21[%add3A_84, %dma_start3A_205] : memref<10240x16xf32, #tpu.memory_space<vmem_shared>> -> memref<128x16xf32, #tpu.memory_space<vmem_shared>>
      %dma_start3A_207 = arith.constant 0 : i32
      %dma_start3A_208 = tpu.memref_slice %arg21[%add3A_84, %dma_start3A_207] : memref<10240x16xf32, #tpu.memory_space<vmem_shared>> -> memref<128x16xf32, #tpu.memory_space<vmem_shared>>
      tpu.enqueue_dma source(%arg18 : memref<128x16xf32, #tpu.memory_space<vmem>>) target(%dma_start3A_208 : memref<128x16xf32, #tpu.memory_space<vmem_shared>>) target_semaphore(%run_scoped3A : memref<!tpu.dma_semaphore, #tpu.memory_space<semaphore_mem>>)
      %dma_wait3A_209 = arith.constant 0 : i32
      %dma_wait3A_210 = tpu.memref_slice %arg21[%add3A_84, %dma_wait3A_209] : memref<10240x16xf32, #tpu.memory_space<vmem_shared>> -> memref<128x16xf32, #tpu.memory_space<vmem_shared>>
      %dma_wait3A_211 = arith.constant 0 : i32
      %dma_wait3A_212 = tpu.memref_slice %arg21[%add3A_84, %dma_wait3A_211] : memref<10240x16xf32, #tpu.memory_space<vmem_shared>> -> memref<128x16xf32, #tpu.memory_space<vmem_shared>>
      tpu.wait_dma2 semaphore(%run_scoped3A : memref<!tpu.dma_semaphore, #tpu.memory_space<semaphore_mem>>) src(%arg18 : memref<128x16xf32, #tpu.memory_space<vmem>>) dst(%dma_wait3A_212 : memref<128x16xf32, #tpu.memory_space<vmem_shared>>)
      tpu.yield
    }) : () -> ()
    %add3A_85 = arith.constant 256 : i32
    %add3A_86 = arith.addi %mul3A_0, %add3A_85 : i32
    "tpu.region"() ({
      %run_scoped3A = tpu.sem_alloc : memref<!tpu.dma_semaphore, #tpu.memory_space<semaphore_mem>>
      %dma_start3A_205 = arith.constant 0 : i32
      %dma_start3A_206 = tpu.memref_slice %arg20[%add3A_86, %dma_start3A_205] : memref<10240x64xf32, #tpu.memory_space<vmem_shared>> -> memref<128x64xf32, #tpu.memory_space<vmem_shared>>
      %dma_start3A_207 = arith.constant 0 : i32
      %dma_start3A_208 = tpu.memref_slice %arg20[%add3A_86, %dma_start3A_207] : memref<10240x64xf32, #tpu.memory_space<vmem_shared>> -> memref<128x64xf32, #tpu.memory_space<vmem_shared>>
      tpu.enqueue_dma source(%arg14 : memref<128x64xf32, #tpu.memory_space<vmem>>) target(%dma_start3A_208 : memref<128x64xf32, #tpu.memory_space<vmem_shared>>) target_semaphore(%run_scoped3A : memref<!tpu.dma_semaphore, #tpu.memory_space<semaphore_mem>>)
      %dma_wait3A_209 = arith.constant 0 : i32
      %dma_wait3A_210 = tpu.memref_slice %arg20[%add3A_86, %dma_wait3A_209] : memref<10240x64xf32, #tpu.memory_space<vmem_shared>> -> memref<128x64xf32, #tpu.memory_space<vmem_shared>>
      %dma_wait3A_211 = arith.constant 0 : i32
      %dma_wait3A_212 = tpu.memref_slice %arg20[%add3A_86, %dma_wait3A_211] : memref<10240x64xf32, #tpu.memory_space<vmem_shared>> -> memref<128x64xf32, #tpu.memory_space<vmem_shared>>
      tpu.wait_dma2 semaphore(%run_scoped3A : memref<!tpu.dma_semaphore, #tpu.memory_space<semaphore_mem>>) src(%arg14 : memref<128x64xf32, #tpu.memory_space<vmem>>) dst(%dma_wait3A_212 : memref<128x64xf32, #tpu.memory_space<vmem_shared>>)
      tpu.yield
    }) : () -> ()
    %add3A_87 = arith.constant 256 : i32
    %add3A_88 = arith.addi %mul3A_0, %add3A_87 : i32
    "tpu.region"() ({
      %run_scoped3A = tpu.sem_alloc : memref<!tpu.dma_semaphore, #tpu.memory_space<semaphore_mem>>
      %dma_start3A_205 = arith.constant 0 : i32
      %dma_start3A_206 = tpu.memref_slice %arg21[%add3A_88, %dma_start3A_205] : memref<10240x16xf32, #tpu.memory_space<vmem_shared>> -> memref<128x16xf32, #tpu.memory_space<vmem_shared>>
      %dma_start3A_207 = arith.constant 0 : i32
      %dma_start3A_208 = tpu.memref_slice %arg21[%add3A_88, %dma_start3A_207] : memref<10240x16xf32, #tpu.memory_space<vmem_shared>> -> memref<128x16xf32, #tpu.memory_space<vmem_shared>>
      tpu.enqueue_dma source(%arg18 : memref<128x16xf32, #tpu.memory_space<vmem>>) target(%dma_start3A_208 : memref<128x16xf32, #tpu.memory_space<vmem_shared>>) target_semaphore(%run_scoped3A : memref<!tpu.dma_semaphore, #tpu.memory_space<semaphore_mem>>)
      %dma_wait3A_209 = arith.constant 0 : i32
      %dma_wait3A_210 = tpu.memref_slice %arg21[%add3A_88, %dma_wait3A_209] : memref<10240x16xf32, #tpu.memory_space<vmem_shared>> -> memref<128x16xf32, #tpu.memory_space<vmem_shared>>
      %dma_wait3A_211 = arith.constant 0 : i32
      %dma_wait3A_212 = tpu.memref_slice %arg21[%add3A_88, %dma_wait3A_211] : memref<10240x16xf32, #tpu.memory_space<vmem_shared>> -> memref<128x16xf32, #tpu.memory_space<vmem_shared>>
      tpu.wait_dma2 semaphore(%run_scoped3A : memref<!tpu.dma_semaphore, #tpu.memory_space<semaphore_mem>>) src(%arg18 : memref<128x16xf32, #tpu.memory_space<vmem>>) dst(%dma_wait3A_212 : memref<128x16xf32, #tpu.memory_space<vmem_shared>>)
      tpu.yield
    }) : () -> ()
    %add3A_89 = arith.constant 384 : i32
    %add3A_90 = arith.addi %mul3A_0, %add3A_89 : i32
    "tpu.region"() ({
      %run_scoped3A = tpu.sem_alloc : memref<!tpu.dma_semaphore, #tpu.memory_space<semaphore_mem>>
      %dma_start3A_205 = arith.constant 0 : i32
      %dma_start3A_206 = tpu.memref_slice %arg20[%add3A_90, %dma_start3A_205] : memref<10240x64xf32, #tpu.memory_space<vmem_shared>> -> memref<128x64xf32, #tpu.memory_space<vmem_shared>>
      %dma_start3A_207 = arith.constant 0 : i32
      %dma_start3A_208 = tpu.memref_slice %arg20[%add3A_90, %dma_start3A_207] : memref<10240x64xf32, #tpu.memory_space<vmem_shared>> -> memref<128x64xf32, #tpu.memory_space<vmem_shared>>
      tpu.enqueue_dma source(%arg14 : memref<128x64xf32, #tpu.memory_space<vmem>>) target(%dma_start3A_208 : memref<128x64xf32, #tpu.memory_space<vmem_shared>>) target_semaphore(%run_scoped3A : memref<!tpu.dma_semaphore, #tpu.memory_space<semaphore_mem>>)
      %dma_wait3A_209 = arith.constant 0 : i32
      %dma_wait3A_210 = tpu.memref_slice %arg20[%add3A_90, %dma_wait3A_209] : memref<10240x64xf32, #tpu.memory_space<vmem_shared>> -> memref<128x64xf32, #tpu.memory_space<vmem_shared>>
      %dma_wait3A_211 = arith.constant 0 : i32
      %dma_wait3A_212 = tpu.memref_slice %arg20[%add3A_90, %dma_wait3A_211] : memref<10240x64xf32, #tpu.memory_space<vmem_shared>> -> memref<128x64xf32, #tpu.memory_space<vmem_shared>>
      tpu.wait_dma2 semaphore(%run_scoped3A : memref<!tpu.dma_semaphore, #tpu.memory_space<semaphore_mem>>) src(%arg14 : memref<128x64xf32, #tpu.memory_space<vmem>>) dst(%dma_wait3A_212 : memref<128x64xf32, #tpu.memory_space<vmem_shared>>)
      tpu.yield
    }) : () -> ()
    %add3A_91 = arith.constant 384 : i32
    %add3A_92 = arith.addi %mul3A_0, %add3A_91 : i32
    "tpu.region"() ({
      %run_scoped3A = tpu.sem_alloc : memref<!tpu.dma_semaphore, #tpu.memory_space<semaphore_mem>>
      %dma_start3A_205 = arith.constant 0 : i32
      %dma_start3A_206 = tpu.memref_slice %arg21[%add3A_92, %dma_start3A_205] : memref<10240x16xf32, #tpu.memory_space<vmem_shared>> -> memref<128x16xf32, #tpu.memory_space<vmem_shared>>
      %dma_start3A_207 = arith.constant 0 : i32
      %dma_start3A_208 = tpu.memref_slice %arg21[%add3A_92, %dma_start3A_207] : memref<10240x16xf32, #tpu.memory_space<vmem_shared>> -> memref<128x16xf32, #tpu.memory_space<vmem_shared>>
      tpu.enqueue_dma source(%arg18 : memref<128x16xf32, #tpu.memory_space<vmem>>) target(%dma_start3A_208 : memref<128x16xf32, #tpu.memory_space<vmem_shared>>) target_semaphore(%run_scoped3A : memref<!tpu.dma_semaphore, #tpu.memory_space<semaphore_mem>>)
      %dma_wait3A_209 = arith.constant 0 : i32
      %dma_wait3A_210 = tpu.memref_slice %arg21[%add3A_92, %dma_wait3A_209] : memref<10240x16xf32, #tpu.memory_space<vmem_shared>> -> memref<128x16xf32, #tpu.memory_space<vmem_shared>>
      %dma_wait3A_211 = arith.constant 0 : i32
      %dma_wait3A_212 = tpu.memref_slice %arg21[%add3A_92, %dma_wait3A_211] : memref<10240x16xf32, #tpu.memory_space<vmem_shared>> -> memref<128x16xf32, #tpu.memory_space<vmem_shared>>
      tpu.wait_dma2 semaphore(%run_scoped3A : memref<!tpu.dma_semaphore, #tpu.memory_space<semaphore_mem>>) src(%arg18 : memref<128x16xf32, #tpu.memory_space<vmem>>) dst(%dma_wait3A_212 : memref<128x16xf32, #tpu.memory_space<vmem_shared>>)
      tpu.yield
    }) : () -> ()
    %add3A_93 = arith.constant 512 : i32
    %add3A_94 = arith.addi %mul3A_0, %add3A_93 : i32
    "tpu.region"() ({
      %run_scoped3A = tpu.sem_alloc : memref<!tpu.dma_semaphore, #tpu.memory_space<semaphore_mem>>
      %dma_start3A_205 = arith.constant 0 : i32
      %dma_start3A_206 = tpu.memref_slice %arg20[%add3A_94, %dma_start3A_205] : memref<10240x64xf32, #tpu.memory_space<vmem_shared>> -> memref<128x64xf32, #tpu.memory_space<vmem_shared>>
      %dma_start3A_207 = arith.constant 0 : i32
      %dma_start3A_208 = tpu.memref_slice %arg20[%add3A_94, %dma_start3A_207] : memref<10240x64xf32, #tpu.memory_space<vmem_shared>> -> memref<128x64xf32, #tpu.memory_space<vmem_shared>>
      tpu.enqueue_dma source(%arg14 : memref<128x64xf32, #tpu.memory_space<vmem>>) target(%dma_start3A_208 : memref<128x64xf32, #tpu.memory_space<vmem_shared>>) target_semaphore(%run_scoped3A : memref<!tpu.dma_semaphore, #tpu.memory_space<semaphore_mem>>)
      %dma_wait3A_209 = arith.constant 0 : i32
      %dma_wait3A_210 = tpu.memref_slice %arg20[%add3A_94, %dma_wait3A_209] : memref<10240x64xf32, #tpu.memory_space<vmem_shared>> -> memref<128x64xf32, #tpu.memory_space<vmem_shared>>
      %dma_wait3A_211 = arith.constant 0 : i32
      %dma_wait3A_212 = tpu.memref_slice %arg20[%add3A_94, %dma_wait3A_211] : memref<10240x64xf32, #tpu.memory_space<vmem_shared>> -> memref<128x64xf32, #tpu.memory_space<vmem_shared>>
      tpu.wait_dma2 semaphore(%run_scoped3A : memref<!tpu.dma_semaphore, #tpu.memory_space<semaphore_mem>>) src(%arg14 : memref<128x64xf32, #tpu.memory_space<vmem>>) dst(%dma_wait3A_212 : memref<128x64xf32, #tpu.memory_space<vmem_shared>>)
      tpu.yield
    }) : () -> ()
    %add3A_95 = arith.constant 512 : i32
    %add3A_96 = arith.addi %mul3A_0, %add3A_95 : i32
    "tpu.region"() ({
      %run_scoped3A = tpu.sem_alloc : memref<!tpu.dma_semaphore, #tpu.memory_space<semaphore_mem>>
      %dma_start3A_205 = arith.constant 0 : i32
      %dma_start3A_206 = tpu.memref_slice %arg21[%add3A_96, %dma_start3A_205] : memref<10240x16xf32, #tpu.memory_space<vmem_shared>> -> memref<128x16xf32, #tpu.memory_space<vmem_shared>>
      %dma_start3A_207 = arith.constant 0 : i32
      %dma_start3A_208 = tpu.memref_slice %arg21[%add3A_96, %dma_start3A_207] : memref<10240x16xf32, #tpu.memory_space<vmem_shared>> -> memref<128x16xf32, #tpu.memory_space<vmem_shared>>
      tpu.enqueue_dma source(%arg18 : memref<128x16xf32, #tpu.memory_space<vmem>>) target(%dma_start3A_208 : memref<128x16xf32, #tpu.memory_space<vmem_shared>>) target_semaphore(%run_scoped3A : memref<!tpu.dma_semaphore, #tpu.memory_space<semaphore_mem>>)
      %dma_wait3A_209 = arith.constant 0 : i32
      %dma_wait3A_210 = tpu.memref_slice %arg21[%add3A_96, %dma_wait3A_209] : memref<10240x16xf32, #tpu.memory_space<vmem_shared>> -> memref<128x16xf32, #tpu.memory_space<vmem_shared>>
      %dma_wait3A_211 = arith.constant 0 : i32
      %dma_wait3A_212 = tpu.memref_slice %arg21[%add3A_96, %dma_wait3A_211] : memref<10240x16xf32, #tpu.memory_space<vmem_shared>> -> memref<128x16xf32, #tpu.memory_space<vmem_shared>>
      tpu.wait_dma2 semaphore(%run_scoped3A : memref<!tpu.dma_semaphore, #tpu.memory_space<semaphore_mem>>) src(%arg18 : memref<128x16xf32, #tpu.memory_space<vmem>>) dst(%dma_wait3A_212 : memref<128x16xf32, #tpu.memory_space<vmem_shared>>)
      tpu.yield
    }) : () -> ()
    %barrier3A = arith.constant 0 : index
    tpu.barrier barrier_id(%barrier3A)
    %gt3A = arith.constant 0 : i32
    %gt3A_97 = arith.cmpi sgt, %add3A_6, %gt3A : i32
    %convert_element_type3A_98 = arith.extui %gt3A_97 : i1 to i32
    %cond3A_99 = arith.constant 0 : i32
    %cond3A_100 = arith.cmpi ne, %convert_element_type3A_98, %cond3A_99 : i32
    scf.if %cond3A_100 {
      %mul3A_205 = arith.constant 160000 : i32
      %mul3A_206 = arith.muli %add3A_69, %mul3A_205 : i32
      %add3A_207 = arith.constant 0 : i32
      %add3A_208 = arith.addi %add3A, %add3A_207 : i32
      %mul3A_209 = arith.constant 128 : i32
      %mul3A_210 = arith.muli %add3A_208, %mul3A_209 : i32
      %add3A_211 = arith.addi %mul3A_206, %mul3A_210 : i32
      %dma_start3A_212 = arith.constant 0 : i32
      %dma_start3A_213 = tpu.memref_slice %arg3[%add3A_211, %dma_start3A_212] : memref<640000x64xf32, #tpu.memory_space<hbm>> -> memref<128x64xf32, #tpu.memory_space<hbm>>
      %dma_start3A_214 = arith.constant 0 : i32
      %dma_start3A_215 = tpu.memref_slice %arg3[%add3A_211, %dma_start3A_214] : memref<640000x64xf32, #tpu.memory_space<hbm>> -> memref<128x64xf32, #tpu.memory_space<hbm>>
      tpu.enqueue_dma source(%dma_start3A_215 : memref<128x64xf32, #tpu.memory_space<hbm>>) target(%arg11 : memref<128x64xf32, #tpu.memory_space<vmem>>) target_semaphore(%arg22 : memref<!tpu.dma_semaphore, #tpu.memory_space<semaphore_mem>>)
    } else {
    }
    %gt3A_101 = arith.constant 1 : i32
    %gt3A_102 = arith.cmpi sgt, %add3A_6, %gt3A_101 : i32
    %convert_element_type3A_103 = arith.extui %gt3A_102 : i1 to i32
    %cond3A_104 = arith.constant 0 : i32
    %cond3A_105 = arith.cmpi ne, %convert_element_type3A_103, %cond3A_104 : i32
    scf.if %cond3A_105 {
      %mul3A_205 = arith.constant 160000 : i32
      %mul3A_206 = arith.muli %add3A_69, %mul3A_205 : i32
      %add3A_207 = arith.constant 1 : i32
      %add3A_208 = arith.addi %add3A, %add3A_207 : i32
      %mul3A_209 = arith.constant 128 : i32
      %mul3A_210 = arith.muli %add3A_208, %mul3A_209 : i32
      %add3A_211 = arith.addi %mul3A_206, %mul3A_210 : i32
      %dma_start3A_212 = arith.constant 0 : i32
      %dma_start3A_213 = tpu.memref_slice %arg3[%add3A_211, %dma_start3A_212] : memref<640000x64xf32, #tpu.memory_space<hbm>> -> memref<128x64xf32, #tpu.memory_space<hbm>>
      %dma_start3A_214 = arith.constant 0 : i32
      %dma_start3A_215 = tpu.memref_slice %arg3[%add3A_211, %dma_start3A_214] : memref<640000x64xf32, #tpu.memory_space<hbm>> -> memref<128x64xf32, #tpu.memory_space<hbm>>
      tpu.enqueue_dma source(%dma_start3A_215 : memref<128x64xf32, #tpu.memory_space<hbm>>) target(%arg12 : memref<128x64xf32, #tpu.memory_space<vmem>>) target_semaphore(%arg23 : memref<!tpu.dma_semaphore, #tpu.memory_space<semaphore_mem>>)
    } else {
    }
    %gt3A_106 = arith.constant 0 : i32
    %gt3A_107 = arith.cmpi sgt, %add3A_6, %gt3A_106 : i32
    %convert_element_type3A_108 = arith.extui %gt3A_107 : i1 to i32
    %cond3A_109 = arith.constant 0 : i32
    %cond3A_110 = arith.cmpi ne, %convert_element_type3A_108, %cond3A_109 : i32
    scf.if %cond3A_110 {
      %dma_wait3A_205 = arith.constant 0 : i32
      %dma_wait3A_206 = arith.constant 0 : i32
      %dma_wait3A_207 = tpu.memref_slice %arg3[%dma_wait3A_205, %dma_wait3A_206] : memref<640000x64xf32, #tpu.memory_space<hbm>> -> memref<128x64xf32, #tpu.memory_space<hbm>>
      %dma_wait3A_208 = arith.constant 0 : i32
      %dma_wait3A_209 = arith.constant 0 : i32
      %dma_wait3A_210 = tpu.memref_slice %arg3[%dma_wait3A_208, %dma_wait3A_209] : memref<640000x64xf32, #tpu.memory_space<hbm>> -> memref<128x64xf32, #tpu.memory_space<hbm>>
      tpu.wait_dma2 semaphore(%arg22 : memref<!tpu.dma_semaphore, #tpu.memory_space<semaphore_mem>>) src(%dma_wait3A_210 : memref<128x64xf32, #tpu.memory_space<hbm>>) dst(%arg11 : memref<128x64xf32, #tpu.memory_space<vmem>>)
      %scan3A_211 = arith.constant 0 : i32
      %scan3A_212 = arith.constant 0 : i32
      %scan3A_213 = arith.constant 8 : i32
      %scan3A_214 = arith.addi %scan3A_212, %scan3A_213 : i32
      %scan3A_215 = arith.constant 1 : i32
      %scan3A_216 = scf.for %scan3A_225 = %scan3A_212 to %scan3A_214 step %scan3A_215 iter_args(%scan3A_226 = %scan3A_211) -> (i32)  : i32 {
        %mul3A_227 = arith.constant 16 : i32
        %mul3A_228 = arith.muli %scan3A_225, %mul3A_227 : i32
        %get3A_229 = arith.constant 0 : i32
        %get3A_230 = arith.index_cast %get3A_229 : i32 to index
        %get3A_231 = arith.index_cast %mul3A_228 : i32 to index
        %get3A_232 = tpu.vector_load %arg9[%get3A_230, %get3A_231] {strides = array<i32>} : memref<79x128xi32, #tpu.memory_space<vmem>>, vector<1x16xi32>,
        %get3A_233 = vector.shape_cast %get3A_232 : vector<1x16xi32> to vector<16xi32>
        %get3A_234 = arith.constant 0 : i32
        %get3A_235 = arith.index_cast %get3A_234 : i32 to index
        %get3A_236 = arith.index_cast %mul3A_228 : i32 to index
        %get3A_237 = tpu.vector_load %arg10[%get3A_235, %get3A_236] {strides = array<i32>} : memref<79x128xi32, #tpu.memory_space<vmem>>, vector<1x16xi32>,
        %get3A_238 = vector.shape_cast %get3A_237 : vector<1x16xi32> to vector<16xi32>
        %add3A_239 = arith.constant 0 : i32
        %add3A_240 = arith.addi %add3A, %add3A_239 : i32
        %mul3A_241 = arith.constant 128 : i32
        %mul3A_242 = arith.muli %add3A_240, %mul3A_241 : i32
        %mul3A_243 = arith.constant 16 : i32
        %mul3A_244 = arith.muli %scan3A_225, %mul3A_243 : i32
        %add3A_245 = arith.addi %mul3A_242, %mul3A_244 : i32
        %iota3A = tpu.iota {dimensions = array<i32: 0>} : vector<16xi32>
        %add3A_246 = vector.broadcast %add3A_245 : i32 to vector<16xi32>
        %add3A_247 = arith.addi %add3A_246, %iota3A : vector<16xi32>
        %mul3A_248 = arith.constant 10000 : i32
        %mul3A_249 = arith.muli %add3A_69, %mul3A_248 : i32
        %add3A_250 = vector.broadcast %mul3A_249 : i32 to vector<16xi32>
        %add3A_251 = arith.addi %get3A_233, %add3A_250 : vector<16xi32>
        %swap3A = arith.constant 0 : i32
        %swap3A_252 = arith.index_cast %swap3A : i32 to index
        %swap3A_253 = arith.index_cast %mul3A_228 : i32 to index
        %swap3A_254 = tpu.vector_load %arg9[%swap3A_252, %swap3A_253] {strides = array<i32>} : memref<79x128xi32, #tpu.memory_space<vmem>>, vector<1x16xi32>,
        %swap3A_255 = vector.shape_cast %swap3A_254 : vector<1x16xi32> to vector<16xi32>
        %swap3A_256 = vector.shape_cast %add3A_251 : vector<16xi32> to vector<1x16xi32>
        tpu.vector_store %arg9[%swap3A_252, %swap3A_253], %swap3A_256 {strides = array<i32>} : memref<79x128xi32, #tpu.memory_space<vmem>>, vector<1x16xi32>,
        %lt3A_257 = arith.cmpi slt, %add3A_247, %get3A_37 : vector<16xi32>
        %jit3A = arith.constant 10008 : i32
        %broadcast_in_dim3A = vector.broadcast %jit3A : i32 to vector<16xi32>
        %select_n3A = arith.select %lt3A_257, %get3A_238, %broadcast_in_dim3A : vector<16xi1>, vector<16xi32>
        %swap3A_258 = arith.constant 0 : i32
        %swap3A_259 = arith.index_cast %swap3A_258 : i32 to index
        %swap3A_260 = arith.index_cast %mul3A_228 : i32 to index
        %swap3A_261 = tpu.vector_load %arg10[%swap3A_259, %swap3A_260] {strides = array<i32>} : memref<79x128xi32, #tpu.memory_space<vmem>>, vector<1x16xi32>,
        %swap3A_262 = vector.shape_cast %swap3A_261 : vector<1x16xi32> to vector<16xi32>
        %swap3A_263 = vector.shape_cast %select_n3A : vector<16xi32> to vector<1x16xi32>
        tpu.vector_store %arg10[%swap3A_259, %swap3A_260], %swap3A_263 {strides = array<i32>} : memref<79x128xi32, #tpu.memory_space<vmem>>, vector<1x16xi32>,
        %scan3A_264 = arith.constant 0 : i32
        scf.yield %scan3A_264 : i32
      }
      %scan3A_217 = arith.constant 8 : i32
      %dma_start3A_218 = arith.constant 0 : i32
      %dma_start3A_219 = arith.constant 0 : i32
      %dma_start3A_220 = tpu.memref_slice %arg9[%dma_start3A_218, %dma_start3A_219] : memref<79x128xi32, #tpu.memory_space<vmem>> -> memref<1x128xi32, #tpu.memory_space<vmem>>
      %dma_start3A_221 = tpu.memref_squeeze %dma_start3A_220 : memref<1x128xi32, #tpu.memory_space<vmem>> -> memref<128xi32, #tpu.memory_space<vmem>>
      %dma_start3A_222 = arith.constant 0 : i32
      %dma_start3A_223 = arith.constant 0 : i32
      %dma_start3A_224 = tpu.memref_slice %arg2[%dma_start3A_222, %dma_start3A_223] : memref<40000x64xf32, #tpu.memory_space<hbm>> -> memref<40000x64xf32, #tpu.memory_space<hbm>>
      tpu.enqueue_indirect_dma source(%dma_start3A_224 : memref<40000x64xf32, #tpu.memory_space<hbm>>) target(%arg14 : memref<128x64xf32, #tpu.memory_space<vmem>>) offsets(%dma_start3A_221 : memref<128xi32, #tpu.memory_space<vmem>>) semaphore(%arg25 : memref<!tpu.dma_semaphore, #tpu.memory_space<semaphore_mem>>)
    } else {
    }
    %gt3A_111 = arith.constant 2 : i32
    %gt3A_112 = arith.cmpi sgt, %add3A_6, %gt3A_111 : i32
    %convert_element_type3A_113 = arith.extui %gt3A_112 : i1 to i32
    %cond3A_114 = arith.constant 0 : i32
    %cond3A_115 = arith.cmpi ne, %convert_element_type3A_113, %cond3A_114 : i32
    scf.if %cond3A_115 {
      %mul3A_205 = arith.constant 160000 : i32
      %mul3A_206 = arith.muli %add3A_69, %mul3A_205 : i32
      %add3A_207 = arith.constant 2 : i32
      %add3A_208 = arith.addi %add3A, %add3A_207 : i32
      %mul3A_209 = arith.constant 128 : i32
      %mul3A_210 = arith.muli %add3A_208, %mul3A_209 : i32
      %add3A_211 = arith.addi %mul3A_206, %mul3A_210 : i32
      %dma_start3A_212 = arith.constant 0 : i32
      %dma_start3A_213 = tpu.memref_slice %arg3[%add3A_211, %dma_start3A_212] : memref<640000x64xf32, #tpu.memory_space<hbm>> -> memref<128x64xf32, #tpu.memory_space<hbm>>
      %dma_start3A_214 = arith.constant 0 : i32
      %dma_start3A_215 = tpu.memref_slice %arg3[%add3A_211, %dma_start3A_214] : memref<640000x64xf32, #tpu.memory_space<hbm>> -> memref<128x64xf32, #tpu.memory_space<hbm>>
      tpu.enqueue_dma source(%dma_start3A_215 : memref<128x64xf32, #tpu.memory_space<hbm>>) target(%arg13 : memref<128x64xf32, #tpu.memory_space<vmem>>) target_semaphore(%arg24 : memref<!tpu.dma_semaphore, #tpu.memory_space<semaphore_mem>>)
    } else {
    }
    %gt3A_116 = arith.constant 1 : i32
    %gt3A_117 = arith.cmpi sgt, %add3A_6, %gt3A_116 : i32
    %convert_element_type3A_118 = arith.extui %gt3A_117 : i1 to i32
    %cond3A_119 = arith.constant 0 : i32
    %cond3A_120 = arith.cmpi ne, %convert_element_type3A_118, %cond3A_119 : i32
    scf.if %cond3A_120 {
      %dma_wait3A_205 = arith.constant 0 : i32
      %dma_wait3A_206 = arith.constant 0 : i32
      %dma_wait3A_207 = tpu.memref_slice %arg3[%dma_wait3A_205, %dma_wait3A_206] : memref<640000x64xf32, #tpu.memory_space<hbm>> -> memref<128x64xf32, #tpu.memory_space<hbm>>
      %dma_wait3A_208 = arith.constant 0 : i32
      %dma_wait3A_209 = arith.constant 0 : i32
      %dma_wait3A_210 = tpu.memref_slice %arg3[%dma_wait3A_208, %dma_wait3A_209] : memref<640000x64xf32, #tpu.memory_space<hbm>> -> memref<128x64xf32, #tpu.memory_space<hbm>>
      tpu.wait_dma2 semaphore(%arg23 : memref<!tpu.dma_semaphore, #tpu.memory_space<semaphore_mem>>) src(%dma_wait3A_210 : memref<128x64xf32, #tpu.memory_space<hbm>>) dst(%arg12 : memref<128x64xf32, #tpu.memory_space<vmem>>)
      %scan3A_211 = arith.constant 0 : i32
      %scan3A_212 = arith.constant 0 : i32
      %scan3A_213 = arith.constant 8 : i32
      %scan3A_214 = arith.addi %scan3A_212, %scan3A_213 : i32
      %scan3A_215 = arith.constant 1 : i32
      %scan3A_216 = scf.for %scan3A_225 = %scan3A_212 to %scan3A_214 step %scan3A_215 iter_args(%scan3A_226 = %scan3A_211) -> (i32)  : i32 {
        %mul3A_227 = arith.constant 16 : i32
        %mul3A_228 = arith.muli %scan3A_225, %mul3A_227 : i32
        %get3A_229 = arith.constant 1 : i32
        %get3A_230 = arith.index_cast %get3A_229 : i32 to index
        %get3A_231 = arith.index_cast %mul3A_228 : i32 to index
        %get3A_232 = tpu.vector_load %arg9[%get3A_230, %get3A_231] {strides = array<i32>} : memref<79x128xi32, #tpu.memory_space<vmem>>, vector<1x16xi32>,
        %get3A_233 = vector.shape_cast %get3A_232 : vector<1x16xi32> to vector<16xi32>
        %get3A_234 = arith.constant 1 : i32
        %get3A_235 = arith.index_cast %get3A_234 : i32 to index
        %get3A_236 = arith.index_cast %mul3A_228 : i32 to index
        %get3A_237 = tpu.vector_load %arg10[%get3A_235, %get3A_236] {strides = array<i32>} : memref<79x128xi32, #tpu.memory_space<vmem>>, vector<1x16xi32>,
        %get3A_238 = vector.shape_cast %get3A_237 : vector<1x16xi32> to vector<16xi32>
        %add3A_239 = arith.constant 1 : i32
        %add3A_240 = arith.addi %add3A, %add3A_239 : i32
        %mul3A_241 = arith.constant 128 : i32
        %mul3A_242 = arith.muli %add3A_240, %mul3A_241 : i32
        %mul3A_243 = arith.constant 16 : i32
        %mul3A_244 = arith.muli %scan3A_225, %mul3A_243 : i32
        %add3A_245 = arith.addi %mul3A_242, %mul3A_244 : i32
        %iota3A = tpu.iota {dimensions = array<i32: 0>} : vector<16xi32>
        %add3A_246 = vector.broadcast %add3A_245 : i32 to vector<16xi32>
        %add3A_247 = arith.addi %add3A_246, %iota3A : vector<16xi32>
        %mul3A_248 = arith.constant 10000 : i32
        %mul3A_249 = arith.muli %add3A_69, %mul3A_248 : i32
        %add3A_250 = vector.broadcast %mul3A_249 : i32 to vector<16xi32>
        %add3A_251 = arith.addi %get3A_233, %add3A_250 : vector<16xi32>
        %swap3A = arith.constant 1 : i32
        %swap3A_252 = arith.index_cast %swap3A : i32 to index
        %swap3A_253 = arith.index_cast %mul3A_228 : i32 to index
        %swap3A_254 = tpu.vector_load %arg9[%swap3A_252, %swap3A_253] {strides = array<i32>} : memref<79x128xi32, #tpu.memory_space<vmem>>, vector<1x16xi32>,
        %swap3A_255 = vector.shape_cast %swap3A_254 : vector<1x16xi32> to vector<16xi32>
        %swap3A_256 = vector.shape_cast %add3A_251 : vector<16xi32> to vector<1x16xi32>
        tpu.vector_store %arg9[%swap3A_252, %swap3A_253], %swap3A_256 {strides = array<i32>} : memref<79x128xi32, #tpu.memory_space<vmem>>, vector<1x16xi32>,
        %lt3A_257 = arith.cmpi slt, %add3A_247, %get3A_37 : vector<16xi32>
        %jit3A = arith.constant 10008 : i32
        %broadcast_in_dim3A = vector.broadcast %jit3A : i32 to vector<16xi32>
        %select_n3A = arith.select %lt3A_257, %get3A_238, %broadcast_in_dim3A : vector<16xi1>, vector<16xi32>
        %swap3A_258 = arith.constant 1 : i32
        %swap3A_259 = arith.index_cast %swap3A_258 : i32 to index
        %swap3A_260 = arith.index_cast %mul3A_228 : i32 to index
        %swap3A_261 = tpu.vector_load %arg10[%swap3A_259, %swap3A_260] {strides = array<i32>} : memref<79x128xi32, #tpu.memory_space<vmem>>, vector<1x16xi32>,
        %swap3A_262 = vector.shape_cast %swap3A_261 : vector<1x16xi32> to vector<16xi32>
        %swap3A_263 = vector.shape_cast %select_n3A : vector<16xi32> to vector<1x16xi32>
        tpu.vector_store %arg10[%swap3A_259, %swap3A_260], %swap3A_263 {strides = array<i32>} : memref<79x128xi32, #tpu.memory_space<vmem>>, vector<1x16xi32>,
        %scan3A_264 = arith.constant 0 : i32
        scf.yield %scan3A_264 : i32
      }
      %scan3A_217 = arith.constant 8 : i32
      %dma_start3A_218 = arith.constant 1 : i32
      %dma_start3A_219 = arith.constant 0 : i32
      %dma_start3A_220 = tpu.memref_slice %arg9[%dma_start3A_218, %dma_start3A_219] : memref<79x128xi32, #tpu.memory_space<vmem>> -> memref<1x128xi32, #tpu.memory_space<vmem>>
      %dma_start3A_221 = tpu.memref_squeeze %dma_start3A_220 : memref<1x128xi32, #tpu.memory_space<vmem>> -> memref<128xi32, #tpu.memory_space<vmem>>
      %dma_start3A_222 = arith.constant 0 : i32
      %dma_start3A_223 = arith.constant 0 : i32
      %dma_start3A_224 = tpu.memref_slice %arg2[%dma_start3A_222, %dma_start3A_223] : memref<40000x64xf32, #tpu.memory_space<hbm>> -> memref<40000x64xf32, #tpu.memory_space<hbm>>
      tpu.enqueue_indirect_dma source(%dma_start3A_224 : memref<40000x64xf32, #tpu.memory_space<hbm>>) target(%arg15 : memref<128x64xf32, #tpu.memory_space<vmem>>) offsets(%dma_start3A_221 : memref<128xi32, #tpu.memory_space<vmem>>) semaphore(%arg26 : memref<!tpu.dma_semaphore, #tpu.memory_space<semaphore_mem>>)
    } else {
    }
    %scan3A_121 = arith.constant 0 : i32
    %scan3A_122 = arith.constant 0 : i32
    %scan3A_123 = arith.constant 27 : i32
    %scan3A_124 = arith.addi %scan3A_122, %scan3A_123 : i32
    %scan3A_125 = arith.constant 1 : i32
    %scan3A_126 = scf.for %scan3A_205 = %scan3A_122 to %scan3A_124 step %scan3A_125 iter_args(%scan3A_206 = %scan3A_121) -> (i32)  : i32 {
      %mul3A_207 = arith.constant 3 : i32
      %mul3A_208 = arith.muli %scan3A_205, %mul3A_207 : i32
      %lt3A_209 = arith.cmpi slt, %mul3A_208, %add3A_6 : i32
      %convert_element_type3A_210 = arith.extui %lt3A_209 : i1 to i32
      %cond3A_211 = arith.constant 0 : i32
      %cond3A_212 = arith.cmpi ne, %convert_element_type3A_210, %cond3A_211 : i32
      scf.if %cond3A_212 {
        %dma_wait3A_262 = arith.constant 0 : i32
        %dma_wait3A_263 = tpu.memref_slice %arg9[%mul3A_208, %dma_wait3A_262] : memref<79x128xi32, #tpu.memory_space<vmem>> -> memref<1x128xi32, #tpu.memory_space<vmem>>
        %dma_wait3A_264 = tpu.memref_squeeze %dma_wait3A_263 : memref<1x128xi32, #tpu.memory_space<vmem>> -> memref<128xi32, #tpu.memory_space<vmem>>
        %dma_wait3A_265 = arith.constant 0 : i32
        %dma_wait3A_266 = arith.constant 0 : i32
        %dma_wait3A_267 = tpu.memref_slice %arg2[%dma_wait3A_265, %dma_wait3A_266] : memref<40000x64xf32, #tpu.memory_space<hbm>> -> memref<40000x64xf32, #tpu.memory_space<hbm>>
        tpu.wait_indirect_dma semaphore(%arg25 : memref<!tpu.dma_semaphore, #tpu.memory_space<semaphore_mem>>) src(%dma_wait3A_267 : memref<40000x64xf32, #tpu.memory_space<hbm>>) dst(%arg14 : memref<128x64xf32, #tpu.memory_space<vmem>>)
        %scan3A_268 = arith.constant 0 : i32
        %scan3A_269 = arith.constant 0 : i32
        %scan3A_270 = arith.constant 32 : i32
        %scan3A_271 = arith.addi %scan3A_269, %scan3A_270 : i32
        %scan3A_272 = arith.constant 1 : i32
        %scan3A_273 = scf.for %scan3A_298 = %scan3A_269 to %scan3A_271 step %scan3A_272 iter_args(%scan3A_299 = %scan3A_268) -> (i32)  : i32 {
          %mul3A_300 = arith.constant 4 : i32
          %mul3A_301 = arith.muli %scan3A_298, %mul3A_300 : i32
          %add3A_302 = arith.constant 0 : i32
          %add3A_303 = arith.addi %mul3A_301, %add3A_302 : i32
          %get3A_304 = arith.index_cast %add3A_303 : i32 to index
          %get3A_305 = arith.constant 0 : index
          %get3A_306 = tpu.vector_load %arg14[%get3A_304, %get3A_305] {strides = array<i32>} : memref<128x64xf32, #tpu.memory_space<vmem>>, vector<1x16xf32>,
          %get3A_307 = vector.shape_cast %get3A_306 : vector<1x16xf32> to vector<16xf32>
          %get3A_308 = arith.index_cast %add3A_303 : i32 to index
          %get3A_309 = arith.constant 0 : index
          %get3A_310 = tpu.vector_load %arg11[%get3A_308, %get3A_309] {strides = array<i32>} : memref<128x64xf32, #tpu.memory_space<vmem>>, vector<1x16xf32>,
          %get3A_311 = vector.shape_cast %get3A_310 : vector<1x16xf32> to vector<16xf32>
          %add3A_312 = arith.addf %get3A_307, %get3A_311 : vector<16xf32>
          %max3A = arith.constant 0.000000e+00 : f32
          %max3A_313 = vector.broadcast %max3A : f32 to vector<16xf32>
          %max3A_314 = arith.maximumf %add3A_312, %max3A_313 : vector<16xf32>
          %swap3A = arith.index_cast %add3A_303 : i32 to index
          %swap3A_315 = arith.constant 0 : index
          %swap3A_316 = tpu.vector_load %arg14[%swap3A, %swap3A_315] {strides = array<i32>} : memref<128x64xf32, #tpu.memory_space<vmem>>, vector<1x16xf32>,
          %swap3A_317 = vector.shape_cast %swap3A_316 : vector<1x16xf32> to vector<16xf32>
          %swap3A_318 = vector.shape_cast %max3A_314 : vector<16xf32> to vector<1x16xf32>
          tpu.vector_store %arg14[%swap3A, %swap3A_315], %swap3A_318 {strides = array<i32>} : memref<128x64xf32, #tpu.memory_space<vmem>>, vector<1x16xf32>,
          %get3A_319 = arith.index_cast %add3A_303 : i32 to index
          %get3A_320 = arith.constant 16 : index
          %get3A_321 = tpu.vector_load %arg14[%get3A_319, %get3A_320] {strides = array<i32>} : memref<128x64xf32, #tpu.memory_space<vmem>>, vector<1x16xf32>,
          %get3A_322 = vector.shape_cast %get3A_321 : vector<1x16xf32> to vector<16xf32>
          %get3A_323 = arith.index_cast %add3A_303 : i32 to index
          %get3A_324 = arith.constant 16 : index
          %get3A_325 = tpu.vector_load %arg11[%get3A_323, %get3A_324] {strides = array<i32>} : memref<128x64xf32, #tpu.memory_space<vmem>>, vector<1x16xf32>,
          %get3A_326 = vector.shape_cast %get3A_325 : vector<1x16xf32> to vector<16xf32>
          %add3A_327 = arith.addf %get3A_322, %get3A_326 : vector<16xf32>
          %max3A_328 = arith.constant 0.000000e+00 : f32
          %max3A_329 = vector.broadcast %max3A_328 : f32 to vector<16xf32>
          %max3A_330 = arith.maximumf %add3A_327, %max3A_329 : vector<16xf32>
          %swap3A_331 = arith.index_cast %add3A_303 : i32 to index
          %swap3A_332 = arith.constant 16 : index
          %swap3A_333 = tpu.vector_load %arg14[%swap3A_331, %swap3A_332] {strides = array<i32>} : memref<128x64xf32, #tpu.memory_space<vmem>>, vector<1x16xf32>,
          %swap3A_334 = vector.shape_cast %swap3A_333 : vector<1x16xf32> to vector<16xf32>
          %swap3A_335 = vector.shape_cast %max3A_330 : vector<16xf32> to vector<1x16xf32>
          tpu.vector_store %arg14[%swap3A_331, %swap3A_332], %swap3A_335 {strides = array<i32>} : memref<128x64xf32, #tpu.memory_space<vmem>>, vector<1x16xf32>,
          %get3A_336 = arith.index_cast %add3A_303 : i32 to index
          %get3A_337 = arith.constant 32 : index
          %get3A_338 = tpu.vector_load %arg14[%get3A_336, %get3A_337] {strides = array<i32>} : memref<128x64xf32, #tpu.memory_space<vmem>>, vector<1x16xf32>,
          %get3A_339 = vector.shape_cast %get3A_338 : vector<1x16xf32> to vector<16xf32>
          %get3A_340 = arith.index_cast %add3A_303 : i32 to index
          %get3A_341 = arith.constant 32 : index
          %get3A_342 = tpu.vector_load %arg11[%get3A_340, %get3A_341] {strides = array<i32>} : memref<128x64xf32, #tpu.memory_space<vmem>>, vector<1x16xf32>,
          %get3A_343 = vector.shape_cast %get3A_342 : vector<1x16xf32> to vector<16xf32>
          %add3A_344 = arith.addf %get3A_339, %get3A_343 : vector<16xf32>
          %max3A_345 = arith.constant 0.000000e+00 : f32
          %max3A_346 = vector.broadcast %max3A_345 : f32 to vector<16xf32>
          %max3A_347 = arith.maximumf %add3A_344, %max3A_346 : vector<16xf32>
          %swap3A_348 = arith.index_cast %add3A_303 : i32 to index
          %swap3A_349 = arith.constant 32 : index
          %swap3A_350 = tpu.vector_load %arg14[%swap3A_348, %swap3A_349] {strides = array<i32>} : memref<128x64xf32, #tpu.memory_space<vmem>>, vector<1x16xf32>,
          %swap3A_351 = vector.shape_cast %swap3A_350 : vector<1x16xf32> to vector<16xf32>
          %swap3A_352 = vector.shape_cast %max3A_347 : vector<16xf32> to vector<1x16xf32>
          tpu.vector_store %arg14[%swap3A_348, %swap3A_349], %swap3A_352 {strides = array<i32>} : memref<128x64xf32, #tpu.memory_space<vmem>>, vector<1x16xf32>,
          %get3A_353 = arith.index_cast %add3A_303 : i32 to index
          %get3A_354 = arith.constant 48 : index
          %get3A_355 = tpu.vector_load %arg14[%get3A_353, %get3A_354] {strides = array<i32>} : memref<128x64xf32, #tpu.memory_space<vmem>>, vector<1x16xf32>,
          %get3A_356 = vector.shape_cast %get3A_355 : vector<1x16xf32> to vector<16xf32>
          %get3A_357 = arith.index_cast %add3A_303 : i32 to index
          %get3A_358 = arith.constant 48 : index
          %get3A_359 = tpu.vector_load %arg11[%get3A_357, %get3A_358] {strides = array<i32>} : memref<128x64xf32, #tpu.memory_space<vmem>>, vector<1x16xf32>,
          %get3A_360 = vector.shape_cast %get3A_359 : vector<1x16xf32> to vector<16xf32>
          %add3A_361 = arith.addf %get3A_356, %get3A_360 : vector<16xf32>
          %max3A_362 = arith.constant 0.000000e+00 : f32
          %max3A_363 = vector.broadcast %max3A_362 : f32 to vector<16xf32>
          %max3A_364 = arith.maximumf %add3A_361, %max3A_363 : vector<16xf32>
          %swap3A_365 = arith.index_cast %add3A_303 : i32 to index
          %swap3A_366 = arith.constant 48 : index
          %swap3A_367 = tpu.vector_load %arg14[%swap3A_365, %swap3A_366] {strides = array<i32>} : memref<128x64xf32, #tpu.memory_space<vmem>>, vector<1x16xf32>,
          %swap3A_368 = vector.shape_cast %swap3A_367 : vector<1x16xf32> to vector<16xf32>
          %swap3A_369 = vector.shape_cast %max3A_364 : vector<16xf32> to vector<1x16xf32>
          tpu.vector_store %arg14[%swap3A_365, %swap3A_366], %swap3A_369 {strides = array<i32>} : memref<128x64xf32, #tpu.memory_space<vmem>>, vector<1x16xf32>,
          %mul3A_370 = arith.constant 4 : i32
          %mul3A_371 = arith.muli %scan3A_298, %mul3A_370 : i32
          %add3A_372 = arith.constant 1 : i32
          %add3A_373 = arith.addi %mul3A_371, %add3A_372 : i32
          %get3A_374 = arith.index_cast %add3A_373 : i32 to index
          %get3A_375 = arith.constant 0 : index
          %get3A_376 = tpu.vector_load %arg14[%get3A_374, %get3A_375] {strides = array<i32>} : memref<128x64xf32, #tpu.memory_space<vmem>>, vector<1x16xf32>,
          %get3A_377 = vector.shape_cast %get3A_376 : vector<1x16xf32> to vector<16xf32>
          %get3A_378 = arith.index_cast %add3A_373 : i32 to index
          %get3A_379 = arith.constant 0 : index
          %get3A_380 = tpu.vector_load %arg11[%get3A_378, %get3A_379] {strides = array<i32>} : memref<128x64xf32, #tpu.memory_space<vmem>>, vector<1x16xf32>,
          %get3A_381 = vector.shape_cast %get3A_380 : vector<1x16xf32> to vector<16xf32>
          %add3A_382 = arith.addf %get3A_377, %get3A_381 : vector<16xf32>
          %max3A_383 = arith.constant 0.000000e+00 : f32
          %max3A_384 = vector.broadcast %max3A_383 : f32 to vector<16xf32>
          %max3A_385 = arith.maximumf %add3A_382, %max3A_384 : vector<16xf32>
          %swap3A_386 = arith.index_cast %add3A_373 : i32 to index
          %swap3A_387 = arith.constant 0 : index
          %swap3A_388 = tpu.vector_load %arg14[%swap3A_386, %swap3A_387] {strides = array<i32>} : memref<128x64xf32, #tpu.memory_space<vmem>>, vector<1x16xf32>,
          %swap3A_389 = vector.shape_cast %swap3A_388 : vector<1x16xf32> to vector<16xf32>
          %swap3A_390 = vector.shape_cast %max3A_385 : vector<16xf32> to vector<1x16xf32>
          tpu.vector_store %arg14[%swap3A_386, %swap3A_387], %swap3A_390 {strides = array<i32>} : memref<128x64xf32, #tpu.memory_space<vmem>>, vector<1x16xf32>,
          %get3A_391 = arith.index_cast %add3A_373 : i32 to index
          %get3A_392 = arith.constant 16 : index
          %get3A_393 = tpu.vector_load %arg14[%get3A_391, %get3A_392] {strides = array<i32>} : memref<128x64xf32, #tpu.memory_space<vmem>>, vector<1x16xf32>,
          %get3A_394 = vector.shape_cast %get3A_393 : vector<1x16xf32> to vector<16xf32>
          %get3A_395 = arith.index_cast %add3A_373 : i32 to index
          %get3A_396 = arith.constant 16 : index
          %get3A_397 = tpu.vector_load %arg11[%get3A_395, %get3A_396] {strides = array<i32>} : memref<128x64xf32, #tpu.memory_space<vmem>>, vector<1x16xf32>,
          %get3A_398 = vector.shape_cast %get3A_397 : vector<1x16xf32> to vector<16xf32>
          %add3A_399 = arith.addf %get3A_394, %get3A_398 : vector<16xf32>
          %max3A_400 = arith.constant 0.000000e+00 : f32
          %max3A_401 = vector.broadcast %max3A_400 : f32 to vector<16xf32>
          %max3A_402 = arith.maximumf %add3A_399, %max3A_401 : vector<16xf32>
          %swap3A_403 = arith.index_cast %add3A_373 : i32 to index
          %swap3A_404 = arith.constant 16 : index
          %swap3A_405 = tpu.vector_load %arg14[%swap3A_403, %swap3A_404] {strides = array<i32>} : memref<128x64xf32, #tpu.memory_space<vmem>>, vector<1x16xf32>,
          %swap3A_406 = vector.shape_cast %swap3A_405 : vector<1x16xf32> to vector<16xf32>
          %swap3A_407 = vector.shape_cast %max3A_402 : vector<16xf32> to vector<1x16xf32>
          tpu.vector_store %arg14[%swap3A_403, %swap3A_404], %swap3A_407 {strides = array<i32>} : memref<128x64xf32, #tpu.memory_space<vmem>>, vector<1x16xf32>,
          %get3A_408 = arith.index_cast %add3A_373 : i32 to index
          %get3A_409 = arith.constant 32 : index
          %get3A_410 = tpu.vector_load %arg14[%get3A_408, %get3A_409] {strides = array<i32>} : memref<128x64xf32, #tpu.memory_space<vmem>>, vector<1x16xf32>,
          %get3A_411 = vector.shape_cast %get3A_410 : vector<1x16xf32> to vector<16xf32>
          %get3A_412 = arith.index_cast %add3A_373 : i32 to index
          %get3A_413 = arith.constant 32 : index
          %get3A_414 = tpu.vector_load %arg11[%get3A_412, %get3A_413] {strides = array<i32>} : memref<128x64xf32, #tpu.memory_space<vmem>>, vector<1x16xf32>,
          %get3A_415 = vector.shape_cast %get3A_414 : vector<1x16xf32> to vector<16xf32>
          %add3A_416 = arith.addf %get3A_411, %get3A_415 : vector<16xf32>
          %max3A_417 = arith.constant 0.000000e+00 : f32
          %max3A_418 = vector.broadcast %max3A_417 : f32 to vector<16xf32>
          %max3A_419 = arith.maximumf %add3A_416, %max3A_418 : vector<16xf32>
          %swap3A_420 = arith.index_cast %add3A_373 : i32 to index
          %swap3A_421 = arith.constant 32 : index
          %swap3A_422 = tpu.vector_load %arg14[%swap3A_420, %swap3A_421] {strides = array<i32>} : memref<128x64xf32, #tpu.memory_space<vmem>>, vector<1x16xf32>,
          %swap3A_423 = vector.shape_cast %swap3A_422 : vector<1x16xf32> to vector<16xf32>
          %swap3A_424 = vector.shape_cast %max3A_419 : vector<16xf32> to vector<1x16xf32>
          tpu.vector_store %arg14[%swap3A_420, %swap3A_421], %swap3A_424 {strides = array<i32>} : memref<128x64xf32, #tpu.memory_space<vmem>>, vector<1x16xf32>,
          %get3A_425 = arith.index_cast %add3A_373 : i32 to index
          %get3A_426 = arith.constant 48 : index
          %get3A_427 = tpu.vector_load %arg14[%get3A_425, %get3A_426] {strides = array<i32>} : memref<128x64xf32, #tpu.memory_space<vmem>>, vector<1x16xf32>,
          %get3A_428 = vector.shape_cast %get3A_427 : vector<1x16xf32> to vector<16xf32>
          %get3A_429 = arith.index_cast %add3A_373 : i32 to index
          %get3A_430 = arith.constant 48 : index
          %get3A_431 = tpu.vector_load %arg11[%get3A_429, %get3A_430] {strides = array<i32>} : memref<128x64xf32, #tpu.memory_space<vmem>>, vector<1x16xf32>,
          %get3A_432 = vector.shape_cast %get3A_431 : vector<1x16xf32> to vector<16xf32>
          %add3A_433 = arith.addf %get3A_428, %get3A_432 : vector<16xf32>
          %max3A_434 = arith.constant 0.000000e+00 : f32
          %max3A_435 = vector.broadcast %max3A_434 : f32 to vector<16xf32>
          %max3A_436 = arith.maximumf %add3A_433, %max3A_435 : vector<16xf32>
          %swap3A_437 = arith.index_cast %add3A_373 : i32 to index
          %swap3A_438 = arith.constant 48 : index
          %swap3A_439 = tpu.vector_load %arg14[%swap3A_437, %swap3A_438] {strides = array<i32>} : memref<128x64xf32, #tpu.memory_space<vmem>>, vector<1x16xf32>,
          %swap3A_440 = vector.shape_cast %swap3A_439 : vector<1x16xf32> to vector<16xf32>
          %swap3A_441 = vector.shape_cast %max3A_436 : vector<16xf32> to vector<1x16xf32>
          tpu.vector_store %arg14[%swap3A_437, %swap3A_438], %swap3A_441 {strides = array<i32>} : memref<128x64xf32, #tpu.memory_space<vmem>>, vector<1x16xf32>,
          %mul3A_442 = arith.constant 4 : i32
          %mul3A_443 = arith.muli %scan3A_298, %mul3A_442 : i32
          %add3A_444 = arith.constant 2 : i32
          %add3A_445 = arith.addi %mul3A_443, %add3A_444 : i32
          %get3A_446 = arith.index_cast %add3A_445 : i32 to index
          %get3A_447 = arith.constant 0 : index
          %get3A_448 = tpu.vector_load %arg14[%get3A_446, %get3A_447] {strides = array<i32>} : memref<128x64xf32, #tpu.memory_space<vmem>>, vector<1x16xf32>,
          %get3A_449 = vector.shape_cast %get3A_448 : vector<1x16xf32> to vector<16xf32>
          %get3A_450 = arith.index_cast %add3A_445 : i32 to index
          %get3A_451 = arith.constant 0 : index
          %get3A_452 = tpu.vector_load %arg11[%get3A_450, %get3A_451] {strides = array<i32>} : memref<128x64xf32, #tpu.memory_space<vmem>>, vector<1x16xf32>,
          %get3A_453 = vector.shape_cast %get3A_452 : vector<1x16xf32> to vector<16xf32>
          %add3A_454 = arith.addf %get3A_449, %get3A_453 : vector<16xf32>
          %max3A_455 = arith.constant 0.000000e+00 : f32
          %max3A_456 = vector.broadcast %max3A_455 : f32 to vector<16xf32>
          %max3A_457 = arith.maximumf %add3A_454, %max3A_456 : vector<16xf32>
          %swap3A_458 = arith.index_cast %add3A_445 : i32 to index
          %swap3A_459 = arith.constant 0 : index
          %swap3A_460 = tpu.vector_load %arg14[%swap3A_458, %swap3A_459] {strides = array<i32>} : memref<128x64xf32, #tpu.memory_space<vmem>>, vector<1x16xf32>,
          %swap3A_461 = vector.shape_cast %swap3A_460 : vector<1x16xf32> to vector<16xf32>
          %swap3A_462 = vector.shape_cast %max3A_457 : vector<16xf32> to vector<1x16xf32>
          tpu.vector_store %arg14[%swap3A_458, %swap3A_459], %swap3A_462 {strides = array<i32>} : memref<128x64xf32, #tpu.memory_space<vmem>>, vector<1x16xf32>,
          %get3A_463 = arith.index_cast %add3A_445 : i32 to index
          %get3A_464 = arith.constant 16 : index
          %get3A_465 = tpu.vector_load %arg14[%get3A_463, %get3A_464] {strides = array<i32>} : memref<128x64xf32, #tpu.memory_space<vmem>>, vector<1x16xf32>,
          %get3A_466 = vector.shape_cast %get3A_465 : vector<1x16xf32> to vector<16xf32>
          %get3A_467 = arith.index_cast %add3A_445 : i32 to index
          %get3A_468 = arith.constant 16 : index
          %get3A_469 = tpu.vector_load %arg11[%get3A_467, %get3A_468] {strides = array<i32>} : memref<128x64xf32, #tpu.memory_space<vmem>>, vector<1x16xf32>,
          %get3A_470 = vector.shape_cast %get3A_469 : vector<1x16xf32> to vector<16xf32>
          %add3A_471 = arith.addf %get3A_466, %get3A_470 : vector<16xf32>
          %max3A_472 = arith.constant 0.000000e+00 : f32
          %max3A_473 = vector.broadcast %max3A_472 : f32 to vector<16xf32>
          %max3A_474 = arith.maximumf %add3A_471, %max3A_473 : vector<16xf32>
          %swap3A_475 = arith.index_cast %add3A_445 : i32 to index
          %swap3A_476 = arith.constant 16 : index
          %swap3A_477 = tpu.vector_load %arg14[%swap3A_475, %swap3A_476] {strides = array<i32>} : memref<128x64xf32, #tpu.memory_space<vmem>>, vector<1x16xf32>,
          %swap3A_478 = vector.shape_cast %swap3A_477 : vector<1x16xf32> to vector<16xf32>
          %swap3A_479 = vector.shape_cast %max3A_474 : vector<16xf32> to vector<1x16xf32>
          tpu.vector_store %arg14[%swap3A_475, %swap3A_476], %swap3A_479 {strides = array<i32>} : memref<128x64xf32, #tpu.memory_space<vmem>>, vector<1x16xf32>,
          %get3A_480 = arith.index_cast %add3A_445 : i32 to index
          %get3A_481 = arith.constant 32 : index
          %get3A_482 = tpu.vector_load %arg14[%get3A_480, %get3A_481] {strides = array<i32>} : memref<128x64xf32, #tpu.memory_space<vmem>>, vector<1x16xf32>,
          %get3A_483 = vector.shape_cast %get3A_482 : vector<1x16xf32> to vector<16xf32>
          %get3A_484 = arith.index_cast %add3A_445 : i32 to index
          %get3A_485 = arith.constant 32 : index
          %get3A_486 = tpu.vector_load %arg11[%get3A_484, %get3A_485] {strides = array<i32>} : memref<128x64xf32, #tpu.memory_space<vmem>>, vector<1x16xf32>,
          %get3A_487 = vector.shape_cast %get3A_486 : vector<1x16xf32> to vector<16xf32>
          %add3A_488 = arith.addf %get3A_483, %get3A_487 : vector<16xf32>
          %max3A_489 = arith.constant 0.000000e+00 : f32
          %max3A_490 = vector.broadcast %max3A_489 : f32 to vector<16xf32>
          %max3A_491 = arith.maximumf %add3A_488, %max3A_490 : vector<16xf32>
          %swap3A_492 = arith.index_cast %add3A_445 : i32 to index
          %swap3A_493 = arith.constant 32 : index
          %swap3A_494 = tpu.vector_load %arg14[%swap3A_492, %swap3A_493] {strides = array<i32>} : memref<128x64xf32, #tpu.memory_space<vmem>>, vector<1x16xf32>,
          %swap3A_495 = vector.shape_cast %swap3A_494 : vector<1x16xf32> to vector<16xf32>
          %swap3A_496 = vector.shape_cast %max3A_491 : vector<16xf32> to vector<1x16xf32>
          tpu.vector_store %arg14[%swap3A_492, %swap3A_493], %swap3A_496 {strides = array<i32>} : memref<128x64xf32, #tpu.memory_space<vmem>>, vector<1x16xf32>,
          %get3A_497 = arith.index_cast %add3A_445 : i32 to index
          %get3A_498 = arith.constant 48 : index
          %get3A_499 = tpu.vector_load %arg14[%get3A_497, %get3A_498] {strides = array<i32>} : memref<128x64xf32, #tpu.memory_space<vmem>>, vector<1x16xf32>,
          %get3A_500 = vector.shape_cast %get3A_499 : vector<1x16xf32> to vector<16xf32>
          %get3A_501 = arith.index_cast %add3A_445 : i32 to index
          %get3A_502 = arith.constant 48 : index
          %get3A_503 = tpu.vector_load %arg11[%get3A_501, %get3A_502] {strides = array<i32>} : memref<128x64xf32, #tpu.memory_space<vmem>>, vector<1x16xf32>,
          %get3A_504 = vector.shape_cast %get3A_503 : vector<1x16xf32> to vector<16xf32>
          %add3A_505 = arith.addf %get3A_500, %get3A_504 : vector<16xf32>
          %max3A_506 = arith.constant 0.000000e+00 : f32
          %max3A_507 = vector.broadcast %max3A_506 : f32 to vector<16xf32>
          %max3A_508 = arith.maximumf %add3A_505, %max3A_507 : vector<16xf32>
          %swap3A_509 = arith.index_cast %add3A_445 : i32 to index
          %swap3A_510 = arith.constant 48 : index
          %swap3A_511 = tpu.vector_load %arg14[%swap3A_509, %swap3A_510] {strides = array<i32>} : memref<128x64xf32, #tpu.memory_space<vmem>>, vector<1x16xf32>,
          %swap3A_512 = vector.shape_cast %swap3A_511 : vector<1x16xf32> to vector<16xf32>
          %swap3A_513 = vector.shape_cast %max3A_508 : vector<16xf32> to vector<1x16xf32>
          tpu.vector_store %arg14[%swap3A_509, %swap3A_510], %swap3A_513 {strides = array<i32>} : memref<128x64xf32, #tpu.memory_space<vmem>>, vector<1x16xf32>,
          %mul3A_514 = arith.constant 4 : i32
          %mul3A_515 = arith.muli %scan3A_298, %mul3A_514 : i32
          %add3A_516 = arith.constant 3 : i32
          %add3A_517 = arith.addi %mul3A_515, %add3A_516 : i32
          %get3A_518 = arith.index_cast %add3A_517 : i32 to index
          %get3A_519 = arith.constant 0 : index
          %get3A_520 = tpu.vector_load %arg14[%get3A_518, %get3A_519] {strides = array<i32>} : memref<128x64xf32, #tpu.memory_space<vmem>>, vector<1x16xf32>,
          %get3A_521 = vector.shape_cast %get3A_520 : vector<1x16xf32> to vector<16xf32>
          %get3A_522 = arith.index_cast %add3A_517 : i32 to index
          %get3A_523 = arith.constant 0 : index
          %get3A_524 = tpu.vector_load %arg11[%get3A_522, %get3A_523] {strides = array<i32>} : memref<128x64xf32, #tpu.memory_space<vmem>>, vector<1x16xf32>,
          %get3A_525 = vector.shape_cast %get3A_524 : vector<1x16xf32> to vector<16xf32>
          %add3A_526 = arith.addf %get3A_521, %get3A_525 : vector<16xf32>
          %max3A_527 = arith.constant 0.000000e+00 : f32
          %max3A_528 = vector.broadcast %max3A_527 : f32 to vector<16xf32>
          %max3A_529 = arith.maximumf %add3A_526, %max3A_528 : vector<16xf32>
          %swap3A_530 = arith.index_cast %add3A_517 : i32 to index
          %swap3A_531 = arith.constant 0 : index
          %swap3A_532 = tpu.vector_load %arg14[%swap3A_530, %swap3A_531] {strides = array<i32>} : memref<128x64xf32, #tpu.memory_space<vmem>>, vector<1x16xf32>,
          %swap3A_533 = vector.shape_cast %swap3A_532 : vector<1x16xf32> to vector<16xf32>
          %swap3A_534 = vector.shape_cast %max3A_529 : vector<16xf32> to vector<1x16xf32>
          tpu.vector_store %arg14[%swap3A_530, %swap3A_531], %swap3A_534 {strides = array<i32>} : memref<128x64xf32, #tpu.memory_space<vmem>>, vector<1x16xf32>,
          %get3A_535 = arith.index_cast %add3A_517 : i32 to index
          %get3A_536 = arith.constant 16 : index
          %get3A_537 = tpu.vector_load %arg14[%get3A_535, %get3A_536] {strides = array<i32>} : memref<128x64xf32, #tpu.memory_space<vmem>>, vector<1x16xf32>,
          %get3A_538 = vector.shape_cast %get3A_537 : vector<1x16xf32> to vector<16xf32>
          %get3A_539 = arith.index_cast %add3A_517 : i32 to index
          %get3A_540 = arith.constant 16 : index
          %get3A_541 = tpu.vector_load %arg11[%get3A_539, %get3A_540] {strides = array<i32>} : memref<128x64xf32, #tpu.memory_space<vmem>>, vector<1x16xf32>,
          %get3A_542 = vector.shape_cast %get3A_541 : vector<1x16xf32> to vector<16xf32>
          %add3A_543 = arith.addf %get3A_538, %get3A_542 : vector<16xf32>
          %max3A_544 = arith.constant 0.000000e+00 : f32
          %max3A_545 = vector.broadcast %max3A_544 : f32 to vector<16xf32>
          %max3A_546 = arith.maximumf %add3A_543, %max3A_545 : vector<16xf32>
          %swap3A_547 = arith.index_cast %add3A_517 : i32 to index
          %swap3A_548 = arith.constant 16 : index
          %swap3A_549 = tpu.vector_load %arg14[%swap3A_547, %swap3A_548] {strides = array<i32>} : memref<128x64xf32, #tpu.memory_space<vmem>>, vector<1x16xf32>,
          %swap3A_550 = vector.shape_cast %swap3A_549 : vector<1x16xf32> to vector<16xf32>
          %swap3A_551 = vector.shape_cast %max3A_546 : vector<16xf32> to vector<1x16xf32>
          tpu.vector_store %arg14[%swap3A_547, %swap3A_548], %swap3A_551 {strides = array<i32>} : memref<128x64xf32, #tpu.memory_space<vmem>>, vector<1x16xf32>,
          %get3A_552 = arith.index_cast %add3A_517 : i32 to index
          %get3A_553 = arith.constant 32 : index
          %get3A_554 = tpu.vector_load %arg14[%get3A_552, %get3A_553] {strides = array<i32>} : memref<128x64xf32, #tpu.memory_space<vmem>>, vector<1x16xf32>,
          %get3A_555 = vector.shape_cast %get3A_554 : vector<1x16xf32> to vector<16xf32>
          %get3A_556 = arith.index_cast %add3A_517 : i32 to index
          %get3A_557 = arith.constant 32 : index
          %get3A_558 = tpu.vector_load %arg11[%get3A_556, %get3A_557] {strides = array<i32>} : memref<128x64xf32, #tpu.memory_space<vmem>>, vector<1x16xf32>,
          %get3A_559 = vector.shape_cast %get3A_558 : vector<1x16xf32> to vector<16xf32>
          %add3A_560 = arith.addf %get3A_555, %get3A_559 : vector<16xf32>
          %max3A_561 = arith.constant 0.000000e+00 : f32
          %max3A_562 = vector.broadcast %max3A_561 : f32 to vector<16xf32>
          %max3A_563 = arith.maximumf %add3A_560, %max3A_562 : vector<16xf32>
          %swap3A_564 = arith.index_cast %add3A_517 : i32 to index
          %swap3A_565 = arith.constant 32 : index
          %swap3A_566 = tpu.vector_load %arg14[%swap3A_564, %swap3A_565] {strides = array<i32>} : memref<128x64xf32, #tpu.memory_space<vmem>>, vector<1x16xf32>,
          %swap3A_567 = vector.shape_cast %swap3A_566 : vector<1x16xf32> to vector<16xf32>
          %swap3A_568 = vector.shape_cast %max3A_563 : vector<16xf32> to vector<1x16xf32>
          tpu.vector_store %arg14[%swap3A_564, %swap3A_565], %swap3A_568 {strides = array<i32>} : memref<128x64xf32, #tpu.memory_space<vmem>>, vector<1x16xf32>,
          %get3A_569 = arith.index_cast %add3A_517 : i32 to index
          %get3A_570 = arith.constant 48 : index
          %get3A_571 = tpu.vector_load %arg14[%get3A_569, %get3A_570] {strides = array<i32>} : memref<128x64xf32, #tpu.memory_space<vmem>>, vector<1x16xf32>,
          %get3A_572 = vector.shape_cast %get3A_571 : vector<1x16xf32> to vector<16xf32>
          %get3A_573 = arith.index_cast %add3A_517 : i32 to index
          %get3A_574 = arith.constant 48 : index
          %get3A_575 = tpu.vector_load %arg11[%get3A_573, %get3A_574] {strides = array<i32>} : memref<128x64xf32, #tpu.memory_space<vmem>>, vector<1x16xf32>,
          %get3A_576 = vector.shape_cast %get3A_575 : vector<1x16xf32> to vector<16xf32>
          %add3A_577 = arith.addf %get3A_572, %get3A_576 : vector<16xf32>
          %max3A_578 = arith.constant 0.000000e+00 : f32
          %max3A_579 = vector.broadcast %max3A_578 : f32 to vector<16xf32>
          %max3A_580 = arith.maximumf %add3A_577, %max3A_579 : vector<16xf32>
          %swap3A_581 = arith.index_cast %add3A_517 : i32 to index
          %swap3A_582 = arith.constant 48 : index
          %swap3A_583 = tpu.vector_load %arg14[%swap3A_581, %swap3A_582] {strides = array<i32>} : memref<128x64xf32, #tpu.memory_space<vmem>>, vector<1x16xf32>,
          %swap3A_584 = vector.shape_cast %swap3A_583 : vector<1x16xf32> to vector<16xf32>
          %swap3A_585 = vector.shape_cast %max3A_580 : vector<16xf32> to vector<1x16xf32>
          tpu.vector_store %arg14[%swap3A_581, %swap3A_582], %swap3A_585 {strides = array<i32>} : memref<128x64xf32, #tpu.memory_space<vmem>>, vector<1x16xf32>,
          %scan3A_586 = arith.constant 0 : i32
          scf.yield %scan3A_586 : i32
        }
        %scan3A_274 = arith.constant 32 : i32
        "tpu.region"() ({
          %run_scoped3A = tpu.sem_alloc : memref<!tpu.dma_semaphore, #tpu.memory_space<semaphore_mem>>
          %dma_start3A_298 = arith.constant 0 : i32
          %dma_start3A_299 = tpu.memref_slice %arg10[%mul3A_208, %dma_start3A_298] : memref<79x128xi32, #tpu.memory_space<vmem>> -> memref<1x128xi32, #tpu.memory_space<vmem>>
          %dma_start3A_300 = tpu.memref_squeeze %dma_start3A_299 : memref<1x128xi32, #tpu.memory_space<vmem>> -> memref<128xi32, #tpu.memory_space<vmem>>
          %dma_start3A_301 = arith.constant 0 : i32
          %dma_start3A_302 = arith.constant 0 : i32
          %dma_start3A_303 = tpu.memref_slice %arg20[%dma_start3A_301, %dma_start3A_302] : memref<10240x64xf32, #tpu.memory_space<vmem_shared>> -> memref<10240x64xf32, #tpu.memory_space<vmem_shared>>
          tpu.enqueue_indirect_dma source(%arg14 : memref<128x64xf32, #tpu.memory_space<vmem>>) target(%dma_start3A_303 : memref<10240x64xf32, #tpu.memory_space<vmem_shared>>) offsets(%dma_start3A_300 : memref<128xi32, #tpu.memory_space<vmem>>) semaphore(%run_scoped3A : memref<!tpu.dma_semaphore, #tpu.memory_space<semaphore_mem>>) {add = true}
          %dma_wait3A_304 = arith.constant 0 : i32
          %dma_wait3A_305 = tpu.memref_slice %arg10[%mul3A_208, %dma_wait3A_304] : memref<79x128xi32, #tpu.memory_space<vmem>> -> memref<1x128xi32, #tpu.memory_space<vmem>>
          %dma_wait3A_306 = tpu.memref_squeeze %dma_wait3A_305 : memref<1x128xi32, #tpu.memory_space<vmem>> -> memref<128xi32, #tpu.memory_space<vmem>>
          %dma_wait3A_307 = arith.constant 0 : i32
          %dma_wait3A_308 = arith.constant 0 : i32
          %dma_wait3A_309 = tpu.memref_slice %arg20[%dma_wait3A_307, %dma_wait3A_308] : memref<10240x64xf32, #tpu.memory_space<vmem_shared>> -> memref<10240x64xf32, #tpu.memory_space<vmem_shared>>
          tpu.wait_indirect_dma semaphore(%run_scoped3A : memref<!tpu.dma_semaphore, #tpu.memory_space<semaphore_mem>>) src(%arg14 : memref<128x64xf32, #tpu.memory_space<vmem>>) dst(%dma_wait3A_309 : memref<10240x64xf32, #tpu.memory_space<vmem_shared>>)
          tpu.yield
        }) : () -> ()
        %jit3A = arith.constant 2 : i32
        %div3A = arith.divsi %add3A_6, %jit3A : i32
        %sign3A = arith.constant 0 : i32
        %sign3A_275 = arith.cmpi sgt, %add3A_6, %sign3A : i32
        %sign3A_276 = arith.extui %sign3A_275 : i1 to i32
        %sign3A_277 = arith.constant 0 : i32
        %sign3A_278 = arith.cmpi slt, %add3A_6, %sign3A_277 : i32
        %sign3A_279 = arith.extui %sign3A_278 : i1 to i32
        %sign3A_280 = arith.subi %sign3A_276, %sign3A_279 : i32
        %sign3A_281 = arith.constant 0 : i32
        %sign3A_282 = arith.cmpi sgt, %jit3A, %sign3A_281 : i32
        %sign3A_283 = arith.extui %sign3A_282 : i1 to i32
        %sign3A_284 = arith.constant 0 : i32
        %sign3A_285 = arith.cmpi slt, %jit3A, %sign3A_284 : i32
        %sign3A_286 = arith.extui %sign3A_285 : i1 to i32
        %sign3A_287 = arith.subi %sign3A_283, %sign3A_286 : i32
        %ne3A = arith.cmpi ne, %sign3A_280, %sign3A_287 : i32
        %rem3A = arith.remsi %add3A_6, %jit3A : i32
        %ne3A_288 = arith.constant 0 : i32
        %ne3A_289 = arith.cmpi ne, %rem3A, %ne3A_288 : i32
        %and3A = arith.andi %ne3A, %ne3A_289 : i1
        %sub3A = arith.constant 1 : i32
        %sub3A_290 = arith.subi %div3A, %sub3A : i32
        %select_n3A = arith.select %and3A, %sub3A_290, %div3A : i32
        %eq3A_291 = arith.constant 0 : i32
        %eq3A_292 = arith.cmpi eq, %arg0, %eq3A_291 : i32
        %lt3A_293 = arith.cmpi slt, %mul3A_208, %select_n3A : i32
        %ge3A = arith.cmpi sge, %mul3A_208, %select_n3A : i32
        %select_n3A_294 = arith.select %eq3A_292, %lt3A_293, %ge3A : i1
        %convert_element_type3A_295 = arith.extui %select_n3A_294 : i1 to i32
        %cond3A_296 = arith.constant 0 : i32
        %cond3A_297 = arith.cmpi ne, %convert_element_type3A_295, %cond3A_296 : i32
        scf.if %cond3A_297 {
          "tpu.region"() ({
            %run_scoped3A = tpu.sem_alloc : memref<!tpu.dma_semaphore, #tpu.memory_space<semaphore_mem>>
            %dma_start3A_298 = arith.constant 0 : i32
            %dma_start3A_299 = tpu.memref_slice %arg10[%mul3A_208, %dma_start3A_298] : memref<79x128xi32, #tpu.memory_space<vmem>> -> memref<1x128xi32, #tpu.memory_space<vmem>>
            %dma_start3A_300 = tpu.memref_squeeze %dma_start3A_299 : memref<1x128xi32, #tpu.memory_space<vmem>> -> memref<128xi32, #tpu.memory_space<vmem>>
            %dma_start3A_301 = arith.constant 0 : i32
            %dma_start3A_302 = arith.constant 0 : i32
            %dma_start3A_303 = tpu.memref_slice %arg21[%dma_start3A_301, %dma_start3A_302] : memref<10240x16xf32, #tpu.memory_space<vmem_shared>> -> memref<10240x16xf32, #tpu.memory_space<vmem_shared>>
            tpu.enqueue_indirect_dma source(%arg17 : memref<128x16xf32, #tpu.memory_space<vmem>>) target(%dma_start3A_303 : memref<10240x16xf32, #tpu.memory_space<vmem_shared>>) offsets(%dma_start3A_300 : memref<128xi32, #tpu.memory_space<vmem>>) semaphore(%run_scoped3A : memref<!tpu.dma_semaphore, #tpu.memory_space<semaphore_mem>>) {add = true}
            %dma_wait3A_304 = arith.constant 0 : i32
            %dma_wait3A_305 = tpu.memref_slice %arg10[%mul3A_208, %dma_wait3A_304] : memref<79x128xi32, #tpu.memory_space<vmem>> -> memref<1x128xi32, #tpu.memory_space<vmem>>
            %dma_wait3A_306 = tpu.memref_squeeze %dma_wait3A_305 : memref<1x128xi32, #tpu.memory_space<vmem>> -> memref<128xi32, #tpu.memory_space<vmem>>
            %dma_wait3A_307 = arith.constant 0 : i32
            %dma_wait3A_308 = arith.constant 0 : i32
            %dma_wait3A_309 = tpu.memref_slice %arg21[%dma_wait3A_307, %dma_wait3A_308] : memref<10240x16xf32, #tpu.memory_space<vmem_shared>> -> memref<10240x16xf32, #tpu.memory_space<vmem_shared>>
            tpu.wait_indirect_dma semaphore(%run_scoped3A : memref<!tpu.dma_semaphore, #tpu.memory_space<semaphore_mem>>) src(%arg17 : memref<128x16xf32, #tpu.memory_space<vmem>>) dst(%dma_wait3A_309 : memref<10240x16xf32, #tpu.memory_space<vmem_shared>>)
            tpu.yield
          }) : () -> ()
        } else {
        }
      } else {
      }
      %add3A_213 = arith.constant 3 : i32
      %add3A_214 = arith.addi %mul3A_208, %add3A_213 : i32
      %lt3A_215 = arith.cmpi slt, %add3A_214, %add3A_6 : i32
      %convert_element_type3A_216 = arith.extui %lt3A_215 : i1 to i32
      %cond3A_217 = arith.constant 0 : i32
      %cond3A_218 = arith.cmpi ne, %convert_element_type3A_216, %cond3A_217 : i32
      scf.if %cond3A_218 {
        %mul3A_262 = arith.constant 160000 : i32
        %mul3A_263 = arith.muli %add3A_69, %mul3A_262 : i32
        %add3A_264 = arith.addi %add3A, %add3A_214 : i32
        %mul3A_265 = arith.constant 128 : i32
        %mul3A_266 = arith.muli %add3A_264, %mul3A_265 : i32
        %add3A_267 = arith.addi %mul3A_263, %mul3A_266 : i32
        %dma_start3A_268 = arith.constant 0 : i32
        %dma_start3A_269 = tpu.memref_slice %arg3[%add3A_267, %dma_start3A_268] : memref<640000x64xf32, #tpu.memory_space<hbm>> -> memref<128x64xf32, #tpu.memory_space<hbm>>
        %dma_start3A_270 = arith.constant 0 : i32
        %dma_start3A_271 = tpu.memref_slice %arg3[%add3A_267, %dma_start3A_270] : memref<640000x64xf32, #tpu.memory_space<hbm>> -> memref<128x64xf32, #tpu.memory_space<hbm>>
        tpu.enqueue_dma source(%dma_start3A_271 : memref<128x64xf32, #tpu.memory_space<hbm>>) target(%arg11 : memref<128x64xf32, #tpu.memory_space<vmem>>) target_semaphore(%arg22 : memref<!tpu.dma_semaphore, #tpu.memory_space<semaphore_mem>>)
      } else {
      }
      %add3A_219 = arith.constant 2 : i32
      %add3A_220 = arith.addi %mul3A_208, %add3A_219 : i32
      %lt3A_221 = arith.cmpi slt, %add3A_220, %add3A_6 : i32
      %convert_element_type3A_222 = arith.extui %lt3A_221 : i1 to i32
      %cond3A_223 = arith.constant 0 : i32
      %cond3A_224 = arith.cmpi ne, %convert_element_type3A_222, %cond3A_223 : i32
      scf.if %cond3A_224 {
        %dma_wait3A_262 = arith.constant 0 : i32
        %dma_wait3A_263 = arith.constant 0 : i32
        %dma_wait3A_264 = tpu.memref_slice %arg3[%dma_wait3A_262, %dma_wait3A_263] : memref<640000x64xf32, #tpu.memory_space<hbm>> -> memref<128x64xf32, #tpu.memory_space<hbm>>
        %dma_wait3A_265 = arith.constant 0 : i32
        %dma_wait3A_266 = arith.constant 0 : i32
        %dma_wait3A_267 = tpu.memref_slice %arg3[%dma_wait3A_265, %dma_wait3A_266] : memref<640000x64xf32, #tpu.memory_space<hbm>> -> memref<128x64xf32, #tpu.memory_space<hbm>>
        tpu.wait_dma2 semaphore(%arg24 : memref<!tpu.dma_semaphore, #tpu.memory_space<semaphore_mem>>) src(%dma_wait3A_267 : memref<128x64xf32, #tpu.memory_space<hbm>>) dst(%arg13 : memref<128x64xf32, #tpu.memory_space<vmem>>)
        %scan3A_268 = arith.constant 0 : i32
        %scan3A_269 = arith.constant 0 : i32
        %scan3A_270 = arith.constant 8 : i32
        %scan3A_271 = arith.addi %scan3A_269, %scan3A_270 : i32
        %scan3A_272 = arith.constant 1 : i32
        %scan3A_273 = scf.for %scan3A_281 = %scan3A_269 to %scan3A_271 step %scan3A_272 iter_args(%scan3A_282 = %scan3A_268) -> (i32)  : i32 {
          %mul3A_283 = arith.constant 16 : i32
          %mul3A_284 = arith.muli %scan3A_281, %mul3A_283 : i32
          %get3A_285 = arith.index_cast %add3A_220 : i32 to index
          %get3A_286 = arith.index_cast %mul3A_284 : i32 to index
          %get3A_287 = tpu.vector_load %arg9[%get3A_285, %get3A_286] {strides = array<i32>} : memref<79x128xi32, #tpu.memory_space<vmem>>, vector<1x16xi32>,
          %get3A_288 = vector.shape_cast %get3A_287 : vector<1x16xi32> to vector<16xi32>
          %get3A_289 = arith.index_cast %add3A_220 : i32 to index
          %get3A_290 = arith.index_cast %mul3A_284 : i32 to index
          %get3A_291 = tpu.vector_load %arg10[%get3A_289, %get3A_290] {strides = array<i32>} : memref<79x128xi32, #tpu.memory_space<vmem>>, vector<1x16xi32>,
          %get3A_292 = vector.shape_cast %get3A_291 : vector<1x16xi32> to vector<16xi32>
          %add3A_293 = arith.addi %add3A, %add3A_220 : i32
          %mul3A_294 = arith.constant 128 : i32
          %mul3A_295 = arith.muli %add3A_293, %mul3A_294 : i32
          %mul3A_296 = arith.constant 16 : i32
          %mul3A_297 = arith.muli %scan3A_281, %mul3A_296 : i32
          %add3A_298 = arith.addi %mul3A_295, %mul3A_297 : i32
          %iota3A = tpu.iota {dimensions = array<i32: 0>} : vector<16xi32>
          %add3A_299 = vector.broadcast %add3A_298 : i32 to vector<16xi32>
          %add3A_300 = arith.addi %add3A_299, %iota3A : vector<16xi32>
          %mul3A_301 = arith.constant 10000 : i32
          %mul3A_302 = arith.muli %add3A_69, %mul3A_301 : i32
          %add3A_303 = vector.broadcast %mul3A_302 : i32 to vector<16xi32>
          %add3A_304 = arith.addi %get3A_288, %add3A_303 : vector<16xi32>
          %swap3A = arith.index_cast %add3A_220 : i32 to index
          %swap3A_305 = arith.index_cast %mul3A_284 : i32 to index
          %swap3A_306 = tpu.vector_load %arg9[%swap3A, %swap3A_305] {strides = array<i32>} : memref<79x128xi32, #tpu.memory_space<vmem>>, vector<1x16xi32>,
          %swap3A_307 = vector.shape_cast %swap3A_306 : vector<1x16xi32> to vector<16xi32>
          %swap3A_308 = vector.shape_cast %add3A_304 : vector<16xi32> to vector<1x16xi32>
          tpu.vector_store %arg9[%swap3A, %swap3A_305], %swap3A_308 {strides = array<i32>} : memref<79x128xi32, #tpu.memory_space<vmem>>, vector<1x16xi32>,
          %lt3A_309 = arith.cmpi slt, %add3A_300, %get3A_37 : vector<16xi32>
          %jit3A = arith.constant 10008 : i32
          %broadcast_in_dim3A = vector.broadcast %jit3A : i32 to vector<16xi32>
          %select_n3A = arith.select %lt3A_309, %get3A_292, %broadcast_in_dim3A : vector<16xi1>, vector<16xi32>
          %swap3A_310 = arith.index_cast %add3A_220 : i32 to index
          %swap3A_311 = arith.index_cast %mul3A_284 : i32 to index
          %swap3A_312 = tpu.vector_load %arg10[%swap3A_310, %swap3A_311] {strides = array<i32>} : memref<79x128xi32, #tpu.memory_space<vmem>>, vector<1x16xi32>,
          %swap3A_313 = vector.shape_cast %swap3A_312 : vector<1x16xi32> to vector<16xi32>
          %swap3A_314 = vector.shape_cast %select_n3A : vector<16xi32> to vector<1x16xi32>
          tpu.vector_store %arg10[%swap3A_310, %swap3A_311], %swap3A_314 {strides = array<i32>} : memref<79x128xi32, #tpu.memory_space<vmem>>, vector<1x16xi32>,
          %scan3A_315 = arith.constant 0 : i32
          scf.yield %scan3A_315 : i32
        }
        %scan3A_274 = arith.constant 8 : i32
        %dma_start3A_275 = arith.constant 0 : i32
        %dma_start3A_276 = tpu.memref_slice %arg9[%add3A_220, %dma_start3A_275] : memref<79x128xi32, #tpu.memory_space<vmem>> -> memref<1x128xi32, #tpu.memory_space<vmem>>
        %dma_start3A_277 = tpu.memref_squeeze %dma_start3A_276 : memref<1x128xi32, #tpu.memory_space<vmem>> -> memref<128xi32, #tpu.memory_space<vmem>>
        %dma_start3A_278 = arith.constant 0 : i32
        %dma_start3A_279 = arith.constant 0 : i32
        %dma_start3A_280 = tpu.memref_slice %arg2[%dma_start3A_278, %dma_start3A_279] : memref<40000x64xf32, #tpu.memory_space<hbm>> -> memref<40000x64xf32, #tpu.memory_space<hbm>>
        tpu.enqueue_indirect_dma source(%dma_start3A_280 : memref<40000x64xf32, #tpu.memory_space<hbm>>) target(%arg16 : memref<128x64xf32, #tpu.memory_space<vmem>>) offsets(%dma_start3A_277 : memref<128xi32, #tpu.memory_space<vmem>>) semaphore(%arg27 : memref<!tpu.dma_semaphore, #tpu.memory_space<semaphore_mem>>)
      } else {
      }
      %add3A_225 = arith.constant 1 : i32
      %add3A_226 = arith.addi %mul3A_208, %add3A_225 : i32
      %lt3A_227 = arith.cmpi slt, %add3A_226, %add3A_6 : i32
      %convert_element_type3A_228 = arith.extui %lt3A_227 : i1 to i32
      %cond3A_229 = arith.constant 0 : i32
      %cond3A_230 = arith.cmpi ne, %convert_element_type3A_228, %cond3A_229 : i32
      scf.if %cond3A_230 {
        %dma_wait3A_262 = arith.constant 0 : i32
        %dma_wait3A_263 = tpu.memref_slice %arg9[%add3A_226, %dma_wait3A_262] : memref<79x128xi32, #tpu.memory_space<vmem>> -> memref<1x128xi32, #tpu.memory_space<vmem>>
        %dma_wait3A_264 = tpu.memref_squeeze %dma_wait3A_263 : memref<1x128xi32, #tpu.memory_space<vmem>> -> memref<128xi32, #tpu.memory_space<vmem>>
        %dma_wait3A_265 = arith.constant 0 : i32
        %dma_wait3A_266 = arith.constant 0 : i32
        %dma_wait3A_267 = tpu.memref_slice %arg2[%dma_wait3A_265, %dma_wait3A_266] : memref<40000x64xf32, #tpu.memory_space<hbm>> -> memref<40000x64xf32, #tpu.memory_space<hbm>>
        tpu.wait_indirect_dma semaphore(%arg26 : memref<!tpu.dma_semaphore, #tpu.memory_space<semaphore_mem>>) src(%dma_wait3A_267 : memref<40000x64xf32, #tpu.memory_space<hbm>>) dst(%arg15 : memref<128x64xf32, #tpu.memory_space<vmem>>)
        %scan3A_268 = arith.constant 0 : i32
        %scan3A_269 = arith.constant 0 : i32
        %scan3A_270 = arith.constant 32 : i32
        %scan3A_271 = arith.addi %scan3A_269, %scan3A_270 : i32
        %scan3A_272 = arith.constant 1 : i32
        %scan3A_273 = scf.for %scan3A_298 = %scan3A_269 to %scan3A_271 step %scan3A_272 iter_args(%scan3A_299 = %scan3A_268) -> (i32)  : i32 {
          %mul3A_300 = arith.constant 4 : i32
          %mul3A_301 = arith.muli %scan3A_298, %mul3A_300 : i32
          %add3A_302 = arith.constant 0 : i32
          %add3A_303 = arith.addi %mul3A_301, %add3A_302 : i32
          %get3A_304 = arith.index_cast %add3A_303 : i32 to index
          %get3A_305 = arith.constant 0 : index
          %get3A_306 = tpu.vector_load %arg15[%get3A_304, %get3A_305] {strides = array<i32>} : memref<128x64xf32, #tpu.memory_space<vmem>>, vector<1x16xf32>,
          %get3A_307 = vector.shape_cast %get3A_306 : vector<1x16xf32> to vector<16xf32>
          %get3A_308 = arith.index_cast %add3A_303 : i32 to index
          %get3A_309 = arith.constant 0 : index
          %get3A_310 = tpu.vector_load %arg12[%get3A_308, %get3A_309] {strides = array<i32>} : memref<128x64xf32, #tpu.memory_space<vmem>>, vector<1x16xf32>,
          %get3A_311 = vector.shape_cast %get3A_310 : vector<1x16xf32> to vector<16xf32>
          %add3A_312 = arith.addf %get3A_307, %get3A_311 : vector<16xf32>
          %max3A = arith.constant 0.000000e+00 : f32
          %max3A_313 = vector.broadcast %max3A : f32 to vector<16xf32>
          %max3A_314 = arith.maximumf %add3A_312, %max3A_313 : vector<16xf32>
          %swap3A = arith.index_cast %add3A_303 : i32 to index
          %swap3A_315 = arith.constant 0 : index
          %swap3A_316 = tpu.vector_load %arg15[%swap3A, %swap3A_315] {strides = array<i32>} : memref<128x64xf32, #tpu.memory_space<vmem>>, vector<1x16xf32>,
          %swap3A_317 = vector.shape_cast %swap3A_316 : vector<1x16xf32> to vector<16xf32>
          %swap3A_318 = vector.shape_cast %max3A_314 : vector<16xf32> to vector<1x16xf32>
          tpu.vector_store %arg15[%swap3A, %swap3A_315], %swap3A_318 {strides = array<i32>} : memref<128x64xf32, #tpu.memory_space<vmem>>, vector<1x16xf32>,
          %get3A_319 = arith.index_cast %add3A_303 : i32 to index
          %get3A_320 = arith.constant 16 : index
          %get3A_321 = tpu.vector_load %arg15[%get3A_319, %get3A_320] {strides = array<i32>} : memref<128x64xf32, #tpu.memory_space<vmem>>, vector<1x16xf32>,
          %get3A_322 = vector.shape_cast %get3A_321 : vector<1x16xf32> to vector<16xf32>
          %get3A_323 = arith.index_cast %add3A_303 : i32 to index
          %get3A_324 = arith.constant 16 : index
          %get3A_325 = tpu.vector_load %arg12[%get3A_323, %get3A_324] {strides = array<i32>} : memref<128x64xf32, #tpu.memory_space<vmem>>, vector<1x16xf32>,
          %get3A_326 = vector.shape_cast %get3A_325 : vector<1x16xf32> to vector<16xf32>
          %add3A_327 = arith.addf %get3A_322, %get3A_326 : vector<16xf32>
          %max3A_328 = arith.constant 0.000000e+00 : f32
          %max3A_329 = vector.broadcast %max3A_328 : f32 to vector<16xf32>
          %max3A_330 = arith.maximumf %add3A_327, %max3A_329 : vector<16xf32>
          %swap3A_331 = arith.index_cast %add3A_303 : i32 to index
          %swap3A_332 = arith.constant 16 : index
          %swap3A_333 = tpu.vector_load %arg15[%swap3A_331, %swap3A_332] {strides = array<i32>} : memref<128x64xf32, #tpu.memory_space<vmem>>, vector<1x16xf32>,
          %swap3A_334 = vector.shape_cast %swap3A_333 : vector<1x16xf32> to vector<16xf32>
          %swap3A_335 = vector.shape_cast %max3A_330 : vector<16xf32> to vector<1x16xf32>
          tpu.vector_store %arg15[%swap3A_331, %swap3A_332], %swap3A_335 {strides = array<i32>} : memref<128x64xf32, #tpu.memory_space<vmem>>, vector<1x16xf32>,
          %get3A_336 = arith.index_cast %add3A_303 : i32 to index
          %get3A_337 = arith.constant 32 : index
          %get3A_338 = tpu.vector_load %arg15[%get3A_336, %get3A_337] {strides = array<i32>} : memref<128x64xf32, #tpu.memory_space<vmem>>, vector<1x16xf32>,
          %get3A_339 = vector.shape_cast %get3A_338 : vector<1x16xf32> to vector<16xf32>
          %get3A_340 = arith.index_cast %add3A_303 : i32 to index
          %get3A_341 = arith.constant 32 : index
          %get3A_342 = tpu.vector_load %arg12[%get3A_340, %get3A_341] {strides = array<i32>} : memref<128x64xf32, #tpu.memory_space<vmem>>, vector<1x16xf32>,
          %get3A_343 = vector.shape_cast %get3A_342 : vector<1x16xf32> to vector<16xf32>
          %add3A_344 = arith.addf %get3A_339, %get3A_343 : vector<16xf32>
          %max3A_345 = arith.constant 0.000000e+00 : f32
          %max3A_346 = vector.broadcast %max3A_345 : f32 to vector<16xf32>
          %max3A_347 = arith.maximumf %add3A_344, %max3A_346 : vector<16xf32>
          %swap3A_348 = arith.index_cast %add3A_303 : i32 to index
          %swap3A_349 = arith.constant 32 : index
          %swap3A_350 = tpu.vector_load %arg15[%swap3A_348, %swap3A_349] {strides = array<i32>} : memref<128x64xf32, #tpu.memory_space<vmem>>, vector<1x16xf32>,
          %swap3A_351 = vector.shape_cast %swap3A_350 : vector<1x16xf32> to vector<16xf32>
          %swap3A_352 = vector.shape_cast %max3A_347 : vector<16xf32> to vector<1x16xf32>
          tpu.vector_store %arg15[%swap3A_348, %swap3A_349], %swap3A_352 {strides = array<i32>} : memref<128x64xf32, #tpu.memory_space<vmem>>, vector<1x16xf32>,
          %get3A_353 = arith.index_cast %add3A_303 : i32 to index
          %get3A_354 = arith.constant 48 : index
          %get3A_355 = tpu.vector_load %arg15[%get3A_353, %get3A_354] {strides = array<i32>} : memref<128x64xf32, #tpu.memory_space<vmem>>, vector<1x16xf32>,
          %get3A_356 = vector.shape_cast %get3A_355 : vector<1x16xf32> to vector<16xf32>
          %get3A_357 = arith.index_cast %add3A_303 : i32 to index
          %get3A_358 = arith.constant 48 : index
          %get3A_359 = tpu.vector_load %arg12[%get3A_357, %get3A_358] {strides = array<i32>} : memref<128x64xf32, #tpu.memory_space<vmem>>, vector<1x16xf32>,
          %get3A_360 = vector.shape_cast %get3A_359 : vector<1x16xf32> to vector<16xf32>
          %add3A_361 = arith.addf %get3A_356, %get3A_360 : vector<16xf32>
          %max3A_362 = arith.constant 0.000000e+00 : f32
          %max3A_363 = vector.broadcast %max3A_362 : f32 to vector<16xf32>
          %max3A_364 = arith.maximumf %add3A_361, %max3A_363 : vector<16xf32>
          %swap3A_365 = arith.index_cast %add3A_303 : i32 to index
          %swap3A_366 = arith.constant 48 : index
          %swap3A_367 = tpu.vector_load %arg15[%swap3A_365, %swap3A_366] {strides = array<i32>} : memref<128x64xf32, #tpu.memory_space<vmem>>, vector<1x16xf32>,
          %swap3A_368 = vector.shape_cast %swap3A_367 : vector<1x16xf32> to vector<16xf32>
          %swap3A_369 = vector.shape_cast %max3A_364 : vector<16xf32> to vector<1x16xf32>
          tpu.vector_store %arg15[%swap3A_365, %swap3A_366], %swap3A_369 {strides = array<i32>} : memref<128x64xf32, #tpu.memory_space<vmem>>, vector<1x16xf32>,
          %mul3A_370 = arith.constant 4 : i32
          %mul3A_371 = arith.muli %scan3A_298, %mul3A_370 : i32
          %add3A_372 = arith.constant 1 : i32
          %add3A_373 = arith.addi %mul3A_371, %add3A_372 : i32
          %get3A_374 = arith.index_cast %add3A_373 : i32 to index
          %get3A_375 = arith.constant 0 : index
          %get3A_376 = tpu.vector_load %arg15[%get3A_374, %get3A_375] {strides = array<i32>} : memref<128x64xf32, #tpu.memory_space<vmem>>, vector<1x16xf32>,
          %get3A_377 = vector.shape_cast %get3A_376 : vector<1x16xf32> to vector<16xf32>
          %get3A_378 = arith.index_cast %add3A_373 : i32 to index
          %get3A_379 = arith.constant 0 : index
          %get3A_380 = tpu.vector_load %arg12[%get3A_378, %get3A_379] {strides = array<i32>} : memref<128x64xf32, #tpu.memory_space<vmem>>, vector<1x16xf32>,
          %get3A_381 = vector.shape_cast %get3A_380 : vector<1x16xf32> to vector<16xf32>
          %add3A_382 = arith.addf %get3A_377, %get3A_381 : vector<16xf32>
          %max3A_383 = arith.constant 0.000000e+00 : f32
          %max3A_384 = vector.broadcast %max3A_383 : f32 to vector<16xf32>
          %max3A_385 = arith.maximumf %add3A_382, %max3A_384 : vector<16xf32>
          %swap3A_386 = arith.index_cast %add3A_373 : i32 to index
          %swap3A_387 = arith.constant 0 : index
          %swap3A_388 = tpu.vector_load %arg15[%swap3A_386, %swap3A_387] {strides = array<i32>} : memref<128x64xf32, #tpu.memory_space<vmem>>, vector<1x16xf32>,
          %swap3A_389 = vector.shape_cast %swap3A_388 : vector<1x16xf32> to vector<16xf32>
          %swap3A_390 = vector.shape_cast %max3A_385 : vector<16xf32> to vector<1x16xf32>
          tpu.vector_store %arg15[%swap3A_386, %swap3A_387], %swap3A_390 {strides = array<i32>} : memref<128x64xf32, #tpu.memory_space<vmem>>, vector<1x16xf32>,
          %get3A_391 = arith.index_cast %add3A_373 : i32 to index
          %get3A_392 = arith.constant 16 : index
          %get3A_393 = tpu.vector_load %arg15[%get3A_391, %get3A_392] {strides = array<i32>} : memref<128x64xf32, #tpu.memory_space<vmem>>, vector<1x16xf32>,
          %get3A_394 = vector.shape_cast %get3A_393 : vector<1x16xf32> to vector<16xf32>
          %get3A_395 = arith.index_cast %add3A_373 : i32 to index
          %get3A_396 = arith.constant 16 : index
          %get3A_397 = tpu.vector_load %arg12[%get3A_395, %get3A_396] {strides = array<i32>} : memref<128x64xf32, #tpu.memory_space<vmem>>, vector<1x16xf32>,
          %get3A_398 = vector.shape_cast %get3A_397 : vector<1x16xf32> to vector<16xf32>
          %add3A_399 = arith.addf %get3A_394, %get3A_398 : vector<16xf32>
          %max3A_400 = arith.constant 0.000000e+00 : f32
          %max3A_401 = vector.broadcast %max3A_400 : f32 to vector<16xf32>
          %max3A_402 = arith.maximumf %add3A_399, %max3A_401 : vector<16xf32>
          %swap3A_403 = arith.index_cast %add3A_373 : i32 to index
          %swap3A_404 = arith.constant 16 : index
          %swap3A_405 = tpu.vector_load %arg15[%swap3A_403, %swap3A_404] {strides = array<i32>} : memref<128x64xf32, #tpu.memory_space<vmem>>, vector<1x16xf32>,
          %swap3A_406 = vector.shape_cast %swap3A_405 : vector<1x16xf32> to vector<16xf32>
          %swap3A_407 = vector.shape_cast %max3A_402 : vector<16xf32> to vector<1x16xf32>
          tpu.vector_store %arg15[%swap3A_403, %swap3A_404], %swap3A_407 {strides = array<i32>} : memref<128x64xf32, #tpu.memory_space<vmem>>, vector<1x16xf32>,
          %get3A_408 = arith.index_cast %add3A_373 : i32 to index
          %get3A_409 = arith.constant 32 : index
          %get3A_410 = tpu.vector_load %arg15[%get3A_408, %get3A_409] {strides = array<i32>} : memref<128x64xf32, #tpu.memory_space<vmem>>, vector<1x16xf32>,
          %get3A_411 = vector.shape_cast %get3A_410 : vector<1x16xf32> to vector<16xf32>
          %get3A_412 = arith.index_cast %add3A_373 : i32 to index
          %get3A_413 = arith.constant 32 : index
          %get3A_414 = tpu.vector_load %arg12[%get3A_412, %get3A_413] {strides = array<i32>} : memref<128x64xf32, #tpu.memory_space<vmem>>, vector<1x16xf32>,
          %get3A_415 = vector.shape_cast %get3A_414 : vector<1x16xf32> to vector<16xf32>
          %add3A_416 = arith.addf %get3A_411, %get3A_415 : vector<16xf32>
          %max3A_417 = arith.constant 0.000000e+00 : f32
          %max3A_418 = vector.broadcast %max3A_417 : f32 to vector<16xf32>
          %max3A_419 = arith.maximumf %add3A_416, %max3A_418 : vector<16xf32>
          %swap3A_420 = arith.index_cast %add3A_373 : i32 to index
          %swap3A_421 = arith.constant 32 : index
          %swap3A_422 = tpu.vector_load %arg15[%swap3A_420, %swap3A_421] {strides = array<i32>} : memref<128x64xf32, #tpu.memory_space<vmem>>, vector<1x16xf32>,
          %swap3A_423 = vector.shape_cast %swap3A_422 : vector<1x16xf32> to vector<16xf32>
          %swap3A_424 = vector.shape_cast %max3A_419 : vector<16xf32> to vector<1x16xf32>
          tpu.vector_store %arg15[%swap3A_420, %swap3A_421], %swap3A_424 {strides = array<i32>} : memref<128x64xf32, #tpu.memory_space<vmem>>, vector<1x16xf32>,
          %get3A_425 = arith.index_cast %add3A_373 : i32 to index
          %get3A_426 = arith.constant 48 : index
          %get3A_427 = tpu.vector_load %arg15[%get3A_425, %get3A_426] {strides = array<i32>} : memref<128x64xf32, #tpu.memory_space<vmem>>, vector<1x16xf32>,
          %get3A_428 = vector.shape_cast %get3A_427 : vector<1x16xf32> to vector<16xf32>
          %get3A_429 = arith.index_cast %add3A_373 : i32 to index
          %get3A_430 = arith.constant 48 : index
          %get3A_431 = tpu.vector_load %arg12[%get3A_429, %get3A_430] {strides = array<i32>} : memref<128x64xf32, #tpu.memory_space<vmem>>, vector<1x16xf32>,
          %get3A_432 = vector.shape_cast %get3A_431 : vector<1x16xf32> to vector<16xf32>
          %add3A_433 = arith.addf %get3A_428, %get3A_432 : vector<16xf32>
          %max3A_434 = arith.constant 0.000000e+00 : f32
          %max3A_435 = vector.broadcast %max3A_434 : f32 to vector<16xf32>
          %max3A_436 = arith.maximumf %add3A_433, %max3A_435 : vector<16xf32>
          %swap3A_437 = arith.index_cast %add3A_373 : i32 to index
          %swap3A_438 = arith.constant 48 : index
          %swap3A_439 = tpu.vector_load %arg15[%swap3A_437, %swap3A_438] {strides = array<i32>} : memref<128x64xf32, #tpu.memory_space<vmem>>, vector<1x16xf32>,
          %swap3A_440 = vector.shape_cast %swap3A_439 : vector<1x16xf32> to vector<16xf32>
          %swap3A_441 = vector.shape_cast %max3A_436 : vector<16xf32> to vector<1x16xf32>
          tpu.vector_store %arg15[%swap3A_437, %swap3A_438], %swap3A_441 {strides = array<i32>} : memref<128x64xf32, #tpu.memory_space<vmem>>, vector<1x16xf32>,
          %mul3A_442 = arith.constant 4 : i32
          %mul3A_443 = arith.muli %scan3A_298, %mul3A_442 : i32
          %add3A_444 = arith.constant 2 : i32
          %add3A_445 = arith.addi %mul3A_443, %add3A_444 : i32
          %get3A_446 = arith.index_cast %add3A_445 : i32 to index
          %get3A_447 = arith.constant 0 : index
          %get3A_448 = tpu.vector_load %arg15[%get3A_446, %get3A_447] {strides = array<i32>} : memref<128x64xf32, #tpu.memory_space<vmem>>, vector<1x16xf32>,
          %get3A_449 = vector.shape_cast %get3A_448 : vector<1x16xf32> to vector<16xf32>
          %get3A_450 = arith.index_cast %add3A_445 : i32 to index
          %get3A_451 = arith.constant 0 : index
          %get3A_452 = tpu.vector_load %arg12[%get3A_450, %get3A_451] {strides = array<i32>} : memref<128x64xf32, #tpu.memory_space<vmem>>, vector<1x16xf32>,
          %get3A_453 = vector.shape_cast %get3A_452 : vector<1x16xf32> to vector<16xf32>
          %add3A_454 = arith.addf %get3A_449, %get3A_453 : vector<16xf32>
          %max3A_455 = arith.constant 0.000000e+00 : f32
          %max3A_456 = vector.broadcast %max3A_455 : f32 to vector<16xf32>
          %max3A_457 = arith.maximumf %add3A_454, %max3A_456 : vector<16xf32>
          %swap3A_458 = arith.index_cast %add3A_445 : i32 to index
          %swap3A_459 = arith.constant 0 : index
          %swap3A_460 = tpu.vector_load %arg15[%swap3A_458, %swap3A_459] {strides = array<i32>} : memref<128x64xf32, #tpu.memory_space<vmem>>, vector<1x16xf32>,
          %swap3A_461 = vector.shape_cast %swap3A_460 : vector<1x16xf32> to vector<16xf32>
          %swap3A_462 = vector.shape_cast %max3A_457 : vector<16xf32> to vector<1x16xf32>
          tpu.vector_store %arg15[%swap3A_458, %swap3A_459], %swap3A_462 {strides = array<i32>} : memref<128x64xf32, #tpu.memory_space<vmem>>, vector<1x16xf32>,
          %get3A_463 = arith.index_cast %add3A_445 : i32 to index
          %get3A_464 = arith.constant 16 : index
          %get3A_465 = tpu.vector_load %arg15[%get3A_463, %get3A_464] {strides = array<i32>} : memref<128x64xf32, #tpu.memory_space<vmem>>, vector<1x16xf32>,
          %get3A_466 = vector.shape_cast %get3A_465 : vector<1x16xf32> to vector<16xf32>
          %get3A_467 = arith.index_cast %add3A_445 : i32 to index
          %get3A_468 = arith.constant 16 : index
          %get3A_469 = tpu.vector_load %arg12[%get3A_467, %get3A_468] {strides = array<i32>} : memref<128x64xf32, #tpu.memory_space<vmem>>, vector<1x16xf32>,
          %get3A_470 = vector.shape_cast %get3A_469 : vector<1x16xf32> to vector<16xf32>
          %add3A_471 = arith.addf %get3A_466, %get3A_470 : vector<16xf32>
          %max3A_472 = arith.constant 0.000000e+00 : f32
          %max3A_473 = vector.broadcast %max3A_472 : f32 to vector<16xf32>
          %max3A_474 = arith.maximumf %add3A_471, %max3A_473 : vector<16xf32>
          %swap3A_475 = arith.index_cast %add3A_445 : i32 to index
          %swap3A_476 = arith.constant 16 : index
          %swap3A_477 = tpu.vector_load %arg15[%swap3A_475, %swap3A_476] {strides = array<i32>} : memref<128x64xf32, #tpu.memory_space<vmem>>, vector<1x16xf32>,
          %swap3A_478 = vector.shape_cast %swap3A_477 : vector<1x16xf32> to vector<16xf32>
          %swap3A_479 = vector.shape_cast %max3A_474 : vector<16xf32> to vector<1x16xf32>
          tpu.vector_store %arg15[%swap3A_475, %swap3A_476], %swap3A_479 {strides = array<i32>} : memref<128x64xf32, #tpu.memory_space<vmem>>, vector<1x16xf32>,
          %get3A_480 = arith.index_cast %add3A_445 : i32 to index
          %get3A_481 = arith.constant 32 : index
          %get3A_482 = tpu.vector_load %arg15[%get3A_480, %get3A_481] {strides = array<i32>} : memref<128x64xf32, #tpu.memory_space<vmem>>, vector<1x16xf32>,
          %get3A_483 = vector.shape_cast %get3A_482 : vector<1x16xf32> to vector<16xf32>
          %get3A_484 = arith.index_cast %add3A_445 : i32 to index
          %get3A_485 = arith.constant 32 : index
          %get3A_486 = tpu.vector_load %arg12[%get3A_484, %get3A_485] {strides = array<i32>} : memref<128x64xf32, #tpu.memory_space<vmem>>, vector<1x16xf32>,
          %get3A_487 = vector.shape_cast %get3A_486 : vector<1x16xf32> to vector<16xf32>
          %add3A_488 = arith.addf %get3A_483, %get3A_487 : vector<16xf32>
          %max3A_489 = arith.constant 0.000000e+00 : f32
          %max3A_490 = vector.broadcast %max3A_489 : f32 to vector<16xf32>
          %max3A_491 = arith.maximumf %add3A_488, %max3A_490 : vector<16xf32>
          %swap3A_492 = arith.index_cast %add3A_445 : i32 to index
          %swap3A_493 = arith.constant 32 : index
          %swap3A_494 = tpu.vector_load %arg15[%swap3A_492, %swap3A_493] {strides = array<i32>} : memref<128x64xf32, #tpu.memory_space<vmem>>, vector<1x16xf32>,
          %swap3A_495 = vector.shape_cast %swap3A_494 : vector<1x16xf32> to vector<16xf32>
          %swap3A_496 = vector.shape_cast %max3A_491 : vector<16xf32> to vector<1x16xf32>
          tpu.vector_store %arg15[%swap3A_492, %swap3A_493], %swap3A_496 {strides = array<i32>} : memref<128x64xf32, #tpu.memory_space<vmem>>, vector<1x16xf32>,
          %get3A_497 = arith.index_cast %add3A_445 : i32 to index
          %get3A_498 = arith.constant 48 : index
          %get3A_499 = tpu.vector_load %arg15[%get3A_497, %get3A_498] {strides = array<i32>} : memref<128x64xf32, #tpu.memory_space<vmem>>, vector<1x16xf32>,
          %get3A_500 = vector.shape_cast %get3A_499 : vector<1x16xf32> to vector<16xf32>
          %get3A_501 = arith.index_cast %add3A_445 : i32 to index
          %get3A_502 = arith.constant 48 : index
          %get3A_503 = tpu.vector_load %arg12[%get3A_501, %get3A_502] {strides = array<i32>} : memref<128x64xf32, #tpu.memory_space<vmem>>, vector<1x16xf32>,
          %get3A_504 = vector.shape_cast %get3A_503 : vector<1x16xf32> to vector<16xf32>
          %add3A_505 = arith.addf %get3A_500, %get3A_504 : vector<16xf32>
          %max3A_506 = arith.constant 0.000000e+00 : f32
          %max3A_507 = vector.broadcast %max3A_506 : f32 to vector<16xf32>
          %max3A_508 = arith.maximumf %add3A_505, %max3A_507 : vector<16xf32>
          %swap3A_509 = arith.index_cast %add3A_445 : i32 to index
          %swap3A_510 = arith.constant 48 : index
          %swap3A_511 = tpu.vector_load %arg15[%swap3A_509, %swap3A_510] {strides = array<i32>} : memref<128x64xf32, #tpu.memory_space<vmem>>, vector<1x16xf32>,
          %swap3A_512 = vector.shape_cast %swap3A_511 : vector<1x16xf32> to vector<16xf32>
          %swap3A_513 = vector.shape_cast %max3A_508 : vector<16xf32> to vector<1x16xf32>
          tpu.vector_store %arg15[%swap3A_509, %swap3A_510], %swap3A_513 {strides = array<i32>} : memref<128x64xf32, #tpu.memory_space<vmem>>, vector<1x16xf32>,
          %mul3A_514 = arith.constant 4 : i32
          %mul3A_515 = arith.muli %scan3A_298, %mul3A_514 : i32
          %add3A_516 = arith.constant 3 : i32
          %add3A_517 = arith.addi %mul3A_515, %add3A_516 : i32
          %get3A_518 = arith.index_cast %add3A_517 : i32 to index
          %get3A_519 = arith.constant 0 : index
          %get3A_520 = tpu.vector_load %arg15[%get3A_518, %get3A_519] {strides = array<i32>} : memref<128x64xf32, #tpu.memory_space<vmem>>, vector<1x16xf32>,
          %get3A_521 = vector.shape_cast %get3A_520 : vector<1x16xf32> to vector<16xf32>
          %get3A_522 = arith.index_cast %add3A_517 : i32 to index
          %get3A_523 = arith.constant 0 : index
          %get3A_524 = tpu.vector_load %arg12[%get3A_522, %get3A_523] {strides = array<i32>} : memref<128x64xf32, #tpu.memory_space<vmem>>, vector<1x16xf32>,
          %get3A_525 = vector.shape_cast %get3A_524 : vector<1x16xf32> to vector<16xf32>
          %add3A_526 = arith.addf %get3A_521, %get3A_525 : vector<16xf32>
          %max3A_527 = arith.constant 0.000000e+00 : f32
          %max3A_528 = vector.broadcast %max3A_527 : f32 to vector<16xf32>
          %max3A_529 = arith.maximumf %add3A_526, %max3A_528 : vector<16xf32>
          %swap3A_530 = arith.index_cast %add3A_517 : i32 to index
          %swap3A_531 = arith.constant 0 : index
          %swap3A_532 = tpu.vector_load %arg15[%swap3A_530, %swap3A_531] {strides = array<i32>} : memref<128x64xf32, #tpu.memory_space<vmem>>, vector<1x16xf32>,
          %swap3A_533 = vector.shape_cast %swap3A_532 : vector<1x16xf32> to vector<16xf32>
          %swap3A_534 = vector.shape_cast %max3A_529 : vector<16xf32> to vector<1x16xf32>
          tpu.vector_store %arg15[%swap3A_530, %swap3A_531], %swap3A_534 {strides = array<i32>} : memref<128x64xf32, #tpu.memory_space<vmem>>, vector<1x16xf32>,
          %get3A_535 = arith.index_cast %add3A_517 : i32 to index
          %get3A_536 = arith.constant 16 : index
          %get3A_537 = tpu.vector_load %arg15[%get3A_535, %get3A_536] {strides = array<i32>} : memref<128x64xf32, #tpu.memory_space<vmem>>, vector<1x16xf32>,
          %get3A_538 = vector.shape_cast %get3A_537 : vector<1x16xf32> to vector<16xf32>
          %get3A_539 = arith.index_cast %add3A_517 : i32 to index
          %get3A_540 = arith.constant 16 : index
          %get3A_541 = tpu.vector_load %arg12[%get3A_539, %get3A_540] {strides = array<i32>} : memref<128x64xf32, #tpu.memory_space<vmem>>, vector<1x16xf32>,
          %get3A_542 = vector.shape_cast %get3A_541 : vector<1x16xf32> to vector<16xf32>
          %add3A_543 = arith.addf %get3A_538, %get3A_542 : vector<16xf32>
          %max3A_544 = arith.constant 0.000000e+00 : f32
          %max3A_545 = vector.broadcast %max3A_544 : f32 to vector<16xf32>
          %max3A_546 = arith.maximumf %add3A_543, %max3A_545 : vector<16xf32>
          %swap3A_547 = arith.index_cast %add3A_517 : i32 to index
          %swap3A_548 = arith.constant 16 : index
          %swap3A_549 = tpu.vector_load %arg15[%swap3A_547, %swap3A_548] {strides = array<i32>} : memref<128x64xf32, #tpu.memory_space<vmem>>, vector<1x16xf32>,
          %swap3A_550 = vector.shape_cast %swap3A_549 : vector<1x16xf32> to vector<16xf32>
          %swap3A_551 = vector.shape_cast %max3A_546 : vector<16xf32> to vector<1x16xf32>
          tpu.vector_store %arg15[%swap3A_547, %swap3A_548], %swap3A_551 {strides = array<i32>} : memref<128x64xf32, #tpu.memory_space<vmem>>, vector<1x16xf32>,
          %get3A_552 = arith.index_cast %add3A_517 : i32 to index
          %get3A_553 = arith.constant 32 : index
          %get3A_554 = tpu.vector_load %arg15[%get3A_552, %get3A_553] {strides = array<i32>} : memref<128x64xf32, #tpu.memory_space<vmem>>, vector<1x16xf32>,
          %get3A_555 = vector.shape_cast %get3A_554 : vector<1x16xf32> to vector<16xf32>
          %get3A_556 = arith.index_cast %add3A_517 : i32 to index
          %get3A_557 = arith.constant 32 : index
          %get3A_558 = tpu.vector_load %arg12[%get3A_556, %get3A_557] {strides = array<i32>} : memref<128x64xf32, #tpu.memory_space<vmem>>, vector<1x16xf32>,
          %get3A_559 = vector.shape_cast %get3A_558 : vector<1x16xf32> to vector<16xf32>
          %add3A_560 = arith.addf %get3A_555, %get3A_559 : vector<16xf32>
          %max3A_561 = arith.constant 0.000000e+00 : f32
          %max3A_562 = vector.broadcast %max3A_561 : f32 to vector<16xf32>
          %max3A_563 = arith.maximumf %add3A_560, %max3A_562 : vector<16xf32>
          %swap3A_564 = arith.index_cast %add3A_517 : i32 to index
          %swap3A_565 = arith.constant 32 : index
          %swap3A_566 = tpu.vector_load %arg15[%swap3A_564, %swap3A_565] {strides = array<i32>} : memref<128x64xf32, #tpu.memory_space<vmem>>, vector<1x16xf32>,
          %swap3A_567 = vector.shape_cast %swap3A_566 : vector<1x16xf32> to vector<16xf32>
          %swap3A_568 = vector.shape_cast %max3A_563 : vector<16xf32> to vector<1x16xf32>
          tpu.vector_store %arg15[%swap3A_564, %swap3A_565], %swap3A_568 {strides = array<i32>} : memref<128x64xf32, #tpu.memory_space<vmem>>, vector<1x16xf32>,
          %get3A_569 = arith.index_cast %add3A_517 : i32 to index
          %get3A_570 = arith.constant 48 : index
          %get3A_571 = tpu.vector_load %arg15[%get3A_569, %get3A_570] {strides = array<i32>} : memref<128x64xf32, #tpu.memory_space<vmem>>, vector<1x16xf32>,
          %get3A_572 = vector.shape_cast %get3A_571 : vector<1x16xf32> to vector<16xf32>
          %get3A_573 = arith.index_cast %add3A_517 : i32 to index
          %get3A_574 = arith.constant 48 : index
          %get3A_575 = tpu.vector_load %arg12[%get3A_573, %get3A_574] {strides = array<i32>} : memref<128x64xf32, #tpu.memory_space<vmem>>, vector<1x16xf32>,
          %get3A_576 = vector.shape_cast %get3A_575 : vector<1x16xf32> to vector<16xf32>
          %add3A_577 = arith.addf %get3A_572, %get3A_576 : vector<16xf32>
          %max3A_578 = arith.constant 0.000000e+00 : f32
          %max3A_579 = vector.broadcast %max3A_578 : f32 to vector<16xf32>
          %max3A_580 = arith.maximumf %add3A_577, %max3A_579 : vector<16xf32>
          %swap3A_581 = arith.index_cast %add3A_517 : i32 to index
          %swap3A_582 = arith.constant 48 : index
          %swap3A_583 = tpu.vector_load %arg15[%swap3A_581, %swap3A_582] {strides = array<i32>} : memref<128x64xf32, #tpu.memory_space<vmem>>, vector<1x16xf32>,
          %swap3A_584 = vector.shape_cast %swap3A_583 : vector<1x16xf32> to vector<16xf32>
          %swap3A_585 = vector.shape_cast %max3A_580 : vector<16xf32> to vector<1x16xf32>
          tpu.vector_store %arg15[%swap3A_581, %swap3A_582], %swap3A_585 {strides = array<i32>} : memref<128x64xf32, #tpu.memory_space<vmem>>, vector<1x16xf32>,
          %scan3A_586 = arith.constant 0 : i32
          scf.yield %scan3A_586 : i32
        }
        %scan3A_274 = arith.constant 32 : i32
        "tpu.region"() ({
          %run_scoped3A = tpu.sem_alloc : memref<!tpu.dma_semaphore, #tpu.memory_space<semaphore_mem>>
          %dma_start3A_298 = arith.constant 0 : i32
          %dma_start3A_299 = tpu.memref_slice %arg10[%add3A_226, %dma_start3A_298] : memref<79x128xi32, #tpu.memory_space<vmem>> -> memref<1x128xi32, #tpu.memory_space<vmem>>
          %dma_start3A_300 = tpu.memref_squeeze %dma_start3A_299 : memref<1x128xi32, #tpu.memory_space<vmem>> -> memref<128xi32, #tpu.memory_space<vmem>>
          %dma_start3A_301 = arith.constant 0 : i32
          %dma_start3A_302 = arith.constant 0 : i32
          %dma_start3A_303 = tpu.memref_slice %arg20[%dma_start3A_301, %dma_start3A_302] : memref<10240x64xf32, #tpu.memory_space<vmem_shared>> -> memref<10240x64xf32, #tpu.memory_space<vmem_shared>>
          tpu.enqueue_indirect_dma source(%arg15 : memref<128x64xf32, #tpu.memory_space<vmem>>) target(%dma_start3A_303 : memref<10240x64xf32, #tpu.memory_space<vmem_shared>>) offsets(%dma_start3A_300 : memref<128xi32, #tpu.memory_space<vmem>>) semaphore(%run_scoped3A : memref<!tpu.dma_semaphore, #tpu.memory_space<semaphore_mem>>) {add = true}
          %dma_wait3A_304 = arith.constant 0 : i32
          %dma_wait3A_305 = tpu.memref_slice %arg10[%add3A_226, %dma_wait3A_304] : memref<79x128xi32, #tpu.memory_space<vmem>> -> memref<1x128xi32, #tpu.memory_space<vmem>>
          %dma_wait3A_306 = tpu.memref_squeeze %dma_wait3A_305 : memref<1x128xi32, #tpu.memory_space<vmem>> -> memref<128xi32, #tpu.memory_space<vmem>>
          %dma_wait3A_307 = arith.constant 0 : i32
          %dma_wait3A_308 = arith.constant 0 : i32
          %dma_wait3A_309 = tpu.memref_slice %arg20[%dma_wait3A_307, %dma_wait3A_308] : memref<10240x64xf32, #tpu.memory_space<vmem_shared>> -> memref<10240x64xf32, #tpu.memory_space<vmem_shared>>
          tpu.wait_indirect_dma semaphore(%run_scoped3A : memref<!tpu.dma_semaphore, #tpu.memory_space<semaphore_mem>>) src(%arg15 : memref<128x64xf32, #tpu.memory_space<vmem>>) dst(%dma_wait3A_309 : memref<10240x64xf32, #tpu.memory_space<vmem_shared>>)
          tpu.yield
        }) : () -> ()
        %jit3A = arith.constant 2 : i32
        %div3A = arith.divsi %add3A_6, %jit3A : i32
        %sign3A = arith.constant 0 : i32
        %sign3A_275 = arith.cmpi sgt, %add3A_6, %sign3A : i32
        %sign3A_276 = arith.extui %sign3A_275 : i1 to i32
        %sign3A_277 = arith.constant 0 : i32
        %sign3A_278 = arith.cmpi slt, %add3A_6, %sign3A_277 : i32
        %sign3A_279 = arith.extui %sign3A_278 : i1 to i32
        %sign3A_280 = arith.subi %sign3A_276, %sign3A_279 : i32
        %sign3A_281 = arith.constant 0 : i32
        %sign3A_282 = arith.cmpi sgt, %jit3A, %sign3A_281 : i32
        %sign3A_283 = arith.extui %sign3A_282 : i1 to i32
        %sign3A_284 = arith.constant 0 : i32
        %sign3A_285 = arith.cmpi slt, %jit3A, %sign3A_284 : i32
        %sign3A_286 = arith.extui %sign3A_285 : i1 to i32
        %sign3A_287 = arith.subi %sign3A_283, %sign3A_286 : i32
        %ne3A = arith.cmpi ne, %sign3A_280, %sign3A_287 : i32
        %rem3A = arith.remsi %add3A_6, %jit3A : i32
        %ne3A_288 = arith.constant 0 : i32
        %ne3A_289 = arith.cmpi ne, %rem3A, %ne3A_288 : i32
        %and3A = arith.andi %ne3A, %ne3A_289 : i1
        %sub3A = arith.constant 1 : i32
        %sub3A_290 = arith.subi %div3A, %sub3A : i32
        %select_n3A = arith.select %and3A, %sub3A_290, %div3A : i32
        %eq3A_291 = arith.constant 0 : i32
        %eq3A_292 = arith.cmpi eq, %arg0, %eq3A_291 : i32
        %lt3A_293 = arith.cmpi slt, %add3A_226, %select_n3A : i32
        %ge3A = arith.cmpi sge, %add3A_226, %select_n3A : i32
        %select_n3A_294 = arith.select %eq3A_292, %lt3A_293, %ge3A : i1
        %convert_element_type3A_295 = arith.extui %select_n3A_294 : i1 to i32
        %cond3A_296 = arith.constant 0 : i32
        %cond3A_297 = arith.cmpi ne, %convert_element_type3A_295, %cond3A_296 : i32
        scf.if %cond3A_297 {
          "tpu.region"() ({
            %run_scoped3A = tpu.sem_alloc : memref<!tpu.dma_semaphore, #tpu.memory_space<semaphore_mem>>
            %dma_start3A_298 = arith.constant 0 : i32
            %dma_start3A_299 = tpu.memref_slice %arg10[%add3A_226, %dma_start3A_298] : memref<79x128xi32, #tpu.memory_space<vmem>> -> memref<1x128xi32, #tpu.memory_space<vmem>>
            %dma_start3A_300 = tpu.memref_squeeze %dma_start3A_299 : memref<1x128xi32, #tpu.memory_space<vmem>> -> memref<128xi32, #tpu.memory_space<vmem>>
            %dma_start3A_301 = arith.constant 0 : i32
            %dma_start3A_302 = arith.constant 0 : i32
            %dma_start3A_303 = tpu.memref_slice %arg21[%dma_start3A_301, %dma_start3A_302] : memref<10240x16xf32, #tpu.memory_space<vmem_shared>> -> memref<10240x16xf32, #tpu.memory_space<vmem_shared>>
            tpu.enqueue_indirect_dma source(%arg17 : memref<128x16xf32, #tpu.memory_space<vmem>>) target(%dma_start3A_303 : memref<10240x16xf32, #tpu.memory_space<vmem_shared>>) offsets(%dma_start3A_300 : memref<128xi32, #tpu.memory_space<vmem>>) semaphore(%run_scoped3A : memref<!tpu.dma_semaphore, #tpu.memory_space<semaphore_mem>>) {add = true}
            %dma_wait3A_304 = arith.constant 0 : i32
            %dma_wait3A_305 = tpu.memref_slice %arg10[%add3A_226, %dma_wait3A_304] : memref<79x128xi32, #tpu.memory_space<vmem>> -> memref<1x128xi32, #tpu.memory_space<vmem>>
            %dma_wait3A_306 = tpu.memref_squeeze %dma_wait3A_305 : memref<1x128xi32, #tpu.memory_space<vmem>> -> memref<128xi32, #tpu.memory_space<vmem>>
            %dma_wait3A_307 = arith.constant 0 : i32
            %dma_wait3A_308 = arith.constant 0 : i32
            %dma_wait3A_309 = tpu.memref_slice %arg21[%dma_wait3A_307, %dma_wait3A_308] : memref<10240x16xf32, #tpu.memory_space<vmem_shared>> -> memref<10240x16xf32, #tpu.memory_space<vmem_shared>>
            tpu.wait_indirect_dma semaphore(%run_scoped3A : memref<!tpu.dma_semaphore, #tpu.memory_space<semaphore_mem>>) src(%arg17 : memref<128x16xf32, #tpu.memory_space<vmem>>) dst(%dma_wait3A_309 : memref<10240x16xf32, #tpu.memory_space<vmem_shared>>)
            tpu.yield
          }) : () -> ()
        } else {
        }
      } else {
      }
      %add3A_231 = arith.constant 4 : i32
      %add3A_232 = arith.addi %mul3A_208, %add3A_231 : i32
      %lt3A_233 = arith.cmpi slt, %add3A_232, %add3A_6 : i32
      %convert_element_type3A_234 = arith.extui %lt3A_233 : i1 to i32
      %cond3A_235 = arith.constant 0 : i32
      %cond3A_236 = arith.cmpi ne, %convert_element_type3A_234, %cond3A_235 : i32
      scf.if %cond3A_236 {
        %mul3A_262 = arith.constant 160000 : i32
        %mul3A_263 = arith.muli %add3A_69, %mul3A_262 : i32
        %add3A_264 = arith.addi %add3A, %add3A_232 : i32
        %mul3A_265 = arith.constant 128 : i32
        %mul3A_266 = arith.muli %add3A_264, %mul3A_265 : i32
        %add3A_267 = arith.addi %mul3A_263, %mul3A_266 : i32
        %dma_start3A_268 = arith.constant 0 : i32
        %dma_start3A_269 = tpu.memref_slice %arg3[%add3A_267, %dma_start3A_268] : memref<640000x64xf32, #tpu.memory_space<hbm>> -> memref<128x64xf32, #tpu.memory_space<hbm>>
        %dma_start3A_270 = arith.constant 0 : i32
        %dma_start3A_271 = tpu.memref_slice %arg3[%add3A_267, %dma_start3A_270] : memref<640000x64xf32, #tpu.memory_space<hbm>> -> memref<128x64xf32, #tpu.memory_space<hbm>>
        tpu.enqueue_dma source(%dma_start3A_271 : memref<128x64xf32, #tpu.memory_space<hbm>>) target(%arg12 : memref<128x64xf32, #tpu.memory_space<vmem>>) target_semaphore(%arg23 : memref<!tpu.dma_semaphore, #tpu.memory_space<semaphore_mem>>)
      } else {
      }
      %add3A_237 = arith.constant 3 : i32
      %add3A_238 = arith.addi %mul3A_208, %add3A_237 : i32
      %lt3A_239 = arith.cmpi slt, %add3A_238, %add3A_6 : i32
      %convert_element_type3A_240 = arith.extui %lt3A_239 : i1 to i32
      %cond3A_241 = arith.constant 0 : i32
      %cond3A_242 = arith.cmpi ne, %convert_element_type3A_240, %cond3A_241 : i32
      scf.if %cond3A_242 {
        %dma_wait3A_262 = arith.constant 0 : i32
        %dma_wait3A_263 = arith.constant 0 : i32
        %dma_wait3A_264 = tpu.memref_slice %arg3[%dma_wait3A_262, %dma_wait3A_263] : memref<640000x64xf32, #tpu.memory_space<hbm>> -> memref<128x64xf32, #tpu.memory_space<hbm>>
        %dma_wait3A_265 = arith.constant 0 : i32
        %dma_wait3A_266 = arith.constant 0 : i32
        %dma_wait3A_267 = tpu.memref_slice %arg3[%dma_wait3A_265, %dma_wait3A_266] : memref<640000x64xf32, #tpu.memory_space<hbm>> -> memref<128x64xf32, #tpu.memory_space<hbm>>
        tpu.wait_dma2 semaphore(%arg22 : memref<!tpu.dma_semaphore, #tpu.memory_space<semaphore_mem>>) src(%dma_wait3A_267 : memref<128x64xf32, #tpu.memory_space<hbm>>) dst(%arg11 : memref<128x64xf32, #tpu.memory_space<vmem>>)
        %scan3A_268 = arith.constant 0 : i32
        %scan3A_269 = arith.constant 0 : i32
        %scan3A_270 = arith.constant 8 : i32
        %scan3A_271 = arith.addi %scan3A_269, %scan3A_270 : i32
        %scan3A_272 = arith.constant 1 : i32
        %scan3A_273 = scf.for %scan3A_281 = %scan3A_269 to %scan3A_271 step %scan3A_272 iter_args(%scan3A_282 = %scan3A_268) -> (i32)  : i32 {
          %mul3A_283 = arith.constant 16 : i32
          %mul3A_284 = arith.muli %scan3A_281, %mul3A_283 : i32
          %get3A_285 = arith.index_cast %add3A_238 : i32 to index
          %get3A_286 = arith.index_cast %mul3A_284 : i32 to index
          %get3A_287 = tpu.vector_load %arg9[%get3A_285, %get3A_286] {strides = array<i32>} : memref<79x128xi32, #tpu.memory_space<vmem>>, vector<1x16xi32>,
          %get3A_288 = vector.shape_cast %get3A_287 : vector<1x16xi32> to vector<16xi32>
          %get3A_289 = arith.index_cast %add3A_238 : i32 to index
          %get3A_290 = arith.index_cast %mul3A_284 : i32 to index
          %get3A_291 = tpu.vector_load %arg10[%get3A_289, %get3A_290] {strides = array<i32>} : memref<79x128xi32, #tpu.memory_space<vmem>>, vector<1x16xi32>,
          %get3A_292 = vector.shape_cast %get3A_291 : vector<1x16xi32> to vector<16xi32>
          %add3A_293 = arith.addi %add3A, %add3A_238 : i32
          %mul3A_294 = arith.constant 128 : i32
          %mul3A_295 = arith.muli %add3A_293, %mul3A_294 : i32
          %mul3A_296 = arith.constant 16 : i32
          %mul3A_297 = arith.muli %scan3A_281, %mul3A_296 : i32
          %add3A_298 = arith.addi %mul3A_295, %mul3A_297 : i32
          %iota3A = tpu.iota {dimensions = array<i32: 0>} : vector<16xi32>
          %add3A_299 = vector.broadcast %add3A_298 : i32 to vector<16xi32>
          %add3A_300 = arith.addi %add3A_299, %iota3A : vector<16xi32>
          %mul3A_301 = arith.constant 10000 : i32
          %mul3A_302 = arith.muli %add3A_69, %mul3A_301 : i32
          %add3A_303 = vector.broadcast %mul3A_302 : i32 to vector<16xi32>
          %add3A_304 = arith.addi %get3A_288, %add3A_303 : vector<16xi32>
          %swap3A = arith.index_cast %add3A_238 : i32 to index
          %swap3A_305 = arith.index_cast %mul3A_284 : i32 to index
          %swap3A_306 = tpu.vector_load %arg9[%swap3A, %swap3A_305] {strides = array<i32>} : memref<79x128xi32, #tpu.memory_space<vmem>>, vector<1x16xi32>,
          %swap3A_307 = vector.shape_cast %swap3A_306 : vector<1x16xi32> to vector<16xi32>
          %swap3A_308 = vector.shape_cast %add3A_304 : vector<16xi32> to vector<1x16xi32>
          tpu.vector_store %arg9[%swap3A, %swap3A_305], %swap3A_308 {strides = array<i32>} : memref<79x128xi32, #tpu.memory_space<vmem>>, vector<1x16xi32>,
          %lt3A_309 = arith.cmpi slt, %add3A_300, %get3A_37 : vector<16xi32>
          %jit3A = arith.constant 10008 : i32
          %broadcast_in_dim3A = vector.broadcast %jit3A : i32 to vector<16xi32>
          %select_n3A = arith.select %lt3A_309, %get3A_292, %broadcast_in_dim3A : vector<16xi1>, vector<16xi32>
          %swap3A_310 = arith.index_cast %add3A_238 : i32 to index
          %swap3A_311 = arith.index_cast %mul3A_284 : i32 to index
          %swap3A_312 = tpu.vector_load %arg10[%swap3A_310, %swap3A_311] {strides = array<i32>} : memref<79x128xi32, #tpu.memory_space<vmem>>, vector<1x16xi32>,
          %swap3A_313 = vector.shape_cast %swap3A_312 : vector<1x16xi32> to vector<16xi32>
          %swap3A_314 = vector.shape_cast %select_n3A : vector<16xi32> to vector<1x16xi32>
          tpu.vector_store %arg10[%swap3A_310, %swap3A_311], %swap3A_314 {strides = array<i32>} : memref<79x128xi32, #tpu.memory_space<vmem>>, vector<1x16xi32>,
          %scan3A_315 = arith.constant 0 : i32
          scf.yield %scan3A_315 : i32
        }
        %scan3A_274 = arith.constant 8 : i32
        %dma_start3A_275 = arith.constant 0 : i32
        %dma_start3A_276 = tpu.memref_slice %arg9[%add3A_238, %dma_start3A_275] : memref<79x128xi32, #tpu.memory_space<vmem>> -> memref<1x128xi32, #tpu.memory_space<vmem>>
        %dma_start3A_277 = tpu.memref_squeeze %dma_start3A_276 : memref<1x128xi32, #tpu.memory_space<vmem>> -> memref<128xi32, #tpu.memory_space<vmem>>
        %dma_start3A_278 = arith.constant 0 : i32
        %dma_start3A_279 = arith.constant 0 : i32
        %dma_start3A_280 = tpu.memref_slice %arg2[%dma_start3A_278, %dma_start3A_279] : memref<40000x64xf32, #tpu.memory_space<hbm>> -> memref<40000x64xf32, #tpu.memory_space<hbm>>
        tpu.enqueue_indirect_dma source(%dma_start3A_280 : memref<40000x64xf32, #tpu.memory_space<hbm>>) target(%arg14 : memref<128x64xf32, #tpu.memory_space<vmem>>) offsets(%dma_start3A_277 : memref<128xi32, #tpu.memory_space<vmem>>) semaphore(%arg25 : memref<!tpu.dma_semaphore, #tpu.memory_space<semaphore_mem>>)
      } else {
      }
      %add3A_243 = arith.constant 2 : i32
      %add3A_244 = arith.addi %mul3A_208, %add3A_243 : i32
      %lt3A_245 = arith.cmpi slt, %add3A_244, %add3A_6 : i32
      %convert_element_type3A_246 = arith.extui %lt3A_245 : i1 to i32
      %cond3A_247 = arith.constant 0 : i32
      %cond3A_248 = arith.cmpi ne, %convert_element_type3A_246, %cond3A_247 : i32
      scf.if %cond3A_248 {
        %dma_wait3A_262 = arith.constant 0 : i32
        %dma_wait3A_263 = tpu.memref_slice %arg9[%add3A_244, %dma_wait3A_262] : memref<79x128xi32, #tpu.memory_space<vmem>> -> memref<1x128xi32, #tpu.memory_space<vmem>>
        %dma_wait3A_264 = tpu.memref_squeeze %dma_wait3A_263 : memref<1x128xi32, #tpu.memory_space<vmem>> -> memref<128xi32, #tpu.memory_space<vmem>>
        %dma_wait3A_265 = arith.constant 0 : i32
        %dma_wait3A_266 = arith.constant 0 : i32
        %dma_wait3A_267 = tpu.memref_slice %arg2[%dma_wait3A_265, %dma_wait3A_266] : memref<40000x64xf32, #tpu.memory_space<hbm>> -> memref<40000x64xf32, #tpu.memory_space<hbm>>
        tpu.wait_indirect_dma semaphore(%arg27 : memref<!tpu.dma_semaphore, #tpu.memory_space<semaphore_mem>>) src(%dma_wait3A_267 : memref<40000x64xf32, #tpu.memory_space<hbm>>) dst(%arg16 : memref<128x64xf32, #tpu.memory_space<vmem>>)
        %scan3A_268 = arith.constant 0 : i32
        %scan3A_269 = arith.constant 0 : i32
        %scan3A_270 = arith.constant 32 : i32
        %scan3A_271 = arith.addi %scan3A_269, %scan3A_270 : i32
        %scan3A_272 = arith.constant 1 : i32
        %scan3A_273 = scf.for %scan3A_298 = %scan3A_269 to %scan3A_271 step %scan3A_272 iter_args(%scan3A_299 = %scan3A_268) -> (i32)  : i32 {
          %mul3A_300 = arith.constant 4 : i32
          %mul3A_301 = arith.muli %scan3A_298, %mul3A_300 : i32
          %add3A_302 = arith.constant 0 : i32
          %add3A_303 = arith.addi %mul3A_301, %add3A_302 : i32
          %get3A_304 = arith.index_cast %add3A_303 : i32 to index
          %get3A_305 = arith.constant 0 : index
          %get3A_306 = tpu.vector_load %arg16[%get3A_304, %get3A_305] {strides = array<i32>} : memref<128x64xf32, #tpu.memory_space<vmem>>, vector<1x16xf32>,
          %get3A_307 = vector.shape_cast %get3A_306 : vector<1x16xf32> to vector<16xf32>
          %get3A_308 = arith.index_cast %add3A_303 : i32 to index
          %get3A_309 = arith.constant 0 : index
          %get3A_310 = tpu.vector_load %arg13[%get3A_308, %get3A_309] {strides = array<i32>} : memref<128x64xf32, #tpu.memory_space<vmem>>, vector<1x16xf32>,
          %get3A_311 = vector.shape_cast %get3A_310 : vector<1x16xf32> to vector<16xf32>
          %add3A_312 = arith.addf %get3A_307, %get3A_311 : vector<16xf32>
          %max3A = arith.constant 0.000000e+00 : f32
          %max3A_313 = vector.broadcast %max3A : f32 to vector<16xf32>
          %max3A_314 = arith.maximumf %add3A_312, %max3A_313 : vector<16xf32>
          %swap3A = arith.index_cast %add3A_303 : i32 to index
          %swap3A_315 = arith.constant 0 : index
          %swap3A_316 = tpu.vector_load %arg16[%swap3A, %swap3A_315] {strides = array<i32>} : memref<128x64xf32, #tpu.memory_space<vmem>>, vector<1x16xf32>,
          %swap3A_317 = vector.shape_cast %swap3A_316 : vector<1x16xf32> to vector<16xf32>
          %swap3A_318 = vector.shape_cast %max3A_314 : vector<16xf32> to vector<1x16xf32>
          tpu.vector_store %arg16[%swap3A, %swap3A_315], %swap3A_318 {strides = array<i32>} : memref<128x64xf32, #tpu.memory_space<vmem>>, vector<1x16xf32>,
          %get3A_319 = arith.index_cast %add3A_303 : i32 to index
          %get3A_320 = arith.constant 16 : index
          %get3A_321 = tpu.vector_load %arg16[%get3A_319, %get3A_320] {strides = array<i32>} : memref<128x64xf32, #tpu.memory_space<vmem>>, vector<1x16xf32>,
          %get3A_322 = vector.shape_cast %get3A_321 : vector<1x16xf32> to vector<16xf32>
          %get3A_323 = arith.index_cast %add3A_303 : i32 to index
          %get3A_324 = arith.constant 16 : index
          %get3A_325 = tpu.vector_load %arg13[%get3A_323, %get3A_324] {strides = array<i32>} : memref<128x64xf32, #tpu.memory_space<vmem>>, vector<1x16xf32>,
          %get3A_326 = vector.shape_cast %get3A_325 : vector<1x16xf32> to vector<16xf32>
          %add3A_327 = arith.addf %get3A_322, %get3A_326 : vector<16xf32>
          %max3A_328 = arith.constant 0.000000e+00 : f32
          %max3A_329 = vector.broadcast %max3A_328 : f32 to vector<16xf32>
          %max3A_330 = arith.maximumf %add3A_327, %max3A_329 : vector<16xf32>
          %swap3A_331 = arith.index_cast %add3A_303 : i32 to index
          %swap3A_332 = arith.constant 16 : index
          %swap3A_333 = tpu.vector_load %arg16[%swap3A_331, %swap3A_332] {strides = array<i32>} : memref<128x64xf32, #tpu.memory_space<vmem>>, vector<1x16xf32>,
          %swap3A_334 = vector.shape_cast %swap3A_333 : vector<1x16xf32> to vector<16xf32>
          %swap3A_335 = vector.shape_cast %max3A_330 : vector<16xf32> to vector<1x16xf32>
          tpu.vector_store %arg16[%swap3A_331, %swap3A_332], %swap3A_335 {strides = array<i32>} : memref<128x64xf32, #tpu.memory_space<vmem>>, vector<1x16xf32>,
          %get3A_336 = arith.index_cast %add3A_303 : i32 to index
          %get3A_337 = arith.constant 32 : index
          %get3A_338 = tpu.vector_load %arg16[%get3A_336, %get3A_337] {strides = array<i32>} : memref<128x64xf32, #tpu.memory_space<vmem>>, vector<1x16xf32>,
          %get3A_339 = vector.shape_cast %get3A_338 : vector<1x16xf32> to vector<16xf32>
          %get3A_340 = arith.index_cast %add3A_303 : i32 to index
          %get3A_341 = arith.constant 32 : index
          %get3A_342 = tpu.vector_load %arg13[%get3A_340, %get3A_341] {strides = array<i32>} : memref<128x64xf32, #tpu.memory_space<vmem>>, vector<1x16xf32>,
          %get3A_343 = vector.shape_cast %get3A_342 : vector<1x16xf32> to vector<16xf32>
          %add3A_344 = arith.addf %get3A_339, %get3A_343 : vector<16xf32>
          %max3A_345 = arith.constant 0.000000e+00 : f32
          %max3A_346 = vector.broadcast %max3A_345 : f32 to vector<16xf32>
          %max3A_347 = arith.maximumf %add3A_344, %max3A_346 : vector<16xf32>
          %swap3A_348 = arith.index_cast %add3A_303 : i32 to index
          %swap3A_349 = arith.constant 32 : index
          %swap3A_350 = tpu.vector_load %arg16[%swap3A_348, %swap3A_349] {strides = array<i32>} : memref<128x64xf32, #tpu.memory_space<vmem>>, vector<1x16xf32>,
          %swap3A_351 = vector.shape_cast %swap3A_350 : vector<1x16xf32> to vector<16xf32>
          %swap3A_352 = vector.shape_cast %max3A_347 : vector<16xf32> to vector<1x16xf32>
          tpu.vector_store %arg16[%swap3A_348, %swap3A_349], %swap3A_352 {strides = array<i32>} : memref<128x64xf32, #tpu.memory_space<vmem>>, vector<1x16xf32>,
          %get3A_353 = arith.index_cast %add3A_303 : i32 to index
          %get3A_354 = arith.constant 48 : index
          %get3A_355 = tpu.vector_load %arg16[%get3A_353, %get3A_354] {strides = array<i32>} : memref<128x64xf32, #tpu.memory_space<vmem>>, vector<1x16xf32>,
          %get3A_356 = vector.shape_cast %get3A_355 : vector<1x16xf32> to vector<16xf32>
          %get3A_357 = arith.index_cast %add3A_303 : i32 to index
          %get3A_358 = arith.constant 48 : index
          %get3A_359 = tpu.vector_load %arg13[%get3A_357, %get3A_358] {strides = array<i32>} : memref<128x64xf32, #tpu.memory_space<vmem>>, vector<1x16xf32>,
          %get3A_360 = vector.shape_cast %get3A_359 : vector<1x16xf32> to vector<16xf32>
          %add3A_361 = arith.addf %get3A_356, %get3A_360 : vector<16xf32>
          %max3A_362 = arith.constant 0.000000e+00 : f32
          %max3A_363 = vector.broadcast %max3A_362 : f32 to vector<16xf32>
          %max3A_364 = arith.maximumf %add3A_361, %max3A_363 : vector<16xf32>
          %swap3A_365 = arith.index_cast %add3A_303 : i32 to index
          %swap3A_366 = arith.constant 48 : index
          %swap3A_367 = tpu.vector_load %arg16[%swap3A_365, %swap3A_366] {strides = array<i32>} : memref<128x64xf32, #tpu.memory_space<vmem>>, vector<1x16xf32>,
          %swap3A_368 = vector.shape_cast %swap3A_367 : vector<1x16xf32> to vector<16xf32>
          %swap3A_369 = vector.shape_cast %max3A_364 : vector<16xf32> to vector<1x16xf32>
          tpu.vector_store %arg16[%swap3A_365, %swap3A_366], %swap3A_369 {strides = array<i32>} : memref<128x64xf32, #tpu.memory_space<vmem>>, vector<1x16xf32>,
          %mul3A_370 = arith.constant 4 : i32
          %mul3A_371 = arith.muli %scan3A_298, %mul3A_370 : i32
          %add3A_372 = arith.constant 1 : i32
          %add3A_373 = arith.addi %mul3A_371, %add3A_372 : i32
          %get3A_374 = arith.index_cast %add3A_373 : i32 to index
          %get3A_375 = arith.constant 0 : index
          %get3A_376 = tpu.vector_load %arg16[%get3A_374, %get3A_375] {strides = array<i32>} : memref<128x64xf32, #tpu.memory_space<vmem>>, vector<1x16xf32>,
          %get3A_377 = vector.shape_cast %get3A_376 : vector<1x16xf32> to vector<16xf32>
          %get3A_378 = arith.index_cast %add3A_373 : i32 to index
          %get3A_379 = arith.constant 0 : index
          %get3A_380 = tpu.vector_load %arg13[%get3A_378, %get3A_379] {strides = array<i32>} : memref<128x64xf32, #tpu.memory_space<vmem>>, vector<1x16xf32>,
          %get3A_381 = vector.shape_cast %get3A_380 : vector<1x16xf32> to vector<16xf32>
          %add3A_382 = arith.addf %get3A_377, %get3A_381 : vector<16xf32>
          %max3A_383 = arith.constant 0.000000e+00 : f32
          %max3A_384 = vector.broadcast %max3A_383 : f32 to vector<16xf32>
          %max3A_385 = arith.maximumf %add3A_382, %max3A_384 : vector<16xf32>
          %swap3A_386 = arith.index_cast %add3A_373 : i32 to index
          %swap3A_387 = arith.constant 0 : index
          %swap3A_388 = tpu.vector_load %arg16[%swap3A_386, %swap3A_387] {strides = array<i32>} : memref<128x64xf32, #tpu.memory_space<vmem>>, vector<1x16xf32>,
          %swap3A_389 = vector.shape_cast %swap3A_388 : vector<1x16xf32> to vector<16xf32>
          %swap3A_390 = vector.shape_cast %max3A_385 : vector<16xf32> to vector<1x16xf32>
          tpu.vector_store %arg16[%swap3A_386, %swap3A_387], %swap3A_390 {strides = array<i32>} : memref<128x64xf32, #tpu.memory_space<vmem>>, vector<1x16xf32>,
          %get3A_391 = arith.index_cast %add3A_373 : i32 to index
          %get3A_392 = arith.constant 16 : index
          %get3A_393 = tpu.vector_load %arg16[%get3A_391, %get3A_392] {strides = array<i32>} : memref<128x64xf32, #tpu.memory_space<vmem>>, vector<1x16xf32>,
          %get3A_394 = vector.shape_cast %get3A_393 : vector<1x16xf32> to vector<16xf32>
          %get3A_395 = arith.index_cast %add3A_373 : i32 to index
          %get3A_396 = arith.constant 16 : index
          %get3A_397 = tpu.vector_load %arg13[%get3A_395, %get3A_396] {strides = array<i32>} : memref<128x64xf32, #tpu.memory_space<vmem>>, vector<1x16xf32>,
          %get3A_398 = vector.shape_cast %get3A_397 : vector<1x16xf32> to vector<16xf32>
          %add3A_399 = arith.addf %get3A_394, %get3A_398 : vector<16xf32>
          %max3A_400 = arith.constant 0.000000e+00 : f32
          %max3A_401 = vector.broadcast %max3A_400 : f32 to vector<16xf32>
          %max3A_402 = arith.maximumf %add3A_399, %max3A_401 : vector<16xf32>
          %swap3A_403 = arith.index_cast %add3A_373 : i32 to index
          %swap3A_404 = arith.constant 16 : index
          %swap3A_405 = tpu.vector_load %arg16[%swap3A_403, %swap3A_404] {strides = array<i32>} : memref<128x64xf32, #tpu.memory_space<vmem>>, vector<1x16xf32>,
          %swap3A_406 = vector.shape_cast %swap3A_405 : vector<1x16xf32> to vector<16xf32>
          %swap3A_407 = vector.shape_cast %max3A_402 : vector<16xf32> to vector<1x16xf32>
          tpu.vector_store %arg16[%swap3A_403, %swap3A_404], %swap3A_407 {strides = array<i32>} : memref<128x64xf32, #tpu.memory_space<vmem>>, vector<1x16xf32>,
          %get3A_408 = arith.index_cast %add3A_373 : i32 to index
          %get3A_409 = arith.constant 32 : index
          %get3A_410 = tpu.vector_load %arg16[%get3A_408, %get3A_409] {strides = array<i32>} : memref<128x64xf32, #tpu.memory_space<vmem>>, vector<1x16xf32>,
          %get3A_411 = vector.shape_cast %get3A_410 : vector<1x16xf32> to vector<16xf32>
          %get3A_412 = arith.index_cast %add3A_373 : i32 to index
          %get3A_413 = arith.constant 32 : index
          %get3A_414 = tpu.vector_load %arg13[%get3A_412, %get3A_413] {strides = array<i32>} : memref<128x64xf32, #tpu.memory_space<vmem>>, vector<1x16xf32>,
          %get3A_415 = vector.shape_cast %get3A_414 : vector<1x16xf32> to vector<16xf32>
          %add3A_416 = arith.addf %get3A_411, %get3A_415 : vector<16xf32>
          %max3A_417 = arith.constant 0.000000e+00 : f32
          %max3A_418 = vector.broadcast %max3A_417 : f32 to vector<16xf32>
          %max3A_419 = arith.maximumf %add3A_416, %max3A_418 : vector<16xf32>
          %swap3A_420 = arith.index_cast %add3A_373 : i32 to index
          %swap3A_421 = arith.constant 32 : index
          %swap3A_422 = tpu.vector_load %arg16[%swap3A_420, %swap3A_421] {strides = array<i32>} : memref<128x64xf32, #tpu.memory_space<vmem>>, vector<1x16xf32>,
          %swap3A_423 = vector.shape_cast %swap3A_422 : vector<1x16xf32> to vector<16xf32>
          %swap3A_424 = vector.shape_cast %max3A_419 : vector<16xf32> to vector<1x16xf32>
          tpu.vector_store %arg16[%swap3A_420, %swap3A_421], %swap3A_424 {strides = array<i32>} : memref<128x64xf32, #tpu.memory_space<vmem>>, vector<1x16xf32>,
          %get3A_425 = arith.index_cast %add3A_373 : i32 to index
          %get3A_426 = arith.constant 48 : index
          %get3A_427 = tpu.vector_load %arg16[%get3A_425, %get3A_426] {strides = array<i32>} : memref<128x64xf32, #tpu.memory_space<vmem>>, vector<1x16xf32>,
          %get3A_428 = vector.shape_cast %get3A_427 : vector<1x16xf32> to vector<16xf32>
          %get3A_429 = arith.index_cast %add3A_373 : i32 to index
          %get3A_430 = arith.constant 48 : index
          %get3A_431 = tpu.vector_load %arg13[%get3A_429, %get3A_430] {strides = array<i32>} : memref<128x64xf32, #tpu.memory_space<vmem>>, vector<1x16xf32>,
          %get3A_432 = vector.shape_cast %get3A_431 : vector<1x16xf32> to vector<16xf32>
          %add3A_433 = arith.addf %get3A_428, %get3A_432 : vector<16xf32>
          %max3A_434 = arith.constant 0.000000e+00 : f32
          %max3A_435 = vector.broadcast %max3A_434 : f32 to vector<16xf32>
          %max3A_436 = arith.maximumf %add3A_433, %max3A_435 : vector<16xf32>
          %swap3A_437 = arith.index_cast %add3A_373 : i32 to index
          %swap3A_438 = arith.constant 48 : index
          %swap3A_439 = tpu.vector_load %arg16[%swap3A_437, %swap3A_438] {strides = array<i32>} : memref<128x64xf32, #tpu.memory_space<vmem>>, vector<1x16xf32>,
          %swap3A_440 = vector.shape_cast %swap3A_439 : vector<1x16xf32> to vector<16xf32>
          %swap3A_441 = vector.shape_cast %max3A_436 : vector<16xf32> to vector<1x16xf32>
          tpu.vector_store %arg16[%swap3A_437, %swap3A_438], %swap3A_441 {strides = array<i32>} : memref<128x64xf32, #tpu.memory_space<vmem>>, vector<1x16xf32>,
          %mul3A_442 = arith.constant 4 : i32
          %mul3A_443 = arith.muli %scan3A_298, %mul3A_442 : i32
          %add3A_444 = arith.constant 2 : i32
          %add3A_445 = arith.addi %mul3A_443, %add3A_444 : i32
          %get3A_446 = arith.index_cast %add3A_445 : i32 to index
          %get3A_447 = arith.constant 0 : index
          %get3A_448 = tpu.vector_load %arg16[%get3A_446, %get3A_447] {strides = array<i32>} : memref<128x64xf32, #tpu.memory_space<vmem>>, vector<1x16xf32>,
          %get3A_449 = vector.shape_cast %get3A_448 : vector<1x16xf32> to vector<16xf32>
          %get3A_450 = arith.index_cast %add3A_445 : i32 to index
          %get3A_451 = arith.constant 0 : index
          %get3A_452 = tpu.vector_load %arg13[%get3A_450, %get3A_451] {strides = array<i32>} : memref<128x64xf32, #tpu.memory_space<vmem>>, vector<1x16xf32>,
          %get3A_453 = vector.shape_cast %get3A_452 : vector<1x16xf32> to vector<16xf32>
          %add3A_454 = arith.addf %get3A_449, %get3A_453 : vector<16xf32>
          %max3A_455 = arith.constant 0.000000e+00 : f32
          %max3A_456 = vector.broadcast %max3A_455 : f32 to vector<16xf32>
          %max3A_457 = arith.maximumf %add3A_454, %max3A_456 : vector<16xf32>
          %swap3A_458 = arith.index_cast %add3A_445 : i32 to index
          %swap3A_459 = arith.constant 0 : index
          %swap3A_460 = tpu.vector_load %arg16[%swap3A_458, %swap3A_459] {strides = array<i32>} : memref<128x64xf32, #tpu.memory_space<vmem>>, vector<1x16xf32>,
          %swap3A_461 = vector.shape_cast %swap3A_460 : vector<1x16xf32> to vector<16xf32>
          %swap3A_462 = vector.shape_cast %max3A_457 : vector<16xf32> to vector<1x16xf32>
          tpu.vector_store %arg16[%swap3A_458, %swap3A_459], %swap3A_462 {strides = array<i32>} : memref<128x64xf32, #tpu.memory_space<vmem>>, vector<1x16xf32>,
          %get3A_463 = arith.index_cast %add3A_445 : i32 to index
          %get3A_464 = arith.constant 16 : index
          %get3A_465 = tpu.vector_load %arg16[%get3A_463, %get3A_464] {strides = array<i32>} : memref<128x64xf32, #tpu.memory_space<vmem>>, vector<1x16xf32>,
          %get3A_466 = vector.shape_cast %get3A_465 : vector<1x16xf32> to vector<16xf32>
          %get3A_467 = arith.index_cast %add3A_445 : i32 to index
          %get3A_468 = arith.constant 16 : index
          %get3A_469 = tpu.vector_load %arg13[%get3A_467, %get3A_468] {strides = array<i32>} : memref<128x64xf32, #tpu.memory_space<vmem>>, vector<1x16xf32>,
          %get3A_470 = vector.shape_cast %get3A_469 : vector<1x16xf32> to vector<16xf32>
          %add3A_471 = arith.addf %get3A_466, %get3A_470 : vector<16xf32>
          %max3A_472 = arith.constant 0.000000e+00 : f32
          %max3A_473 = vector.broadcast %max3A_472 : f32 to vector<16xf32>
          %max3A_474 = arith.maximumf %add3A_471, %max3A_473 : vector<16xf32>
          %swap3A_475 = arith.index_cast %add3A_445 : i32 to index
          %swap3A_476 = arith.constant 16 : index
          %swap3A_477 = tpu.vector_load %arg16[%swap3A_475, %swap3A_476] {strides = array<i32>} : memref<128x64xf32, #tpu.memory_space<vmem>>, vector<1x16xf32>,
          %swap3A_478 = vector.shape_cast %swap3A_477 : vector<1x16xf32> to vector<16xf32>
          %swap3A_479 = vector.shape_cast %max3A_474 : vector<16xf32> to vector<1x16xf32>
          tpu.vector_store %arg16[%swap3A_475, %swap3A_476], %swap3A_479 {strides = array<i32>} : memref<128x64xf32, #tpu.memory_space<vmem>>, vector<1x16xf32>,
          %get3A_480 = arith.index_cast %add3A_445 : i32 to index
          %get3A_481 = arith.constant 32 : index
          %get3A_482 = tpu.vector_load %arg16[%get3A_480, %get3A_481] {strides = array<i32>} : memref<128x64xf32, #tpu.memory_space<vmem>>, vector<1x16xf32>,
          %get3A_483 = vector.shape_cast %get3A_482 : vector<1x16xf32> to vector<16xf32>
          %get3A_484 = arith.index_cast %add3A_445 : i32 to index
          %get3A_485 = arith.constant 32 : index
          %get3A_486 = tpu.vector_load %arg13[%get3A_484, %get3A_485] {strides = array<i32>} : memref<128x64xf32, #tpu.memory_space<vmem>>, vector<1x16xf32>,
          %get3A_487 = vector.shape_cast %get3A_486 : vector<1x16xf32> to vector<16xf32>
          %add3A_488 = arith.addf %get3A_483, %get3A_487 : vector<16xf32>
          %max3A_489 = arith.constant 0.000000e+00 : f32
          %max3A_490 = vector.broadcast %max3A_489 : f32 to vector<16xf32>
          %max3A_491 = arith.maximumf %add3A_488, %max3A_490 : vector<16xf32>
          %swap3A_492 = arith.index_cast %add3A_445 : i32 to index
          %swap3A_493 = arith.constant 32 : index
          %swap3A_494 = tpu.vector_load %arg16[%swap3A_492, %swap3A_493] {strides = array<i32>} : memref<128x64xf32, #tpu.memory_space<vmem>>, vector<1x16xf32>,
          %swap3A_495 = vector.shape_cast %swap3A_494 : vector<1x16xf32> to vector<16xf32>
          %swap3A_496 = vector.shape_cast %max3A_491 : vector<16xf32> to vector<1x16xf32>
          tpu.vector_store %arg16[%swap3A_492, %swap3A_493], %swap3A_496 {strides = array<i32>} : memref<128x64xf32, #tpu.memory_space<vmem>>, vector<1x16xf32>,
          %get3A_497 = arith.index_cast %add3A_445 : i32 to index
          %get3A_498 = arith.constant 48 : index
          %get3A_499 = tpu.vector_load %arg16[%get3A_497, %get3A_498] {strides = array<i32>} : memref<128x64xf32, #tpu.memory_space<vmem>>, vector<1x16xf32>,
          %get3A_500 = vector.shape_cast %get3A_499 : vector<1x16xf32> to vector<16xf32>
          %get3A_501 = arith.index_cast %add3A_445 : i32 to index
          %get3A_502 = arith.constant 48 : index
          %get3A_503 = tpu.vector_load %arg13[%get3A_501, %get3A_502] {strides = array<i32>} : memref<128x64xf32, #tpu.memory_space<vmem>>, vector<1x16xf32>,
          %get3A_504 = vector.shape_cast %get3A_503 : vector<1x16xf32> to vector<16xf32>
          %add3A_505 = arith.addf %get3A_500, %get3A_504 : vector<16xf32>
          %max3A_506 = arith.constant 0.000000e+00 : f32
          %max3A_507 = vector.broadcast %max3A_506 : f32 to vector<16xf32>
          %max3A_508 = arith.maximumf %add3A_505, %max3A_507 : vector<16xf32>
          %swap3A_509 = arith.index_cast %add3A_445 : i32 to index
          %swap3A_510 = arith.constant 48 : index
          %swap3A_511 = tpu.vector_load %arg16[%swap3A_509, %swap3A_510] {strides = array<i32>} : memref<128x64xf32, #tpu.memory_space<vmem>>, vector<1x16xf32>,
          %swap3A_512 = vector.shape_cast %swap3A_511 : vector<1x16xf32> to vector<16xf32>
          %swap3A_513 = vector.shape_cast %max3A_508 : vector<16xf32> to vector<1x16xf32>
          tpu.vector_store %arg16[%swap3A_509, %swap3A_510], %swap3A_513 {strides = array<i32>} : memref<128x64xf32, #tpu.memory_space<vmem>>, vector<1x16xf32>,
          %mul3A_514 = arith.constant 4 : i32
          %mul3A_515 = arith.muli %scan3A_298, %mul3A_514 : i32
          %add3A_516 = arith.constant 3 : i32
          %add3A_517 = arith.addi %mul3A_515, %add3A_516 : i32
          %get3A_518 = arith.index_cast %add3A_517 : i32 to index
          %get3A_519 = arith.constant 0 : index
          %get3A_520 = tpu.vector_load %arg16[%get3A_518, %get3A_519] {strides = array<i32>} : memref<128x64xf32, #tpu.memory_space<vmem>>, vector<1x16xf32>,
          %get3A_521 = vector.shape_cast %get3A_520 : vector<1x16xf32> to vector<16xf32>
          %get3A_522 = arith.index_cast %add3A_517 : i32 to index
          %get3A_523 = arith.constant 0 : index
          %get3A_524 = tpu.vector_load %arg13[%get3A_522, %get3A_523] {strides = array<i32>} : memref<128x64xf32, #tpu.memory_space<vmem>>, vector<1x16xf32>,
          %get3A_525 = vector.shape_cast %get3A_524 : vector<1x16xf32> to vector<16xf32>
          %add3A_526 = arith.addf %get3A_521, %get3A_525 : vector<16xf32>
          %max3A_527 = arith.constant 0.000000e+00 : f32
          %max3A_528 = vector.broadcast %max3A_527 : f32 to vector<16xf32>
          %max3A_529 = arith.maximumf %add3A_526, %max3A_528 : vector<16xf32>
          %swap3A_530 = arith.index_cast %add3A_517 : i32 to index
          %swap3A_531 = arith.constant 0 : index
          %swap3A_532 = tpu.vector_load %arg16[%swap3A_530, %swap3A_531] {strides = array<i32>} : memref<128x64xf32, #tpu.memory_space<vmem>>, vector<1x16xf32>,
          %swap3A_533 = vector.shape_cast %swap3A_532 : vector<1x16xf32> to vector<16xf32>
          %swap3A_534 = vector.shape_cast %max3A_529 : vector<16xf32> to vector<1x16xf32>
          tpu.vector_store %arg16[%swap3A_530, %swap3A_531], %swap3A_534 {strides = array<i32>} : memref<128x64xf32, #tpu.memory_space<vmem>>, vector<1x16xf32>,
          %get3A_535 = arith.index_cast %add3A_517 : i32 to index
          %get3A_536 = arith.constant 16 : index
          %get3A_537 = tpu.vector_load %arg16[%get3A_535, %get3A_536] {strides = array<i32>} : memref<128x64xf32, #tpu.memory_space<vmem>>, vector<1x16xf32>,
          %get3A_538 = vector.shape_cast %get3A_537 : vector<1x16xf32> to vector<16xf32>
          %get3A_539 = arith.index_cast %add3A_517 : i32 to index
          %get3A_540 = arith.constant 16 : index
          %get3A_541 = tpu.vector_load %arg13[%get3A_539, %get3A_540] {strides = array<i32>} : memref<128x64xf32, #tpu.memory_space<vmem>>, vector<1x16xf32>,
          %get3A_542 = vector.shape_cast %get3A_541 : vector<1x16xf32> to vector<16xf32>
          %add3A_543 = arith.addf %get3A_538, %get3A_542 : vector<16xf32>
          %max3A_544 = arith.constant 0.000000e+00 : f32
          %max3A_545 = vector.broadcast %max3A_544 : f32 to vector<16xf32>
          %max3A_546 = arith.maximumf %add3A_543, %max3A_545 : vector<16xf32>
          %swap3A_547 = arith.index_cast %add3A_517 : i32 to index
          %swap3A_548 = arith.constant 16 : index
          %swap3A_549 = tpu.vector_load %arg16[%swap3A_547, %swap3A_548] {strides = array<i32>} : memref<128x64xf32, #tpu.memory_space<vmem>>, vector<1x16xf32>,
          %swap3A_550 = vector.shape_cast %swap3A_549 : vector<1x16xf32> to vector<16xf32>
          %swap3A_551 = vector.shape_cast %max3A_546 : vector<16xf32> to vector<1x16xf32>
          tpu.vector_store %arg16[%swap3A_547, %swap3A_548], %swap3A_551 {strides = array<i32>} : memref<128x64xf32, #tpu.memory_space<vmem>>, vector<1x16xf32>,
          %get3A_552 = arith.index_cast %add3A_517 : i32 to index
          %get3A_553 = arith.constant 32 : index
          %get3A_554 = tpu.vector_load %arg16[%get3A_552, %get3A_553] {strides = array<i32>} : memref<128x64xf32, #tpu.memory_space<vmem>>, vector<1x16xf32>,
          %get3A_555 = vector.shape_cast %get3A_554 : vector<1x16xf32> to vector<16xf32>
          %get3A_556 = arith.index_cast %add3A_517 : i32 to index
          %get3A_557 = arith.constant 32 : index
          %get3A_558 = tpu.vector_load %arg13[%get3A_556, %get3A_557] {strides = array<i32>} : memref<128x64xf32, #tpu.memory_space<vmem>>, vector<1x16xf32>,
          %get3A_559 = vector.shape_cast %get3A_558 : vector<1x16xf32> to vector<16xf32>
          %add3A_560 = arith.addf %get3A_555, %get3A_559 : vector<16xf32>
          %max3A_561 = arith.constant 0.000000e+00 : f32
          %max3A_562 = vector.broadcast %max3A_561 : f32 to vector<16xf32>
          %max3A_563 = arith.maximumf %add3A_560, %max3A_562 : vector<16xf32>
          %swap3A_564 = arith.index_cast %add3A_517 : i32 to index
          %swap3A_565 = arith.constant 32 : index
          %swap3A_566 = tpu.vector_load %arg16[%swap3A_564, %swap3A_565] {strides = array<i32>} : memref<128x64xf32, #tpu.memory_space<vmem>>, vector<1x16xf32>,
          %swap3A_567 = vector.shape_cast %swap3A_566 : vector<1x16xf32> to vector<16xf32>
          %swap3A_568 = vector.shape_cast %max3A_563 : vector<16xf32> to vector<1x16xf32>
          tpu.vector_store %arg16[%swap3A_564, %swap3A_565], %swap3A_568 {strides = array<i32>} : memref<128x64xf32, #tpu.memory_space<vmem>>, vector<1x16xf32>,
          %get3A_569 = arith.index_cast %add3A_517 : i32 to index
          %get3A_570 = arith.constant 48 : index
          %get3A_571 = tpu.vector_load %arg16[%get3A_569, %get3A_570] {strides = array<i32>} : memref<128x64xf32, #tpu.memory_space<vmem>>, vector<1x16xf32>,
          %get3A_572 = vector.shape_cast %get3A_571 : vector<1x16xf32> to vector<16xf32>
          %get3A_573 = arith.index_cast %add3A_517 : i32 to index
          %get3A_574 = arith.constant 48 : index
          %get3A_575 = tpu.vector_load %arg13[%get3A_573, %get3A_574] {strides = array<i32>} : memref<128x64xf32, #tpu.memory_space<vmem>>, vector<1x16xf32>,
          %get3A_576 = vector.shape_cast %get3A_575 : vector<1x16xf32> to vector<16xf32>
          %add3A_577 = arith.addf %get3A_572, %get3A_576 : vector<16xf32>
          %max3A_578 = arith.constant 0.000000e+00 : f32
          %max3A_579 = vector.broadcast %max3A_578 : f32 to vector<16xf32>
          %max3A_580 = arith.maximumf %add3A_577, %max3A_579 : vector<16xf32>
          %swap3A_581 = arith.index_cast %add3A_517 : i32 to index
          %swap3A_582 = arith.constant 48 : index
          %swap3A_583 = tpu.vector_load %arg16[%swap3A_581, %swap3A_582] {strides = array<i32>} : memref<128x64xf32, #tpu.memory_space<vmem>>, vector<1x16xf32>,
          %swap3A_584 = vector.shape_cast %swap3A_583 : vector<1x16xf32> to vector<16xf32>
          %swap3A_585 = vector.shape_cast %max3A_580 : vector<16xf32> to vector<1x16xf32>
          tpu.vector_store %arg16[%swap3A_581, %swap3A_582], %swap3A_585 {strides = array<i32>} : memref<128x64xf32, #tpu.memory_space<vmem>>, vector<1x16xf32>,
          %scan3A_586 = arith.constant 0 : i32
          scf.yield %scan3A_586 : i32
        }
        %scan3A_274 = arith.constant 32 : i32
        "tpu.region"() ({
          %run_scoped3A = tpu.sem_alloc : memref<!tpu.dma_semaphore, #tpu.memory_space<semaphore_mem>>
          %dma_start3A_298 = arith.constant 0 : i32
          %dma_start3A_299 = tpu.memref_slice %arg10[%add3A_244, %dma_start3A_298] : memref<79x128xi32, #tpu.memory_space<vmem>> -> memref<1x128xi32, #tpu.memory_space<vmem>>
          %dma_start3A_300 = tpu.memref_squeeze %dma_start3A_299 : memref<1x128xi32, #tpu.memory_space<vmem>> -> memref<128xi32, #tpu.memory_space<vmem>>
          %dma_start3A_301 = arith.constant 0 : i32
          %dma_start3A_302 = arith.constant 0 : i32
          %dma_start3A_303 = tpu.memref_slice %arg20[%dma_start3A_301, %dma_start3A_302] : memref<10240x64xf32, #tpu.memory_space<vmem_shared>> -> memref<10240x64xf32, #tpu.memory_space<vmem_shared>>
          tpu.enqueue_indirect_dma source(%arg16 : memref<128x64xf32, #tpu.memory_space<vmem>>) target(%dma_start3A_303 : memref<10240x64xf32, #tpu.memory_space<vmem_shared>>) offsets(%dma_start3A_300 : memref<128xi32, #tpu.memory_space<vmem>>) semaphore(%run_scoped3A : memref<!tpu.dma_semaphore, #tpu.memory_space<semaphore_mem>>) {add = true}
          %dma_wait3A_304 = arith.constant 0 : i32
          %dma_wait3A_305 = tpu.memref_slice %arg10[%add3A_244, %dma_wait3A_304] : memref<79x128xi32, #tpu.memory_space<vmem>> -> memref<1x128xi32, #tpu.memory_space<vmem>>
          %dma_wait3A_306 = tpu.memref_squeeze %dma_wait3A_305 : memref<1x128xi32, #tpu.memory_space<vmem>> -> memref<128xi32, #tpu.memory_space<vmem>>
          %dma_wait3A_307 = arith.constant 0 : i32
          %dma_wait3A_308 = arith.constant 0 : i32
          %dma_wait3A_309 = tpu.memref_slice %arg20[%dma_wait3A_307, %dma_wait3A_308] : memref<10240x64xf32, #tpu.memory_space<vmem_shared>> -> memref<10240x64xf32, #tpu.memory_space<vmem_shared>>
          tpu.wait_indirect_dma semaphore(%run_scoped3A : memref<!tpu.dma_semaphore, #tpu.memory_space<semaphore_mem>>) src(%arg16 : memref<128x64xf32, #tpu.memory_space<vmem>>) dst(%dma_wait3A_309 : memref<10240x64xf32, #tpu.memory_space<vmem_shared>>)
          tpu.yield
        }) : () -> ()
        %jit3A = arith.constant 2 : i32
        %div3A = arith.divsi %add3A_6, %jit3A : i32
        %sign3A = arith.constant 0 : i32
        %sign3A_275 = arith.cmpi sgt, %add3A_6, %sign3A : i32
        %sign3A_276 = arith.extui %sign3A_275 : i1 to i32
        %sign3A_277 = arith.constant 0 : i32
        %sign3A_278 = arith.cmpi slt, %add3A_6, %sign3A_277 : i32
        %sign3A_279 = arith.extui %sign3A_278 : i1 to i32
        %sign3A_280 = arith.subi %sign3A_276, %sign3A_279 : i32
        %sign3A_281 = arith.constant 0 : i32
        %sign3A_282 = arith.cmpi sgt, %jit3A, %sign3A_281 : i32
        %sign3A_283 = arith.extui %sign3A_282 : i1 to i32
        %sign3A_284 = arith.constant 0 : i32
        %sign3A_285 = arith.cmpi slt, %jit3A, %sign3A_284 : i32
        %sign3A_286 = arith.extui %sign3A_285 : i1 to i32
        %sign3A_287 = arith.subi %sign3A_283, %sign3A_286 : i32
        %ne3A = arith.cmpi ne, %sign3A_280, %sign3A_287 : i32
        %rem3A = arith.remsi %add3A_6, %jit3A : i32
        %ne3A_288 = arith.constant 0 : i32
        %ne3A_289 = arith.cmpi ne, %rem3A, %ne3A_288 : i32
        %and3A = arith.andi %ne3A, %ne3A_289 : i1
        %sub3A = arith.constant 1 : i32
        %sub3A_290 = arith.subi %div3A, %sub3A : i32
        %select_n3A = arith.select %and3A, %sub3A_290, %div3A : i32
        %eq3A_291 = arith.constant 0 : i32
        %eq3A_292 = arith.cmpi eq, %arg0, %eq3A_291 : i32
        %lt3A_293 = arith.cmpi slt, %add3A_244, %select_n3A : i32
        %ge3A = arith.cmpi sge, %add3A_244, %select_n3A : i32
        %select_n3A_294 = arith.select %eq3A_292, %lt3A_293, %ge3A : i1
        %convert_element_type3A_295 = arith.extui %select_n3A_294 : i1 to i32
        %cond3A_296 = arith.constant 0 : i32
        %cond3A_297 = arith.cmpi ne, %convert_element_type3A_295, %cond3A_296 : i32
        scf.if %cond3A_297 {
          "tpu.region"() ({
            %run_scoped3A = tpu.sem_alloc : memref<!tpu.dma_semaphore, #tpu.memory_space<semaphore_mem>>
            %dma_start3A_298 = arith.constant 0 : i32
            %dma_start3A_299 = tpu.memref_slice %arg10[%add3A_244, %dma_start3A_298] : memref<79x128xi32, #tpu.memory_space<vmem>> -> memref<1x128xi32, #tpu.memory_space<vmem>>
            %dma_start3A_300 = tpu.memref_squeeze %dma_start3A_299 : memref<1x128xi32, #tpu.memory_space<vmem>> -> memref<128xi32, #tpu.memory_space<vmem>>
            %dma_start3A_301 = arith.constant 0 : i32
            %dma_start3A_302 = arith.constant 0 : i32
            %dma_start3A_303 = tpu.memref_slice %arg21[%dma_start3A_301, %dma_start3A_302] : memref<10240x16xf32, #tpu.memory_space<vmem_shared>> -> memref<10240x16xf32, #tpu.memory_space<vmem_shared>>
            tpu.enqueue_indirect_dma source(%arg17 : memref<128x16xf32, #tpu.memory_space<vmem>>) target(%dma_start3A_303 : memref<10240x16xf32, #tpu.memory_space<vmem_shared>>) offsets(%dma_start3A_300 : memref<128xi32, #tpu.memory_space<vmem>>) semaphore(%run_scoped3A : memref<!tpu.dma_semaphore, #tpu.memory_space<semaphore_mem>>) {add = true}
            %dma_wait3A_304 = arith.constant 0 : i32
            %dma_wait3A_305 = tpu.memref_slice %arg10[%add3A_244, %dma_wait3A_304] : memref<79x128xi32, #tpu.memory_space<vmem>> -> memref<1x128xi32, #tpu.memory_space<vmem>>
            %dma_wait3A_306 = tpu.memref_squeeze %dma_wait3A_305 : memref<1x128xi32, #tpu.memory_space<vmem>> -> memref<128xi32, #tpu.memory_space<vmem>>
            %dma_wait3A_307 = arith.constant 0 : i32
            %dma_wait3A_308 = arith.constant 0 : i32
            %dma_wait3A_309 = tpu.memref_slice %arg21[%dma_wait3A_307, %dma_wait3A_308] : memref<10240x16xf32, #tpu.memory_space<vmem_shared>> -> memref<10240x16xf32, #tpu.memory_space<vmem_shared>>
            tpu.wait_indirect_dma semaphore(%run_scoped3A : memref<!tpu.dma_semaphore, #tpu.memory_space<semaphore_mem>>) src(%arg17 : memref<128x16xf32, #tpu.memory_space<vmem>>) dst(%dma_wait3A_309 : memref<10240x16xf32, #tpu.memory_space<vmem_shared>>)
            tpu.yield
          }) : () -> ()
        } else {
        }
      } else {
      }
      %add3A_249 = arith.constant 5 : i32
      %add3A_250 = arith.addi %mul3A_208, %add3A_249 : i32
      %lt3A_251 = arith.cmpi slt, %add3A_250, %add3A_6 : i32
      %convert_element_type3A_252 = arith.extui %lt3A_251 : i1 to i32
      %cond3A_253 = arith.constant 0 : i32
      %cond3A_254 = arith.cmpi ne, %convert_element_type3A_252, %cond3A_253 : i32
      scf.if %cond3A_254 {
        %mul3A_262 = arith.constant 160000 : i32
        %mul3A_263 = arith.muli %add3A_69, %mul3A_262 : i32
        %add3A_264 = arith.addi %add3A, %add3A_250 : i32
        %mul3A_265 = arith.constant 128 : i32
        %mul3A_266 = arith.muli %add3A_264, %mul3A_265 : i32
        %add3A_267 = arith.addi %mul3A_263, %mul3A_266 : i32
        %dma_start3A_268 = arith.constant 0 : i32
        %dma_start3A_269 = tpu.memref_slice %arg3[%add3A_267, %dma_start3A_268] : memref<640000x64xf32, #tpu.memory_space<hbm>> -> memref<128x64xf32, #tpu.memory_space<hbm>>
        %dma_start3A_270 = arith.constant 0 : i32
        %dma_start3A_271 = tpu.memref_slice %arg3[%add3A_267, %dma_start3A_270] : memref<640000x64xf32, #tpu.memory_space<hbm>> -> memref<128x64xf32, #tpu.memory_space<hbm>>
        tpu.enqueue_dma source(%dma_start3A_271 : memref<128x64xf32, #tpu.memory_space<hbm>>) target(%arg13 : memref<128x64xf32, #tpu.memory_space<vmem>>) target_semaphore(%arg24 : memref<!tpu.dma_semaphore, #tpu.memory_space<semaphore_mem>>)
      } else {
      }
      %add3A_255 = arith.constant 4 : i32
      %add3A_256 = arith.addi %mul3A_208, %add3A_255 : i32
      %lt3A_257 = arith.cmpi slt, %add3A_256, %add3A_6 : i32
      %convert_element_type3A_258 = arith.extui %lt3A_257 : i1 to i32
      %cond3A_259 = arith.constant 0 : i32
      %cond3A_260 = arith.cmpi ne, %convert_element_type3A_258, %cond3A_259 : i32
      scf.if %cond3A_260 {
        %dma_wait3A_262 = arith.constant 0 : i32
        %dma_wait3A_263 = arith.constant 0 : i32
        %dma_wait3A_264 = tpu.memref_slice %arg3[%dma_wait3A_262, %dma_wait3A_263] : memref<640000x64xf32, #tpu.memory_space<hbm>> -> memref<128x64xf32, #tpu.memory_space<hbm>>
        %dma_wait3A_265 = arith.constant 0 : i32
        %dma_wait3A_266 = arith.constant 0 : i32
        %dma_wait3A_267 = tpu.memref_slice %arg3[%dma_wait3A_265, %dma_wait3A_266] : memref<640000x64xf32, #tpu.memory_space<hbm>> -> memref<128x64xf32, #tpu.memory_space<hbm>>
        tpu.wait_dma2 semaphore(%arg23 : memref<!tpu.dma_semaphore, #tpu.memory_space<semaphore_mem>>) src(%dma_wait3A_267 : memref<128x64xf32, #tpu.memory_space<hbm>>) dst(%arg12 : memref<128x64xf32, #tpu.memory_space<vmem>>)
        %scan3A_268 = arith.constant 0 : i32
        %scan3A_269 = arith.constant 0 : i32
        %scan3A_270 = arith.constant 8 : i32
        %scan3A_271 = arith.addi %scan3A_269, %scan3A_270 : i32
        %scan3A_272 = arith.constant 1 : i32
        %scan3A_273 = scf.for %scan3A_281 = %scan3A_269 to %scan3A_271 step %scan3A_272 iter_args(%scan3A_282 = %scan3A_268) -> (i32)  : i32 {
          %mul3A_283 = arith.constant 16 : i32
          %mul3A_284 = arith.muli %scan3A_281, %mul3A_283 : i32
          %get3A_285 = arith.index_cast %add3A_256 : i32 to index
          %get3A_286 = arith.index_cast %mul3A_284 : i32 to index
          %get3A_287 = tpu.vector_load %arg9[%get3A_285, %get3A_286] {strides = array<i32>} : memref<79x128xi32, #tpu.memory_space<vmem>>, vector<1x16xi32>,
          %get3A_288 = vector.shape_cast %get3A_287 : vector<1x16xi32> to vector<16xi32>
          %get3A_289 = arith.index_cast %add3A_256 : i32 to index
          %get3A_290 = arith.index_cast %mul3A_284 : i32 to index
          %get3A_291 = tpu.vector_load %arg10[%get3A_289, %get3A_290] {strides = array<i32>} : memref<79x128xi32, #tpu.memory_space<vmem>>, vector<1x16xi32>,
          %get3A_292 = vector.shape_cast %get3A_291 : vector<1x16xi32> to vector<16xi32>
          %add3A_293 = arith.addi %add3A, %add3A_256 : i32
          %mul3A_294 = arith.constant 128 : i32
          %mul3A_295 = arith.muli %add3A_293, %mul3A_294 : i32
          %mul3A_296 = arith.constant 16 : i32
          %mul3A_297 = arith.muli %scan3A_281, %mul3A_296 : i32
          %add3A_298 = arith.addi %mul3A_295, %mul3A_297 : i32
          %iota3A = tpu.iota {dimensions = array<i32: 0>} : vector<16xi32>
          %add3A_299 = vector.broadcast %add3A_298 : i32 to vector<16xi32>
          %add3A_300 = arith.addi %add3A_299, %iota3A : vector<16xi32>
          %mul3A_301 = arith.constant 10000 : i32
          %mul3A_302 = arith.muli %add3A_69, %mul3A_301 : i32
          %add3A_303 = vector.broadcast %mul3A_302 : i32 to vector<16xi32>
          %add3A_304 = arith.addi %get3A_288, %add3A_303 : vector<16xi32>
          %swap3A = arith.index_cast %add3A_256 : i32 to index
          %swap3A_305 = arith.index_cast %mul3A_284 : i32 to index
          %swap3A_306 = tpu.vector_load %arg9[%swap3A, %swap3A_305] {strides = array<i32>} : memref<79x128xi32, #tpu.memory_space<vmem>>, vector<1x16xi32>,
          %swap3A_307 = vector.shape_cast %swap3A_306 : vector<1x16xi32> to vector<16xi32>
          %swap3A_308 = vector.shape_cast %add3A_304 : vector<16xi32> to vector<1x16xi32>
          tpu.vector_store %arg9[%swap3A, %swap3A_305], %swap3A_308 {strides = array<i32>} : memref<79x128xi32, #tpu.memory_space<vmem>>, vector<1x16xi32>,
          %lt3A_309 = arith.cmpi slt, %add3A_300, %get3A_37 : vector<16xi32>
          %jit3A = arith.constant 10008 : i32
          %broadcast_in_dim3A = vector.broadcast %jit3A : i32 to vector<16xi32>
          %select_n3A = arith.select %lt3A_309, %get3A_292, %broadcast_in_dim3A : vector<16xi1>, vector<16xi32>
          %swap3A_310 = arith.index_cast %add3A_256 : i32 to index
          %swap3A_311 = arith.index_cast %mul3A_284 : i32 to index
          %swap3A_312 = tpu.vector_load %arg10[%swap3A_310, %swap3A_311] {strides = array<i32>} : memref<79x128xi32, #tpu.memory_space<vmem>>, vector<1x16xi32>,
          %swap3A_313 = vector.shape_cast %swap3A_312 : vector<1x16xi32> to vector<16xi32>
          %swap3A_314 = vector.shape_cast %select_n3A : vector<16xi32> to vector<1x16xi32>
          tpu.vector_store %arg10[%swap3A_310, %swap3A_311], %swap3A_314 {strides = array<i32>} : memref<79x128xi32, #tpu.memory_space<vmem>>, vector<1x16xi32>,
          %scan3A_315 = arith.constant 0 : i32
          scf.yield %scan3A_315 : i32
        }
        %scan3A_274 = arith.constant 8 : i32
        %dma_start3A_275 = arith.constant 0 : i32
        %dma_start3A_276 = tpu.memref_slice %arg9[%add3A_256, %dma_start3A_275] : memref<79x128xi32, #tpu.memory_space<vmem>> -> memref<1x128xi32, #tpu.memory_space<vmem>>
        %dma_start3A_277 = tpu.memref_squeeze %dma_start3A_276 : memref<1x128xi32, #tpu.memory_space<vmem>> -> memref<128xi32, #tpu.memory_space<vmem>>
        %dma_start3A_278 = arith.constant 0 : i32
        %dma_start3A_279 = arith.constant 0 : i32
        %dma_start3A_280 = tpu.memref_slice %arg2[%dma_start3A_278, %dma_start3A_279] : memref<40000x64xf32, #tpu.memory_space<hbm>> -> memref<40000x64xf32, #tpu.memory_space<hbm>>
        tpu.enqueue_indirect_dma source(%dma_start3A_280 : memref<40000x64xf32, #tpu.memory_space<hbm>>) target(%arg15 : memref<128x64xf32, #tpu.memory_space<vmem>>) offsets(%dma_start3A_277 : memref<128xi32, #tpu.memory_space<vmem>>) semaphore(%arg26 : memref<!tpu.dma_semaphore, #tpu.memory_space<semaphore_mem>>)
      } else {
      }
      %scan3A_261 = arith.constant 0 : i32
      scf.yield %scan3A_261 : i32
    }
    %scan3A_127 = arith.constant 27 : i32
    %barrier3A_128 = arith.constant 0 : index
    tpu.barrier barrier_id(%barrier3A_128)
    %lt3A_129 = arith.constant 15 : i32
    %lt3A_130 = arith.cmpi slt, %arg1, %lt3A_129 : i32
    %convert_element_type3A_131 = arith.extui %lt3A_130 : i1 to i32
    %cond3A_132 = arith.constant 0 : i32
    %cond3A_133 = arith.cmpi ne, %convert_element_type3A_131, %cond3A_132 : i32
    scf.if %cond3A_133 {
      "tpu.region"() ({
        %run_scoped3A = tpu.sem_alloc : memref<!tpu.dma_semaphore, #tpu.memory_space<semaphore_mem>>
        %dma_start3A_205 = arith.constant 0 : i32
        %dma_start3A_206 = tpu.memref_slice %arg7[%add3A_69, %mul3A_0, %dma_start3A_205] : memref<4x10000x64xf32, #tpu.memory_space<hbm>> -> memref<1x640x64xf32, #tpu.memory_space<hbm>>
        %dma_start3A_207 = tpu.memref_squeeze %dma_start3A_206 : memref<1x640x64xf32, #tpu.memory_space<hbm>> -> memref<640x64xf32, #tpu.memory_space<hbm>>
        %dma_start3A_208 = arith.constant 0 : i32
        %dma_start3A_209 = tpu.memref_slice %arg20[%mul3A_0, %dma_start3A_208] : memref<10240x64xf32, #tpu.memory_space<vmem_shared>> -> memref<640x64xf32, #tpu.memory_space<vmem_shared>>
        tpu.enqueue_dma source(%dma_start3A_209 : memref<640x64xf32, #tpu.memory_space<vmem_shared>>) target(%dma_start3A_207 : memref<640x64xf32, #tpu.memory_space<hbm>>) target_semaphore(%run_scoped3A : memref<!tpu.dma_semaphore, #tpu.memory_space<semaphore_mem>>)
        %dma_wait3A_210 = arith.constant 0 : i32
        %dma_wait3A_211 = tpu.memref_slice %arg7[%add3A_69, %mul3A_0, %dma_wait3A_210] : memref<4x10000x64xf32, #tpu.memory_space<hbm>> -> memref<1x640x64xf32, #tpu.memory_space<hbm>>
        %dma_wait3A_212 = tpu.memref_squeeze %dma_wait3A_211 : memref<1x640x64xf32, #tpu.memory_space<hbm>> -> memref<640x64xf32, #tpu.memory_space<hbm>>
        %dma_wait3A_213 = arith.constant 0 : i32
        %dma_wait3A_214 = tpu.memref_slice %arg20[%mul3A_0, %dma_wait3A_213] : memref<10240x64xf32, #tpu.memory_space<vmem_shared>> -> memref<640x64xf32, #tpu.memory_space<vmem_shared>>
        tpu.wait_dma2 semaphore(%run_scoped3A : memref<!tpu.dma_semaphore, #tpu.memory_space<semaphore_mem>>) src(%dma_wait3A_214 : memref<640x64xf32, #tpu.memory_space<vmem_shared>>) dst(%dma_wait3A_212 : memref<640x64xf32, #tpu.memory_space<hbm>>)
        tpu.yield
      }) : () -> ()
      "tpu.region"() ({
        %run_scoped3A = tpu.sem_alloc : memref<!tpu.dma_semaphore, #tpu.memory_space<semaphore_mem>>
        %dma_start3A_205 = arith.constant 0 : i32
        %dma_start3A_206 = tpu.memref_slice %arg8[%arg0, %mul3A_0, %dma_start3A_205] : memref<2x10000x16xf32, #tpu.memory_space<hbm>> -> memref<1x640x16xf32, #tpu.memory_space<hbm>>
        %dma_start3A_207 = tpu.memref_squeeze %dma_start3A_206 : memref<1x640x16xf32, #tpu.memory_space<hbm>> -> memref<640x16xf32, #tpu.memory_space<hbm>>
        %dma_start3A_208 = arith.constant 0 : i32
        %dma_start3A_209 = tpu.memref_slice %arg21[%mul3A_0, %dma_start3A_208] : memref<10240x16xf32, #tpu.memory_space<vmem_shared>> -> memref<640x16xf32, #tpu.memory_space<vmem_shared>>
        tpu.enqueue_dma source(%dma_start3A_209 : memref<640x16xf32, #tpu.memory_space<vmem_shared>>) target(%dma_start3A_207 : memref<640x16xf32, #tpu.memory_space<hbm>>) target_semaphore(%run_scoped3A : memref<!tpu.dma_semaphore, #tpu.memory_space<semaphore_mem>>)
        %dma_wait3A_210 = arith.constant 0 : i32
        %dma_wait3A_211 = tpu.memref_slice %arg8[%arg0, %mul3A_0, %dma_wait3A_210] : memref<2x10000x16xf32, #tpu.memory_space<hbm>> -> memref<1x640x16xf32, #tpu.memory_space<hbm>>
        %dma_wait3A_212 = tpu.memref_squeeze %dma_wait3A_211 : memref<1x640x16xf32, #tpu.memory_space<hbm>> -> memref<640x16xf32, #tpu.memory_space<hbm>>
        %dma_wait3A_213 = arith.constant 0 : i32
        %dma_wait3A_214 = tpu.memref_slice %arg21[%mul3A_0, %dma_wait3A_213] : memref<10240x16xf32, #tpu.memory_space<vmem_shared>> -> memref<640x16xf32, #tpu.memory_space<vmem_shared>>
        tpu.wait_dma2 semaphore(%run_scoped3A : memref<!tpu.dma_semaphore, #tpu.memory_space<semaphore_mem>>) src(%dma_wait3A_214 : memref<640x16xf32, #tpu.memory_space<vmem_shared>>) dst(%dma_wait3A_212 : memref<640x16xf32, #tpu.memory_space<hbm>>)
        tpu.yield
      }) : () -> ()
    } else {
    }
    %eq3A = arith.constant 15 : i32
    %eq3A_134 = arith.cmpi eq, %arg1, %eq3A : i32
    %convert_element_type3A_135 = arith.extui %eq3A_134 : i1 to i32
    %cond3A_136 = arith.constant 0 : i32
    %cond3A_137 = arith.cmpi ne, %convert_element_type3A_135, %cond3A_136 : i32
    scf.if %cond3A_137 {
      "tpu.region"() ({
        %run_scoped3A = tpu.sem_alloc : memref<!tpu.dma_semaphore, #tpu.memory_space<semaphore_mem>>
        %dma_start3A_205 = arith.constant 0 : i32
        %dma_start3A_206 = tpu.memref_slice %arg7[%add3A_69, %mul3A_0, %dma_start3A_205] : memref<4x10000x64xf32, #tpu.memory_space<hbm>> -> memref<1x400x64xf32, #tpu.memory_space<hbm>>
        %dma_start3A_207 = tpu.memref_squeeze %dma_start3A_206 : memref<1x400x64xf32, #tpu.memory_space<hbm>> -> memref<400x64xf32, #tpu.memory_space<hbm>>
        %dma_start3A_208 = arith.constant 0 : i32
        %dma_start3A_209 = tpu.memref_slice %arg20[%mul3A_0, %dma_start3A_208] : memref<10240x64xf32, #tpu.memory_space<vmem_shared>> -> memref<400x64xf32, #tpu.memory_space<vmem_shared>>
        tpu.enqueue_dma source(%dma_start3A_209 : memref<400x64xf32, #tpu.memory_space<vmem_shared>>) target(%dma_start3A_207 : memref<400x64xf32, #tpu.memory_space<hbm>>) target_semaphore(%run_scoped3A : memref<!tpu.dma_semaphore, #tpu.memory_space<semaphore_mem>>)
        %dma_wait3A_210 = arith.constant 0 : i32
        %dma_wait3A_211 = tpu.memref_slice %arg7[%add3A_69, %mul3A_0, %dma_wait3A_210] : memref<4x10000x64xf32, #tpu.memory_space<hbm>> -> memref<1x400x64xf32, #tpu.memory_space<hbm>>
        %dma_wait3A_212 = tpu.memref_squeeze %dma_wait3A_211 : memref<1x400x64xf32, #tpu.memory_space<hbm>> -> memref<400x64xf32, #tpu.memory_space<hbm>>
        %dma_wait3A_213 = arith.constant 0 : i32
        %dma_wait3A_214 = tpu.memref_slice %arg20[%mul3A_0, %dma_wait3A_213] : memref<10240x64xf32, #tpu.memory_space<vmem_shared>> -> memref<400x64xf32, #tpu.memory_space<vmem_shared>>
        tpu.wait_dma2 semaphore(%run_scoped3A : memref<!tpu.dma_semaphore, #tpu.memory_space<semaphore_mem>>) src(%dma_wait3A_214 : memref<400x64xf32, #tpu.memory_space<vmem_shared>>) dst(%dma_wait3A_212 : memref<400x64xf32, #tpu.memory_space<hbm>>)
        tpu.yield
      }) : () -> ()
      "tpu.region"() ({
        %run_scoped3A = tpu.sem_alloc : memref<!tpu.dma_semaphore, #tpu.memory_space<semaphore_mem>>
        %dma_start3A_205 = arith.constant 0 : i32
        %dma_start3A_206 = tpu.memref_slice %arg8[%arg0, %mul3A_0, %dma_start3A_205] : memref<2x10000x16xf32, #tpu.memory_space<hbm>> -> memref<1x400x16xf32, #tpu.memory_space<hbm>>
        %dma_start3A_207 = tpu.memref_squeeze %dma_start3A_206 : memref<1x400x16xf32, #tpu.memory_space<hbm>> -> memref<400x16xf32, #tpu.memory_space<hbm>>
        %dma_start3A_208 = arith.constant 0 : i32
        %dma_start3A_209 = tpu.memref_slice %arg21[%mul3A_0, %dma_start3A_208] : memref<10240x16xf32, #tpu.memory_space<vmem_shared>> -> memref<400x16xf32, #tpu.memory_space<vmem_shared>>
        tpu.enqueue_dma source(%dma_start3A_209 : memref<400x16xf32, #tpu.memory_space<vmem_shared>>) target(%dma_start3A_207 : memref<400x16xf32, #tpu.memory_space<hbm>>) target_semaphore(%run_scoped3A : memref<!tpu.dma_semaphore, #tpu.memory_space<semaphore_mem>>)
        %dma_wait3A_210 = arith.constant 0 : i32
        %dma_wait3A_211 = tpu.memref_slice %arg8[%arg0, %mul3A_0, %dma_wait3A_210] : memref<2x10000x16xf32, #tpu.memory_space<hbm>> -> memref<1x400x16xf32, #tpu.memory_space<hbm>>
        %dma_wait3A_212 = tpu.memref_squeeze %dma_wait3A_211 : memref<1x400x16xf32, #tpu.memory_space<hbm>> -> memref<400x16xf32, #tpu.memory_space<hbm>>
        %dma_wait3A_213 = arith.constant 0 : i32
        %dma_wait3A_214 = tpu.memref_slice %arg21[%mul3A_0, %dma_wait3A_213] : memref<10240x16xf32, #tpu.memory_space<vmem_shared>> -> memref<400x16xf32, #tpu.memory_space<vmem_shared>>
        tpu.wait_dma2 semaphore(%run_scoped3A : memref<!tpu.dma_semaphore, #tpu.memory_space<semaphore_mem>>) src(%dma_wait3A_214 : memref<400x16xf32, #tpu.memory_space<vmem_shared>>) dst(%dma_wait3A_212 : memref<400x16xf32, #tpu.memory_space<hbm>>)
        tpu.yield
      }) : () -> ()
    } else {
    }
    %barrier3A_138 = arith.constant 0 : index
    tpu.barrier barrier_id(%barrier3A_138)
    %mul3A_139 = arith.constant 2 : i32
    %mul3A_140 = arith.muli %arg0, %mul3A_139 : i32
    %add3A_141 = arith.constant 1 : i32
    %add3A_142 = arith.addi %mul3A_140, %add3A_141 : i32
    %scan3A_143 = arith.constant 0 : i32
    %scan3A_144 = arith.constant 0 : i32
    %scan3A_145 = arith.constant 128 : i32
    %scan3A_146 = arith.addi %scan3A_144, %scan3A_145 : i32
    %scan3A_147 = arith.constant 1 : i32
    %scan3A_148 = scf.for %scan3A_205 = %scan3A_144 to %scan3A_146 step %scan3A_147 iter_args(%scan3A_206 = %scan3A_143) -> (i32)  : i32 {
      %broadcast_in_dim3A = arith.constant 0.000000e+00 : f32
      %broadcast_in_dim3A_207 = vector.broadcast %broadcast_in_dim3A : f32 to vector<16xf32>
      %swap3A = arith.index_cast %scan3A_205 : i32 to index
      %swap3A_208 = arith.constant 0 : index
      %swap3A_209 = tpu.vector_load %arg14[%swap3A, %swap3A_208] {strides = array<i32>} : memref<128x64xf32, #tpu.memory_space<vmem>>, vector<1x16xf32>,
      %swap3A_210 = vector.shape_cast %swap3A_209 : vector<1x16xf32> to vector<16xf32>
      %swap3A_211 = vector.shape_cast %broadcast_in_dim3A_207 : vector<16xf32> to vector<1x16xf32>
      tpu.vector_store %arg14[%swap3A, %swap3A_208], %swap3A_211 {strides = array<i32>} : memref<128x64xf32, #tpu.memory_space<vmem>>, vector<1x16xf32>,
      %broadcast_in_dim3A_212 = arith.constant 0.000000e+00 : f32
      %broadcast_in_dim3A_213 = vector.broadcast %broadcast_in_dim3A_212 : f32 to vector<16xf32>
      %swap3A_214 = arith.index_cast %scan3A_205 : i32 to index
      %swap3A_215 = arith.constant 16 : index
      %swap3A_216 = tpu.vector_load %arg14[%swap3A_214, %swap3A_215] {strides = array<i32>} : memref<128x64xf32, #tpu.memory_space<vmem>>, vector<1x16xf32>,
      %swap3A_217 = vector.shape_cast %swap3A_216 : vector<1x16xf32> to vector<16xf32>
      %swap3A_218 = vector.shape_cast %broadcast_in_dim3A_213 : vector<16xf32> to vector<1x16xf32>
      tpu.vector_store %arg14[%swap3A_214, %swap3A_215], %swap3A_218 {strides = array<i32>} : memref<128x64xf32, #tpu.memory_space<vmem>>, vector<1x16xf32>,
      %broadcast_in_dim3A_219 = arith.constant 0.000000e+00 : f32
      %broadcast_in_dim3A_220 = vector.broadcast %broadcast_in_dim3A_219 : f32 to vector<16xf32>
      %swap3A_221 = arith.index_cast %scan3A_205 : i32 to index
      %swap3A_222 = arith.constant 32 : index
      %swap3A_223 = tpu.vector_load %arg14[%swap3A_221, %swap3A_222] {strides = array<i32>} : memref<128x64xf32, #tpu.memory_space<vmem>>, vector<1x16xf32>,
      %swap3A_224 = vector.shape_cast %swap3A_223 : vector<1x16xf32> to vector<16xf32>
      %swap3A_225 = vector.shape_cast %broadcast_in_dim3A_220 : vector<16xf32> to vector<1x16xf32>
      tpu.vector_store %arg14[%swap3A_221, %swap3A_222], %swap3A_225 {strides = array<i32>} : memref<128x64xf32, #tpu.memory_space<vmem>>, vector<1x16xf32>,
      %broadcast_in_dim3A_226 = arith.constant 0.000000e+00 : f32
      %broadcast_in_dim3A_227 = vector.broadcast %broadcast_in_dim3A_226 : f32 to vector<16xf32>
      %swap3A_228 = arith.index_cast %scan3A_205 : i32 to index
      %swap3A_229 = arith.constant 48 : index
      %swap3A_230 = tpu.vector_load %arg14[%swap3A_228, %swap3A_229] {strides = array<i32>} : memref<128x64xf32, #tpu.memory_space<vmem>>, vector<1x16xf32>,
      %swap3A_231 = vector.shape_cast %swap3A_230 : vector<1x16xf32> to vector<16xf32>
      %swap3A_232 = vector.shape_cast %broadcast_in_dim3A_227 : vector<16xf32> to vector<1x16xf32>
      tpu.vector_store %arg14[%swap3A_228, %swap3A_229], %swap3A_232 {strides = array<i32>} : memref<128x64xf32, #tpu.memory_space<vmem>>, vector<1x16xf32>,
      %scan3A_233 = arith.constant 0 : i32
      scf.yield %scan3A_233 : i32
    }
    %scan3A_149 = arith.constant 128 : i32
    %add3A_150 = arith.constant 0 : i32
    %add3A_151 = arith.addi %mul3A_0, %add3A_150 : i32
    "tpu.region"() ({
      %run_scoped3A = tpu.sem_alloc : memref<!tpu.dma_semaphore, #tpu.memory_space<semaphore_mem>>
      %dma_start3A_205 = arith.constant 0 : i32
      %dma_start3A_206 = tpu.memref_slice %arg20[%add3A_151, %dma_start3A_205] : memref<10240x64xf32, #tpu.memory_space<vmem_shared>> -> memref<128x64xf32, #tpu.memory_space<vmem_shared>>
      %dma_start3A_207 = arith.constant 0 : i32
      %dma_start3A_208 = tpu.memref_slice %arg20[%add3A_151, %dma_start3A_207] : memref<10240x64xf32, #tpu.memory_space<vmem_shared>> -> memref<128x64xf32, #tpu.memory_space<vmem_shared>>
      tpu.enqueue_dma source(%arg14 : memref<128x64xf32, #tpu.memory_space<vmem>>) target(%dma_start3A_208 : memref<128x64xf32, #tpu.memory_space<vmem_shared>>) target_semaphore(%run_scoped3A : memref<!tpu.dma_semaphore, #tpu.memory_space<semaphore_mem>>)
      %dma_wait3A_209 = arith.constant 0 : i32
      %dma_wait3A_210 = tpu.memref_slice %arg20[%add3A_151, %dma_wait3A_209] : memref<10240x64xf32, #tpu.memory_space<vmem_shared>> -> memref<128x64xf32, #tpu.memory_space<vmem_shared>>
      %dma_wait3A_211 = arith.constant 0 : i32
      %dma_wait3A_212 = tpu.memref_slice %arg20[%add3A_151, %dma_wait3A_211] : memref<10240x64xf32, #tpu.memory_space<vmem_shared>> -> memref<128x64xf32, #tpu.memory_space<vmem_shared>>
      tpu.wait_dma2 semaphore(%run_scoped3A : memref<!tpu.dma_semaphore, #tpu.memory_space<semaphore_mem>>) src(%arg14 : memref<128x64xf32, #tpu.memory_space<vmem>>) dst(%dma_wait3A_212 : memref<128x64xf32, #tpu.memory_space<vmem_shared>>)
      tpu.yield
    }) : () -> ()
    %add3A_152 = arith.constant 128 : i32
    %add3A_153 = arith.addi %mul3A_0, %add3A_152 : i32
    "tpu.region"() ({
      %run_scoped3A = tpu.sem_alloc : memref<!tpu.dma_semaphore, #tpu.memory_space<semaphore_mem>>
      %dma_start3A_205 = arith.constant 0 : i32
      %dma_start3A_206 = tpu.memref_slice %arg20[%add3A_153, %dma_start3A_205] : memref<10240x64xf32, #tpu.memory_space<vmem_shared>> -> memref<128x64xf32, #tpu.memory_space<vmem_shared>>
      %dma_start3A_207 = arith.constant 0 : i32
      %dma_start3A_208 = tpu.memref_slice %arg20[%add3A_153, %dma_start3A_207] : memref<10240x64xf32, #tpu.memory_space<vmem_shared>> -> memref<128x64xf32, #tpu.memory_space<vmem_shared>>
      tpu.enqueue_dma source(%arg14 : memref<128x64xf32, #tpu.memory_space<vmem>>) target(%dma_start3A_208 : memref<128x64xf32, #tpu.memory_space<vmem_shared>>) target_semaphore(%run_scoped3A : memref<!tpu.dma_semaphore, #tpu.memory_space<semaphore_mem>>)
      %dma_wait3A_209 = arith.constant 0 : i32
      %dma_wait3A_210 = tpu.memref_slice %arg20[%add3A_153, %dma_wait3A_209] : memref<10240x64xf32, #tpu.memory_space<vmem_shared>> -> memref<128x64xf32, #tpu.memory_space<vmem_shared>>
      %dma_wait3A_211 = arith.constant 0 : i32
      %dma_wait3A_212 = tpu.memref_slice %arg20[%add3A_153, %dma_wait3A_211] : memref<10240x64xf32, #tpu.memory_space<vmem_shared>> -> memref<128x64xf32, #tpu.memory_space<vmem_shared>>
      tpu.wait_dma2 semaphore(%run_scoped3A : memref<!tpu.dma_semaphore, #tpu.memory_space<semaphore_mem>>) src(%arg14 : memref<128x64xf32, #tpu.memory_space<vmem>>) dst(%dma_wait3A_212 : memref<128x64xf32, #tpu.memory_space<vmem_shared>>)
      tpu.yield
    }) : () -> ()
    %add3A_154 = arith.constant 256 : i32
    %add3A_155 = arith.addi %mul3A_0, %add3A_154 : i32
    "tpu.region"() ({
      %run_scoped3A = tpu.sem_alloc : memref<!tpu.dma_semaphore, #tpu.memory_space<semaphore_mem>>
      %dma_start3A_205 = arith.constant 0 : i32
      %dma_start3A_206 = tpu.memref_slice %arg20[%add3A_155, %dma_start3A_205] : memref<10240x64xf32, #tpu.memory_space<vmem_shared>> -> memref<128x64xf32, #tpu.memory_space<vmem_shared>>
      %dma_start3A_207 = arith.constant 0 : i32
      %dma_start3A_208 = tpu.memref_slice %arg20[%add3A_155, %dma_start3A_207] : memref<10240x64xf32, #tpu.memory_space<vmem_shared>> -> memref<128x64xf32, #tpu.memory_space<vmem_shared>>
      tpu.enqueue_dma source(%arg14 : memref<128x64xf32, #tpu.memory_space<vmem>>) target(%dma_start3A_208 : memref<128x64xf32, #tpu.memory_space<vmem_shared>>) target_semaphore(%run_scoped3A : memref<!tpu.dma_semaphore, #tpu.memory_space<semaphore_mem>>)
      %dma_wait3A_209 = arith.constant 0 : i32
      %dma_wait3A_210 = tpu.memref_slice %arg20[%add3A_155, %dma_wait3A_209] : memref<10240x64xf32, #tpu.memory_space<vmem_shared>> -> memref<128x64xf32, #tpu.memory_space<vmem_shared>>
      %dma_wait3A_211 = arith.constant 0 : i32
      %dma_wait3A_212 = tpu.memref_slice %arg20[%add3A_155, %dma_wait3A_211] : memref<10240x64xf32, #tpu.memory_space<vmem_shared>> -> memref<128x64xf32, #tpu.memory_space<vmem_shared>>
      tpu.wait_dma2 semaphore(%run_scoped3A : memref<!tpu.dma_semaphore, #tpu.memory_space<semaphore_mem>>) src(%arg14 : memref<128x64xf32, #tpu.memory_space<vmem>>) dst(%dma_wait3A_212 : memref<128x64xf32, #tpu.memory_space<vmem_shared>>)
      tpu.yield
    }) : () -> ()
    %add3A_156 = arith.constant 384 : i32
    %add3A_157 = arith.addi %mul3A_0, %add3A_156 : i32
    "tpu.region"() ({
      %run_scoped3A = tpu.sem_alloc : memref<!tpu.dma_semaphore, #tpu.memory_space<semaphore_mem>>
      %dma_start3A_205 = arith.constant 0 : i32
      %dma_start3A_206 = tpu.memref_slice %arg20[%add3A_157, %dma_start3A_205] : memref<10240x64xf32, #tpu.memory_space<vmem_shared>> -> memref<128x64xf32, #tpu.memory_space<vmem_shared>>
      %dma_start3A_207 = arith.constant 0 : i32
      %dma_start3A_208 = tpu.memref_slice %arg20[%add3A_157, %dma_start3A_207] : memref<10240x64xf32, #tpu.memory_space<vmem_shared>> -> memref<128x64xf32, #tpu.memory_space<vmem_shared>>
      tpu.enqueue_dma source(%arg14 : memref<128x64xf32, #tpu.memory_space<vmem>>) target(%dma_start3A_208 : memref<128x64xf32, #tpu.memory_space<vmem_shared>>) target_semaphore(%run_scoped3A : memref<!tpu.dma_semaphore, #tpu.memory_space<semaphore_mem>>)
      %dma_wait3A_209 = arith.constant 0 : i32
      %dma_wait3A_210 = tpu.memref_slice %arg20[%add3A_157, %dma_wait3A_209] : memref<10240x64xf32, #tpu.memory_space<vmem_shared>> -> memref<128x64xf32, #tpu.memory_space<vmem_shared>>
      %dma_wait3A_211 = arith.constant 0 : i32
      %dma_wait3A_212 = tpu.memref_slice %arg20[%add3A_157, %dma_wait3A_211] : memref<10240x64xf32, #tpu.memory_space<vmem_shared>> -> memref<128x64xf32, #tpu.memory_space<vmem_shared>>
      tpu.wait_dma2 semaphore(%run_scoped3A : memref<!tpu.dma_semaphore, #tpu.memory_space<semaphore_mem>>) src(%arg14 : memref<128x64xf32, #tpu.memory_space<vmem>>) dst(%dma_wait3A_212 : memref<128x64xf32, #tpu.memory_space<vmem_shared>>)
      tpu.yield
    }) : () -> ()
    %add3A_158 = arith.constant 512 : i32
    %add3A_159 = arith.addi %mul3A_0, %add3A_158 : i32
    "tpu.region"() ({
      %run_scoped3A = tpu.sem_alloc : memref<!tpu.dma_semaphore, #tpu.memory_space<semaphore_mem>>
      %dma_start3A_205 = arith.constant 0 : i32
      %dma_start3A_206 = tpu.memref_slice %arg20[%add3A_159, %dma_start3A_205] : memref<10240x64xf32, #tpu.memory_space<vmem_shared>> -> memref<128x64xf32, #tpu.memory_space<vmem_shared>>
      %dma_start3A_207 = arith.constant 0 : i32
      %dma_start3A_208 = tpu.memref_slice %arg20[%add3A_159, %dma_start3A_207] : memref<10240x64xf32, #tpu.memory_space<vmem_shared>> -> memref<128x64xf32, #tpu.memory_space<vmem_shared>>
      tpu.enqueue_dma source(%arg14 : memref<128x64xf32, #tpu.memory_space<vmem>>) target(%dma_start3A_208 : memref<128x64xf32, #tpu.memory_space<vmem_shared>>) target_semaphore(%run_scoped3A : memref<!tpu.dma_semaphore, #tpu.memory_space<semaphore_mem>>)
      %dma_wait3A_209 = arith.constant 0 : i32
      %dma_wait3A_210 = tpu.memref_slice %arg20[%add3A_159, %dma_wait3A_209] : memref<10240x64xf32, #tpu.memory_space<vmem_shared>> -> memref<128x64xf32, #tpu.memory_space<vmem_shared>>
      %dma_wait3A_211 = arith.constant 0 : i32
      %dma_wait3A_212 = tpu.memref_slice %arg20[%add3A_159, %dma_wait3A_211] : memref<10240x64xf32, #tpu.memory_space<vmem_shared>> -> memref<128x64xf32, #tpu.memory_space<vmem_shared>>
      tpu.wait_dma2 semaphore(%run_scoped3A : memref<!tpu.dma_semaphore, #tpu.memory_space<semaphore_mem>>) src(%arg14 : memref<128x64xf32, #tpu.memory_space<vmem>>) dst(%dma_wait3A_212 : memref<128x64xf32, #tpu.memory_space<vmem_shared>>)
      tpu.yield
    }) : () -> ()
    %barrier3A_160 = arith.constant 0 : index
    tpu.barrier barrier_id(%barrier3A_160)
    %gt3A_161 = arith.constant 0 : i32
    %gt3A_162 = arith.cmpi sgt, %add3A_6, %gt3A_161 : i32
    %convert_element_type3A_163 = arith.extui %gt3A_162 : i1 to i32
    %cond3A_164 = arith.constant 0 : i32
    %cond3A_165 = arith.cmpi ne, %convert_element_type3A_163, %cond3A_164 : i32
    scf.if %cond3A_165 {
      %mul3A_205 = arith.constant 160000 : i32
      %mul3A_206 = arith.muli %add3A_142, %mul3A_205 : i32
      %add3A_207 = arith.constant 0 : i32
      %add3A_208 = arith.addi %add3A, %add3A_207 : i32
      %mul3A_209 = arith.constant 128 : i32
      %mul3A_210 = arith.muli %add3A_208, %mul3A_209 : i32
      %add3A_211 = arith.addi %mul3A_206, %mul3A_210 : i32
      %dma_start3A_212 = arith.constant 0 : i32
      %dma_start3A_213 = tpu.memref_slice %arg3[%add3A_211, %dma_start3A_212] : memref<640000x64xf32, #tpu.memory_space<hbm>> -> memref<128x64xf32, #tpu.memory_space<hbm>>
      %dma_start3A_214 = arith.constant 0 : i32
      %dma_start3A_215 = tpu.memref_slice %arg3[%add3A_211, %dma_start3A_214] : memref<640000x64xf32, #tpu.memory_space<hbm>> -> memref<128x64xf32, #tpu.memory_space<hbm>>
      tpu.enqueue_dma source(%dma_start3A_215 : memref<128x64xf32, #tpu.memory_space<hbm>>) target(%arg11 : memref<128x64xf32, #tpu.memory_space<vmem>>) target_semaphore(%arg22 : memref<!tpu.dma_semaphore, #tpu.memory_space<semaphore_mem>>)
    } else {
    }
    %gt3A_166 = arith.constant 1 : i32
    %gt3A_167 = arith.cmpi sgt, %add3A_6, %gt3A_166 : i32
    %convert_element_type3A_168 = arith.extui %gt3A_167 : i1 to i32
    %cond3A_169 = arith.constant 0 : i32
    %cond3A_170 = arith.cmpi ne, %convert_element_type3A_168, %cond3A_169 : i32
    scf.if %cond3A_170 {
      %mul3A_205 = arith.constant 160000 : i32
      %mul3A_206 = arith.muli %add3A_142, %mul3A_205 : i32
      %add3A_207 = arith.constant 1 : i32
      %add3A_208 = arith.addi %add3A, %add3A_207 : i32
      %mul3A_209 = arith.constant 128 : i32
      %mul3A_210 = arith.muli %add3A_208, %mul3A_209 : i32
      %add3A_211 = arith.addi %mul3A_206, %mul3A_210 : i32
      %dma_start3A_212 = arith.constant 0 : i32
      %dma_start3A_213 = tpu.memref_slice %arg3[%add3A_211, %dma_start3A_212] : memref<640000x64xf32, #tpu.memory_space<hbm>> -> memref<128x64xf32, #tpu.memory_space<hbm>>
      %dma_start3A_214 = arith.constant 0 : i32
      %dma_start3A_215 = tpu.memref_slice %arg3[%add3A_211, %dma_start3A_214] : memref<640000x64xf32, #tpu.memory_space<hbm>> -> memref<128x64xf32, #tpu.memory_space<hbm>>
      tpu.enqueue_dma source(%dma_start3A_215 : memref<128x64xf32, #tpu.memory_space<hbm>>) target(%arg12 : memref<128x64xf32, #tpu.memory_space<vmem>>) target_semaphore(%arg23 : memref<!tpu.dma_semaphore, #tpu.memory_space<semaphore_mem>>)
    } else {
    }
    %gt3A_171 = arith.constant 0 : i32
    %gt3A_172 = arith.cmpi sgt, %add3A_6, %gt3A_171 : i32
    %convert_element_type3A_173 = arith.extui %gt3A_172 : i1 to i32
    %cond3A_174 = arith.constant 0 : i32
    %cond3A_175 = arith.cmpi ne, %convert_element_type3A_173, %cond3A_174 : i32
    scf.if %cond3A_175 {
      %dma_wait3A_205 = arith.constant 0 : i32
      %dma_wait3A_206 = arith.constant 0 : i32
      %dma_wait3A_207 = tpu.memref_slice %arg3[%dma_wait3A_205, %dma_wait3A_206] : memref<640000x64xf32, #tpu.memory_space<hbm>> -> memref<128x64xf32, #tpu.memory_space<hbm>>
      %dma_wait3A_208 = arith.constant 0 : i32
      %dma_wait3A_209 = arith.constant 0 : i32
      %dma_wait3A_210 = tpu.memref_slice %arg3[%dma_wait3A_208, %dma_wait3A_209] : memref<640000x64xf32, #tpu.memory_space<hbm>> -> memref<128x64xf32, #tpu.memory_space<hbm>>
      tpu.wait_dma2 semaphore(%arg22 : memref<!tpu.dma_semaphore, #tpu.memory_space<semaphore_mem>>) src(%dma_wait3A_210 : memref<128x64xf32, #tpu.memory_space<hbm>>) dst(%arg11 : memref<128x64xf32, #tpu.memory_space<vmem>>)
      %scan3A_211 = arith.constant 0 : i32
      %scan3A_212 = arith.constant 0 : i32
      %scan3A_213 = arith.constant 8 : i32
      %scan3A_214 = arith.addi %scan3A_212, %scan3A_213 : i32
      %scan3A_215 = arith.constant 1 : i32
      %scan3A_216 = scf.for %scan3A_225 = %scan3A_212 to %scan3A_214 step %scan3A_215 iter_args(%scan3A_226 = %scan3A_211) -> (i32)  : i32 {
        %mul3A_227 = arith.constant 16 : i32
        %mul3A_228 = arith.muli %scan3A_225, %mul3A_227 : i32
        %get3A_229 = arith.constant 0 : i32
        %get3A_230 = arith.index_cast %get3A_229 : i32 to index
        %get3A_231 = arith.index_cast %mul3A_228 : i32 to index
        %get3A_232 = tpu.vector_load %arg9[%get3A_230, %get3A_231] {strides = array<i32>} : memref<79x128xi32, #tpu.memory_space<vmem>>, vector<1x16xi32>,
        %get3A_233 = vector.shape_cast %get3A_232 : vector<1x16xi32> to vector<16xi32>
        %add3A_234 = arith.constant 10000 : i32
        %add3A_235 = vector.broadcast %add3A_234 : i32 to vector<16xi32>
        %add3A_236 = arith.addi %get3A_233, %add3A_235 : vector<16xi32>
        %swap3A = arith.constant 0 : i32
        %swap3A_237 = arith.index_cast %swap3A : i32 to index
        %swap3A_238 = arith.index_cast %mul3A_228 : i32 to index
        %swap3A_239 = tpu.vector_load %arg9[%swap3A_237, %swap3A_238] {strides = array<i32>} : memref<79x128xi32, #tpu.memory_space<vmem>>, vector<1x16xi32>,
        %swap3A_240 = vector.shape_cast %swap3A_239 : vector<1x16xi32> to vector<16xi32>
        %swap3A_241 = vector.shape_cast %add3A_236 : vector<16xi32> to vector<1x16xi32>
        tpu.vector_store %arg9[%swap3A_237, %swap3A_238], %swap3A_241 {strides = array<i32>} : memref<79x128xi32, #tpu.memory_space<vmem>>, vector<1x16xi32>,
        %scan3A_242 = arith.constant 0 : i32
        scf.yield %scan3A_242 : i32
      }
      %scan3A_217 = arith.constant 8 : i32
      %dma_start3A_218 = arith.constant 0 : i32
      %dma_start3A_219 = arith.constant 0 : i32
      %dma_start3A_220 = tpu.memref_slice %arg9[%dma_start3A_218, %dma_start3A_219] : memref<79x128xi32, #tpu.memory_space<vmem>> -> memref<1x128xi32, #tpu.memory_space<vmem>>
      %dma_start3A_221 = tpu.memref_squeeze %dma_start3A_220 : memref<1x128xi32, #tpu.memory_space<vmem>> -> memref<128xi32, #tpu.memory_space<vmem>>
      %dma_start3A_222 = arith.constant 0 : i32
      %dma_start3A_223 = arith.constant 0 : i32
      %dma_start3A_224 = tpu.memref_slice %arg2[%dma_start3A_222, %dma_start3A_223] : memref<40000x64xf32, #tpu.memory_space<hbm>> -> memref<40000x64xf32, #tpu.memory_space<hbm>>
      tpu.enqueue_indirect_dma source(%dma_start3A_224 : memref<40000x64xf32, #tpu.memory_space<hbm>>) target(%arg14 : memref<128x64xf32, #tpu.memory_space<vmem>>) offsets(%dma_start3A_221 : memref<128xi32, #tpu.memory_space<vmem>>) semaphore(%arg25 : memref<!tpu.dma_semaphore, #tpu.memory_space<semaphore_mem>>)
    } else {
    }
    %gt3A_176 = arith.constant 2 : i32
    %gt3A_177 = arith.cmpi sgt, %add3A_6, %gt3A_176 : i32
    %convert_element_type3A_178 = arith.extui %gt3A_177 : i1 to i32
    %cond3A_179 = arith.constant 0 : i32
    %cond3A_180 = arith.cmpi ne, %convert_element_type3A_178, %cond3A_179 : i32
    scf.if %cond3A_180 {
      %mul3A_205 = arith.constant 160000 : i32
      %mul3A_206 = arith.muli %add3A_142, %mul3A_205 : i32
      %add3A_207 = arith.constant 2 : i32
      %add3A_208 = arith.addi %add3A, %add3A_207 : i32
      %mul3A_209 = arith.constant 128 : i32
      %mul3A_210 = arith.muli %add3A_208, %mul3A_209 : i32
      %add3A_211 = arith.addi %mul3A_206, %mul3A_210 : i32
      %dma_start3A_212 = arith.constant 0 : i32
      %dma_start3A_213 = tpu.memref_slice %arg3[%add3A_211, %dma_start3A_212] : memref<640000x64xf32, #tpu.memory_space<hbm>> -> memref<128x64xf32, #tpu.memory_space<hbm>>
      %dma_start3A_214 = arith.constant 0 : i32
      %dma_start3A_215 = tpu.memref_slice %arg3[%add3A_211, %dma_start3A_214] : memref<640000x64xf32, #tpu.memory_space<hbm>> -> memref<128x64xf32, #tpu.memory_space<hbm>>
      tpu.enqueue_dma source(%dma_start3A_215 : memref<128x64xf32, #tpu.memory_space<hbm>>) target(%arg13 : memref<128x64xf32, #tpu.memory_space<vmem>>) target_semaphore(%arg24 : memref<!tpu.dma_semaphore, #tpu.memory_space<semaphore_mem>>)
    } else {
    }
    %gt3A_181 = arith.constant 1 : i32
    %gt3A_182 = arith.cmpi sgt, %add3A_6, %gt3A_181 : i32
    %convert_element_type3A_183 = arith.extui %gt3A_182 : i1 to i32
    %cond3A_184 = arith.constant 0 : i32
    %cond3A_185 = arith.cmpi ne, %convert_element_type3A_183, %cond3A_184 : i32
    scf.if %cond3A_185 {
      %dma_wait3A_205 = arith.constant 0 : i32
      %dma_wait3A_206 = arith.constant 0 : i32
      %dma_wait3A_207 = tpu.memref_slice %arg3[%dma_wait3A_205, %dma_wait3A_206] : memref<640000x64xf32, #tpu.memory_space<hbm>> -> memref<128x64xf32, #tpu.memory_space<hbm>>
      %dma_wait3A_208 = arith.constant 0 : i32
      %dma_wait3A_209 = arith.constant 0 : i32
      %dma_wait3A_210 = tpu.memref_slice %arg3[%dma_wait3A_208, %dma_wait3A_209] : memref<640000x64xf32, #tpu.memory_space<hbm>> -> memref<128x64xf32, #tpu.memory_space<hbm>>
      tpu.wait_dma2 semaphore(%arg23 : memref<!tpu.dma_semaphore, #tpu.memory_space<semaphore_mem>>) src(%dma_wait3A_210 : memref<128x64xf32, #tpu.memory_space<hbm>>) dst(%arg12 : memref<128x64xf32, #tpu.memory_space<vmem>>)
      %scan3A_211 = arith.constant 0 : i32
      %scan3A_212 = arith.constant 0 : i32
      %scan3A_213 = arith.constant 8 : i32
      %scan3A_214 = arith.addi %scan3A_212, %scan3A_213 : i32
      %scan3A_215 = arith.constant 1 : i32
      %scan3A_216 = scf.for %scan3A_225 = %scan3A_212 to %scan3A_214 step %scan3A_215 iter_args(%scan3A_226 = %scan3A_211) -> (i32)  : i32 {
        %mul3A_227 = arith.constant 16 : i32
        %mul3A_228 = arith.muli %scan3A_225, %mul3A_227 : i32
        %get3A_229 = arith.constant 1 : i32
        %get3A_230 = arith.index_cast %get3A_229 : i32 to index
        %get3A_231 = arith.index_cast %mul3A_228 : i32 to index
        %get3A_232 = tpu.vector_load %arg9[%get3A_230, %get3A_231] {strides = array<i32>} : memref<79x128xi32, #tpu.memory_space<vmem>>, vector<1x16xi32>,
        %get3A_233 = vector.shape_cast %get3A_232 : vector<1x16xi32> to vector<16xi32>
        %add3A_234 = arith.constant 10000 : i32
        %add3A_235 = vector.broadcast %add3A_234 : i32 to vector<16xi32>
        %add3A_236 = arith.addi %get3A_233, %add3A_235 : vector<16xi32>
        %swap3A = arith.constant 1 : i32
        %swap3A_237 = arith.index_cast %swap3A : i32 to index
        %swap3A_238 = arith.index_cast %mul3A_228 : i32 to index
        %swap3A_239 = tpu.vector_load %arg9[%swap3A_237, %swap3A_238] {strides = array<i32>} : memref<79x128xi32, #tpu.memory_space<vmem>>, vector<1x16xi32>,
        %swap3A_240 = vector.shape_cast %swap3A_239 : vector<1x16xi32> to vector<16xi32>
        %swap3A_241 = vector.shape_cast %add3A_236 : vector<16xi32> to vector<1x16xi32>
        tpu.vector_store %arg9[%swap3A_237, %swap3A_238], %swap3A_241 {strides = array<i32>} : memref<79x128xi32, #tpu.memory_space<vmem>>, vector<1x16xi32>,
        %scan3A_242 = arith.constant 0 : i32
        scf.yield %scan3A_242 : i32
      }
      %scan3A_217 = arith.constant 8 : i32
      %dma_start3A_218 = arith.constant 1 : i32
      %dma_start3A_219 = arith.constant 0 : i32
      %dma_start3A_220 = tpu.memref_slice %arg9[%dma_start3A_218, %dma_start3A_219] : memref<79x128xi32, #tpu.memory_space<vmem>> -> memref<1x128xi32, #tpu.memory_space<vmem>>
      %dma_start3A_221 = tpu.memref_squeeze %dma_start3A_220 : memref<1x128xi32, #tpu.memory_space<vmem>> -> memref<128xi32, #tpu.memory_space<vmem>>
      %dma_start3A_222 = arith.constant 0 : i32
      %dma_start3A_223 = arith.constant 0 : i32
      %dma_start3A_224 = tpu.memref_slice %arg2[%dma_start3A_222, %dma_start3A_223] : memref<40000x64xf32, #tpu.memory_space<hbm>> -> memref<40000x64xf32, #tpu.memory_space<hbm>>
      tpu.enqueue_indirect_dma source(%dma_start3A_224 : memref<40000x64xf32, #tpu.memory_space<hbm>>) target(%arg15 : memref<128x64xf32, #tpu.memory_space<vmem>>) offsets(%dma_start3A_221 : memref<128xi32, #tpu.memory_space<vmem>>) semaphore(%arg26 : memref<!tpu.dma_semaphore, #tpu.memory_space<semaphore_mem>>)
    } else {
    }
    %scan3A_186 = arith.constant 0 : i32
    %scan3A_187 = arith.constant 0 : i32
    %scan3A_188 = arith.constant 27 : i32
    %scan3A_189 = arith.addi %scan3A_187, %scan3A_188 : i32
    %scan3A_190 = arith.constant 1 : i32
    %scan3A_191 = scf.for %scan3A_205 = %scan3A_187 to %scan3A_189 step %scan3A_190 iter_args(%scan3A_206 = %scan3A_186) -> (i32)  : i32 {
      %mul3A_207 = arith.constant 3 : i32
      %mul3A_208 = arith.muli %scan3A_205, %mul3A_207 : i32
      %lt3A_209 = arith.cmpi slt, %mul3A_208, %add3A_6 : i32
      %convert_element_type3A_210 = arith.extui %lt3A_209 : i1 to i32
      %cond3A_211 = arith.constant 0 : i32
      %cond3A_212 = arith.cmpi ne, %convert_element_type3A_210, %cond3A_211 : i32
      scf.if %cond3A_212 {
        %dma_wait3A_262 = arith.constant 0 : i32
        %dma_wait3A_263 = tpu.memref_slice %arg9[%mul3A_208, %dma_wait3A_262] : memref<79x128xi32, #tpu.memory_space<vmem>> -> memref<1x128xi32, #tpu.memory_space<vmem>>
        %dma_wait3A_264 = tpu.memref_squeeze %dma_wait3A_263 : memref<1x128xi32, #tpu.memory_space<vmem>> -> memref<128xi32, #tpu.memory_space<vmem>>
        %dma_wait3A_265 = arith.constant 0 : i32
        %dma_wait3A_266 = arith.constant 0 : i32
        %dma_wait3A_267 = tpu.memref_slice %arg2[%dma_wait3A_265, %dma_wait3A_266] : memref<40000x64xf32, #tpu.memory_space<hbm>> -> memref<40000x64xf32, #tpu.memory_space<hbm>>
        tpu.wait_indirect_dma semaphore(%arg25 : memref<!tpu.dma_semaphore, #tpu.memory_space<semaphore_mem>>) src(%dma_wait3A_267 : memref<40000x64xf32, #tpu.memory_space<hbm>>) dst(%arg14 : memref<128x64xf32, #tpu.memory_space<vmem>>)
        %scan3A_268 = arith.constant 0 : i32
        %scan3A_269 = arith.constant 0 : i32
        %scan3A_270 = arith.constant 32 : i32
        %scan3A_271 = arith.addi %scan3A_269, %scan3A_270 : i32
        %scan3A_272 = arith.constant 1 : i32
        %scan3A_273 = scf.for %scan3A_275 = %scan3A_269 to %scan3A_271 step %scan3A_272 iter_args(%scan3A_276 = %scan3A_268) -> (i32)  : i32 {
          %mul3A_277 = arith.constant 4 : i32
          %mul3A_278 = arith.muli %scan3A_275, %mul3A_277 : i32
          %add3A_279 = arith.constant 0 : i32
          %add3A_280 = arith.addi %mul3A_278, %add3A_279 : i32
          %get3A_281 = arith.index_cast %add3A_280 : i32 to index
          %get3A_282 = arith.constant 0 : index
          %get3A_283 = tpu.vector_load %arg14[%get3A_281, %get3A_282] {strides = array<i32>} : memref<128x64xf32, #tpu.memory_space<vmem>>, vector<1x16xf32>,
          %get3A_284 = vector.shape_cast %get3A_283 : vector<1x16xf32> to vector<16xf32>
          %get3A_285 = arith.index_cast %add3A_280 : i32 to index
          %get3A_286 = arith.constant 0 : index
          %get3A_287 = tpu.vector_load %arg11[%get3A_285, %get3A_286] {strides = array<i32>} : memref<128x64xf32, #tpu.memory_space<vmem>>, vector<1x16xf32>,
          %get3A_288 = vector.shape_cast %get3A_287 : vector<1x16xf32> to vector<16xf32>
          %add3A_289 = arith.addf %get3A_284, %get3A_288 : vector<16xf32>
          %max3A = arith.constant 0.000000e+00 : f32
          %max3A_290 = vector.broadcast %max3A : f32 to vector<16xf32>
          %max3A_291 = arith.maximumf %add3A_289, %max3A_290 : vector<16xf32>
          %swap3A = arith.index_cast %add3A_280 : i32 to index
          %swap3A_292 = arith.constant 0 : index
          %swap3A_293 = tpu.vector_load %arg14[%swap3A, %swap3A_292] {strides = array<i32>} : memref<128x64xf32, #tpu.memory_space<vmem>>, vector<1x16xf32>,
          %swap3A_294 = vector.shape_cast %swap3A_293 : vector<1x16xf32> to vector<16xf32>
          %swap3A_295 = vector.shape_cast %max3A_291 : vector<16xf32> to vector<1x16xf32>
          tpu.vector_store %arg14[%swap3A, %swap3A_292], %swap3A_295 {strides = array<i32>} : memref<128x64xf32, #tpu.memory_space<vmem>>, vector<1x16xf32>,
          %get3A_296 = arith.index_cast %add3A_280 : i32 to index
          %get3A_297 = arith.constant 16 : index
          %get3A_298 = tpu.vector_load %arg14[%get3A_296, %get3A_297] {strides = array<i32>} : memref<128x64xf32, #tpu.memory_space<vmem>>, vector<1x16xf32>,
          %get3A_299 = vector.shape_cast %get3A_298 : vector<1x16xf32> to vector<16xf32>
          %get3A_300 = arith.index_cast %add3A_280 : i32 to index
          %get3A_301 = arith.constant 16 : index
          %get3A_302 = tpu.vector_load %arg11[%get3A_300, %get3A_301] {strides = array<i32>} : memref<128x64xf32, #tpu.memory_space<vmem>>, vector<1x16xf32>,
          %get3A_303 = vector.shape_cast %get3A_302 : vector<1x16xf32> to vector<16xf32>
          %add3A_304 = arith.addf %get3A_299, %get3A_303 : vector<16xf32>
          %max3A_305 = arith.constant 0.000000e+00 : f32
          %max3A_306 = vector.broadcast %max3A_305 : f32 to vector<16xf32>
          %max3A_307 = arith.maximumf %add3A_304, %max3A_306 : vector<16xf32>
          %swap3A_308 = arith.index_cast %add3A_280 : i32 to index
          %swap3A_309 = arith.constant 16 : index
          %swap3A_310 = tpu.vector_load %arg14[%swap3A_308, %swap3A_309] {strides = array<i32>} : memref<128x64xf32, #tpu.memory_space<vmem>>, vector<1x16xf32>,
          %swap3A_311 = vector.shape_cast %swap3A_310 : vector<1x16xf32> to vector<16xf32>
          %swap3A_312 = vector.shape_cast %max3A_307 : vector<16xf32> to vector<1x16xf32>
          tpu.vector_store %arg14[%swap3A_308, %swap3A_309], %swap3A_312 {strides = array<i32>} : memref<128x64xf32, #tpu.memory_space<vmem>>, vector<1x16xf32>,
          %get3A_313 = arith.index_cast %add3A_280 : i32 to index
          %get3A_314 = arith.constant 32 : index
          %get3A_315 = tpu.vector_load %arg14[%get3A_313, %get3A_314] {strides = array<i32>} : memref<128x64xf32, #tpu.memory_space<vmem>>, vector<1x16xf32>,
          %get3A_316 = vector.shape_cast %get3A_315 : vector<1x16xf32> to vector<16xf32>
          %get3A_317 = arith.index_cast %add3A_280 : i32 to index
          %get3A_318 = arith.constant 32 : index
          %get3A_319 = tpu.vector_load %arg11[%get3A_317, %get3A_318] {strides = array<i32>} : memref<128x64xf32, #tpu.memory_space<vmem>>, vector<1x16xf32>,
          %get3A_320 = vector.shape_cast %get3A_319 : vector<1x16xf32> to vector<16xf32>
          %add3A_321 = arith.addf %get3A_316, %get3A_320 : vector<16xf32>
          %max3A_322 = arith.constant 0.000000e+00 : f32
          %max3A_323 = vector.broadcast %max3A_322 : f32 to vector<16xf32>
          %max3A_324 = arith.maximumf %add3A_321, %max3A_323 : vector<16xf32>
          %swap3A_325 = arith.index_cast %add3A_280 : i32 to index
          %swap3A_326 = arith.constant 32 : index
          %swap3A_327 = tpu.vector_load %arg14[%swap3A_325, %swap3A_326] {strides = array<i32>} : memref<128x64xf32, #tpu.memory_space<vmem>>, vector<1x16xf32>,
          %swap3A_328 = vector.shape_cast %swap3A_327 : vector<1x16xf32> to vector<16xf32>
          %swap3A_329 = vector.shape_cast %max3A_324 : vector<16xf32> to vector<1x16xf32>
          tpu.vector_store %arg14[%swap3A_325, %swap3A_326], %swap3A_329 {strides = array<i32>} : memref<128x64xf32, #tpu.memory_space<vmem>>, vector<1x16xf32>,
          %get3A_330 = arith.index_cast %add3A_280 : i32 to index
          %get3A_331 = arith.constant 48 : index
          %get3A_332 = tpu.vector_load %arg14[%get3A_330, %get3A_331] {strides = array<i32>} : memref<128x64xf32, #tpu.memory_space<vmem>>, vector<1x16xf32>,
          %get3A_333 = vector.shape_cast %get3A_332 : vector<1x16xf32> to vector<16xf32>
          %get3A_334 = arith.index_cast %add3A_280 : i32 to index
          %get3A_335 = arith.constant 48 : index
          %get3A_336 = tpu.vector_load %arg11[%get3A_334, %get3A_335] {strides = array<i32>} : memref<128x64xf32, #tpu.memory_space<vmem>>, vector<1x16xf32>,
          %get3A_337 = vector.shape_cast %get3A_336 : vector<1x16xf32> to vector<16xf32>
          %add3A_338 = arith.addf %get3A_333, %get3A_337 : vector<16xf32>
          %max3A_339 = arith.constant 0.000000e+00 : f32
          %max3A_340 = vector.broadcast %max3A_339 : f32 to vector<16xf32>
          %max3A_341 = arith.maximumf %add3A_338, %max3A_340 : vector<16xf32>
          %swap3A_342 = arith.index_cast %add3A_280 : i32 to index
          %swap3A_343 = arith.constant 48 : index
          %swap3A_344 = tpu.vector_load %arg14[%swap3A_342, %swap3A_343] {strides = array<i32>} : memref<128x64xf32, #tpu.memory_space<vmem>>, vector<1x16xf32>,
          %swap3A_345 = vector.shape_cast %swap3A_344 : vector<1x16xf32> to vector<16xf32>
          %swap3A_346 = vector.shape_cast %max3A_341 : vector<16xf32> to vector<1x16xf32>
          tpu.vector_store %arg14[%swap3A_342, %swap3A_343], %swap3A_346 {strides = array<i32>} : memref<128x64xf32, #tpu.memory_space<vmem>>, vector<1x16xf32>,
          %mul3A_347 = arith.constant 4 : i32
          %mul3A_348 = arith.muli %scan3A_275, %mul3A_347 : i32
          %add3A_349 = arith.constant 1 : i32
          %add3A_350 = arith.addi %mul3A_348, %add3A_349 : i32
          %get3A_351 = arith.index_cast %add3A_350 : i32 to index
          %get3A_352 = arith.constant 0 : index
          %get3A_353 = tpu.vector_load %arg14[%get3A_351, %get3A_352] {strides = array<i32>} : memref<128x64xf32, #tpu.memory_space<vmem>>, vector<1x16xf32>,
          %get3A_354 = vector.shape_cast %get3A_353 : vector<1x16xf32> to vector<16xf32>
          %get3A_355 = arith.index_cast %add3A_350 : i32 to index
          %get3A_356 = arith.constant 0 : index
          %get3A_357 = tpu.vector_load %arg11[%get3A_355, %get3A_356] {strides = array<i32>} : memref<128x64xf32, #tpu.memory_space<vmem>>, vector<1x16xf32>,
          %get3A_358 = vector.shape_cast %get3A_357 : vector<1x16xf32> to vector<16xf32>
          %add3A_359 = arith.addf %get3A_354, %get3A_358 : vector<16xf32>
          %max3A_360 = arith.constant 0.000000e+00 : f32
          %max3A_361 = vector.broadcast %max3A_360 : f32 to vector<16xf32>
          %max3A_362 = arith.maximumf %add3A_359, %max3A_361 : vector<16xf32>
          %swap3A_363 = arith.index_cast %add3A_350 : i32 to index
          %swap3A_364 = arith.constant 0 : index
          %swap3A_365 = tpu.vector_load %arg14[%swap3A_363, %swap3A_364] {strides = array<i32>} : memref<128x64xf32, #tpu.memory_space<vmem>>, vector<1x16xf32>,
          %swap3A_366 = vector.shape_cast %swap3A_365 : vector<1x16xf32> to vector<16xf32>
          %swap3A_367 = vector.shape_cast %max3A_362 : vector<16xf32> to vector<1x16xf32>
          tpu.vector_store %arg14[%swap3A_363, %swap3A_364], %swap3A_367 {strides = array<i32>} : memref<128x64xf32, #tpu.memory_space<vmem>>, vector<1x16xf32>,
          %get3A_368 = arith.index_cast %add3A_350 : i32 to index
          %get3A_369 = arith.constant 16 : index
          %get3A_370 = tpu.vector_load %arg14[%get3A_368, %get3A_369] {strides = array<i32>} : memref<128x64xf32, #tpu.memory_space<vmem>>, vector<1x16xf32>,
          %get3A_371 = vector.shape_cast %get3A_370 : vector<1x16xf32> to vector<16xf32>
          %get3A_372 = arith.index_cast %add3A_350 : i32 to index
          %get3A_373 = arith.constant 16 : index
          %get3A_374 = tpu.vector_load %arg11[%get3A_372, %get3A_373] {strides = array<i32>} : memref<128x64xf32, #tpu.memory_space<vmem>>, vector<1x16xf32>,
          %get3A_375 = vector.shape_cast %get3A_374 : vector<1x16xf32> to vector<16xf32>
          %add3A_376 = arith.addf %get3A_371, %get3A_375 : vector<16xf32>
          %max3A_377 = arith.constant 0.000000e+00 : f32
          %max3A_378 = vector.broadcast %max3A_377 : f32 to vector<16xf32>
          %max3A_379 = arith.maximumf %add3A_376, %max3A_378 : vector<16xf32>
          %swap3A_380 = arith.index_cast %add3A_350 : i32 to index
          %swap3A_381 = arith.constant 16 : index
          %swap3A_382 = tpu.vector_load %arg14[%swap3A_380, %swap3A_381] {strides = array<i32>} : memref<128x64xf32, #tpu.memory_space<vmem>>, vector<1x16xf32>,
          %swap3A_383 = vector.shape_cast %swap3A_382 : vector<1x16xf32> to vector<16xf32>
          %swap3A_384 = vector.shape_cast %max3A_379 : vector<16xf32> to vector<1x16xf32>
          tpu.vector_store %arg14[%swap3A_380, %swap3A_381], %swap3A_384 {strides = array<i32>} : memref<128x64xf32, #tpu.memory_space<vmem>>, vector<1x16xf32>,
          %get3A_385 = arith.index_cast %add3A_350 : i32 to index
          %get3A_386 = arith.constant 32 : index
          %get3A_387 = tpu.vector_load %arg14[%get3A_385, %get3A_386] {strides = array<i32>} : memref<128x64xf32, #tpu.memory_space<vmem>>, vector<1x16xf32>,
          %get3A_388 = vector.shape_cast %get3A_387 : vector<1x16xf32> to vector<16xf32>
          %get3A_389 = arith.index_cast %add3A_350 : i32 to index
          %get3A_390 = arith.constant 32 : index
          %get3A_391 = tpu.vector_load %arg11[%get3A_389, %get3A_390] {strides = array<i32>} : memref<128x64xf32, #tpu.memory_space<vmem>>, vector<1x16xf32>,
          %get3A_392 = vector.shape_cast %get3A_391 : vector<1x16xf32> to vector<16xf32>
          %add3A_393 = arith.addf %get3A_388, %get3A_392 : vector<16xf32>
          %max3A_394 = arith.constant 0.000000e+00 : f32
          %max3A_395 = vector.broadcast %max3A_394 : f32 to vector<16xf32>
          %max3A_396 = arith.maximumf %add3A_393, %max3A_395 : vector<16xf32>
          %swap3A_397 = arith.index_cast %add3A_350 : i32 to index
          %swap3A_398 = arith.constant 32 : index
          %swap3A_399 = tpu.vector_load %arg14[%swap3A_397, %swap3A_398] {strides = array<i32>} : memref<128x64xf32, #tpu.memory_space<vmem>>, vector<1x16xf32>,
          %swap3A_400 = vector.shape_cast %swap3A_399 : vector<1x16xf32> to vector<16xf32>
          %swap3A_401 = vector.shape_cast %max3A_396 : vector<16xf32> to vector<1x16xf32>
          tpu.vector_store %arg14[%swap3A_397, %swap3A_398], %swap3A_401 {strides = array<i32>} : memref<128x64xf32, #tpu.memory_space<vmem>>, vector<1x16xf32>,
          %get3A_402 = arith.index_cast %add3A_350 : i32 to index
          %get3A_403 = arith.constant 48 : index
          %get3A_404 = tpu.vector_load %arg14[%get3A_402, %get3A_403] {strides = array<i32>} : memref<128x64xf32, #tpu.memory_space<vmem>>, vector<1x16xf32>,
          %get3A_405 = vector.shape_cast %get3A_404 : vector<1x16xf32> to vector<16xf32>
          %get3A_406 = arith.index_cast %add3A_350 : i32 to index
          %get3A_407 = arith.constant 48 : index
          %get3A_408 = tpu.vector_load %arg11[%get3A_406, %get3A_407] {strides = array<i32>} : memref<128x64xf32, #tpu.memory_space<vmem>>, vector<1x16xf32>,
          %get3A_409 = vector.shape_cast %get3A_408 : vector<1x16xf32> to vector<16xf32>
          %add3A_410 = arith.addf %get3A_405, %get3A_409 : vector<16xf32>
          %max3A_411 = arith.constant 0.000000e+00 : f32
          %max3A_412 = vector.broadcast %max3A_411 : f32 to vector<16xf32>
          %max3A_413 = arith.maximumf %add3A_410, %max3A_412 : vector<16xf32>
          %swap3A_414 = arith.index_cast %add3A_350 : i32 to index
          %swap3A_415 = arith.constant 48 : index
          %swap3A_416 = tpu.vector_load %arg14[%swap3A_414, %swap3A_415] {strides = array<i32>} : memref<128x64xf32, #tpu.memory_space<vmem>>, vector<1x16xf32>,
          %swap3A_417 = vector.shape_cast %swap3A_416 : vector<1x16xf32> to vector<16xf32>
          %swap3A_418 = vector.shape_cast %max3A_413 : vector<16xf32> to vector<1x16xf32>
          tpu.vector_store %arg14[%swap3A_414, %swap3A_415], %swap3A_418 {strides = array<i32>} : memref<128x64xf32, #tpu.memory_space<vmem>>, vector<1x16xf32>,
          %mul3A_419 = arith.constant 4 : i32
          %mul3A_420 = arith.muli %scan3A_275, %mul3A_419 : i32
          %add3A_421 = arith.constant 2 : i32
          %add3A_422 = arith.addi %mul3A_420, %add3A_421 : i32
          %get3A_423 = arith.index_cast %add3A_422 : i32 to index
          %get3A_424 = arith.constant 0 : index
          %get3A_425 = tpu.vector_load %arg14[%get3A_423, %get3A_424] {strides = array<i32>} : memref<128x64xf32, #tpu.memory_space<vmem>>, vector<1x16xf32>,
          %get3A_426 = vector.shape_cast %get3A_425 : vector<1x16xf32> to vector<16xf32>
          %get3A_427 = arith.index_cast %add3A_422 : i32 to index
          %get3A_428 = arith.constant 0 : index
          %get3A_429 = tpu.vector_load %arg11[%get3A_427, %get3A_428] {strides = array<i32>} : memref<128x64xf32, #tpu.memory_space<vmem>>, vector<1x16xf32>,
          %get3A_430 = vector.shape_cast %get3A_429 : vector<1x16xf32> to vector<16xf32>
          %add3A_431 = arith.addf %get3A_426, %get3A_430 : vector<16xf32>
          %max3A_432 = arith.constant 0.000000e+00 : f32
          %max3A_433 = vector.broadcast %max3A_432 : f32 to vector<16xf32>
          %max3A_434 = arith.maximumf %add3A_431, %max3A_433 : vector<16xf32>
          %swap3A_435 = arith.index_cast %add3A_422 : i32 to index
          %swap3A_436 = arith.constant 0 : index
          %swap3A_437 = tpu.vector_load %arg14[%swap3A_435, %swap3A_436] {strides = array<i32>} : memref<128x64xf32, #tpu.memory_space<vmem>>, vector<1x16xf32>,
          %swap3A_438 = vector.shape_cast %swap3A_437 : vector<1x16xf32> to vector<16xf32>
          %swap3A_439 = vector.shape_cast %max3A_434 : vector<16xf32> to vector<1x16xf32>
          tpu.vector_store %arg14[%swap3A_435, %swap3A_436], %swap3A_439 {strides = array<i32>} : memref<128x64xf32, #tpu.memory_space<vmem>>, vector<1x16xf32>,
          %get3A_440 = arith.index_cast %add3A_422 : i32 to index
          %get3A_441 = arith.constant 16 : index
          %get3A_442 = tpu.vector_load %arg14[%get3A_440, %get3A_441] {strides = array<i32>} : memref<128x64xf32, #tpu.memory_space<vmem>>, vector<1x16xf32>,
          %get3A_443 = vector.shape_cast %get3A_442 : vector<1x16xf32> to vector<16xf32>
          %get3A_444 = arith.index_cast %add3A_422 : i32 to index
          %get3A_445 = arith.constant 16 : index
          %get3A_446 = tpu.vector_load %arg11[%get3A_444, %get3A_445] {strides = array<i32>} : memref<128x64xf32, #tpu.memory_space<vmem>>, vector<1x16xf32>,
          %get3A_447 = vector.shape_cast %get3A_446 : vector<1x16xf32> to vector<16xf32>
          %add3A_448 = arith.addf %get3A_443, %get3A_447 : vector<16xf32>
          %max3A_449 = arith.constant 0.000000e+00 : f32
          %max3A_450 = vector.broadcast %max3A_449 : f32 to vector<16xf32>
          %max3A_451 = arith.maximumf %add3A_448, %max3A_450 : vector<16xf32>
          %swap3A_452 = arith.index_cast %add3A_422 : i32 to index
          %swap3A_453 = arith.constant 16 : index
          %swap3A_454 = tpu.vector_load %arg14[%swap3A_452, %swap3A_453] {strides = array<i32>} : memref<128x64xf32, #tpu.memory_space<vmem>>, vector<1x16xf32>,
          %swap3A_455 = vector.shape_cast %swap3A_454 : vector<1x16xf32> to vector<16xf32>
          %swap3A_456 = vector.shape_cast %max3A_451 : vector<16xf32> to vector<1x16xf32>
          tpu.vector_store %arg14[%swap3A_452, %swap3A_453], %swap3A_456 {strides = array<i32>} : memref<128x64xf32, #tpu.memory_space<vmem>>, vector<1x16xf32>,
          %get3A_457 = arith.index_cast %add3A_422 : i32 to index
          %get3A_458 = arith.constant 32 : index
          %get3A_459 = tpu.vector_load %arg14[%get3A_457, %get3A_458] {strides = array<i32>} : memref<128x64xf32, #tpu.memory_space<vmem>>, vector<1x16xf32>,
          %get3A_460 = vector.shape_cast %get3A_459 : vector<1x16xf32> to vector<16xf32>
          %get3A_461 = arith.index_cast %add3A_422 : i32 to index
          %get3A_462 = arith.constant 32 : index
          %get3A_463 = tpu.vector_load %arg11[%get3A_461, %get3A_462] {strides = array<i32>} : memref<128x64xf32, #tpu.memory_space<vmem>>, vector<1x16xf32>,
          %get3A_464 = vector.shape_cast %get3A_463 : vector<1x16xf32> to vector<16xf32>
          %add3A_465 = arith.addf %get3A_460, %get3A_464 : vector<16xf32>
          %max3A_466 = arith.constant 0.000000e+00 : f32
          %max3A_467 = vector.broadcast %max3A_466 : f32 to vector<16xf32>
          %max3A_468 = arith.maximumf %add3A_465, %max3A_467 : vector<16xf32>
          %swap3A_469 = arith.index_cast %add3A_422 : i32 to index
          %swap3A_470 = arith.constant 32 : index
          %swap3A_471 = tpu.vector_load %arg14[%swap3A_469, %swap3A_470] {strides = array<i32>} : memref<128x64xf32, #tpu.memory_space<vmem>>, vector<1x16xf32>,
          %swap3A_472 = vector.shape_cast %swap3A_471 : vector<1x16xf32> to vector<16xf32>
          %swap3A_473 = vector.shape_cast %max3A_468 : vector<16xf32> to vector<1x16xf32>
          tpu.vector_store %arg14[%swap3A_469, %swap3A_470], %swap3A_473 {strides = array<i32>} : memref<128x64xf32, #tpu.memory_space<vmem>>, vector<1x16xf32>,
          %get3A_474 = arith.index_cast %add3A_422 : i32 to index
          %get3A_475 = arith.constant 48 : index
          %get3A_476 = tpu.vector_load %arg14[%get3A_474, %get3A_475] {strides = array<i32>} : memref<128x64xf32, #tpu.memory_space<vmem>>, vector<1x16xf32>,
          %get3A_477 = vector.shape_cast %get3A_476 : vector<1x16xf32> to vector<16xf32>
          %get3A_478 = arith.index_cast %add3A_422 : i32 to index
          %get3A_479 = arith.constant 48 : index
          %get3A_480 = tpu.vector_load %arg11[%get3A_478, %get3A_479] {strides = array<i32>} : memref<128x64xf32, #tpu.memory_space<vmem>>, vector<1x16xf32>,
          %get3A_481 = vector.shape_cast %get3A_480 : vector<1x16xf32> to vector<16xf32>
          %add3A_482 = arith.addf %get3A_477, %get3A_481 : vector<16xf32>
          %max3A_483 = arith.constant 0.000000e+00 : f32
          %max3A_484 = vector.broadcast %max3A_483 : f32 to vector<16xf32>
          %max3A_485 = arith.maximumf %add3A_482, %max3A_484 : vector<16xf32>
          %swap3A_486 = arith.index_cast %add3A_422 : i32 to index
          %swap3A_487 = arith.constant 48 : index
          %swap3A_488 = tpu.vector_load %arg14[%swap3A_486, %swap3A_487] {strides = array<i32>} : memref<128x64xf32, #tpu.memory_space<vmem>>, vector<1x16xf32>,
          %swap3A_489 = vector.shape_cast %swap3A_488 : vector<1x16xf32> to vector<16xf32>
          %swap3A_490 = vector.shape_cast %max3A_485 : vector<16xf32> to vector<1x16xf32>
          tpu.vector_store %arg14[%swap3A_486, %swap3A_487], %swap3A_490 {strides = array<i32>} : memref<128x64xf32, #tpu.memory_space<vmem>>, vector<1x16xf32>,
          %mul3A_491 = arith.constant 4 : i32
          %mul3A_492 = arith.muli %scan3A_275, %mul3A_491 : i32
          %add3A_493 = arith.constant 3 : i32
          %add3A_494 = arith.addi %mul3A_492, %add3A_493 : i32
          %get3A_495 = arith.index_cast %add3A_494 : i32 to index
          %get3A_496 = arith.constant 0 : index
          %get3A_497 = tpu.vector_load %arg14[%get3A_495, %get3A_496] {strides = array<i32>} : memref<128x64xf32, #tpu.memory_space<vmem>>, vector<1x16xf32>,
          %get3A_498 = vector.shape_cast %get3A_497 : vector<1x16xf32> to vector<16xf32>
          %get3A_499 = arith.index_cast %add3A_494 : i32 to index
          %get3A_500 = arith.constant 0 : index
          %get3A_501 = tpu.vector_load %arg11[%get3A_499, %get3A_500] {strides = array<i32>} : memref<128x64xf32, #tpu.memory_space<vmem>>, vector<1x16xf32>,
          %get3A_502 = vector.shape_cast %get3A_501 : vector<1x16xf32> to vector<16xf32>
          %add3A_503 = arith.addf %get3A_498, %get3A_502 : vector<16xf32>
          %max3A_504 = arith.constant 0.000000e+00 : f32
          %max3A_505 = vector.broadcast %max3A_504 : f32 to vector<16xf32>
          %max3A_506 = arith.maximumf %add3A_503, %max3A_505 : vector<16xf32>
          %swap3A_507 = arith.index_cast %add3A_494 : i32 to index
          %swap3A_508 = arith.constant 0 : index
          %swap3A_509 = tpu.vector_load %arg14[%swap3A_507, %swap3A_508] {strides = array<i32>} : memref<128x64xf32, #tpu.memory_space<vmem>>, vector<1x16xf32>,
          %swap3A_510 = vector.shape_cast %swap3A_509 : vector<1x16xf32> to vector<16xf32>
          %swap3A_511 = vector.shape_cast %max3A_506 : vector<16xf32> to vector<1x16xf32>
          tpu.vector_store %arg14[%swap3A_507, %swap3A_508], %swap3A_511 {strides = array<i32>} : memref<128x64xf32, #tpu.memory_space<vmem>>, vector<1x16xf32>,
          %get3A_512 = arith.index_cast %add3A_494 : i32 to index
          %get3A_513 = arith.constant 16 : index
          %get3A_514 = tpu.vector_load %arg14[%get3A_512, %get3A_513] {strides = array<i32>} : memref<128x64xf32, #tpu.memory_space<vmem>>, vector<1x16xf32>,
          %get3A_515 = vector.shape_cast %get3A_514 : vector<1x16xf32> to vector<16xf32>
          %get3A_516 = arith.index_cast %add3A_494 : i32 to index
          %get3A_517 = arith.constant 16 : index
          %get3A_518 = tpu.vector_load %arg11[%get3A_516, %get3A_517] {strides = array<i32>} : memref<128x64xf32, #tpu.memory_space<vmem>>, vector<1x16xf32>,
          %get3A_519 = vector.shape_cast %get3A_518 : vector<1x16xf32> to vector<16xf32>
          %add3A_520 = arith.addf %get3A_515, %get3A_519 : vector<16xf32>
          %max3A_521 = arith.constant 0.000000e+00 : f32
          %max3A_522 = vector.broadcast %max3A_521 : f32 to vector<16xf32>
          %max3A_523 = arith.maximumf %add3A_520, %max3A_522 : vector<16xf32>
          %swap3A_524 = arith.index_cast %add3A_494 : i32 to index
          %swap3A_525 = arith.constant 16 : index
          %swap3A_526 = tpu.vector_load %arg14[%swap3A_524, %swap3A_525] {strides = array<i32>} : memref<128x64xf32, #tpu.memory_space<vmem>>, vector<1x16xf32>,
          %swap3A_527 = vector.shape_cast %swap3A_526 : vector<1x16xf32> to vector<16xf32>
          %swap3A_528 = vector.shape_cast %max3A_523 : vector<16xf32> to vector<1x16xf32>
          tpu.vector_store %arg14[%swap3A_524, %swap3A_525], %swap3A_528 {strides = array<i32>} : memref<128x64xf32, #tpu.memory_space<vmem>>, vector<1x16xf32>,
          %get3A_529 = arith.index_cast %add3A_494 : i32 to index
          %get3A_530 = arith.constant 32 : index
          %get3A_531 = tpu.vector_load %arg14[%get3A_529, %get3A_530] {strides = array<i32>} : memref<128x64xf32, #tpu.memory_space<vmem>>, vector<1x16xf32>,
          %get3A_532 = vector.shape_cast %get3A_531 : vector<1x16xf32> to vector<16xf32>
          %get3A_533 = arith.index_cast %add3A_494 : i32 to index
          %get3A_534 = arith.constant 32 : index
          %get3A_535 = tpu.vector_load %arg11[%get3A_533, %get3A_534] {strides = array<i32>} : memref<128x64xf32, #tpu.memory_space<vmem>>, vector<1x16xf32>,
          %get3A_536 = vector.shape_cast %get3A_535 : vector<1x16xf32> to vector<16xf32>
          %add3A_537 = arith.addf %get3A_532, %get3A_536 : vector<16xf32>
          %max3A_538 = arith.constant 0.000000e+00 : f32
          %max3A_539 = vector.broadcast %max3A_538 : f32 to vector<16xf32>
          %max3A_540 = arith.maximumf %add3A_537, %max3A_539 : vector<16xf32>
          %swap3A_541 = arith.index_cast %add3A_494 : i32 to index
          %swap3A_542 = arith.constant 32 : index
          %swap3A_543 = tpu.vector_load %arg14[%swap3A_541, %swap3A_542] {strides = array<i32>} : memref<128x64xf32, #tpu.memory_space<vmem>>, vector<1x16xf32>,
          %swap3A_544 = vector.shape_cast %swap3A_543 : vector<1x16xf32> to vector<16xf32>
          %swap3A_545 = vector.shape_cast %max3A_540 : vector<16xf32> to vector<1x16xf32>
          tpu.vector_store %arg14[%swap3A_541, %swap3A_542], %swap3A_545 {strides = array<i32>} : memref<128x64xf32, #tpu.memory_space<vmem>>, vector<1x16xf32>,
          %get3A_546 = arith.index_cast %add3A_494 : i32 to index
          %get3A_547 = arith.constant 48 : index
          %get3A_548 = tpu.vector_load %arg14[%get3A_546, %get3A_547] {strides = array<i32>} : memref<128x64xf32, #tpu.memory_space<vmem>>, vector<1x16xf32>,
          %get3A_549 = vector.shape_cast %get3A_548 : vector<1x16xf32> to vector<16xf32>
          %get3A_550 = arith.index_cast %add3A_494 : i32 to index
          %get3A_551 = arith.constant 48 : index
          %get3A_552 = tpu.vector_load %arg11[%get3A_550, %get3A_551] {strides = array<i32>} : memref<128x64xf32, #tpu.memory_space<vmem>>, vector<1x16xf32>,
          %get3A_553 = vector.shape_cast %get3A_552 : vector<1x16xf32> to vector<16xf32>
          %add3A_554 = arith.addf %get3A_549, %get3A_553 : vector<16xf32>
          %max3A_555 = arith.constant 0.000000e+00 : f32
          %max3A_556 = vector.broadcast %max3A_555 : f32 to vector<16xf32>
          %max3A_557 = arith.maximumf %add3A_554, %max3A_556 : vector<16xf32>
          %swap3A_558 = arith.index_cast %add3A_494 : i32 to index
          %swap3A_559 = arith.constant 48 : index
          %swap3A_560 = tpu.vector_load %arg14[%swap3A_558, %swap3A_559] {strides = array<i32>} : memref<128x64xf32, #tpu.memory_space<vmem>>, vector<1x16xf32>,
          %swap3A_561 = vector.shape_cast %swap3A_560 : vector<1x16xf32> to vector<16xf32>
          %swap3A_562 = vector.shape_cast %max3A_557 : vector<16xf32> to vector<1x16xf32>
          tpu.vector_store %arg14[%swap3A_558, %swap3A_559], %swap3A_562 {strides = array<i32>} : memref<128x64xf32, #tpu.memory_space<vmem>>, vector<1x16xf32>,
          %scan3A_563 = arith.constant 0 : i32
          scf.yield %scan3A_563 : i32
        }
        %scan3A_274 = arith.constant 32 : i32
        "tpu.region"() ({
          %run_scoped3A = tpu.sem_alloc : memref<!tpu.dma_semaphore, #tpu.memory_space<semaphore_mem>>
          %dma_start3A_275 = arith.constant 0 : i32
          %dma_start3A_276 = tpu.memref_slice %arg10[%mul3A_208, %dma_start3A_275] : memref<79x128xi32, #tpu.memory_space<vmem>> -> memref<1x128xi32, #tpu.memory_space<vmem>>
          %dma_start3A_277 = tpu.memref_squeeze %dma_start3A_276 : memref<1x128xi32, #tpu.memory_space<vmem>> -> memref<128xi32, #tpu.memory_space<vmem>>
          %dma_start3A_278 = arith.constant 0 : i32
          %dma_start3A_279 = arith.constant 0 : i32
          %dma_start3A_280 = tpu.memref_slice %arg20[%dma_start3A_278, %dma_start3A_279] : memref<10240x64xf32, #tpu.memory_space<vmem_shared>> -> memref<10240x64xf32, #tpu.memory_space<vmem_shared>>
          tpu.enqueue_indirect_dma source(%arg14 : memref<128x64xf32, #tpu.memory_space<vmem>>) target(%dma_start3A_280 : memref<10240x64xf32, #tpu.memory_space<vmem_shared>>) offsets(%dma_start3A_277 : memref<128xi32, #tpu.memory_space<vmem>>) semaphore(%run_scoped3A : memref<!tpu.dma_semaphore, #tpu.memory_space<semaphore_mem>>) {add = true}
          %dma_wait3A_281 = arith.constant 0 : i32
          %dma_wait3A_282 = tpu.memref_slice %arg10[%mul3A_208, %dma_wait3A_281] : memref<79x128xi32, #tpu.memory_space<vmem>> -> memref<1x128xi32, #tpu.memory_space<vmem>>
          %dma_wait3A_283 = tpu.memref_squeeze %dma_wait3A_282 : memref<1x128xi32, #tpu.memory_space<vmem>> -> memref<128xi32, #tpu.memory_space<vmem>>
          %dma_wait3A_284 = arith.constant 0 : i32
          %dma_wait3A_285 = arith.constant 0 : i32
          %dma_wait3A_286 = tpu.memref_slice %arg20[%dma_wait3A_284, %dma_wait3A_285] : memref<10240x64xf32, #tpu.memory_space<vmem_shared>> -> memref<10240x64xf32, #tpu.memory_space<vmem_shared>>
          tpu.wait_indirect_dma semaphore(%run_scoped3A : memref<!tpu.dma_semaphore, #tpu.memory_space<semaphore_mem>>) src(%arg14 : memref<128x64xf32, #tpu.memory_space<vmem>>) dst(%dma_wait3A_286 : memref<10240x64xf32, #tpu.memory_space<vmem_shared>>)
          tpu.yield
        }) : () -> ()
      } else {
      }
      %add3A_213 = arith.constant 3 : i32
      %add3A_214 = arith.addi %mul3A_208, %add3A_213 : i32
      %lt3A_215 = arith.cmpi slt, %add3A_214, %add3A_6 : i32
      %convert_element_type3A_216 = arith.extui %lt3A_215 : i1 to i32
      %cond3A_217 = arith.constant 0 : i32
      %cond3A_218 = arith.cmpi ne, %convert_element_type3A_216, %cond3A_217 : i32
      scf.if %cond3A_218 {
        %mul3A_262 = arith.constant 160000 : i32
        %mul3A_263 = arith.muli %add3A_142, %mul3A_262 : i32
        %add3A_264 = arith.addi %add3A, %add3A_214 : i32
        %mul3A_265 = arith.constant 128 : i32
        %mul3A_266 = arith.muli %add3A_264, %mul3A_265 : i32
        %add3A_267 = arith.addi %mul3A_263, %mul3A_266 : i32
        %dma_start3A_268 = arith.constant 0 : i32
        %dma_start3A_269 = tpu.memref_slice %arg3[%add3A_267, %dma_start3A_268] : memref<640000x64xf32, #tpu.memory_space<hbm>> -> memref<128x64xf32, #tpu.memory_space<hbm>>
        %dma_start3A_270 = arith.constant 0 : i32
        %dma_start3A_271 = tpu.memref_slice %arg3[%add3A_267, %dma_start3A_270] : memref<640000x64xf32, #tpu.memory_space<hbm>> -> memref<128x64xf32, #tpu.memory_space<hbm>>
        tpu.enqueue_dma source(%dma_start3A_271 : memref<128x64xf32, #tpu.memory_space<hbm>>) target(%arg11 : memref<128x64xf32, #tpu.memory_space<vmem>>) target_semaphore(%arg22 : memref<!tpu.dma_semaphore, #tpu.memory_space<semaphore_mem>>)
      } else {
      }
      %add3A_219 = arith.constant 2 : i32
      %add3A_220 = arith.addi %mul3A_208, %add3A_219 : i32
      %lt3A_221 = arith.cmpi slt, %add3A_220, %add3A_6 : i32
      %convert_element_type3A_222 = arith.extui %lt3A_221 : i1 to i32
      %cond3A_223 = arith.constant 0 : i32
      %cond3A_224 = arith.cmpi ne, %convert_element_type3A_222, %cond3A_223 : i32
      scf.if %cond3A_224 {
        %dma_wait3A_262 = arith.constant 0 : i32
        %dma_wait3A_263 = arith.constant 0 : i32
        %dma_wait3A_264 = tpu.memref_slice %arg3[%dma_wait3A_262, %dma_wait3A_263] : memref<640000x64xf32, #tpu.memory_space<hbm>> -> memref<128x64xf32, #tpu.memory_space<hbm>>
        %dma_wait3A_265 = arith.constant 0 : i32
        %dma_wait3A_266 = arith.constant 0 : i32
        %dma_wait3A_267 = tpu.memref_slice %arg3[%dma_wait3A_265, %dma_wait3A_266] : memref<640000x64xf32, #tpu.memory_space<hbm>> -> memref<128x64xf32, #tpu.memory_space<hbm>>
        tpu.wait_dma2 semaphore(%arg24 : memref<!tpu.dma_semaphore, #tpu.memory_space<semaphore_mem>>) src(%dma_wait3A_267 : memref<128x64xf32, #tpu.memory_space<hbm>>) dst(%arg13 : memref<128x64xf32, #tpu.memory_space<vmem>>)
        %scan3A_268 = arith.constant 0 : i32
        %scan3A_269 = arith.constant 0 : i32
        %scan3A_270 = arith.constant 8 : i32
        %scan3A_271 = arith.addi %scan3A_269, %scan3A_270 : i32
        %scan3A_272 = arith.constant 1 : i32
        %scan3A_273 = scf.for %scan3A_281 = %scan3A_269 to %scan3A_271 step %scan3A_272 iter_args(%scan3A_282 = %scan3A_268) -> (i32)  : i32 {
          %mul3A_283 = arith.constant 16 : i32
          %mul3A_284 = arith.muli %scan3A_281, %mul3A_283 : i32
          %get3A_285 = arith.index_cast %add3A_220 : i32 to index
          %get3A_286 = arith.index_cast %mul3A_284 : i32 to index
          %get3A_287 = tpu.vector_load %arg9[%get3A_285, %get3A_286] {strides = array<i32>} : memref<79x128xi32, #tpu.memory_space<vmem>>, vector<1x16xi32>,
          %get3A_288 = vector.shape_cast %get3A_287 : vector<1x16xi32> to vector<16xi32>
          %add3A_289 = arith.constant 10000 : i32
          %add3A_290 = vector.broadcast %add3A_289 : i32 to vector<16xi32>
          %add3A_291 = arith.addi %get3A_288, %add3A_290 : vector<16xi32>
          %swap3A = arith.index_cast %add3A_220 : i32 to index
          %swap3A_292 = arith.index_cast %mul3A_284 : i32 to index
          %swap3A_293 = tpu.vector_load %arg9[%swap3A, %swap3A_292] {strides = array<i32>} : memref<79x128xi32, #tpu.memory_space<vmem>>, vector<1x16xi32>,
          %swap3A_294 = vector.shape_cast %swap3A_293 : vector<1x16xi32> to vector<16xi32>
          %swap3A_295 = vector.shape_cast %add3A_291 : vector<16xi32> to vector<1x16xi32>
          tpu.vector_store %arg9[%swap3A, %swap3A_292], %swap3A_295 {strides = array<i32>} : memref<79x128xi32, #tpu.memory_space<vmem>>, vector<1x16xi32>,
          %scan3A_296 = arith.constant 0 : i32
          scf.yield %scan3A_296 : i32
        }
        %scan3A_274 = arith.constant 8 : i32
        %dma_start3A_275 = arith.constant 0 : i32
        %dma_start3A_276 = tpu.memref_slice %arg9[%add3A_220, %dma_start3A_275] : memref<79x128xi32, #tpu.memory_space<vmem>> -> memref<1x128xi32, #tpu.memory_space<vmem>>
        %dma_start3A_277 = tpu.memref_squeeze %dma_start3A_276 : memref<1x128xi32, #tpu.memory_space<vmem>> -> memref<128xi32, #tpu.memory_space<vmem>>
        %dma_start3A_278 = arith.constant 0 : i32
        %dma_start3A_279 = arith.constant 0 : i32
        %dma_start3A_280 = tpu.memref_slice %arg2[%dma_start3A_278, %dma_start3A_279] : memref<40000x64xf32, #tpu.memory_space<hbm>> -> memref<40000x64xf32, #tpu.memory_space<hbm>>
        tpu.enqueue_indirect_dma source(%dma_start3A_280 : memref<40000x64xf32, #tpu.memory_space<hbm>>) target(%arg16 : memref<128x64xf32, #tpu.memory_space<vmem>>) offsets(%dma_start3A_277 : memref<128xi32, #tpu.memory_space<vmem>>) semaphore(%arg27 : memref<!tpu.dma_semaphore, #tpu.memory_space<semaphore_mem>>)
      } else {
      }
      %add3A_225 = arith.constant 1 : i32
      %add3A_226 = arith.addi %mul3A_208, %add3A_225 : i32
      %lt3A_227 = arith.cmpi slt, %add3A_226, %add3A_6 : i32
      %convert_element_type3A_228 = arith.extui %lt3A_227 : i1 to i32
      %cond3A_229 = arith.constant 0 : i32
      %cond3A_230 = arith.cmpi ne, %convert_element_type3A_228, %cond3A_229 : i32
      scf.if %cond3A_230 {
        %dma_wait3A_262 = arith.constant 0 : i32
        %dma_wait3A_263 = tpu.memref_slice %arg9[%add3A_226, %dma_wait3A_262] : memref<79x128xi32, #tpu.memory_space<vmem>> -> memref<1x128xi32, #tpu.memory_space<vmem>>
        %dma_wait3A_264 = tpu.memref_squeeze %dma_wait3A_263 : memref<1x128xi32, #tpu.memory_space<vmem>> -> memref<128xi32, #tpu.memory_space<vmem>>
        %dma_wait3A_265 = arith.constant 0 : i32
        %dma_wait3A_266 = arith.constant 0 : i32
        %dma_wait3A_267 = tpu.memref_slice %arg2[%dma_wait3A_265, %dma_wait3A_266] : memref<40000x64xf32, #tpu.memory_space<hbm>> -> memref<40000x64xf32, #tpu.memory_space<hbm>>
        tpu.wait_indirect_dma semaphore(%arg26 : memref<!tpu.dma_semaphore, #tpu.memory_space<semaphore_mem>>) src(%dma_wait3A_267 : memref<40000x64xf32, #tpu.memory_space<hbm>>) dst(%arg15 : memref<128x64xf32, #tpu.memory_space<vmem>>)
        %scan3A_268 = arith.constant 0 : i32
        %scan3A_269 = arith.constant 0 : i32
        %scan3A_270 = arith.constant 32 : i32
        %scan3A_271 = arith.addi %scan3A_269, %scan3A_270 : i32
        %scan3A_272 = arith.constant 1 : i32
        %scan3A_273 = scf.for %scan3A_275 = %scan3A_269 to %scan3A_271 step %scan3A_272 iter_args(%scan3A_276 = %scan3A_268) -> (i32)  : i32 {
          %mul3A_277 = arith.constant 4 : i32
          %mul3A_278 = arith.muli %scan3A_275, %mul3A_277 : i32
          %add3A_279 = arith.constant 0 : i32
          %add3A_280 = arith.addi %mul3A_278, %add3A_279 : i32
          %get3A_281 = arith.index_cast %add3A_280 : i32 to index
          %get3A_282 = arith.constant 0 : index
          %get3A_283 = tpu.vector_load %arg15[%get3A_281, %get3A_282] {strides = array<i32>} : memref<128x64xf32, #tpu.memory_space<vmem>>, vector<1x16xf32>,
          %get3A_284 = vector.shape_cast %get3A_283 : vector<1x16xf32> to vector<16xf32>
          %get3A_285 = arith.index_cast %add3A_280 : i32 to index
          %get3A_286 = arith.constant 0 : index
          %get3A_287 = tpu.vector_load %arg12[%get3A_285, %get3A_286] {strides = array<i32>} : memref<128x64xf32, #tpu.memory_space<vmem>>, vector<1x16xf32>,
          %get3A_288 = vector.shape_cast %get3A_287 : vector<1x16xf32> to vector<16xf32>
          %add3A_289 = arith.addf %get3A_284, %get3A_288 : vector<16xf32>
          %max3A = arith.constant 0.000000e+00 : f32
          %max3A_290 = vector.broadcast %max3A : f32 to vector<16xf32>
          %max3A_291 = arith.maximumf %add3A_289, %max3A_290 : vector<16xf32>
          %swap3A = arith.index_cast %add3A_280 : i32 to index
          %swap3A_292 = arith.constant 0 : index
          %swap3A_293 = tpu.vector_load %arg15[%swap3A, %swap3A_292] {strides = array<i32>} : memref<128x64xf32, #tpu.memory_space<vmem>>, vector<1x16xf32>,
          %swap3A_294 = vector.shape_cast %swap3A_293 : vector<1x16xf32> to vector<16xf32>
          %swap3A_295 = vector.shape_cast %max3A_291 : vector<16xf32> to vector<1x16xf32>
          tpu.vector_store %arg15[%swap3A, %swap3A_292], %swap3A_295 {strides = array<i32>} : memref<128x64xf32, #tpu.memory_space<vmem>>, vector<1x16xf32>,
          %get3A_296 = arith.index_cast %add3A_280 : i32 to index
          %get3A_297 = arith.constant 16 : index
          %get3A_298 = tpu.vector_load %arg15[%get3A_296, %get3A_297] {strides = array<i32>} : memref<128x64xf32, #tpu.memory_space<vmem>>, vector<1x16xf32>,
          %get3A_299 = vector.shape_cast %get3A_298 : vector<1x16xf32> to vector<16xf32>
          %get3A_300 = arith.index_cast %add3A_280 : i32 to index
          %get3A_301 = arith.constant 16 : index
          %get3A_302 = tpu.vector_load %arg12[%get3A_300, %get3A_301] {strides = array<i32>} : memref<128x64xf32, #tpu.memory_space<vmem>>, vector<1x16xf32>,
          %get3A_303 = vector.shape_cast %get3A_302 : vector<1x16xf32> to vector<16xf32>
          %add3A_304 = arith.addf %get3A_299, %get3A_303 : vector<16xf32>
          %max3A_305 = arith.constant 0.000000e+00 : f32
          %max3A_306 = vector.broadcast %max3A_305 : f32 to vector<16xf32>
          %max3A_307 = arith.maximumf %add3A_304, %max3A_306 : vector<16xf32>
          %swap3A_308 = arith.index_cast %add3A_280 : i32 to index
          %swap3A_309 = arith.constant 16 : index
          %swap3A_310 = tpu.vector_load %arg15[%swap3A_308, %swap3A_309] {strides = array<i32>} : memref<128x64xf32, #tpu.memory_space<vmem>>, vector<1x16xf32>,
          %swap3A_311 = vector.shape_cast %swap3A_310 : vector<1x16xf32> to vector<16xf32>
          %swap3A_312 = vector.shape_cast %max3A_307 : vector<16xf32> to vector<1x16xf32>
          tpu.vector_store %arg15[%swap3A_308, %swap3A_309], %swap3A_312 {strides = array<i32>} : memref<128x64xf32, #tpu.memory_space<vmem>>, vector<1x16xf32>,
          %get3A_313 = arith.index_cast %add3A_280 : i32 to index
          %get3A_314 = arith.constant 32 : index
          %get3A_315 = tpu.vector_load %arg15[%get3A_313, %get3A_314] {strides = array<i32>} : memref<128x64xf32, #tpu.memory_space<vmem>>, vector<1x16xf32>,
          %get3A_316 = vector.shape_cast %get3A_315 : vector<1x16xf32> to vector<16xf32>
          %get3A_317 = arith.index_cast %add3A_280 : i32 to index
          %get3A_318 = arith.constant 32 : index
          %get3A_319 = tpu.vector_load %arg12[%get3A_317, %get3A_318] {strides = array<i32>} : memref<128x64xf32, #tpu.memory_space<vmem>>, vector<1x16xf32>,
          %get3A_320 = vector.shape_cast %get3A_319 : vector<1x16xf32> to vector<16xf32>
          %add3A_321 = arith.addf %get3A_316, %get3A_320 : vector<16xf32>
          %max3A_322 = arith.constant 0.000000e+00 : f32
          %max3A_323 = vector.broadcast %max3A_322 : f32 to vector<16xf32>
          %max3A_324 = arith.maximumf %add3A_321, %max3A_323 : vector<16xf32>
          %swap3A_325 = arith.index_cast %add3A_280 : i32 to index
          %swap3A_326 = arith.constant 32 : index
          %swap3A_327 = tpu.vector_load %arg15[%swap3A_325, %swap3A_326] {strides = array<i32>} : memref<128x64xf32, #tpu.memory_space<vmem>>, vector<1x16xf32>,
          %swap3A_328 = vector.shape_cast %swap3A_327 : vector<1x16xf32> to vector<16xf32>
          %swap3A_329 = vector.shape_cast %max3A_324 : vector<16xf32> to vector<1x16xf32>
          tpu.vector_store %arg15[%swap3A_325, %swap3A_326], %swap3A_329 {strides = array<i32>} : memref<128x64xf32, #tpu.memory_space<vmem>>, vector<1x16xf32>,
          %get3A_330 = arith.index_cast %add3A_280 : i32 to index
          %get3A_331 = arith.constant 48 : index
          %get3A_332 = tpu.vector_load %arg15[%get3A_330, %get3A_331] {strides = array<i32>} : memref<128x64xf32, #tpu.memory_space<vmem>>, vector<1x16xf32>,
          %get3A_333 = vector.shape_cast %get3A_332 : vector<1x16xf32> to vector<16xf32>
          %get3A_334 = arith.index_cast %add3A_280 : i32 to index
          %get3A_335 = arith.constant 48 : index
          %get3A_336 = tpu.vector_load %arg12[%get3A_334, %get3A_335] {strides = array<i32>} : memref<128x64xf32, #tpu.memory_space<vmem>>, vector<1x16xf32>,
          %get3A_337 = vector.shape_cast %get3A_336 : vector<1x16xf32> to vector<16xf32>
          %add3A_338 = arith.addf %get3A_333, %get3A_337 : vector<16xf32>
          %max3A_339 = arith.constant 0.000000e+00 : f32
          %max3A_340 = vector.broadcast %max3A_339 : f32 to vector<16xf32>
          %max3A_341 = arith.maximumf %add3A_338, %max3A_340 : vector<16xf32>
          %swap3A_342 = arith.index_cast %add3A_280 : i32 to index
          %swap3A_343 = arith.constant 48 : index
          %swap3A_344 = tpu.vector_load %arg15[%swap3A_342, %swap3A_343] {strides = array<i32>} : memref<128x64xf32, #tpu.memory_space<vmem>>, vector<1x16xf32>,
          %swap3A_345 = vector.shape_cast %swap3A_344 : vector<1x16xf32> to vector<16xf32>
          %swap3A_346 = vector.shape_cast %max3A_341 : vector<16xf32> to vector<1x16xf32>
          tpu.vector_store %arg15[%swap3A_342, %swap3A_343], %swap3A_346 {strides = array<i32>} : memref<128x64xf32, #tpu.memory_space<vmem>>, vector<1x16xf32>,
          %mul3A_347 = arith.constant 4 : i32
          %mul3A_348 = arith.muli %scan3A_275, %mul3A_347 : i32
          %add3A_349 = arith.constant 1 : i32
          %add3A_350 = arith.addi %mul3A_348, %add3A_349 : i32
          %get3A_351 = arith.index_cast %add3A_350 : i32 to index
          %get3A_352 = arith.constant 0 : index
          %get3A_353 = tpu.vector_load %arg15[%get3A_351, %get3A_352] {strides = array<i32>} : memref<128x64xf32, #tpu.memory_space<vmem>>, vector<1x16xf32>,
          %get3A_354 = vector.shape_cast %get3A_353 : vector<1x16xf32> to vector<16xf32>
          %get3A_355 = arith.index_cast %add3A_350 : i32 to index
          %get3A_356 = arith.constant 0 : index
          %get3A_357 = tpu.vector_load %arg12[%get3A_355, %get3A_356] {strides = array<i32>} : memref<128x64xf32, #tpu.memory_space<vmem>>, vector<1x16xf32>,
          %get3A_358 = vector.shape_cast %get3A_357 : vector<1x16xf32> to vector<16xf32>
          %add3A_359 = arith.addf %get3A_354, %get3A_358 : vector<16xf32>
          %max3A_360 = arith.constant 0.000000e+00 : f32
          %max3A_361 = vector.broadcast %max3A_360 : f32 to vector<16xf32>
          %max3A_362 = arith.maximumf %add3A_359, %max3A_361 : vector<16xf32>
          %swap3A_363 = arith.index_cast %add3A_350 : i32 to index
          %swap3A_364 = arith.constant 0 : index
          %swap3A_365 = tpu.vector_load %arg15[%swap3A_363, %swap3A_364] {strides = array<i32>} : memref<128x64xf32, #tpu.memory_space<vmem>>, vector<1x16xf32>,
          %swap3A_366 = vector.shape_cast %swap3A_365 : vector<1x16xf32> to vector<16xf32>
          %swap3A_367 = vector.shape_cast %max3A_362 : vector<16xf32> to vector<1x16xf32>
          tpu.vector_store %arg15[%swap3A_363, %swap3A_364], %swap3A_367 {strides = array<i32>} : memref<128x64xf32, #tpu.memory_space<vmem>>, vector<1x16xf32>,
          %get3A_368 = arith.index_cast %add3A_350 : i32 to index
          %get3A_369 = arith.constant 16 : index
          %get3A_370 = tpu.vector_load %arg15[%get3A_368, %get3A_369] {strides = array<i32>} : memref<128x64xf32, #tpu.memory_space<vmem>>, vector<1x16xf32>,
          %get3A_371 = vector.shape_cast %get3A_370 : vector<1x16xf32> to vector<16xf32>
          %get3A_372 = arith.index_cast %add3A_350 : i32 to index
          %get3A_373 = arith.constant 16 : index
          %get3A_374 = tpu.vector_load %arg12[%get3A_372, %get3A_373] {strides = array<i32>} : memref<128x64xf32, #tpu.memory_space<vmem>>, vector<1x16xf32>,
          %get3A_375 = vector.shape_cast %get3A_374 : vector<1x16xf32> to vector<16xf32>
          %add3A_376 = arith.addf %get3A_371, %get3A_375 : vector<16xf32>
          %max3A_377 = arith.constant 0.000000e+00 : f32
          %max3A_378 = vector.broadcast %max3A_377 : f32 to vector<16xf32>
          %max3A_379 = arith.maximumf %add3A_376, %max3A_378 : vector<16xf32>
          %swap3A_380 = arith.index_cast %add3A_350 : i32 to index
          %swap3A_381 = arith.constant 16 : index
          %swap3A_382 = tpu.vector_load %arg15[%swap3A_380, %swap3A_381] {strides = array<i32>} : memref<128x64xf32, #tpu.memory_space<vmem>>, vector<1x16xf32>,
          %swap3A_383 = vector.shape_cast %swap3A_382 : vector<1x16xf32> to vector<16xf32>
          %swap3A_384 = vector.shape_cast %max3A_379 : vector<16xf32> to vector<1x16xf32>
          tpu.vector_store %arg15[%swap3A_380, %swap3A_381], %swap3A_384 {strides = array<i32>} : memref<128x64xf32, #tpu.memory_space<vmem>>, vector<1x16xf32>,
          %get3A_385 = arith.index_cast %add3A_350 : i32 to index
          %get3A_386 = arith.constant 32 : index
          %get3A_387 = tpu.vector_load %arg15[%get3A_385, %get3A_386] {strides = array<i32>} : memref<128x64xf32, #tpu.memory_space<vmem>>, vector<1x16xf32>,
          %get3A_388 = vector.shape_cast %get3A_387 : vector<1x16xf32> to vector<16xf32>
          %get3A_389 = arith.index_cast %add3A_350 : i32 to index
          %get3A_390 = arith.constant 32 : index
          %get3A_391 = tpu.vector_load %arg12[%get3A_389, %get3A_390] {strides = array<i32>} : memref<128x64xf32, #tpu.memory_space<vmem>>, vector<1x16xf32>,
          %get3A_392 = vector.shape_cast %get3A_391 : vector<1x16xf32> to vector<16xf32>
          %add3A_393 = arith.addf %get3A_388, %get3A_392 : vector<16xf32>
          %max3A_394 = arith.constant 0.000000e+00 : f32
          %max3A_395 = vector.broadcast %max3A_394 : f32 to vector<16xf32>
          %max3A_396 = arith.maximumf %add3A_393, %max3A_395 : vector<16xf32>
          %swap3A_397 = arith.index_cast %add3A_350 : i32 to index
          %swap3A_398 = arith.constant 32 : index
          %swap3A_399 = tpu.vector_load %arg15[%swap3A_397, %swap3A_398] {strides = array<i32>} : memref<128x64xf32, #tpu.memory_space<vmem>>, vector<1x16xf32>,
          %swap3A_400 = vector.shape_cast %swap3A_399 : vector<1x16xf32> to vector<16xf32>
          %swap3A_401 = vector.shape_cast %max3A_396 : vector<16xf32> to vector<1x16xf32>
          tpu.vector_store %arg15[%swap3A_397, %swap3A_398], %swap3A_401 {strides = array<i32>} : memref<128x64xf32, #tpu.memory_space<vmem>>, vector<1x16xf32>,
          %get3A_402 = arith.index_cast %add3A_350 : i32 to index
          %get3A_403 = arith.constant 48 : index
          %get3A_404 = tpu.vector_load %arg15[%get3A_402, %get3A_403] {strides = array<i32>} : memref<128x64xf32, #tpu.memory_space<vmem>>, vector<1x16xf32>,
          %get3A_405 = vector.shape_cast %get3A_404 : vector<1x16xf32> to vector<16xf32>
          %get3A_406 = arith.index_cast %add3A_350 : i32 to index
          %get3A_407 = arith.constant 48 : index
          %get3A_408 = tpu.vector_load %arg12[%get3A_406, %get3A_407] {strides = array<i32>} : memref<128x64xf32, #tpu.memory_space<vmem>>, vector<1x16xf32>,
          %get3A_409 = vector.shape_cast %get3A_408 : vector<1x16xf32> to vector<16xf32>
          %add3A_410 = arith.addf %get3A_405, %get3A_409 : vector<16xf32>
          %max3A_411 = arith.constant 0.000000e+00 : f32
          %max3A_412 = vector.broadcast %max3A_411 : f32 to vector<16xf32>
          %max3A_413 = arith.maximumf %add3A_410, %max3A_412 : vector<16xf32>
          %swap3A_414 = arith.index_cast %add3A_350 : i32 to index
          %swap3A_415 = arith.constant 48 : index
          %swap3A_416 = tpu.vector_load %arg15[%swap3A_414, %swap3A_415] {strides = array<i32>} : memref<128x64xf32, #tpu.memory_space<vmem>>, vector<1x16xf32>,
          %swap3A_417 = vector.shape_cast %swap3A_416 : vector<1x16xf32> to vector<16xf32>
          %swap3A_418 = vector.shape_cast %max3A_413 : vector<16xf32> to vector<1x16xf32>
          tpu.vector_store %arg15[%swap3A_414, %swap3A_415], %swap3A_418 {strides = array<i32>} : memref<128x64xf32, #tpu.memory_space<vmem>>, vector<1x16xf32>,
          %mul3A_419 = arith.constant 4 : i32
          %mul3A_420 = arith.muli %scan3A_275, %mul3A_419 : i32
          %add3A_421 = arith.constant 2 : i32
          %add3A_422 = arith.addi %mul3A_420, %add3A_421 : i32
          %get3A_423 = arith.index_cast %add3A_422 : i32 to index
          %get3A_424 = arith.constant 0 : index
          %get3A_425 = tpu.vector_load %arg15[%get3A_423, %get3A_424] {strides = array<i32>} : memref<128x64xf32, #tpu.memory_space<vmem>>, vector<1x16xf32>,
          %get3A_426 = vector.shape_cast %get3A_425 : vector<1x16xf32> to vector<16xf32>
          %get3A_427 = arith.index_cast %add3A_422 : i32 to index
          %get3A_428 = arith.constant 0 : index
          %get3A_429 = tpu.vector_load %arg12[%get3A_427, %get3A_428] {strides = array<i32>} : memref<128x64xf32, #tpu.memory_space<vmem>>, vector<1x16xf32>,
          %get3A_430 = vector.shape_cast %get3A_429 : vector<1x16xf32> to vector<16xf32>
          %add3A_431 = arith.addf %get3A_426, %get3A_430 : vector<16xf32>
          %max3A_432 = arith.constant 0.000000e+00 : f32
          %max3A_433 = vector.broadcast %max3A_432 : f32 to vector<16xf32>
          %max3A_434 = arith.maximumf %add3A_431, %max3A_433 : vector<16xf32>
          %swap3A_435 = arith.index_cast %add3A_422 : i32 to index
          %swap3A_436 = arith.constant 0 : index
          %swap3A_437 = tpu.vector_load %arg15[%swap3A_435, %swap3A_436] {strides = array<i32>} : memref<128x64xf32, #tpu.memory_space<vmem>>, vector<1x16xf32>,
          %swap3A_438 = vector.shape_cast %swap3A_437 : vector<1x16xf32> to vector<16xf32>
          %swap3A_439 = vector.shape_cast %max3A_434 : vector<16xf32> to vector<1x16xf32>
          tpu.vector_store %arg15[%swap3A_435, %swap3A_436], %swap3A_439 {strides = array<i32>} : memref<128x64xf32, #tpu.memory_space<vmem>>, vector<1x16xf32>,
          %get3A_440 = arith.index_cast %add3A_422 : i32 to index
          %get3A_441 = arith.constant 16 : index
          %get3A_442 = tpu.vector_load %arg15[%get3A_440, %get3A_441] {strides = array<i32>} : memref<128x64xf32, #tpu.memory_space<vmem>>, vector<1x16xf32>,
          %get3A_443 = vector.shape_cast %get3A_442 : vector<1x16xf32> to vector<16xf32>
          %get3A_444 = arith.index_cast %add3A_422 : i32 to index
          %get3A_445 = arith.constant 16 : index
          %get3A_446 = tpu.vector_load %arg12[%get3A_444, %get3A_445] {strides = array<i32>} : memref<128x64xf32, #tpu.memory_space<vmem>>, vector<1x16xf32>,
          %get3A_447 = vector.shape_cast %get3A_446 : vector<1x16xf32> to vector<16xf32>
          %add3A_448 = arith.addf %get3A_443, %get3A_447 : vector<16xf32>
          %max3A_449 = arith.constant 0.000000e+00 : f32
          %max3A_450 = vector.broadcast %max3A_449 : f32 to vector<16xf32>
          %max3A_451 = arith.maximumf %add3A_448, %max3A_450 : vector<16xf32>
          %swap3A_452 = arith.index_cast %add3A_422 : i32 to index
          %swap3A_453 = arith.constant 16 : index
          %swap3A_454 = tpu.vector_load %arg15[%swap3A_452, %swap3A_453] {strides = array<i32>} : memref<128x64xf32, #tpu.memory_space<vmem>>, vector<1x16xf32>,
          %swap3A_455 = vector.shape_cast %swap3A_454 : vector<1x16xf32> to vector<16xf32>
          %swap3A_456 = vector.shape_cast %max3A_451 : vector<16xf32> to vector<1x16xf32>
          tpu.vector_store %arg15[%swap3A_452, %swap3A_453], %swap3A_456 {strides = array<i32>} : memref<128x64xf32, #tpu.memory_space<vmem>>, vector<1x16xf32>,
          %get3A_457 = arith.index_cast %add3A_422 : i32 to index
          %get3A_458 = arith.constant 32 : index
          %get3A_459 = tpu.vector_load %arg15[%get3A_457, %get3A_458] {strides = array<i32>} : memref<128x64xf32, #tpu.memory_space<vmem>>, vector<1x16xf32>,
          %get3A_460 = vector.shape_cast %get3A_459 : vector<1x16xf32> to vector<16xf32>
          %get3A_461 = arith.index_cast %add3A_422 : i32 to index
          %get3A_462 = arith.constant 32 : index
          %get3A_463 = tpu.vector_load %arg12[%get3A_461, %get3A_462] {strides = array<i32>} : memref<128x64xf32, #tpu.memory_space<vmem>>, vector<1x16xf32>,
          %get3A_464 = vector.shape_cast %get3A_463 : vector<1x16xf32> to vector<16xf32>
          %add3A_465 = arith.addf %get3A_460, %get3A_464 : vector<16xf32>
          %max3A_466 = arith.constant 0.000000e+00 : f32
          %max3A_467 = vector.broadcast %max3A_466 : f32 to vector<16xf32>
          %max3A_468 = arith.maximumf %add3A_465, %max3A_467 : vector<16xf32>
          %swap3A_469 = arith.index_cast %add3A_422 : i32 to index
          %swap3A_470 = arith.constant 32 : index
          %swap3A_471 = tpu.vector_load %arg15[%swap3A_469, %swap3A_470] {strides = array<i32>} : memref<128x64xf32, #tpu.memory_space<vmem>>, vector<1x16xf32>,
          %swap3A_472 = vector.shape_cast %swap3A_471 : vector<1x16xf32> to vector<16xf32>
          %swap3A_473 = vector.shape_cast %max3A_468 : vector<16xf32> to vector<1x16xf32>
          tpu.vector_store %arg15[%swap3A_469, %swap3A_470], %swap3A_473 {strides = array<i32>} : memref<128x64xf32, #tpu.memory_space<vmem>>, vector<1x16xf32>,
          %get3A_474 = arith.index_cast %add3A_422 : i32 to index
          %get3A_475 = arith.constant 48 : index
          %get3A_476 = tpu.vector_load %arg15[%get3A_474, %get3A_475] {strides = array<i32>} : memref<128x64xf32, #tpu.memory_space<vmem>>, vector<1x16xf32>,
          %get3A_477 = vector.shape_cast %get3A_476 : vector<1x16xf32> to vector<16xf32>
          %get3A_478 = arith.index_cast %add3A_422 : i32 to index
          %get3A_479 = arith.constant 48 : index
          %get3A_480 = tpu.vector_load %arg12[%get3A_478, %get3A_479] {strides = array<i32>} : memref<128x64xf32, #tpu.memory_space<vmem>>, vector<1x16xf32>,
          %get3A_481 = vector.shape_cast %get3A_480 : vector<1x16xf32> to vector<16xf32>
          %add3A_482 = arith.addf %get3A_477, %get3A_481 : vector<16xf32>
          %max3A_483 = arith.constant 0.000000e+00 : f32
          %max3A_484 = vector.broadcast %max3A_483 : f32 to vector<16xf32>
          %max3A_485 = arith.maximumf %add3A_482, %max3A_484 : vector<16xf32>
          %swap3A_486 = arith.index_cast %add3A_422 : i32 to index
          %swap3A_487 = arith.constant 48 : index
          %swap3A_488 = tpu.vector_load %arg15[%swap3A_486, %swap3A_487] {strides = array<i32>} : memref<128x64xf32, #tpu.memory_space<vmem>>, vector<1x16xf32>,
          %swap3A_489 = vector.shape_cast %swap3A_488 : vector<1x16xf32> to vector<16xf32>
          %swap3A_490 = vector.shape_cast %max3A_485 : vector<16xf32> to vector<1x16xf32>
          tpu.vector_store %arg15[%swap3A_486, %swap3A_487], %swap3A_490 {strides = array<i32>} : memref<128x64xf32, #tpu.memory_space<vmem>>, vector<1x16xf32>,
          %mul3A_491 = arith.constant 4 : i32
          %mul3A_492 = arith.muli %scan3A_275, %mul3A_491 : i32
          %add3A_493 = arith.constant 3 : i32
          %add3A_494 = arith.addi %mul3A_492, %add3A_493 : i32
          %get3A_495 = arith.index_cast %add3A_494 : i32 to index
          %get3A_496 = arith.constant 0 : index
          %get3A_497 = tpu.vector_load %arg15[%get3A_495, %get3A_496] {strides = array<i32>} : memref<128x64xf32, #tpu.memory_space<vmem>>, vector<1x16xf32>,
          %get3A_498 = vector.shape_cast %get3A_497 : vector<1x16xf32> to vector<16xf32>
          %get3A_499 = arith.index_cast %add3A_494 : i32 to index
          %get3A_500 = arith.constant 0 : index
          %get3A_501 = tpu.vector_load %arg12[%get3A_499, %get3A_500] {strides = array<i32>} : memref<128x64xf32, #tpu.memory_space<vmem>>, vector<1x16xf32>,
          %get3A_502 = vector.shape_cast %get3A_501 : vector<1x16xf32> to vector<16xf32>
          %add3A_503 = arith.addf %get3A_498, %get3A_502 : vector<16xf32>
          %max3A_504 = arith.constant 0.000000e+00 : f32
          %max3A_505 = vector.broadcast %max3A_504 : f32 to vector<16xf32>
          %max3A_506 = arith.maximumf %add3A_503, %max3A_505 : vector<16xf32>
          %swap3A_507 = arith.index_cast %add3A_494 : i32 to index
          %swap3A_508 = arith.constant 0 : index
          %swap3A_509 = tpu.vector_load %arg15[%swap3A_507, %swap3A_508] {strides = array<i32>} : memref<128x64xf32, #tpu.memory_space<vmem>>, vector<1x16xf32>,
          %swap3A_510 = vector.shape_cast %swap3A_509 : vector<1x16xf32> to vector<16xf32>
          %swap3A_511 = vector.shape_cast %max3A_506 : vector<16xf32> to vector<1x16xf32>
          tpu.vector_store %arg15[%swap3A_507, %swap3A_508], %swap3A_511 {strides = array<i32>} : memref<128x64xf32, #tpu.memory_space<vmem>>, vector<1x16xf32>,
          %get3A_512 = arith.index_cast %add3A_494 : i32 to index
          %get3A_513 = arith.constant 16 : index
          %get3A_514 = tpu.vector_load %arg15[%get3A_512, %get3A_513] {strides = array<i32>} : memref<128x64xf32, #tpu.memory_space<vmem>>, vector<1x16xf32>,
          %get3A_515 = vector.shape_cast %get3A_514 : vector<1x16xf32> to vector<16xf32>
          %get3A_516 = arith.index_cast %add3A_494 : i32 to index
          %get3A_517 = arith.constant 16 : index
          %get3A_518 = tpu.vector_load %arg12[%get3A_516, %get3A_517] {strides = array<i32>} : memref<128x64xf32, #tpu.memory_space<vmem>>, vector<1x16xf32>,
          %get3A_519 = vector.shape_cast %get3A_518 : vector<1x16xf32> to vector<16xf32>
          %add3A_520 = arith.addf %get3A_515, %get3A_519 : vector<16xf32>
          %max3A_521 = arith.constant 0.000000e+00 : f32
          %max3A_522 = vector.broadcast %max3A_521 : f32 to vector<16xf32>
          %max3A_523 = arith.maximumf %add3A_520, %max3A_522 : vector<16xf32>
          %swap3A_524 = arith.index_cast %add3A_494 : i32 to index
          %swap3A_525 = arith.constant 16 : index
          %swap3A_526 = tpu.vector_load %arg15[%swap3A_524, %swap3A_525] {strides = array<i32>} : memref<128x64xf32, #tpu.memory_space<vmem>>, vector<1x16xf32>,
          %swap3A_527 = vector.shape_cast %swap3A_526 : vector<1x16xf32> to vector<16xf32>
          %swap3A_528 = vector.shape_cast %max3A_523 : vector<16xf32> to vector<1x16xf32>
          tpu.vector_store %arg15[%swap3A_524, %swap3A_525], %swap3A_528 {strides = array<i32>} : memref<128x64xf32, #tpu.memory_space<vmem>>, vector<1x16xf32>,
          %get3A_529 = arith.index_cast %add3A_494 : i32 to index
          %get3A_530 = arith.constant 32 : index
          %get3A_531 = tpu.vector_load %arg15[%get3A_529, %get3A_530] {strides = array<i32>} : memref<128x64xf32, #tpu.memory_space<vmem>>, vector<1x16xf32>,
          %get3A_532 = vector.shape_cast %get3A_531 : vector<1x16xf32> to vector<16xf32>
          %get3A_533 = arith.index_cast %add3A_494 : i32 to index
          %get3A_534 = arith.constant 32 : index
          %get3A_535 = tpu.vector_load %arg12[%get3A_533, %get3A_534] {strides = array<i32>} : memref<128x64xf32, #tpu.memory_space<vmem>>, vector<1x16xf32>,
          %get3A_536 = vector.shape_cast %get3A_535 : vector<1x16xf32> to vector<16xf32>
          %add3A_537 = arith.addf %get3A_532, %get3A_536 : vector<16xf32>
          %max3A_538 = arith.constant 0.000000e+00 : f32
          %max3A_539 = vector.broadcast %max3A_538 : f32 to vector<16xf32>
          %max3A_540 = arith.maximumf %add3A_537, %max3A_539 : vector<16xf32>
          %swap3A_541 = arith.index_cast %add3A_494 : i32 to index
          %swap3A_542 = arith.constant 32 : index
          %swap3A_543 = tpu.vector_load %arg15[%swap3A_541, %swap3A_542] {strides = array<i32>} : memref<128x64xf32, #tpu.memory_space<vmem>>, vector<1x16xf32>,
          %swap3A_544 = vector.shape_cast %swap3A_543 : vector<1x16xf32> to vector<16xf32>
          %swap3A_545 = vector.shape_cast %max3A_540 : vector<16xf32> to vector<1x16xf32>
          tpu.vector_store %arg15[%swap3A_541, %swap3A_542], %swap3A_545 {strides = array<i32>} : memref<128x64xf32, #tpu.memory_space<vmem>>, vector<1x16xf32>,
          %get3A_546 = arith.index_cast %add3A_494 : i32 to index
          %get3A_547 = arith.constant 48 : index
          %get3A_548 = tpu.vector_load %arg15[%get3A_546, %get3A_547] {strides = array<i32>} : memref<128x64xf32, #tpu.memory_space<vmem>>, vector<1x16xf32>,
          %get3A_549 = vector.shape_cast %get3A_548 : vector<1x16xf32> to vector<16xf32>
          %get3A_550 = arith.index_cast %add3A_494 : i32 to index
          %get3A_551 = arith.constant 48 : index
          %get3A_552 = tpu.vector_load %arg12[%get3A_550, %get3A_551] {strides = array<i32>} : memref<128x64xf32, #tpu.memory_space<vmem>>, vector<1x16xf32>,
          %get3A_553 = vector.shape_cast %get3A_552 : vector<1x16xf32> to vector<16xf32>
          %add3A_554 = arith.addf %get3A_549, %get3A_553 : vector<16xf32>
          %max3A_555 = arith.constant 0.000000e+00 : f32
          %max3A_556 = vector.broadcast %max3A_555 : f32 to vector<16xf32>
          %max3A_557 = arith.maximumf %add3A_554, %max3A_556 : vector<16xf32>
          %swap3A_558 = arith.index_cast %add3A_494 : i32 to index
          %swap3A_559 = arith.constant 48 : index
          %swap3A_560 = tpu.vector_load %arg15[%swap3A_558, %swap3A_559] {strides = array<i32>} : memref<128x64xf32, #tpu.memory_space<vmem>>, vector<1x16xf32>,
          %swap3A_561 = vector.shape_cast %swap3A_560 : vector<1x16xf32> to vector<16xf32>
          %swap3A_562 = vector.shape_cast %max3A_557 : vector<16xf32> to vector<1x16xf32>
          tpu.vector_store %arg15[%swap3A_558, %swap3A_559], %swap3A_562 {strides = array<i32>} : memref<128x64xf32, #tpu.memory_space<vmem>>, vector<1x16xf32>,
          %scan3A_563 = arith.constant 0 : i32
          scf.yield %scan3A_563 : i32
        }
        %scan3A_274 = arith.constant 32 : i32
        "tpu.region"() ({
          %run_scoped3A = tpu.sem_alloc : memref<!tpu.dma_semaphore, #tpu.memory_space<semaphore_mem>>
          %dma_start3A_275 = arith.constant 0 : i32
          %dma_start3A_276 = tpu.memref_slice %arg10[%add3A_226, %dma_start3A_275] : memref<79x128xi32, #tpu.memory_space<vmem>> -> memref<1x128xi32, #tpu.memory_space<vmem>>
          %dma_start3A_277 = tpu.memref_squeeze %dma_start3A_276 : memref<1x128xi32, #tpu.memory_space<vmem>> -> memref<128xi32, #tpu.memory_space<vmem>>
          %dma_start3A_278 = arith.constant 0 : i32
          %dma_start3A_279 = arith.constant 0 : i32
          %dma_start3A_280 = tpu.memref_slice %arg20[%dma_start3A_278, %dma_start3A_279] : memref<10240x64xf32, #tpu.memory_space<vmem_shared>> -> memref<10240x64xf32, #tpu.memory_space<vmem_shared>>
          tpu.enqueue_indirect_dma source(%arg15 : memref<128x64xf32, #tpu.memory_space<vmem>>) target(%dma_start3A_280 : memref<10240x64xf32, #tpu.memory_space<vmem_shared>>) offsets(%dma_start3A_277 : memref<128xi32, #tpu.memory_space<vmem>>) semaphore(%run_scoped3A : memref<!tpu.dma_semaphore, #tpu.memory_space<semaphore_mem>>) {add = true}
          %dma_wait3A_281 = arith.constant 0 : i32
          %dma_wait3A_282 = tpu.memref_slice %arg10[%add3A_226, %dma_wait3A_281] : memref<79x128xi32, #tpu.memory_space<vmem>> -> memref<1x128xi32, #tpu.memory_space<vmem>>
          %dma_wait3A_283 = tpu.memref_squeeze %dma_wait3A_282 : memref<1x128xi32, #tpu.memory_space<vmem>> -> memref<128xi32, #tpu.memory_space<vmem>>
          %dma_wait3A_284 = arith.constant 0 : i32
          %dma_wait3A_285 = arith.constant 0 : i32
          %dma_wait3A_286 = tpu.memref_slice %arg20[%dma_wait3A_284, %dma_wait3A_285] : memref<10240x64xf32, #tpu.memory_space<vmem_shared>> -> memref<10240x64xf32, #tpu.memory_space<vmem_shared>>
          tpu.wait_indirect_dma semaphore(%run_scoped3A : memref<!tpu.dma_semaphore, #tpu.memory_space<semaphore_mem>>) src(%arg15 : memref<128x64xf32, #tpu.memory_space<vmem>>) dst(%dma_wait3A_286 : memref<10240x64xf32, #tpu.memory_space<vmem_shared>>)
          tpu.yield
        }) : () -> ()
      } else {
      }
      %add3A_231 = arith.constant 4 : i32
      %add3A_232 = arith.addi %mul3A_208, %add3A_231 : i32
      %lt3A_233 = arith.cmpi slt, %add3A_232, %add3A_6 : i32
      %convert_element_type3A_234 = arith.extui %lt3A_233 : i1 to i32
      %cond3A_235 = arith.constant 0 : i32
      %cond3A_236 = arith.cmpi ne, %convert_element_type3A_234, %cond3A_235 : i32
      scf.if %cond3A_236 {
        %mul3A_262 = arith.constant 160000 : i32
        %mul3A_263 = arith.muli %add3A_142, %mul3A_262 : i32
        %add3A_264 = arith.addi %add3A, %add3A_232 : i32
        %mul3A_265 = arith.constant 128 : i32
        %mul3A_266 = arith.muli %add3A_264, %mul3A_265 : i32
        %add3A_267 = arith.addi %mul3A_263, %mul3A_266 : i32
        %dma_start3A_268 = arith.constant 0 : i32
        %dma_start3A_269 = tpu.memref_slice %arg3[%add3A_267, %dma_start3A_268] : memref<640000x64xf32, #tpu.memory_space<hbm>> -> memref<128x64xf32, #tpu.memory_space<hbm>>
        %dma_start3A_270 = arith.constant 0 : i32
        %dma_start3A_271 = tpu.memref_slice %arg3[%add3A_267, %dma_start3A_270] : memref<640000x64xf32, #tpu.memory_space<hbm>> -> memref<128x64xf32, #tpu.memory_space<hbm>>
        tpu.enqueue_dma source(%dma_start3A_271 : memref<128x64xf32, #tpu.memory_space<hbm>>) target(%arg12 : memref<128x64xf32, #tpu.memory_space<vmem>>) target_semaphore(%arg23 : memref<!tpu.dma_semaphore, #tpu.memory_space<semaphore_mem>>)
      } else {
      }
      %add3A_237 = arith.constant 3 : i32
      %add3A_238 = arith.addi %mul3A_208, %add3A_237 : i32
      %lt3A_239 = arith.cmpi slt, %add3A_238, %add3A_6 : i32
      %convert_element_type3A_240 = arith.extui %lt3A_239 : i1 to i32
      %cond3A_241 = arith.constant 0 : i32
      %cond3A_242 = arith.cmpi ne, %convert_element_type3A_240, %cond3A_241 : i32
      scf.if %cond3A_242 {
        %dma_wait3A_262 = arith.constant 0 : i32
        %dma_wait3A_263 = arith.constant 0 : i32
        %dma_wait3A_264 = tpu.memref_slice %arg3[%dma_wait3A_262, %dma_wait3A_263] : memref<640000x64xf32, #tpu.memory_space<hbm>> -> memref<128x64xf32, #tpu.memory_space<hbm>>
        %dma_wait3A_265 = arith.constant 0 : i32
        %dma_wait3A_266 = arith.constant 0 : i32
        %dma_wait3A_267 = tpu.memref_slice %arg3[%dma_wait3A_265, %dma_wait3A_266] : memref<640000x64xf32, #tpu.memory_space<hbm>> -> memref<128x64xf32, #tpu.memory_space<hbm>>
        tpu.wait_dma2 semaphore(%arg22 : memref<!tpu.dma_semaphore, #tpu.memory_space<semaphore_mem>>) src(%dma_wait3A_267 : memref<128x64xf32, #tpu.memory_space<hbm>>) dst(%arg11 : memref<128x64xf32, #tpu.memory_space<vmem>>)
        %scan3A_268 = arith.constant 0 : i32
        %scan3A_269 = arith.constant 0 : i32
        %scan3A_270 = arith.constant 8 : i32
        %scan3A_271 = arith.addi %scan3A_269, %scan3A_270 : i32
        %scan3A_272 = arith.constant 1 : i32
        %scan3A_273 = scf.for %scan3A_281 = %scan3A_269 to %scan3A_271 step %scan3A_272 iter_args(%scan3A_282 = %scan3A_268) -> (i32)  : i32 {
          %mul3A_283 = arith.constant 16 : i32
          %mul3A_284 = arith.muli %scan3A_281, %mul3A_283 : i32
          %get3A_285 = arith.index_cast %add3A_238 : i32 to index
          %get3A_286 = arith.index_cast %mul3A_284 : i32 to index
          %get3A_287 = tpu.vector_load %arg9[%get3A_285, %get3A_286] {strides = array<i32>} : memref<79x128xi32, #tpu.memory_space<vmem>>, vector<1x16xi32>,
          %get3A_288 = vector.shape_cast %get3A_287 : vector<1x16xi32> to vector<16xi32>
          %add3A_289 = arith.constant 10000 : i32
          %add3A_290 = vector.broadcast %add3A_289 : i32 to vector<16xi32>
          %add3A_291 = arith.addi %get3A_288, %add3A_290 : vector<16xi32>
          %swap3A = arith.index_cast %add3A_238 : i32 to index
          %swap3A_292 = arith.index_cast %mul3A_284 : i32 to index
          %swap3A_293 = tpu.vector_load %arg9[%swap3A, %swap3A_292] {strides = array<i32>} : memref<79x128xi32, #tpu.memory_space<vmem>>, vector<1x16xi32>,
          %swap3A_294 = vector.shape_cast %swap3A_293 : vector<1x16xi32> to vector<16xi32>
          %swap3A_295 = vector.shape_cast %add3A_291 : vector<16xi32> to vector<1x16xi32>
          tpu.vector_store %arg9[%swap3A, %swap3A_292], %swap3A_295 {strides = array<i32>} : memref<79x128xi32, #tpu.memory_space<vmem>>, vector<1x16xi32>,
          %scan3A_296 = arith.constant 0 : i32
          scf.yield %scan3A_296 : i32
        }
        %scan3A_274 = arith.constant 8 : i32
        %dma_start3A_275 = arith.constant 0 : i32
        %dma_start3A_276 = tpu.memref_slice %arg9[%add3A_238, %dma_start3A_275] : memref<79x128xi32, #tpu.memory_space<vmem>> -> memref<1x128xi32, #tpu.memory_space<vmem>>
        %dma_start3A_277 = tpu.memref_squeeze %dma_start3A_276 : memref<1x128xi32, #tpu.memory_space<vmem>> -> memref<128xi32, #tpu.memory_space<vmem>>
        %dma_start3A_278 = arith.constant 0 : i32
        %dma_start3A_279 = arith.constant 0 : i32
        %dma_start3A_280 = tpu.memref_slice %arg2[%dma_start3A_278, %dma_start3A_279] : memref<40000x64xf32, #tpu.memory_space<hbm>> -> memref<40000x64xf32, #tpu.memory_space<hbm>>
        tpu.enqueue_indirect_dma source(%dma_start3A_280 : memref<40000x64xf32, #tpu.memory_space<hbm>>) target(%arg14 : memref<128x64xf32, #tpu.memory_space<vmem>>) offsets(%dma_start3A_277 : memref<128xi32, #tpu.memory_space<vmem>>) semaphore(%arg25 : memref<!tpu.dma_semaphore, #tpu.memory_space<semaphore_mem>>)
      } else {
      }
      %add3A_243 = arith.constant 2 : i32
      %add3A_244 = arith.addi %mul3A_208, %add3A_243 : i32
      %lt3A_245 = arith.cmpi slt, %add3A_244, %add3A_6 : i32
      %convert_element_type3A_246 = arith.extui %lt3A_245 : i1 to i32
      %cond3A_247 = arith.constant 0 : i32
      %cond3A_248 = arith.cmpi ne, %convert_element_type3A_246, %cond3A_247 : i32
      scf.if %cond3A_248 {
        %dma_wait3A_262 = arith.constant 0 : i32
        %dma_wait3A_263 = tpu.memref_slice %arg9[%add3A_244, %dma_wait3A_262] : memref<79x128xi32, #tpu.memory_space<vmem>> -> memref<1x128xi32, #tpu.memory_space<vmem>>
        %dma_wait3A_264 = tpu.memref_squeeze %dma_wait3A_263 : memref<1x128xi32, #tpu.memory_space<vmem>> -> memref<128xi32, #tpu.memory_space<vmem>>
        %dma_wait3A_265 = arith.constant 0 : i32
        %dma_wait3A_266 = arith.constant 0 : i32
        %dma_wait3A_267 = tpu.memref_slice %arg2[%dma_wait3A_265, %dma_wait3A_266] : memref<40000x64xf32, #tpu.memory_space<hbm>> -> memref<40000x64xf32, #tpu.memory_space<hbm>>
        tpu.wait_indirect_dma semaphore(%arg27 : memref<!tpu.dma_semaphore, #tpu.memory_space<semaphore_mem>>) src(%dma_wait3A_267 : memref<40000x64xf32, #tpu.memory_space<hbm>>) dst(%arg16 : memref<128x64xf32, #tpu.memory_space<vmem>>)
        %scan3A_268 = arith.constant 0 : i32
        %scan3A_269 = arith.constant 0 : i32
        %scan3A_270 = arith.constant 32 : i32
        %scan3A_271 = arith.addi %scan3A_269, %scan3A_270 : i32
        %scan3A_272 = arith.constant 1 : i32
        %scan3A_273 = scf.for %scan3A_275 = %scan3A_269 to %scan3A_271 step %scan3A_272 iter_args(%scan3A_276 = %scan3A_268) -> (i32)  : i32 {
          %mul3A_277 = arith.constant 4 : i32
          %mul3A_278 = arith.muli %scan3A_275, %mul3A_277 : i32
          %add3A_279 = arith.constant 0 : i32
          %add3A_280 = arith.addi %mul3A_278, %add3A_279 : i32
          %get3A_281 = arith.index_cast %add3A_280 : i32 to index
          %get3A_282 = arith.constant 0 : index
          %get3A_283 = tpu.vector_load %arg16[%get3A_281, %get3A_282] {strides = array<i32>} : memref<128x64xf32, #tpu.memory_space<vmem>>, vector<1x16xf32>,
          %get3A_284 = vector.shape_cast %get3A_283 : vector<1x16xf32> to vector<16xf32>
          %get3A_285 = arith.index_cast %add3A_280 : i32 to index
          %get3A_286 = arith.constant 0 : index
          %get3A_287 = tpu.vector_load %arg13[%get3A_285, %get3A_286] {strides = array<i32>} : memref<128x64xf32, #tpu.memory_space<vmem>>, vector<1x16xf32>,
          %get3A_288 = vector.shape_cast %get3A_287 : vector<1x16xf32> to vector<16xf32>
          %add3A_289 = arith.addf %get3A_284, %get3A_288 : vector<16xf32>
          %max3A = arith.constant 0.000000e+00 : f32
          %max3A_290 = vector.broadcast %max3A : f32 to vector<16xf32>
          %max3A_291 = arith.maximumf %add3A_289, %max3A_290 : vector<16xf32>
          %swap3A = arith.index_cast %add3A_280 : i32 to index
          %swap3A_292 = arith.constant 0 : index
          %swap3A_293 = tpu.vector_load %arg16[%swap3A, %swap3A_292] {strides = array<i32>} : memref<128x64xf32, #tpu.memory_space<vmem>>, vector<1x16xf32>,
          %swap3A_294 = vector.shape_cast %swap3A_293 : vector<1x16xf32> to vector<16xf32>
          %swap3A_295 = vector.shape_cast %max3A_291 : vector<16xf32> to vector<1x16xf32>
          tpu.vector_store %arg16[%swap3A, %swap3A_292], %swap3A_295 {strides = array<i32>} : memref<128x64xf32, #tpu.memory_space<vmem>>, vector<1x16xf32>,
          %get3A_296 = arith.index_cast %add3A_280 : i32 to index
          %get3A_297 = arith.constant 16 : index
          %get3A_298 = tpu.vector_load %arg16[%get3A_296, %get3A_297] {strides = array<i32>} : memref<128x64xf32, #tpu.memory_space<vmem>>, vector<1x16xf32>,
          %get3A_299 = vector.shape_cast %get3A_298 : vector<1x16xf32> to vector<16xf32>
          %get3A_300 = arith.index_cast %add3A_280 : i32 to index
          %get3A_301 = arith.constant 16 : index
          %get3A_302 = tpu.vector_load %arg13[%get3A_300, %get3A_301] {strides = array<i32>} : memref<128x64xf32, #tpu.memory_space<vmem>>, vector<1x16xf32>,
          %get3A_303 = vector.shape_cast %get3A_302 : vector<1x16xf32> to vector<16xf32>
          %add3A_304 = arith.addf %get3A_299, %get3A_303 : vector<16xf32>
          %max3A_305 = arith.constant 0.000000e+00 : f32
          %max3A_306 = vector.broadcast %max3A_305 : f32 to vector<16xf32>
          %max3A_307 = arith.maximumf %add3A_304, %max3A_306 : vector<16xf32>
          %swap3A_308 = arith.index_cast %add3A_280 : i32 to index
          %swap3A_309 = arith.constant 16 : index
          %swap3A_310 = tpu.vector_load %arg16[%swap3A_308, %swap3A_309] {strides = array<i32>} : memref<128x64xf32, #tpu.memory_space<vmem>>, vector<1x16xf32>,
          %swap3A_311 = vector.shape_cast %swap3A_310 : vector<1x16xf32> to vector<16xf32>
          %swap3A_312 = vector.shape_cast %max3A_307 : vector<16xf32> to vector<1x16xf32>
          tpu.vector_store %arg16[%swap3A_308, %swap3A_309], %swap3A_312 {strides = array<i32>} : memref<128x64xf32, #tpu.memory_space<vmem>>, vector<1x16xf32>,
          %get3A_313 = arith.index_cast %add3A_280 : i32 to index
          %get3A_314 = arith.constant 32 : index
          %get3A_315 = tpu.vector_load %arg16[%get3A_313, %get3A_314] {strides = array<i32>} : memref<128x64xf32, #tpu.memory_space<vmem>>, vector<1x16xf32>,
          %get3A_316 = vector.shape_cast %get3A_315 : vector<1x16xf32> to vector<16xf32>
          %get3A_317 = arith.index_cast %add3A_280 : i32 to index
          %get3A_318 = arith.constant 32 : index
          %get3A_319 = tpu.vector_load %arg13[%get3A_317, %get3A_318] {strides = array<i32>} : memref<128x64xf32, #tpu.memory_space<vmem>>, vector<1x16xf32>,
          %get3A_320 = vector.shape_cast %get3A_319 : vector<1x16xf32> to vector<16xf32>
          %add3A_321 = arith.addf %get3A_316, %get3A_320 : vector<16xf32>
          %max3A_322 = arith.constant 0.000000e+00 : f32
          %max3A_323 = vector.broadcast %max3A_322 : f32 to vector<16xf32>
          %max3A_324 = arith.maximumf %add3A_321, %max3A_323 : vector<16xf32>
          %swap3A_325 = arith.index_cast %add3A_280 : i32 to index
          %swap3A_326 = arith.constant 32 : index
          %swap3A_327 = tpu.vector_load %arg16[%swap3A_325, %swap3A_326] {strides = array<i32>} : memref<128x64xf32, #tpu.memory_space<vmem>>, vector<1x16xf32>,
          %swap3A_328 = vector.shape_cast %swap3A_327 : vector<1x16xf32> to vector<16xf32>
          %swap3A_329 = vector.shape_cast %max3A_324 : vector<16xf32> to vector<1x16xf32>
          tpu.vector_store %arg16[%swap3A_325, %swap3A_326], %swap3A_329 {strides = array<i32>} : memref<128x64xf32, #tpu.memory_space<vmem>>, vector<1x16xf32>,
          %get3A_330 = arith.index_cast %add3A_280 : i32 to index
          %get3A_331 = arith.constant 48 : index
          %get3A_332 = tpu.vector_load %arg16[%get3A_330, %get3A_331] {strides = array<i32>} : memref<128x64xf32, #tpu.memory_space<vmem>>, vector<1x16xf32>,
          %get3A_333 = vector.shape_cast %get3A_332 : vector<1x16xf32> to vector<16xf32>
          %get3A_334 = arith.index_cast %add3A_280 : i32 to index
          %get3A_335 = arith.constant 48 : index
          %get3A_336 = tpu.vector_load %arg13[%get3A_334, %get3A_335] {strides = array<i32>} : memref<128x64xf32, #tpu.memory_space<vmem>>, vector<1x16xf32>,
          %get3A_337 = vector.shape_cast %get3A_336 : vector<1x16xf32> to vector<16xf32>
          %add3A_338 = arith.addf %get3A_333, %get3A_337 : vector<16xf32>
          %max3A_339 = arith.constant 0.000000e+00 : f32
          %max3A_340 = vector.broadcast %max3A_339 : f32 to vector<16xf32>
          %max3A_341 = arith.maximumf %add3A_338, %max3A_340 : vector<16xf32>
          %swap3A_342 = arith.index_cast %add3A_280 : i32 to index
          %swap3A_343 = arith.constant 48 : index
          %swap3A_344 = tpu.vector_load %arg16[%swap3A_342, %swap3A_343] {strides = array<i32>} : memref<128x64xf32, #tpu.memory_space<vmem>>, vector<1x16xf32>,
          %swap3A_345 = vector.shape_cast %swap3A_344 : vector<1x16xf32> to vector<16xf32>
          %swap3A_346 = vector.shape_cast %max3A_341 : vector<16xf32> to vector<1x16xf32>
          tpu.vector_store %arg16[%swap3A_342, %swap3A_343], %swap3A_346 {strides = array<i32>} : memref<128x64xf32, #tpu.memory_space<vmem>>, vector<1x16xf32>,
          %mul3A_347 = arith.constant 4 : i32
          %mul3A_348 = arith.muli %scan3A_275, %mul3A_347 : i32
          %add3A_349 = arith.constant 1 : i32
          %add3A_350 = arith.addi %mul3A_348, %add3A_349 : i32
          %get3A_351 = arith.index_cast %add3A_350 : i32 to index
          %get3A_352 = arith.constant 0 : index
          %get3A_353 = tpu.vector_load %arg16[%get3A_351, %get3A_352] {strides = array<i32>} : memref<128x64xf32, #tpu.memory_space<vmem>>, vector<1x16xf32>,
          %get3A_354 = vector.shape_cast %get3A_353 : vector<1x16xf32> to vector<16xf32>
          %get3A_355 = arith.index_cast %add3A_350 : i32 to index
          %get3A_356 = arith.constant 0 : index
          %get3A_357 = tpu.vector_load %arg13[%get3A_355, %get3A_356] {strides = array<i32>} : memref<128x64xf32, #tpu.memory_space<vmem>>, vector<1x16xf32>,
          %get3A_358 = vector.shape_cast %get3A_357 : vector<1x16xf32> to vector<16xf32>
          %add3A_359 = arith.addf %get3A_354, %get3A_358 : vector<16xf32>
          %max3A_360 = arith.constant 0.000000e+00 : f32
          %max3A_361 = vector.broadcast %max3A_360 : f32 to vector<16xf32>
          %max3A_362 = arith.maximumf %add3A_359, %max3A_361 : vector<16xf32>
          %swap3A_363 = arith.index_cast %add3A_350 : i32 to index
          %swap3A_364 = arith.constant 0 : index
          %swap3A_365 = tpu.vector_load %arg16[%swap3A_363, %swap3A_364] {strides = array<i32>} : memref<128x64xf32, #tpu.memory_space<vmem>>, vector<1x16xf32>,
          %swap3A_366 = vector.shape_cast %swap3A_365 : vector<1x16xf32> to vector<16xf32>
          %swap3A_367 = vector.shape_cast %max3A_362 : vector<16xf32> to vector<1x16xf32>
          tpu.vector_store %arg16[%swap3A_363, %swap3A_364], %swap3A_367 {strides = array<i32>} : memref<128x64xf32, #tpu.memory_space<vmem>>, vector<1x16xf32>,
          %get3A_368 = arith.index_cast %add3A_350 : i32 to index
          %get3A_369 = arith.constant 16 : index
          %get3A_370 = tpu.vector_load %arg16[%get3A_368, %get3A_369] {strides = array<i32>} : memref<128x64xf32, #tpu.memory_space<vmem>>, vector<1x16xf32>,
          %get3A_371 = vector.shape_cast %get3A_370 : vector<1x16xf32> to vector<16xf32>
          %get3A_372 = arith.index_cast %add3A_350 : i32 to index
          %get3A_373 = arith.constant 16 : index
          %get3A_374 = tpu.vector_load %arg13[%get3A_372, %get3A_373] {strides = array<i32>} : memref<128x64xf32, #tpu.memory_space<vmem>>, vector<1x16xf32>,
          %get3A_375 = vector.shape_cast %get3A_374 : vector<1x16xf32> to vector<16xf32>
          %add3A_376 = arith.addf %get3A_371, %get3A_375 : vector<16xf32>
          %max3A_377 = arith.constant 0.000000e+00 : f32
          %max3A_378 = vector.broadcast %max3A_377 : f32 to vector<16xf32>
          %max3A_379 = arith.maximumf %add3A_376, %max3A_378 : vector<16xf32>
          %swap3A_380 = arith.index_cast %add3A_350 : i32 to index
          %swap3A_381 = arith.constant 16 : index
          %swap3A_382 = tpu.vector_load %arg16[%swap3A_380, %swap3A_381] {strides = array<i32>} : memref<128x64xf32, #tpu.memory_space<vmem>>, vector<1x16xf32>,
          %swap3A_383 = vector.shape_cast %swap3A_382 : vector<1x16xf32> to vector<16xf32>
          %swap3A_384 = vector.shape_cast %max3A_379 : vector<16xf32> to vector<1x16xf32>
          tpu.vector_store %arg16[%swap3A_380, %swap3A_381], %swap3A_384 {strides = array<i32>} : memref<128x64xf32, #tpu.memory_space<vmem>>, vector<1x16xf32>,
          %get3A_385 = arith.index_cast %add3A_350 : i32 to index
          %get3A_386 = arith.constant 32 : index
          %get3A_387 = tpu.vector_load %arg16[%get3A_385, %get3A_386] {strides = array<i32>} : memref<128x64xf32, #tpu.memory_space<vmem>>, vector<1x16xf32>,
          %get3A_388 = vector.shape_cast %get3A_387 : vector<1x16xf32> to vector<16xf32>
          %get3A_389 = arith.index_cast %add3A_350 : i32 to index
          %get3A_390 = arith.constant 32 : index
          %get3A_391 = tpu.vector_load %arg13[%get3A_389, %get3A_390] {strides = array<i32>} : memref<128x64xf32, #tpu.memory_space<vmem>>, vector<1x16xf32>,
          %get3A_392 = vector.shape_cast %get3A_391 : vector<1x16xf32> to vector<16xf32>
          %add3A_393 = arith.addf %get3A_388, %get3A_392 : vector<16xf32>
          %max3A_394 = arith.constant 0.000000e+00 : f32
          %max3A_395 = vector.broadcast %max3A_394 : f32 to vector<16xf32>
          %max3A_396 = arith.maximumf %add3A_393, %max3A_395 : vector<16xf32>
          %swap3A_397 = arith.index_cast %add3A_350 : i32 to index
          %swap3A_398 = arith.constant 32 : index
          %swap3A_399 = tpu.vector_load %arg16[%swap3A_397, %swap3A_398] {strides = array<i32>} : memref<128x64xf32, #tpu.memory_space<vmem>>, vector<1x16xf32>,
          %swap3A_400 = vector.shape_cast %swap3A_399 : vector<1x16xf32> to vector<16xf32>
          %swap3A_401 = vector.shape_cast %max3A_396 : vector<16xf32> to vector<1x16xf32>
          tpu.vector_store %arg16[%swap3A_397, %swap3A_398], %swap3A_401 {strides = array<i32>} : memref<128x64xf32, #tpu.memory_space<vmem>>, vector<1x16xf32>,
          %get3A_402 = arith.index_cast %add3A_350 : i32 to index
          %get3A_403 = arith.constant 48 : index
          %get3A_404 = tpu.vector_load %arg16[%get3A_402, %get3A_403] {strides = array<i32>} : memref<128x64xf32, #tpu.memory_space<vmem>>, vector<1x16xf32>,
          %get3A_405 = vector.shape_cast %get3A_404 : vector<1x16xf32> to vector<16xf32>
          %get3A_406 = arith.index_cast %add3A_350 : i32 to index
          %get3A_407 = arith.constant 48 : index
          %get3A_408 = tpu.vector_load %arg13[%get3A_406, %get3A_407] {strides = array<i32>} : memref<128x64xf32, #tpu.memory_space<vmem>>, vector<1x16xf32>,
          %get3A_409 = vector.shape_cast %get3A_408 : vector<1x16xf32> to vector<16xf32>
          %add3A_410 = arith.addf %get3A_405, %get3A_409 : vector<16xf32>
          %max3A_411 = arith.constant 0.000000e+00 : f32
          %max3A_412 = vector.broadcast %max3A_411 : f32 to vector<16xf32>
          %max3A_413 = arith.maximumf %add3A_410, %max3A_412 : vector<16xf32>
          %swap3A_414 = arith.index_cast %add3A_350 : i32 to index
          %swap3A_415 = arith.constant 48 : index
          %swap3A_416 = tpu.vector_load %arg16[%swap3A_414, %swap3A_415] {strides = array<i32>} : memref<128x64xf32, #tpu.memory_space<vmem>>, vector<1x16xf32>,
          %swap3A_417 = vector.shape_cast %swap3A_416 : vector<1x16xf32> to vector<16xf32>
          %swap3A_418 = vector.shape_cast %max3A_413 : vector<16xf32> to vector<1x16xf32>
          tpu.vector_store %arg16[%swap3A_414, %swap3A_415], %swap3A_418 {strides = array<i32>} : memref<128x64xf32, #tpu.memory_space<vmem>>, vector<1x16xf32>,
          %mul3A_419 = arith.constant 4 : i32
          %mul3A_420 = arith.muli %scan3A_275, %mul3A_419 : i32
          %add3A_421 = arith.constant 2 : i32
          %add3A_422 = arith.addi %mul3A_420, %add3A_421 : i32
          %get3A_423 = arith.index_cast %add3A_422 : i32 to index
          %get3A_424 = arith.constant 0 : index
          %get3A_425 = tpu.vector_load %arg16[%get3A_423, %get3A_424] {strides = array<i32>} : memref<128x64xf32, #tpu.memory_space<vmem>>, vector<1x16xf32>,
          %get3A_426 = vector.shape_cast %get3A_425 : vector<1x16xf32> to vector<16xf32>
          %get3A_427 = arith.index_cast %add3A_422 : i32 to index
          %get3A_428 = arith.constant 0 : index
          %get3A_429 = tpu.vector_load %arg13[%get3A_427, %get3A_428] {strides = array<i32>} : memref<128x64xf32, #tpu.memory_space<vmem>>, vector<1x16xf32>,
          %get3A_430 = vector.shape_cast %get3A_429 : vector<1x16xf32> to vector<16xf32>
          %add3A_431 = arith.addf %get3A_426, %get3A_430 : vector<16xf32>
          %max3A_432 = arith.constant 0.000000e+00 : f32
          %max3A_433 = vector.broadcast %max3A_432 : f32 to vector<16xf32>
          %max3A_434 = arith.maximumf %add3A_431, %max3A_433 : vector<16xf32>
          %swap3A_435 = arith.index_cast %add3A_422 : i32 to index
          %swap3A_436 = arith.constant 0 : index
          %swap3A_437 = tpu.vector_load %arg16[%swap3A_435, %swap3A_436] {strides = array<i32>} : memref<128x64xf32, #tpu.memory_space<vmem>>, vector<1x16xf32>,
          %swap3A_438 = vector.shape_cast %swap3A_437 : vector<1x16xf32> to vector<16xf32>
          %swap3A_439 = vector.shape_cast %max3A_434 : vector<16xf32> to vector<1x16xf32>
          tpu.vector_store %arg16[%swap3A_435, %swap3A_436], %swap3A_439 {strides = array<i32>} : memref<128x64xf32, #tpu.memory_space<vmem>>, vector<1x16xf32>,
          %get3A_440 = arith.index_cast %add3A_422 : i32 to index
          %get3A_441 = arith.constant 16 : index
          %get3A_442 = tpu.vector_load %arg16[%get3A_440, %get3A_441] {strides = array<i32>} : memref<128x64xf32, #tpu.memory_space<vmem>>, vector<1x16xf32>,
          %get3A_443 = vector.shape_cast %get3A_442 : vector<1x16xf32> to vector<16xf32>
          %get3A_444 = arith.index_cast %add3A_422 : i32 to index
          %get3A_445 = arith.constant 16 : index
          %get3A_446 = tpu.vector_load %arg13[%get3A_444, %get3A_445] {strides = array<i32>} : memref<128x64xf32, #tpu.memory_space<vmem>>, vector<1x16xf32>,
          %get3A_447 = vector.shape_cast %get3A_446 : vector<1x16xf32> to vector<16xf32>
          %add3A_448 = arith.addf %get3A_443, %get3A_447 : vector<16xf32>
          %max3A_449 = arith.constant 0.000000e+00 : f32
          %max3A_450 = vector.broadcast %max3A_449 : f32 to vector<16xf32>
          %max3A_451 = arith.maximumf %add3A_448, %max3A_450 : vector<16xf32>
          %swap3A_452 = arith.index_cast %add3A_422 : i32 to index
          %swap3A_453 = arith.constant 16 : index
          %swap3A_454 = tpu.vector_load %arg16[%swap3A_452, %swap3A_453] {strides = array<i32>} : memref<128x64xf32, #tpu.memory_space<vmem>>, vector<1x16xf32>,
          %swap3A_455 = vector.shape_cast %swap3A_454 : vector<1x16xf32> to vector<16xf32>
          %swap3A_456 = vector.shape_cast %max3A_451 : vector<16xf32> to vector<1x16xf32>
          tpu.vector_store %arg16[%swap3A_452, %swap3A_453], %swap3A_456 {strides = array<i32>} : memref<128x64xf32, #tpu.memory_space<vmem>>, vector<1x16xf32>,
          %get3A_457 = arith.index_cast %add3A_422 : i32 to index
          %get3A_458 = arith.constant 32 : index
          %get3A_459 = tpu.vector_load %arg16[%get3A_457, %get3A_458] {strides = array<i32>} : memref<128x64xf32, #tpu.memory_space<vmem>>, vector<1x16xf32>,
          %get3A_460 = vector.shape_cast %get3A_459 : vector<1x16xf32> to vector<16xf32>
          %get3A_461 = arith.index_cast %add3A_422 : i32 to index
          %get3A_462 = arith.constant 32 : index
          %get3A_463 = tpu.vector_load %arg13[%get3A_461, %get3A_462] {strides = array<i32>} : memref<128x64xf32, #tpu.memory_space<vmem>>, vector<1x16xf32>,
          %get3A_464 = vector.shape_cast %get3A_463 : vector<1x16xf32> to vector<16xf32>
          %add3A_465 = arith.addf %get3A_460, %get3A_464 : vector<16xf32>
          %max3A_466 = arith.constant 0.000000e+00 : f32
          %max3A_467 = vector.broadcast %max3A_466 : f32 to vector<16xf32>
          %max3A_468 = arith.maximumf %add3A_465, %max3A_467 : vector<16xf32>
          %swap3A_469 = arith.index_cast %add3A_422 : i32 to index
          %swap3A_470 = arith.constant 32 : index
          %swap3A_471 = tpu.vector_load %arg16[%swap3A_469, %swap3A_470] {strides = array<i32>} : memref<128x64xf32, #tpu.memory_space<vmem>>, vector<1x16xf32>,
          %swap3A_472 = vector.shape_cast %swap3A_471 : vector<1x16xf32> to vector<16xf32>
          %swap3A_473 = vector.shape_cast %max3A_468 : vector<16xf32> to vector<1x16xf32>
          tpu.vector_store %arg16[%swap3A_469, %swap3A_470], %swap3A_473 {strides = array<i32>} : memref<128x64xf32, #tpu.memory_space<vmem>>, vector<1x16xf32>,
          %get3A_474 = arith.index_cast %add3A_422 : i32 to index
          %get3A_475 = arith.constant 48 : index
          %get3A_476 = tpu.vector_load %arg16[%get3A_474, %get3A_475] {strides = array<i32>} : memref<128x64xf32, #tpu.memory_space<vmem>>, vector<1x16xf32>,
          %get3A_477 = vector.shape_cast %get3A_476 : vector<1x16xf32> to vector<16xf32>
          %get3A_478 = arith.index_cast %add3A_422 : i32 to index
          %get3A_479 = arith.constant 48 : index
          %get3A_480 = tpu.vector_load %arg13[%get3A_478, %get3A_479] {strides = array<i32>} : memref<128x64xf32, #tpu.memory_space<vmem>>, vector<1x16xf32>,
          %get3A_481 = vector.shape_cast %get3A_480 : vector<1x16xf32> to vector<16xf32>
          %add3A_482 = arith.addf %get3A_477, %get3A_481 : vector<16xf32>
          %max3A_483 = arith.constant 0.000000e+00 : f32
          %max3A_484 = vector.broadcast %max3A_483 : f32 to vector<16xf32>
          %max3A_485 = arith.maximumf %add3A_482, %max3A_484 : vector<16xf32>
          %swap3A_486 = arith.index_cast %add3A_422 : i32 to index
          %swap3A_487 = arith.constant 48 : index
          %swap3A_488 = tpu.vector_load %arg16[%swap3A_486, %swap3A_487] {strides = array<i32>} : memref<128x64xf32, #tpu.memory_space<vmem>>, vector<1x16xf32>,
          %swap3A_489 = vector.shape_cast %swap3A_488 : vector<1x16xf32> to vector<16xf32>
          %swap3A_490 = vector.shape_cast %max3A_485 : vector<16xf32> to vector<1x16xf32>
          tpu.vector_store %arg16[%swap3A_486, %swap3A_487], %swap3A_490 {strides = array<i32>} : memref<128x64xf32, #tpu.memory_space<vmem>>, vector<1x16xf32>,
          %mul3A_491 = arith.constant 4 : i32
          %mul3A_492 = arith.muli %scan3A_275, %mul3A_491 : i32
          %add3A_493 = arith.constant 3 : i32
          %add3A_494 = arith.addi %mul3A_492, %add3A_493 : i32
          %get3A_495 = arith.index_cast %add3A_494 : i32 to index
          %get3A_496 = arith.constant 0 : index
          %get3A_497 = tpu.vector_load %arg16[%get3A_495, %get3A_496] {strides = array<i32>} : memref<128x64xf32, #tpu.memory_space<vmem>>, vector<1x16xf32>,
          %get3A_498 = vector.shape_cast %get3A_497 : vector<1x16xf32> to vector<16xf32>
          %get3A_499 = arith.index_cast %add3A_494 : i32 to index
          %get3A_500 = arith.constant 0 : index
          %get3A_501 = tpu.vector_load %arg13[%get3A_499, %get3A_500] {strides = array<i32>} : memref<128x64xf32, #tpu.memory_space<vmem>>, vector<1x16xf32>,
          %get3A_502 = vector.shape_cast %get3A_501 : vector<1x16xf32> to vector<16xf32>
          %add3A_503 = arith.addf %get3A_498, %get3A_502 : vector<16xf32>
          %max3A_504 = arith.constant 0.000000e+00 : f32
          %max3A_505 = vector.broadcast %max3A_504 : f32 to vector<16xf32>
          %max3A_506 = arith.maximumf %add3A_503, %max3A_505 : vector<16xf32>
          %swap3A_507 = arith.index_cast %add3A_494 : i32 to index
          %swap3A_508 = arith.constant 0 : index
          %swap3A_509 = tpu.vector_load %arg16[%swap3A_507, %swap3A_508] {strides = array<i32>} : memref<128x64xf32, #tpu.memory_space<vmem>>, vector<1x16xf32>,
          %swap3A_510 = vector.shape_cast %swap3A_509 : vector<1x16xf32> to vector<16xf32>
          %swap3A_511 = vector.shape_cast %max3A_506 : vector<16xf32> to vector<1x16xf32>
          tpu.vector_store %arg16[%swap3A_507, %swap3A_508], %swap3A_511 {strides = array<i32>} : memref<128x64xf32, #tpu.memory_space<vmem>>, vector<1x16xf32>,
          %get3A_512 = arith.index_cast %add3A_494 : i32 to index
          %get3A_513 = arith.constant 16 : index
          %get3A_514 = tpu.vector_load %arg16[%get3A_512, %get3A_513] {strides = array<i32>} : memref<128x64xf32, #tpu.memory_space<vmem>>, vector<1x16xf32>,
          %get3A_515 = vector.shape_cast %get3A_514 : vector<1x16xf32> to vector<16xf32>
          %get3A_516 = arith.index_cast %add3A_494 : i32 to index
          %get3A_517 = arith.constant 16 : index
          %get3A_518 = tpu.vector_load %arg13[%get3A_516, %get3A_517] {strides = array<i32>} : memref<128x64xf32, #tpu.memory_space<vmem>>, vector<1x16xf32>,
          %get3A_519 = vector.shape_cast %get3A_518 : vector<1x16xf32> to vector<16xf32>
          %add3A_520 = arith.addf %get3A_515, %get3A_519 : vector<16xf32>
          %max3A_521 = arith.constant 0.000000e+00 : f32
          %max3A_522 = vector.broadcast %max3A_521 : f32 to vector<16xf32>
          %max3A_523 = arith.maximumf %add3A_520, %max3A_522 : vector<16xf32>
          %swap3A_524 = arith.index_cast %add3A_494 : i32 to index
          %swap3A_525 = arith.constant 16 : index
          %swap3A_526 = tpu.vector_load %arg16[%swap3A_524, %swap3A_525] {strides = array<i32>} : memref<128x64xf32, #tpu.memory_space<vmem>>, vector<1x16xf32>,
          %swap3A_527 = vector.shape_cast %swap3A_526 : vector<1x16xf32> to vector<16xf32>
          %swap3A_528 = vector.shape_cast %max3A_523 : vector<16xf32> to vector<1x16xf32>
          tpu.vector_store %arg16[%swap3A_524, %swap3A_525], %swap3A_528 {strides = array<i32>} : memref<128x64xf32, #tpu.memory_space<vmem>>, vector<1x16xf32>,
          %get3A_529 = arith.index_cast %add3A_494 : i32 to index
          %get3A_530 = arith.constant 32 : index
          %get3A_531 = tpu.vector_load %arg16[%get3A_529, %get3A_530] {strides = array<i32>} : memref<128x64xf32, #tpu.memory_space<vmem>>, vector<1x16xf32>,
          %get3A_532 = vector.shape_cast %get3A_531 : vector<1x16xf32> to vector<16xf32>
          %get3A_533 = arith.index_cast %add3A_494 : i32 to index
          %get3A_534 = arith.constant 32 : index
          %get3A_535 = tpu.vector_load %arg13[%get3A_533, %get3A_534] {strides = array<i32>} : memref<128x64xf32, #tpu.memory_space<vmem>>, vector<1x16xf32>,
          %get3A_536 = vector.shape_cast %get3A_535 : vector<1x16xf32> to vector<16xf32>
          %add3A_537 = arith.addf %get3A_532, %get3A_536 : vector<16xf32>
          %max3A_538 = arith.constant 0.000000e+00 : f32
          %max3A_539 = vector.broadcast %max3A_538 : f32 to vector<16xf32>
          %max3A_540 = arith.maximumf %add3A_537, %max3A_539 : vector<16xf32>
          %swap3A_541 = arith.index_cast %add3A_494 : i32 to index
          %swap3A_542 = arith.constant 32 : index
          %swap3A_543 = tpu.vector_load %arg16[%swap3A_541, %swap3A_542] {strides = array<i32>} : memref<128x64xf32, #tpu.memory_space<vmem>>, vector<1x16xf32>,
          %swap3A_544 = vector.shape_cast %swap3A_543 : vector<1x16xf32> to vector<16xf32>
          %swap3A_545 = vector.shape_cast %max3A_540 : vector<16xf32> to vector<1x16xf32>
          tpu.vector_store %arg16[%swap3A_541, %swap3A_542], %swap3A_545 {strides = array<i32>} : memref<128x64xf32, #tpu.memory_space<vmem>>, vector<1x16xf32>,
          %get3A_546 = arith.index_cast %add3A_494 : i32 to index
          %get3A_547 = arith.constant 48 : index
          %get3A_548 = tpu.vector_load %arg16[%get3A_546, %get3A_547] {strides = array<i32>} : memref<128x64xf32, #tpu.memory_space<vmem>>, vector<1x16xf32>,
          %get3A_549 = vector.shape_cast %get3A_548 : vector<1x16xf32> to vector<16xf32>
          %get3A_550 = arith.index_cast %add3A_494 : i32 to index
          %get3A_551 = arith.constant 48 : index
          %get3A_552 = tpu.vector_load %arg13[%get3A_550, %get3A_551] {strides = array<i32>} : memref<128x64xf32, #tpu.memory_space<vmem>>, vector<1x16xf32>,
          %get3A_553 = vector.shape_cast %get3A_552 : vector<1x16xf32> to vector<16xf32>
          %add3A_554 = arith.addf %get3A_549, %get3A_553 : vector<16xf32>
          %max3A_555 = arith.constant 0.000000e+00 : f32
          %max3A_556 = vector.broadcast %max3A_555 : f32 to vector<16xf32>
          %max3A_557 = arith.maximumf %add3A_554, %max3A_556 : vector<16xf32>
          %swap3A_558 = arith.index_cast %add3A_494 : i32 to index
          %swap3A_559 = arith.constant 48 : index
          %swap3A_560 = tpu.vector_load %arg16[%swap3A_558, %swap3A_559] {strides = array<i32>} : memref<128x64xf32, #tpu.memory_space<vmem>>, vector<1x16xf32>,
          %swap3A_561 = vector.shape_cast %swap3A_560 : vector<1x16xf32> to vector<16xf32>
          %swap3A_562 = vector.shape_cast %max3A_557 : vector<16xf32> to vector<1x16xf32>
          tpu.vector_store %arg16[%swap3A_558, %swap3A_559], %swap3A_562 {strides = array<i32>} : memref<128x64xf32, #tpu.memory_space<vmem>>, vector<1x16xf32>,
          %scan3A_563 = arith.constant 0 : i32
          scf.yield %scan3A_563 : i32
        }
        %scan3A_274 = arith.constant 32 : i32
        "tpu.region"() ({
          %run_scoped3A = tpu.sem_alloc : memref<!tpu.dma_semaphore, #tpu.memory_space<semaphore_mem>>
          %dma_start3A_275 = arith.constant 0 : i32
          %dma_start3A_276 = tpu.memref_slice %arg10[%add3A_244, %dma_start3A_275] : memref<79x128xi32, #tpu.memory_space<vmem>> -> memref<1x128xi32, #tpu.memory_space<vmem>>
          %dma_start3A_277 = tpu.memref_squeeze %dma_start3A_276 : memref<1x128xi32, #tpu.memory_space<vmem>> -> memref<128xi32, #tpu.memory_space<vmem>>
          %dma_start3A_278 = arith.constant 0 : i32
          %dma_start3A_279 = arith.constant 0 : i32
          %dma_start3A_280 = tpu.memref_slice %arg20[%dma_start3A_278, %dma_start3A_279] : memref<10240x64xf32, #tpu.memory_space<vmem_shared>> -> memref<10240x64xf32, #tpu.memory_space<vmem_shared>>
          tpu.enqueue_indirect_dma source(%arg16 : memref<128x64xf32, #tpu.memory_space<vmem>>) target(%dma_start3A_280 : memref<10240x64xf32, #tpu.memory_space<vmem_shared>>) offsets(%dma_start3A_277 : memref<128xi32, #tpu.memory_space<vmem>>) semaphore(%run_scoped3A : memref<!tpu.dma_semaphore, #tpu.memory_space<semaphore_mem>>) {add = true}
          %dma_wait3A_281 = arith.constant 0 : i32
          %dma_wait3A_282 = tpu.memref_slice %arg10[%add3A_244, %dma_wait3A_281] : memref<79x128xi32, #tpu.memory_space<vmem>> -> memref<1x128xi32, #tpu.memory_space<vmem>>
          %dma_wait3A_283 = tpu.memref_squeeze %dma_wait3A_282 : memref<1x128xi32, #tpu.memory_space<vmem>> -> memref<128xi32, #tpu.memory_space<vmem>>
          %dma_wait3A_284 = arith.constant 0 : i32
          %dma_wait3A_285 = arith.constant 0 : i32
          %dma_wait3A_286 = tpu.memref_slice %arg20[%dma_wait3A_284, %dma_wait3A_285] : memref<10240x64xf32, #tpu.memory_space<vmem_shared>> -> memref<10240x64xf32, #tpu.memory_space<vmem_shared>>
          tpu.wait_indirect_dma semaphore(%run_scoped3A : memref<!tpu.dma_semaphore, #tpu.memory_space<semaphore_mem>>) src(%arg16 : memref<128x64xf32, #tpu.memory_space<vmem>>) dst(%dma_wait3A_286 : memref<10240x64xf32, #tpu.memory_space<vmem_shared>>)
          tpu.yield
        }) : () -> ()
      } else {
      }
      %add3A_249 = arith.constant 5 : i32
      %add3A_250 = arith.addi %mul3A_208, %add3A_249 : i32
      %lt3A_251 = arith.cmpi slt, %add3A_250, %add3A_6 : i32
      %convert_element_type3A_252 = arith.extui %lt3A_251 : i1 to i32
      %cond3A_253 = arith.constant 0 : i32
      %cond3A_254 = arith.cmpi ne, %convert_element_type3A_252, %cond3A_253 : i32
      scf.if %cond3A_254 {
        %mul3A_262 = arith.constant 160000 : i32
        %mul3A_263 = arith.muli %add3A_142, %mul3A_262 : i32
        %add3A_264 = arith.addi %add3A, %add3A_250 : i32
        %mul3A_265 = arith.constant 128 : i32
        %mul3A_266 = arith.muli %add3A_264, %mul3A_265 : i32
        %add3A_267 = arith.addi %mul3A_263, %mul3A_266 : i32
        %dma_start3A_268 = arith.constant 0 : i32
        %dma_start3A_269 = tpu.memref_slice %arg3[%add3A_267, %dma_start3A_268] : memref<640000x64xf32, #tpu.memory_space<hbm>> -> memref<128x64xf32, #tpu.memory_space<hbm>>
        %dma_start3A_270 = arith.constant 0 : i32
        %dma_start3A_271 = tpu.memref_slice %arg3[%add3A_267, %dma_start3A_270] : memref<640000x64xf32, #tpu.memory_space<hbm>> -> memref<128x64xf32, #tpu.memory_space<hbm>>
        tpu.enqueue_dma source(%dma_start3A_271 : memref<128x64xf32, #tpu.memory_space<hbm>>) target(%arg13 : memref<128x64xf32, #tpu.memory_space<vmem>>) target_semaphore(%arg24 : memref<!tpu.dma_semaphore, #tpu.memory_space<semaphore_mem>>)
      } else {
      }
      %add3A_255 = arith.constant 4 : i32
      %add3A_256 = arith.addi %mul3A_208, %add3A_255 : i32
      %lt3A_257 = arith.cmpi slt, %add3A_256, %add3A_6 : i32
      %convert_element_type3A_258 = arith.extui %lt3A_257 : i1 to i32
      %cond3A_259 = arith.constant 0 : i32
      %cond3A_260 = arith.cmpi ne, %convert_element_type3A_258, %cond3A_259 : i32
      scf.if %cond3A_260 {
        %dma_wait3A_262 = arith.constant 0 : i32
        %dma_wait3A_263 = arith.constant 0 : i32
        %dma_wait3A_264 = tpu.memref_slice %arg3[%dma_wait3A_262, %dma_wait3A_263] : memref<640000x64xf32, #tpu.memory_space<hbm>> -> memref<128x64xf32, #tpu.memory_space<hbm>>
        %dma_wait3A_265 = arith.constant 0 : i32
        %dma_wait3A_266 = arith.constant 0 : i32
        %dma_wait3A_267 = tpu.memref_slice %arg3[%dma_wait3A_265, %dma_wait3A_266] : memref<640000x64xf32, #tpu.memory_space<hbm>> -> memref<128x64xf32, #tpu.memory_space<hbm>>
        tpu.wait_dma2 semaphore(%arg23 : memref<!tpu.dma_semaphore, #tpu.memory_space<semaphore_mem>>) src(%dma_wait3A_267 : memref<128x64xf32, #tpu.memory_space<hbm>>) dst(%arg12 : memref<128x64xf32, #tpu.memory_space<vmem>>)
        %scan3A_268 = arith.constant 0 : i32
        %scan3A_269 = arith.constant 0 : i32
        %scan3A_270 = arith.constant 8 : i32
        %scan3A_271 = arith.addi %scan3A_269, %scan3A_270 : i32
        %scan3A_272 = arith.constant 1 : i32
        %scan3A_273 = scf.for %scan3A_281 = %scan3A_269 to %scan3A_271 step %scan3A_272 iter_args(%scan3A_282 = %scan3A_268) -> (i32)  : i32 {
          %mul3A_283 = arith.constant 16 : i32
          %mul3A_284 = arith.muli %scan3A_281, %mul3A_283 : i32
          %get3A_285 = arith.index_cast %add3A_256 : i32 to index
          %get3A_286 = arith.index_cast %mul3A_284 : i32 to index
          %get3A_287 = tpu.vector_load %arg9[%get3A_285, %get3A_286] {strides = array<i32>} : memref<79x128xi32, #tpu.memory_space<vmem>>, vector<1x16xi32>,
          %get3A_288 = vector.shape_cast %get3A_287 : vector<1x16xi32> to vector<16xi32>
          %add3A_289 = arith.constant 10000 : i32
          %add3A_290 = vector.broadcast %add3A_289 : i32 to vector<16xi32>
          %add3A_291 = arith.addi %get3A_288, %add3A_290 : vector<16xi32>
          %swap3A = arith.index_cast %add3A_256 : i32 to index
          %swap3A_292 = arith.index_cast %mul3A_284 : i32 to index
          %swap3A_293 = tpu.vector_load %arg9[%swap3A, %swap3A_292] {strides = array<i32>} : memref<79x128xi32, #tpu.memory_space<vmem>>, vector<1x16xi32>,
          %swap3A_294 = vector.shape_cast %swap3A_293 : vector<1x16xi32> to vector<16xi32>
          %swap3A_295 = vector.shape_cast %add3A_291 : vector<16xi32> to vector<1x16xi32>
          tpu.vector_store %arg9[%swap3A, %swap3A_292], %swap3A_295 {strides = array<i32>} : memref<79x128xi32, #tpu.memory_space<vmem>>, vector<1x16xi32>,
          %scan3A_296 = arith.constant 0 : i32
          scf.yield %scan3A_296 : i32
        }
        %scan3A_274 = arith.constant 8 : i32
        %dma_start3A_275 = arith.constant 0 : i32
        %dma_start3A_276 = tpu.memref_slice %arg9[%add3A_256, %dma_start3A_275] : memref<79x128xi32, #tpu.memory_space<vmem>> -> memref<1x128xi32, #tpu.memory_space<vmem>>
        %dma_start3A_277 = tpu.memref_squeeze %dma_start3A_276 : memref<1x128xi32, #tpu.memory_space<vmem>> -> memref<128xi32, #tpu.memory_space<vmem>>
        %dma_start3A_278 = arith.constant 0 : i32
        %dma_start3A_279 = arith.constant 0 : i32
        %dma_start3A_280 = tpu.memref_slice %arg2[%dma_start3A_278, %dma_start3A_279] : memref<40000x64xf32, #tpu.memory_space<hbm>> -> memref<40000x64xf32, #tpu.memory_space<hbm>>
        tpu.enqueue_indirect_dma source(%dma_start3A_280 : memref<40000x64xf32, #tpu.memory_space<hbm>>) target(%arg15 : memref<128x64xf32, #tpu.memory_space<vmem>>) offsets(%dma_start3A_277 : memref<128xi32, #tpu.memory_space<vmem>>) semaphore(%arg26 : memref<!tpu.dma_semaphore, #tpu.memory_space<semaphore_mem>>)
      } else {
      }
      %scan3A_261 = arith.constant 0 : i32
      scf.yield %scan3A_261 : i32
    }
    %scan3A_192 = arith.constant 27 : i32
    %barrier3A_193 = arith.constant 0 : index
    tpu.barrier barrier_id(%barrier3A_193)
    %lt3A_194 = arith.constant 15 : i32
    %lt3A_195 = arith.cmpi slt, %arg1, %lt3A_194 : i32
    %convert_element_type3A_196 = arith.extui %lt3A_195 : i1 to i32
    %cond3A_197 = arith.constant 0 : i32
    %cond3A_198 = arith.cmpi ne, %convert_element_type3A_196, %cond3A_197 : i32
    scf.if %cond3A_198 {
      "tpu.region"() ({
        %run_scoped3A = tpu.sem_alloc : memref<!tpu.dma_semaphore, #tpu.memory_space<semaphore_mem>>
        %dma_start3A_205 = arith.constant 0 : i32
        %dma_start3A_206 = tpu.memref_slice %arg7[%add3A_142, %mul3A_0, %dma_start3A_205] : memref<4x10000x64xf32, #tpu.memory_space<hbm>> -> memref<1x640x64xf32, #tpu.memory_space<hbm>>
        %dma_start3A_207 = tpu.memref_squeeze %dma_start3A_206 : memref<1x640x64xf32, #tpu.memory_space<hbm>> -> memref<640x64xf32, #tpu.memory_space<hbm>>
        %dma_start3A_208 = arith.constant 0 : i32
        %dma_start3A_209 = tpu.memref_slice %arg20[%mul3A_0, %dma_start3A_208] : memref<10240x64xf32, #tpu.memory_space<vmem_shared>> -> memref<640x64xf32, #tpu.memory_space<vmem_shared>>
        tpu.enqueue_dma source(%dma_start3A_209 : memref<640x64xf32, #tpu.memory_space<vmem_shared>>) target(%dma_start3A_207 : memref<640x64xf32, #tpu.memory_space<hbm>>) target_semaphore(%run_scoped3A : memref<!tpu.dma_semaphore, #tpu.memory_space<semaphore_mem>>)
        %dma_wait3A_210 = arith.constant 0 : i32
        %dma_wait3A_211 = tpu.memref_slice %arg7[%add3A_142, %mul3A_0, %dma_wait3A_210] : memref<4x10000x64xf32, #tpu.memory_space<hbm>> -> memref<1x640x64xf32, #tpu.memory_space<hbm>>
        %dma_wait3A_212 = tpu.memref_squeeze %dma_wait3A_211 : memref<1x640x64xf32, #tpu.memory_space<hbm>> -> memref<640x64xf32, #tpu.memory_space<hbm>>
        %dma_wait3A_213 = arith.constant 0 : i32
        %dma_wait3A_214 = tpu.memref_slice %arg20[%mul3A_0, %dma_wait3A_213] : memref<10240x64xf32, #tpu.memory_space<vmem_shared>> -> memref<640x64xf32, #tpu.memory_space<vmem_shared>>
        tpu.wait_dma2 semaphore(%run_scoped3A : memref<!tpu.dma_semaphore, #tpu.memory_space<semaphore_mem>>) src(%dma_wait3A_214 : memref<640x64xf32, #tpu.memory_space<vmem_shared>>) dst(%dma_wait3A_212 : memref<640x64xf32, #tpu.memory_space<hbm>>)
        tpu.yield
      }) : () -> ()
    } else {
    }
    %eq3A_199 = arith.constant 15 : i32
    %eq3A_200 = arith.cmpi eq, %arg1, %eq3A_199 : i32
    %convert_element_type3A_201 = arith.extui %eq3A_200 : i1 to i32
    %cond3A_202 = arith.constant 0 : i32
    %cond3A_203 = arith.cmpi ne, %convert_element_type3A_201, %cond3A_202 : i32
    scf.if %cond3A_203 {
      "tpu.region"() ({
        %run_scoped3A = tpu.sem_alloc : memref<!tpu.dma_semaphore, #tpu.memory_space<semaphore_mem>>
        %dma_start3A_205 = arith.constant 0 : i32
        %dma_start3A_206 = tpu.memref_slice %arg7[%add3A_142, %mul3A_0, %dma_start3A_205] : memref<4x10000x64xf32, #tpu.memory_space<hbm>> -> memref<1x400x64xf32, #tpu.memory_space<hbm>>
        %dma_start3A_207 = tpu.memref_squeeze %dma_start3A_206 : memref<1x400x64xf32, #tpu.memory_space<hbm>> -> memref<400x64xf32, #tpu.memory_space<hbm>>
        %dma_start3A_208 = arith.constant 0 : i32
        %dma_start3A_209 = tpu.memref_slice %arg20[%mul3A_0, %dma_start3A_208] : memref<10240x64xf32, #tpu.memory_space<vmem_shared>> -> memref<400x64xf32, #tpu.memory_space<vmem_shared>>
        tpu.enqueue_dma source(%dma_start3A_209 : memref<400x64xf32, #tpu.memory_space<vmem_shared>>) target(%dma_start3A_207 : memref<400x64xf32, #tpu.memory_space<hbm>>) target_semaphore(%run_scoped3A : memref<!tpu.dma_semaphore, #tpu.memory_space<semaphore_mem>>)
        %dma_wait3A_210 = arith.constant 0 : i32
        %dma_wait3A_211 = tpu.memref_slice %arg7[%add3A_142, %mul3A_0, %dma_wait3A_210] : memref<4x10000x64xf32, #tpu.memory_space<hbm>> -> memref<1x400x64xf32, #tpu.memory_space<hbm>>
        %dma_wait3A_212 = tpu.memref_squeeze %dma_wait3A_211 : memref<1x400x64xf32, #tpu.memory_space<hbm>> -> memref<400x64xf32, #tpu.memory_space<hbm>>
        %dma_wait3A_213 = arith.constant 0 : i32
        %dma_wait3A_214 = tpu.memref_slice %arg20[%mul3A_0, %dma_wait3A_213] : memref<10240x64xf32, #tpu.memory_space<vmem_shared>> -> memref<400x64xf32, #tpu.memory_space<vmem_shared>>
        tpu.wait_dma2 semaphore(%run_scoped3A : memref<!tpu.dma_semaphore, #tpu.memory_space<semaphore_mem>>) src(%dma_wait3A_214 : memref<400x64xf32, #tpu.memory_space<vmem_shared>>) dst(%dma_wait3A_212 : memref<400x64xf32, #tpu.memory_space<hbm>>)
        tpu.yield
      }) : () -> ()
    } else {
    }
    %barrier3A_204 = arith.constant 0 : index
    tpu.barrier barrier_id(%barrier3A_204)
    return
  }
}

module attributes {stable_mosaic.version = 14 : i64} {
  func.func @_node_pre_body(%arg0: i32, %arg1: memref<1000x256xf32, #tpu.memory_space<vmem>>, %arg2: memref<256x256xf32, #tpu.memory_space<vmem>>, %arg3: memref<256x256xf32, #tpu.memory_space<vmem>>, %arg4: memref<1x256xf32, #tpu.memory_space<vmem>>, %arg5: memref<1x256xf32, #tpu.memory_space<vmem>>, %arg6: memref<4x1000x64xf32, #tpu.memory_space<vmem>>, %arg7: memref<1000x256xf32, #tpu.memory_space<vmem>>) attributes {dimension_semantics = [#tpu.dimension_semantics<arbitrary>], iteration_bounds = array<i64: 10>, scalar_prefetch = 0 : i64, scratch_operands = 0 : i64, tpu.core_type = #tpu.core_type<tc>, window_params = [{transform_indices = @transform_0, window_bounds = array<i64: 1000, 256>}, {pipeline_mode = #tpu.pipeline_mode<synchronous>, transform_indices = @transform_1, window_bounds = array<i64: 256, 256>}, {pipeline_mode = #tpu.pipeline_mode<synchronous>, transform_indices = @transform_2, window_bounds = array<i64: 256, 256>}, {pipeline_mode = #tpu.pipeline_mode<synchronous>, transform_indices = @transform_3, window_bounds = array<i64: 1, 256>}, {pipeline_mode = #tpu.pipeline_mode<synchronous>, transform_indices = @transform_4, window_bounds = array<i64: 1, 256>}, {transform_indices = @transform_5, window_bounds = array<i64: 4, 1000, 64>}, {transform_indices = @transform_6, window_bounds = array<i64: 1000, 256>}]} {
    %get3A = arith.constant 0 : index
    %get3A_0 = arith.constant 0 : index
    %get3A_1 = vector.load %arg1[%get3A, %get3A_0] : memref<1000x256xf32, #tpu.memory_space<vmem>>, vector<1000x256xf32>
    %get3A_2 = arith.constant 0 : index
    %get3A_3 = arith.constant 0 : index
    %get3A_4 = vector.load %arg2[%get3A_2, %get3A_3] : memref<256x256xf32, #tpu.memory_space<vmem>>, vector<256x256xf32>
    %dot_general3A = arith.constant dense<0.000000e+00> : vector<1000x256xf32>
    %dot_general3A_5 = tpu.matmul %get3A_1, %get3A_4, %dot_general3A {dimension_numbers = #tpu.dot_dimension_numbers<[1], [0], [0], [1], [0, 0, 1, 1], [], []>, transpose_lhs_hint = false} : vector<1000x256xf32>, vector<256x256xf32>, vector<1000x256xf32> -> vector<1000x256xf32>
    %get3A_6 = arith.constant 0 : index
    %get3A_7 = arith.constant 0 : index
    %get3A_8 = vector.load %arg4[%get3A_6, %get3A_7] : memref<1x256xf32, #tpu.memory_space<vmem>>, vector<1x256xf32>
    %add3A = vector.broadcast %get3A_8 : vector<1x256xf32> to vector<1000x256xf32>
    %add3A_9 = arith.addf %dot_general3A_5, %add3A : vector<1000x256xf32>
    %slice3A = vector.extract_strided_slice %add3A_9 {offsets = [0, 0], sizes = [1000, 64], strides = [1, 1]} : vector<1000x256xf32> to vector<1000x64xf32>
    %swap3A = arith.constant 0 : index
    %swap3A_10 = arith.constant 0 : index
    %swap3A_11 = arith.constant 0 : index
    %swap3A_12 = vector.load %arg6[%swap3A, %swap3A_10, %swap3A_11] : memref<4x1000x64xf32, #tpu.memory_space<vmem>>, vector<1x1000x64xf32>
    %swap3A_13 = vector.shape_cast %swap3A_12 : vector<1x1000x64xf32> to vector<1000x64xf32>
    %swap3A_14 = vector.shape_cast %slice3A : vector<1000x64xf32> to vector<1x1000x64xf32>
    tpu.vector_store %arg6[%swap3A, %swap3A_10, %swap3A_11], %swap3A_14 {strides = array<i32>} : memref<4x1000x64xf32, #tpu.memory_space<vmem>>, vector<1x1000x64xf32>,
    %slice3A_15 = vector.extract_strided_slice %add3A_9 {offsets = [0, 64], sizes = [1000, 64], strides = [1, 1]} : vector<1000x256xf32> to vector<1000x64xf32>
    %swap3A_16 = arith.constant 1 : index
    %swap3A_17 = arith.constant 0 : index
    %swap3A_18 = arith.constant 0 : index
    %swap3A_19 = vector.load %arg6[%swap3A_16, %swap3A_17, %swap3A_18] : memref<4x1000x64xf32, #tpu.memory_space<vmem>>, vector<1x1000x64xf32>
    %swap3A_20 = vector.shape_cast %swap3A_19 : vector<1x1000x64xf32> to vector<1000x64xf32>
    %swap3A_21 = vector.shape_cast %slice3A_15 : vector<1000x64xf32> to vector<1x1000x64xf32>
    tpu.vector_store %arg6[%swap3A_16, %swap3A_17, %swap3A_18], %swap3A_21 {strides = array<i32>} : memref<4x1000x64xf32, #tpu.memory_space<vmem>>, vector<1x1000x64xf32>,
    %slice3A_22 = vector.extract_strided_slice %add3A_9 {offsets = [0, 128], sizes = [1000, 64], strides = [1, 1]} : vector<1000x256xf32> to vector<1000x64xf32>
    %swap3A_23 = arith.constant 2 : index
    %swap3A_24 = arith.constant 0 : index
    %swap3A_25 = arith.constant 0 : index
    %swap3A_26 = vector.load %arg6[%swap3A_23, %swap3A_24, %swap3A_25] : memref<4x1000x64xf32, #tpu.memory_space<vmem>>, vector<1x1000x64xf32>
    %swap3A_27 = vector.shape_cast %swap3A_26 : vector<1x1000x64xf32> to vector<1000x64xf32>
    %swap3A_28 = vector.shape_cast %slice3A_22 : vector<1000x64xf32> to vector<1x1000x64xf32>
    tpu.vector_store %arg6[%swap3A_23, %swap3A_24, %swap3A_25], %swap3A_28 {strides = array<i32>} : memref<4x1000x64xf32, #tpu.memory_space<vmem>>, vector<1x1000x64xf32>,
    %slice3A_29 = vector.extract_strided_slice %add3A_9 {offsets = [0, 192], sizes = [1000, 64], strides = [1, 1]} : vector<1000x256xf32> to vector<1000x64xf32>
    %swap3A_30 = arith.constant 3 : index
    %swap3A_31 = arith.constant 0 : index
    %swap3A_32 = arith.constant 0 : index
    %swap3A_33 = vector.load %arg6[%swap3A_30, %swap3A_31, %swap3A_32] : memref<4x1000x64xf32, #tpu.memory_space<vmem>>, vector<1x1000x64xf32>
    %swap3A_34 = vector.shape_cast %swap3A_33 : vector<1x1000x64xf32> to vector<1000x64xf32>
    %swap3A_35 = vector.shape_cast %slice3A_29 : vector<1000x64xf32> to vector<1x1000x64xf32>
    tpu.vector_store %arg6[%swap3A_30, %swap3A_31, %swap3A_32], %swap3A_35 {strides = array<i32>} : memref<4x1000x64xf32, #tpu.memory_space<vmem>>, vector<1x1000x64xf32>,
    %get3A_36 = arith.constant 0 : index
    %get3A_37 = arith.constant 0 : index
    %get3A_38 = vector.load %arg3[%get3A_36, %get3A_37] : memref<256x256xf32, #tpu.memory_space<vmem>>, vector<256x256xf32>
    %dot_general3A_39 = arith.constant dense<0.000000e+00> : vector<1000x256xf32>
    %dot_general3A_40 = tpu.matmul %get3A_1, %get3A_38, %dot_general3A_39 {dimension_numbers = #tpu.dot_dimension_numbers<[1], [0], [0], [1], [0, 0, 1, 1], [], []>, transpose_lhs_hint = false} : vector<1000x256xf32>, vector<256x256xf32>, vector<1000x256xf32> -> vector<1000x256xf32>
    %get3A_41 = arith.constant 0 : index
    %get3A_42 = arith.constant 0 : index
    %get3A_43 = vector.load %arg5[%get3A_41, %get3A_42] : memref<1x256xf32, #tpu.memory_space<vmem>>, vector<1x256xf32>
    %add3A_44 = vector.broadcast %get3A_43 : vector<1x256xf32> to vector<1000x256xf32>
    %add3A_45 = arith.addf %dot_general3A_40, %add3A_44 : vector<1000x256xf32>
    %swap3A_46 = arith.constant 0 : index
    %swap3A_47 = arith.constant 0 : index
    %swap3A_48 = vector.load %arg7[%swap3A_46, %swap3A_47] : memref<1000x256xf32, #tpu.memory_space<vmem>>, vector<1000x256xf32>
    tpu.vector_store %arg7[%swap3A_46, %swap3A_47], %add3A_45 {strides = array<i32>} : memref<1000x256xf32, #tpu.memory_space<vmem>>, vector<1000x256xf32>,
    return
  }
  func.func @transform_0(%arg0: i32) -> (i32, i32) {
    %c0_i32 = arith.constant 0 : i32
    %c0_i32_0 = arith.constant 0 : i32
    return %arg0, %c0_i32 : i32, i32
  }
  func.func @transform_1(%arg0: i32) -> (i32, i32) {
    %c0_i32 = arith.constant 0 : i32
    %c0_i32_0 = arith.constant 0 : i32
    %c0_i32_1 = arith.constant 0 : i32
    return %c0_i32, %c0_i32_0 : i32, i32
  }
  func.func @transform_2(%arg0: i32) -> (i32, i32) {
    %c0_i32 = arith.constant 0 : i32
    %c0_i32_0 = arith.constant 0 : i32
    %c0_i32_1 = arith.constant 0 : i32
    return %c0_i32, %c0_i32_0 : i32, i32
  }
  func.func @transform_3(%arg0: i32) -> (i32, i32) {
    %c0_i32 = arith.constant 0 : i32
    %c0_i32_0 = arith.constant 0 : i32
    %c0_i32_1 = arith.constant 0 : i32
    return %c0_i32, %c0_i32_0 : i32, i32
  }
  func.func @transform_4(%arg0: i32) -> (i32, i32) {
    %c0_i32 = arith.constant 0 : i32
    %c0_i32_0 = arith.constant 0 : i32
    %c0_i32_1 = arith.constant 0 : i32
    return %c0_i32, %c0_i32_0 : i32, i32
  }
  func.func @transform_5(%arg0: i32) -> (i32, i32, i32) {
    %c0_i32 = arith.constant 0 : i32
    %c0_i32_0 = arith.constant 0 : i32
    %c0_i32_1 = arith.constant 0 : i32
    return %c0_i32, %arg0, %c0_i32_0 : i32, i32, i32
  }
  func.func @transform_6(%arg0: i32) -> (i32, i32) {
    %c0_i32 = arith.constant 0 : i32
    %c0_i32_0 = arith.constant 0 : i32
    return %arg0, %c0_i32 : i32, i32
  }
}

module attributes {stable_mosaic.version = 14 : i64} {
  func.func @_edge_mm_body(%arg0: i32, %arg1: memref<1000x256xf32, #tpu.memory_space<vmem>>, %arg2: memref<256x256xf32, #tpu.memory_space<vmem>>, %arg3: memref<4x1000x64xf32, #tpu.memory_space<vmem>>) attributes {dimension_semantics = [#tpu.dimension_semantics<arbitrary>], iteration_bounds = array<i64: 160>, scalar_prefetch = 0 : i64, scratch_operands = 0 : i64, tpu.core_type = #tpu.core_type<tc>, window_params = [{transform_indices = @transform_0, window_bounds = array<i64: 1000, 256>}, {pipeline_mode = #tpu.pipeline_mode<synchronous>, transform_indices = @transform_1, window_bounds = array<i64: 256, 256>}, {transform_indices = @transform_2, window_bounds = array<i64: 4, 1000, 64>}]} {
    %get3A = arith.constant 0 : index
    %get3A_0 = arith.constant 0 : index
    %get3A_1 = vector.load %arg1[%get3A, %get3A_0] : memref<1000x256xf32, #tpu.memory_space<vmem>>, vector<1000x256xf32>
    %get3A_2 = arith.constant 0 : index
    %get3A_3 = arith.constant 0 : index
    %get3A_4 = vector.load %arg2[%get3A_2, %get3A_3] : memref<256x256xf32, #tpu.memory_space<vmem>>, vector<256x256xf32>
    %dot_general3A = arith.constant dense<0.000000e+00> : vector<1000x256xf32>
    %dot_general3A_5 = tpu.matmul %get3A_1, %get3A_4, %dot_general3A {dimension_numbers = #tpu.dot_dimension_numbers<[1], [0], [0], [1], [0, 0, 1, 1], [], []>, transpose_lhs_hint = false} : vector<1000x256xf32>, vector<256x256xf32>, vector<1000x256xf32> -> vector<1000x256xf32>
    %slice3A = vector.extract_strided_slice %dot_general3A_5 {offsets = [0, 0], sizes = [1000, 64], strides = [1, 1]} : vector<1000x256xf32> to vector<1000x64xf32>
    %swap3A = arith.constant 0 : index
    %swap3A_6 = arith.constant 0 : index
    %swap3A_7 = arith.constant 0 : index
    %swap3A_8 = vector.load %arg3[%swap3A, %swap3A_6, %swap3A_7] : memref<4x1000x64xf32, #tpu.memory_space<vmem>>, vector<1x1000x64xf32>
    %swap3A_9 = vector.shape_cast %swap3A_8 : vector<1x1000x64xf32> to vector<1000x64xf32>
    %swap3A_10 = vector.shape_cast %slice3A : vector<1000x64xf32> to vector<1x1000x64xf32>
    tpu.vector_store %arg3[%swap3A, %swap3A_6, %swap3A_7], %swap3A_10 {strides = array<i32>} : memref<4x1000x64xf32, #tpu.memory_space<vmem>>, vector<1x1000x64xf32>,
    %slice3A_11 = vector.extract_strided_slice %dot_general3A_5 {offsets = [0, 64], sizes = [1000, 64], strides = [1, 1]} : vector<1000x256xf32> to vector<1000x64xf32>
    %swap3A_12 = arith.constant 1 : index
    %swap3A_13 = arith.constant 0 : index
    %swap3A_14 = arith.constant 0 : index
    %swap3A_15 = vector.load %arg3[%swap3A_12, %swap3A_13, %swap3A_14] : memref<4x1000x64xf32, #tpu.memory_space<vmem>>, vector<1x1000x64xf32>
    %swap3A_16 = vector.shape_cast %swap3A_15 : vector<1x1000x64xf32> to vector<1000x64xf32>
    %swap3A_17 = vector.shape_cast %slice3A_11 : vector<1000x64xf32> to vector<1x1000x64xf32>
    tpu.vector_store %arg3[%swap3A_12, %swap3A_13, %swap3A_14], %swap3A_17 {strides = array<i32>} : memref<4x1000x64xf32, #tpu.memory_space<vmem>>, vector<1x1000x64xf32>,
    %slice3A_18 = vector.extract_strided_slice %dot_general3A_5 {offsets = [0, 128], sizes = [1000, 64], strides = [1, 1]} : vector<1000x256xf32> to vector<1000x64xf32>
    %swap3A_19 = arith.constant 2 : index
    %swap3A_20 = arith.constant 0 : index
    %swap3A_21 = arith.constant 0 : index
    %swap3A_22 = vector.load %arg3[%swap3A_19, %swap3A_20, %swap3A_21] : memref<4x1000x64xf32, #tpu.memory_space<vmem>>, vector<1x1000x64xf32>
    %swap3A_23 = vector.shape_cast %swap3A_22 : vector<1x1000x64xf32> to vector<1000x64xf32>
    %swap3A_24 = vector.shape_cast %slice3A_18 : vector<1000x64xf32> to vector<1x1000x64xf32>
    tpu.vector_store %arg3[%swap3A_19, %swap3A_20, %swap3A_21], %swap3A_24 {strides = array<i32>} : memref<4x1000x64xf32, #tpu.memory_space<vmem>>, vector<1x1000x64xf32>,
    %slice3A_25 = vector.extract_strided_slice %dot_general3A_5 {offsets = [0, 192], sizes = [1000, 64], strides = [1, 1]} : vector<1000x256xf32> to vector<1000x64xf32>
    %swap3A_26 = arith.constant 3 : index
    %swap3A_27 = arith.constant 0 : index
    %swap3A_28 = arith.constant 0 : index
    %swap3A_29 = vector.load %arg3[%swap3A_26, %swap3A_27, %swap3A_28] : memref<4x1000x64xf32, #tpu.memory_space<vmem>>, vector<1x1000x64xf32>
    %swap3A_30 = vector.shape_cast %swap3A_29 : vector<1x1000x64xf32> to vector<1000x64xf32>
    %swap3A_31 = vector.shape_cast %slice3A_25 : vector<1000x64xf32> to vector<1x1000x64xf32>
    tpu.vector_store %arg3[%swap3A_26, %swap3A_27, %swap3A_28], %swap3A_31 {strides = array<i32>} : memref<4x1000x64xf32, #tpu.memory_space<vmem>>, vector<1x1000x64xf32>,
    return
  }
  func.func @transform_0(%arg0: i32) -> (i32, i32) {
    %c0_i32 = arith.constant 0 : i32
    %c0_i32_0 = arith.constant 0 : i32
    return %arg0, %c0_i32 : i32, i32
  }
  func.func @transform_1(%arg0: i32) -> (i32, i32) {
    %c0_i32 = arith.constant 0 : i32
    %c0_i32_0 = arith.constant 0 : i32
    %c0_i32_1 = arith.constant 0 : i32
    return %c0_i32, %c0_i32_0 : i32, i32
  }
  func.func @transform_2(%arg0: i32) -> (i32, i32, i32) {
    %c0_i32 = arith.constant 0 : i32
    %c0_i32_0 = arith.constant 0 : i32
    %c0_i32_1 = arith.constant 0 : i32
    return %c0_i32, %arg0, %c0_i32_0 : i32, i32, i32
  }
}

module attributes {stable_mosaic.version = 14 : i64} {
  func.func @_update_body(%arg0: i32, %arg1: memref<4x1000x64xf32, #tpu.memory_space<vmem>>, %arg2: memref<2x1000x16xf32, #tpu.memory_space<vmem>>, %arg3: memref<1000x256xf32, #tpu.memory_space<vmem>>, %arg4: memref<256x256xf32, #tpu.memory_space<vmem>>, %arg5: memref<1000x256xf32, #tpu.memory_space<vmem>>) attributes {dimension_semantics = [#tpu.dimension_semantics<arbitrary>], iteration_bounds = array<i64: 10>, scalar_prefetch = 0 : i64, scratch_operands = 0 : i64, tpu.core_type = #tpu.core_type<tc>, window_params = [{transform_indices = @transform_0, window_bounds = array<i64: 4, 1000, 64>}, {transform_indices = @transform_1, window_bounds = array<i64: 2, 1000, 16>}, {transform_indices = @transform_2, window_bounds = array<i64: 1000, 256>}, {pipeline_mode = #tpu.pipeline_mode<synchronous>, transform_indices = @transform_3, window_bounds = array<i64: 256, 256>}, {transform_indices = @transform_4, window_bounds = array<i64: 1000, 256>}]} {
    %get3A = arith.constant 0 : index
    %get3A_0 = arith.constant 0 : index
    %get3A_1 = arith.constant 0 : index
    %get3A_2 = vector.load %arg1[%get3A, %get3A_0, %get3A_1] : memref<4x1000x64xf32, #tpu.memory_space<vmem>>, vector<1x1000x64xf32>
    %get3A_3 = vector.shape_cast %get3A_2 : vector<1x1000x64xf32> to vector<1000x64xf32>
    %get3A_4 = arith.constant 1 : index
    %get3A_5 = arith.constant 0 : index
    %get3A_6 = arith.constant 0 : index
    %get3A_7 = vector.load %arg1[%get3A_4, %get3A_5, %get3A_6] : memref<4x1000x64xf32, #tpu.memory_space<vmem>>, vector<1x1000x64xf32>
    %get3A_8 = vector.shape_cast %get3A_7 : vector<1x1000x64xf32> to vector<1000x64xf32>
    %get3A_9 = arith.constant 2 : index
    %get3A_10 = arith.constant 0 : index
    %get3A_11 = arith.constant 0 : index
    %get3A_12 = vector.load %arg1[%get3A_9, %get3A_10, %get3A_11] : memref<4x1000x64xf32, #tpu.memory_space<vmem>>, vector<1x1000x64xf32>
    %get3A_13 = vector.shape_cast %get3A_12 : vector<1x1000x64xf32> to vector<1000x64xf32>
    %get3A_14 = arith.constant 3 : index
    %get3A_15 = arith.constant 0 : index
    %get3A_16 = arith.constant 0 : index
    %get3A_17 = vector.load %arg1[%get3A_14, %get3A_15, %get3A_16] : memref<4x1000x64xf32, #tpu.memory_space<vmem>>, vector<1x1000x64xf32>
    %get3A_18 = vector.shape_cast %get3A_17 : vector<1x1000x64xf32> to vector<1000x64xf32>
    %concatenate3A = tpu.concatenate %get3A_3, %get3A_8, %get3A_13, %get3A_18 in 1 : vector<1000x64xf32>, vector<1000x64xf32>, vector<1000x64xf32>, vector<1000x64xf32> -> vector<1000x256xf32>
    %get3A_19 = arith.constant 0 : index
    %get3A_20 = arith.constant 0 : index
    %get3A_21 = arith.constant 0 : index
    %get3A_22 = vector.load %arg2[%get3A_19, %get3A_20, %get3A_21] : memref<2x1000x16xf32, #tpu.memory_space<vmem>>, vector<1x1000x1xf32>
    %get3A_23 = vector.shape_cast %get3A_22 : vector<1x1000x1xf32> to vector<1000x1xf32>
    %get3A_24 = arith.constant 1 : index
    %get3A_25 = arith.constant 0 : index
    %get3A_26 = arith.constant 0 : index
    %get3A_27 = vector.load %arg2[%get3A_24, %get3A_25, %get3A_26] : memref<2x1000x16xf32, #tpu.memory_space<vmem>>, vector<1x1000x1xf32>
    %get3A_28 = vector.shape_cast %get3A_27 : vector<1x1000x1xf32> to vector<1000x1xf32>
    %add3A = arith.addf %get3A_23, %get3A_28 : vector<1000x1xf32>
    %max3A = arith.constant 1.000000e+00 : f32
    %max3A_29 = vector.broadcast %max3A : f32 to vector<1000x1xf32>
    %max3A_30 = arith.maximumf %add3A, %max3A_29 : vector<1000x1xf32>
    %div3A = vector.broadcast %max3A_30 : vector<1000x1xf32> to vector<1000x256xf32>
    %div3A_31 = arith.divf %concatenate3A, %div3A : vector<1000x256xf32>
    %get3A_32 = arith.constant 0 : index
    %get3A_33 = arith.constant 0 : index
    %get3A_34 = vector.load %arg4[%get3A_32, %get3A_33] : memref<256x256xf32, #tpu.memory_space<vmem>>, vector<256x256xf32>
    %dot_general3A = arith.constant dense<0.000000e+00> : vector<1000x256xf32>
    %dot_general3A_35 = tpu.matmul %div3A_31, %get3A_34, %dot_general3A {dimension_numbers = #tpu.dot_dimension_numbers<[1], [0], [0], [1], [0, 0, 1, 1], [], []>, transpose_lhs_hint = false} : vector<1000x256xf32>, vector<256x256xf32>, vector<1000x256xf32> -> vector<1000x256xf32>
    %get3A_36 = arith.constant 0 : index
    %get3A_37 = arith.constant 0 : index
    %get3A_38 = vector.load %arg3[%get3A_36, %get3A_37] : memref<1000x256xf32, #tpu.memory_space<vmem>>, vector<1000x256xf32>
    %add3A_39 = arith.addf %dot_general3A_35, %get3A_38 : vector<1000x256xf32>
    %max3A_40 = arith.constant 0.000000e+00 : f32
    %max3A_41 = vector.broadcast %max3A_40 : f32 to vector<1000x256xf32>
    %max3A_42 = arith.maximumf %add3A_39, %max3A_41 : vector<1000x256xf32>
    %swap3A = arith.constant 0 : index
    %swap3A_43 = arith.constant 0 : index
    %swap3A_44 = vector.load %arg5[%swap3A, %swap3A_43] : memref<1000x256xf32, #tpu.memory_space<vmem>>, vector<1000x256xf32>
    tpu.vector_store %arg5[%swap3A, %swap3A_43], %max3A_42 {strides = array<i32>} : memref<1000x256xf32, #tpu.memory_space<vmem>>, vector<1000x256xf32>,
    return
  }
  func.func @transform_0(%arg0: i32) -> (i32, i32, i32) {
    %c0_i32 = arith.constant 0 : i32
    %c0_i32_0 = arith.constant 0 : i32
    %c0_i32_1 = arith.constant 0 : i32
    return %c0_i32, %arg0, %c0_i32_0 : i32, i32, i32
  }
  func.func @transform_1(%arg0: i32) -> (i32, i32, i32) {
    %c0_i32 = arith.constant 0 : i32
    %c0_i32_0 = arith.constant 0 : i32
    %c0_i32_1 = arith.constant 0 : i32
    return %c0_i32, %arg0, %c0_i32_0 : i32, i32, i32
  }
  func.func @transform_2(%arg0: i32) -> (i32, i32) {
    %c0_i32 = arith.constant 0 : i32
    %c0_i32_0 = arith.constant 0 : i32
    return %arg0, %c0_i32 : i32, i32
  }
  func.func @transform_3(%arg0: i32) -> (i32, i32) {
    %c0_i32 = arith.constant 0 : i32
    %c0_i32_0 = arith.constant 0 : i32
    %c0_i32_1 = arith.constant 0 : i32
    return %c0_i32, %c0_i32_0 : i32, i32
  }
  func.func @transform_4(%arg0: i32) -> (i32, i32) {
    %c0_i32 = arith.constant 0 : i32
    %c0_i32_0 = arith.constant 0 : i32
    return %arg0, %c0_i32 : i32, i32
  }
}

</mosaic_0001>

<sc_bundles>
// kernel: kernel.6.cloned.1.call-start
scs
__scs_entry_jumppad:
0x0: {  	(pc) =	sbr.rel $0x88, $3  }
0x1: {  	(tag) =	ssettag $0x0;
	lr =	simm.s32 $0x1  }
0x2: {  	[smem:$0x3F99] =	sst lr;
	_ =	strace $0xD0000000  }
0x3: {  	_ = 	snop  }
0x4: {  	_ = 	snop  }
0x5: {  	_ = 	snop  }
0x6: {  	_ = 	snop  }
0x7: {  	_ = 	snop  }
__scs_overlays_trampoline_lowered:
0x8: {  	[smem:$0x3FA8] =	sst s0  }
0x9: {  	[smem:$0x3FA9] =	sst s1  }
0xa: {  	[smem:$0x3FAA] =	sst s2  }
0xb: {  	[smem:$0x3FAB] =	sst s3  }
0xc: {  	[smem:$0x3FAC] =	sst s4  }
0xd: {  	[smem:$0x3FAD] =	sst s5  }
0xe: {  	[smem:$0x3FAE] =	sst s6  }
0xf: {  	[smem:$0x3FAF] =	sst s7  }
0x10: {  	[smem:$0x3FB0] =	sst s8  }
0x11: {  	[smem:$0x3FB1] =	sst s9;
	s0 =	simm.s32 @!p0 $0x0  }
0x12: {  	s1 =	sld [smem:$0x3F97];
	s0 =	simm.s32 @p0 $0x1  }
0x13: {  	[smem:$0x3FB2] =	sst s0;
	s0 =	simm.s32 @!p1 $0x0  }
0x14: {  	s2 =	sld [smem:$0x3F96];
	s0 =	simm.s32 @p1 $0x1  }
0x15: {  	[smem:$0x3FB3] =	sst s0;
	s0 =	simm.s32 @!p2 $0x0  }
0x16: {  	s3 =	sld [smem:$0x3FDB];
	s0 =	simm.s32 @p2 $0x1  }
0x17: {  	s4 =	simm.s32 $0x1BF5;
	[smem:$0x3FB5] =	sst s0  }
0x18: {  	s0 =	sld [smem:$0x3F98];
	_ =	swait.ge [sflag:s4], $0x0  }
0x19: {  	s7 =	sld [smem:$0x3F99]  }
0x1a: {  	s8 =	sadd.s32 $0xFFFFE003, lr  }
0x1b: {  	s9 =	sadd.s32 $0xFFFFFEF7, lr;
	s5 =	simm.s32 $0xFFFFFFFF;
	p2 =	slt.u32 s8, $0xFFFFF086  }
0x1c: {  	p1 =	slt.u32 s9, $0xF7A;
	s5 =	simm.s32 @!p2 $0x0  }
0x1d: {  	s5 =	simm.s32 @p1 $0x1;
	p0 =	seq.s32 s7, s2  }
0x1e: {  	s7 =	smul.u32 @!p0 $0xF7A, s2;
	p2 =	seq.s32 @!p0 s5, $0x0  }
0x1f: {  	s9 =	smul.u32 $0xF7A, s1;
	s8 =	simm.s32 @!p0 $0x1BF5;
	p2 =	por !p2, p0  }
0x20: {  	[sflag:s8] =	ssyncset.s32 @!p0 $0xFFFFF086;
	s6 =	sadd.s32 @!p0 s3, s7;
	s7 =	simm.s32 @!p0 $0x108  }
0x21: {  	s3 =	sadd.s32 s3, s9;
	s6 =	sadd.s32 @!p0 $0x88, s6;
	s7 =	simm.s32 @p2 $0x1082  }
0x22: {  	[simem:s7], [sflag:s8] =	dma.local @!p0 [hbm:s6], $0xF7A  }
0x23: {  	s9 =	sor.u32 $0xD0000000, s2;
	s6 =	simm.s32 $0x108;
	_ =	swait.ge @!p0 [sflag:s8], $0x0  }
0x24: {  	s3 =	sadd.s32 $0x88, s3;
	s6 =	simm.s32 @!p1 $0x1082;
	[sflag:s4] =	ssyncset.s32 $0xFFFFF086  }
0x25: {  	[simem:s6], [sflag:s4] =	dma.local [hbm:s3], $0xF7A  }
0x26: {  	[smem:$0x3F99] =	sst s1;
	(tag) =	ssettag s2;
	_ =	strace s9  }
0x27: {  	s1 =	sld [smem:$0x3FA9]  }
0x28: {  	s2 =	sld [smem:$0x3FAA]  }
0x29: {  	s4 =	sld [smem:$0x3FAC]  }
0x2a: {  	p0 =	seq.s32 s5, $0x0;
	s5 =	sld [smem:$0x3FAD]  }
0x2b: {  	s6 =	sld [smem:$0x3FAE]  }
0x2c: {  	s7 =	sld [smem:$0x3FAF]  }
0x2d: {  	s3 =	simm.s32 $0x108;
	s8 =	sld [smem:$0x3FB0]  }
0x2e: {  	s3 =	simm.s32 @!p0 $0x1082;
	s9 =	sld [smem:$0x3FB1]  }
0x2f: {  	lr =	sadd.s32 s0, s3;
	s0 =	sld [smem:$0x3FA8]  }
0x30: {  	s3 =	sld [smem:$0x3FAB]  }
0x31: {  	[smem:$0x3FB4] =	sst s10  }
0x32: {  	s10 =	sld [smem:$0x3FB2];
	_ =	sdelay $0x3  }
0x33: {  	p0 =	seq.s32 s10, $0x1;
	s10 =	sld [smem:$0x3FB4];
	_ =	sdelay $0x3  }
0x34: {  	[smem:$0x3FB4] =	sst s10  }
0x35: {  	s10 =	sld [smem:$0x3FB3];
	_ =	sdelay $0x3  }
0x36: {  	p1 =	seq.s32 s10, $0x1;
	s10 =	sld [smem:$0x3FB4];
	_ =	sdelay $0x3  }
0x37: {  	[smem:$0x3FB4] =	sst s10  }
0x38: {  	s10 =	sld [smem:$0x3FB5]  }
0x39: {  	_ = 	snop;
	(pc) =	sbr.ind lr, $3  }
0x3a: {  	_ = 	snop  }
0x3b: {  	_ = 	snop  }
0x3c: {  	p2 =	seq.s32 s10, $0x1;
	s10 =	sld [smem:$0x3FB4]  }
0x3d: {  	_ =	shalt  }
0x3e: {  	_ =	shalt  }
0x3f: {  	_ =	shalt  }
0x40: {  	_ =	shalt  }
0x41: {  	_ =	shalt  }
0x42: {  	_ =	shalt  }
0x43: {  	_ =	shalt  }
0x44: {  	_ =	shalt  }
0x45: {  	_ =	shalt  }
0x46: {  	_ =	shalt  }
0x47: {  	_ =	shalt  }
0x48: {  	_ =	shalt  }
0x49: {  	_ =	shalt  }
0x4a: {  	_ =	shalt  }
0x4b: {  	_ =	shalt  }
0x4c: {  	_ =	shalt  }
0x4d: {  	_ =	shalt  }
0x4e: {  	_ =	shalt  }
0x4f: {  	_ =	shalt  }
0x50: {  	_ =	shalt  }
0x51: {  	_ =	shalt  }
0x52: {  	_ =	shalt  }
0x53: {  	_ =	shalt  }
0x54: {  	_ =	shalt  }
0x55: {  	_ =	shalt  }
0x56: {  	_ =	shalt  }
0x57: {  	_ =	shalt  }
0x58: {  	_ =	shalt  }
0x59: {  	_ =	shalt  }
0x5a: {  	_ =	shalt  }
0x5b: {  	_ =	shalt  }
0x5c: {  	_ =	shalt  }
0x5d: {  	_ =	shalt  }
0x5e: {  	_ =	shalt  }
0x5f: {  	_ =	shalt  }
0x60: {  	_ =	shalt  }
0x61: {  	_ =	shalt  }
0x62: {  	_ =	shalt  }
0x63: {  	_ =	shalt  }
0x64: {  	_ =	shalt  }
0x65: {  	_ =	shalt  }
0x66: {  	_ =	shalt  }
0x67: {  	_ =	shalt  }
0x68: {  	_ =	shalt  }
0x69: {  	_ =	shalt  }
0x6a: {  	_ =	shalt  }
0x6b: {  	_ =	shalt  }
0x6c: {  	_ =	shalt  }
0x6d: {  	_ =	shalt  }
0x6e: {  	_ =	shalt  }
0x6f: {  	_ =	shalt  }
0x70: {  	_ =	shalt  }
0x71: {  	_ =	shalt  }
0x72: {  	_ =	shalt  }
0x73: {  	_ =	shalt  }
0x74: {  	_ =	shalt  }
0x75: {  	_ =	shalt  }
0x76: {  	_ =	shalt  }
0x77: {  	_ =	shalt  }
0x78: {  	_ =	shalt  }
0x79: {  	_ =	shalt  }
0x7a: {  	_ =	shalt  }
0x7b: {  	_ =	shalt  }
0x7c: {  	_ =	shalt  }
0x7d: {  	_ =	shalt  }
0x7e: {  	_ =	shalt  }
0x7f: {  	_ =	shalt  }
0x80: {  	_ =	shalt  }
0x81: {  	_ =	shalt  }
0x82: {  	_ =	shalt  }
0x83: {  	_ =	shalt  }
0x84: {  	_ =	shalt  }
0x85: {  	_ =	shalt  }
0x86: {  	_ =	shalt  }
0x87: {  	_ =	shalt  }
.Lfunc_end0:
.L_simem_size_0:
called_computation_lowered:
.L_overlay_start_0:
0x88: {  	s2 =	sld [smem:$0x3FD9]  }
0x89: {  	s3 =	sld [smem:$0x3FFE];
	_ =	sdelay $0x1  }
0x8a: {  	s1 =	srdreg.scid  }
0x8b: {  	s0 =	sand.u32 $0x1, s1  }
0x8c: {  	s17 =	sshll.u32 s0, $0xA;
	s2 =	sadd.s32 s3, s2  }
0x8d: {  	s2 =	sadd.s32 s2, s17  }
0x8e: {  	[smem:$0x3FC0] =	sst s2  }
0x8f: {  	_ = 	snop  }
0x90: {  	s2 =	sld [smem:$0x3FD0];
	(tm) =	ssettm $0x1  }
0x91: {  	s18 =	sld [smem:$0x3FFB];
	_ =	sdelay $0x3  }
0x92: {  	_ =	strace s18  }
0x93: {  	s3 =	sld [smem:$0x3FFC];
	_ =	sdelay $0x3  }
0x94: {  	_ =	strace s3  }
0x95: {  	s3 =	sld [smem:$0x3FFD];
	_ =	sdelay $0x3  }
0x96: {  	_ =	strace s3  }
0x97: {  	_ =	strace $0x8FFFFFFF  }
0x98: {  	s19 =	sld [smem:$0x3FDB];
	_ =	sdelay $0x1  }
0x99: {  	s4 =	simm.s32 $_scs_section_size  }
0x9a: {  	s5 =	simm.s32 $_size__tile_overlayer_lowered;
	s6 =	simm.s32 $_tile_overlayer_lowered  }
0x9b: {  	s22 =	simm.s32 $0x1BFF;
	s21 =	sshll.u32 s6, $0x1;
	s3 =	sadd.s32 s4, s19  }
0x9c: {  	s7 =	simm.s32 $0x0;
	s20 =	sshll.u32 s5, $0x1;
	s5 =	sadd.s32 s21, s3  }
0x9d: {  	[timem:s7], [sflag:s22] =	dma.local [hbm:s5], s20  }
0x9e: {  	_ =	swait.ge [sflag:s22], s20  }
0x9f: {  	s4 =	ssub.s32 $0x0, s20;
	[sflag:s22] =	ssyncset.done $0x0  }
0xa0: {  	[sflag:s22] =	ssyncadd.s32 s4;
	_ =	sdelay $0x1  }
0xa1: {  	s23 =	simm.s32 $0x1B8B  }
0xa2: {  	_ =	swait.ge [sflag:s23], $0x1  }
0xa3: {  	[sflag:s23] =	ssyncset.done $0x0  }
0xa4: {  	s25 =	simm.s32 $0x1B8E;
	s24 =	sld [smem:$0x3FFE];
	[sflag:s23] =	ssyncadd.s32 $0xFFFFFFFF  }
0xa5: {  	s26 =	simm.s32 $execute0_lowered;
	[smem:$0x3FD2] =	sst s25  }
0xa6: {  	s5 =	sshll.u32 s26, $0x1;
	_ =	strace $0x80000046;
	[dreg:$0x1] =	wrdreg $0xFFFFFFFF  }
0xa7: {  	s28 =	simm.s32 $_size_execute0_lowered;
	s3 =	sadd.s32 s3, s5;
	[dreg:$0x0] =	wrdreg $0x0  }
0xa8: {  	s5 =	sshll.u32 s28, $0x1;
	[dreg:$0x2] =	wrdreg s3  }
0xa9: {  	[dreg:$0x3] =	wrdreg s5  }
0xaa: {  	[dreg:$0x4] =	wrdreg $0xC0  }
0xab: {  	_ =	task [dreg:s7], $0x5FFFF  }
0xac: {  	[dreg:$0x1] =	wrdreg $0xFFFFFFFF  }
0xad: {  	[dreg:$0x0] =	wrdreg $0x60  }
0xae: {  	[dreg:$0x2] =	wrdreg s2  }
0xaf: {  	[dreg:$0x3] =	wrdreg s24  }
0xb0: {  	[dreg:$0x4] =	wrdreg $0x11F100  }
0xb1: {  	[dreg:$0x5] =	wrdreg $0x1BF100  }
0xb2: {  	[dreg:$0x6] =	wrdreg $0x9  }
0xb3: {  	_ =	task.clear_ibuf [dreg:s7], $0x7FFFF;
	_ =	strace $0x90000046  }
0xb4: {  	s29 =	simm.s32 $0x9;
	_ =	strace $0x80000048  }
0xb5: {  	_ =	swait.ge [sflag:s29], $0x1  }
0xb6: {  	[sflag:s29] =	ssyncadd.s32 $0xFFFFFFFF  }
0xb7: {  	_ =	strace $0x90000048  }
0xb8: {  	_ =	sfence  }
0xb9: {  	s30 =	sld [smem:$0x0];
	_ =	sdelay $0x2  }
0xba: {  	s31 =	sshll.u32 s1, $0xD;
	s1 =	sshrl.u32 s1, $0x2  }
0xbb: {  	s3 =	sand.u32 $0x4000, s31;
	s1 =	sadd.s32 s1, s30  }
0xbc: {  	s0 =	sor.u32 s3, s0;
	s1 =	sshll.u32 s1, $0x11  }
0xbd: {  	s0 =	sor.u32 s1, s0  }
0xbe: {  	s0 =	sadd.s32 $0x8F2B, s0  }
0xbf: {  	[sflag:s0] =	ssyncadd.remote.s32 $0x1  }
0xc0: {  	_ =	sfence.sel $0xFFFF  }
0xc1: {  	[dreg:$0x0] =	wrdreg $0xFFFFFFFF;
	(pc) =	sbr.abs _section_cstart, $3  }
0xc2: {  	[dreg:$0x1] =	wrdreg $0xFFFFFFFF  }
0xc3: {  	_ =	task.clear_ibuf [dreg:s7], $0x2FFFF;
	_ =	strace $0x9FFFFFFF  }
0xc4: {  	(tm) =	ssettm $0x7FFFFFFF  }
0xc5: {  	_ =	shalt  }
tec
execute0_lowered:
.L_overlay_start_1:
0x0: {  	(tag) =	ssettag $0x1  }
0x1: {  	s1 =	rddreg [dreg:$0x0]  }
0x2: {  	s5 =	rddreg [dreg:$0x1]  }
0x3: {  	s2 =	rddreg [dreg:$0x2]  }
0x4: {  	s17 =	rddreg [dreg:$0x3]  }
0x5: {  	s18 =	simm.s32 $0x0;
	s0 =	srdreg.scid;
	s19 =	stileid.u32  }
0x6: {  	s28 =	simm.s32 $0x8;
	s31 =	simm.s32 $0x4F00;
	[smem:$0x7FF] =	sst s18  }
0x7: {  	s4 =	sadd.s32 $0x9000, s5;
	s7 =	sadd.s32 $0x4000, s5;
	s15 =	smul.u32 $0x4E, s19  }
0x8: {  	s8 =	sadd.s32 $0xE400, s5;
	s3 =	sand.u32 $0x1, s0;
	s12 =	smul.u32 $0x280, s19  }
0x9: {  	s9 =	sadd.s32 $0x5C600, s5;
	s6 =	smin.u32 s19, $0x2;
	s14 =	smul.u32 $0x2800, s19  }
0xa: {  	p0 =	slt.u32 s19, $0x2;
	p1 =	sgt.u32 s19, $0x1;
	p2 =	seq.s32 s19, $0xF  }
0xb: {  	_ =	strace $0x80000047;
	s10 =	ssub.s32 $0x2, s3;
	s21 =	smul.u32 $0x138800, s3  }
0xc: {  	s22 =	smul.u32 $0x27100, s3;
	s11 =	sshrl.u32 s10, $0x1;
	s6 =	sadd.s32 s6, s15  }
0xd: {  	s0 =	ssub.s32 s10, s11;
	s20 =	sshll.u32 s6, $0x7;
	s10 =	smul.u32 $0xA000, s19  }
0xe: {  	s16 =	sshll.u32 s6, $0x4;
	s25 =	sadd.s32 s14, s22;
	s13 =	sshrl.u32 s20, $0x3  }
0xf: {  	s15 =	sadd.s32 s4, s16;
	s11 =	sadd.s32 s7, s16;
	[dreg:$0x5] =	wrdreg s20  }
0x10: {  	s26 =	sshrl.u32 s25, $0x3;
	s25 =	sadd.s32 $0x100, s12;
	[dreg:$0x6] =	wrdreg s15  }
0x11: {  	s0 =	smax.u32 s0, $0x1;
	s13 =	sadd.s32 $0x4E0, s13;
	[dreg:$0x7] =	wrdreg s11  }
0x12: {  	s24 =	sadd.s32 s10, s21;
	s11 =	sshrl.u32 s22, $0x3;
	s21 =	sshrl.u32 s21, $0x3  }
0x13: {  	s15 =	sadd.s32 $0xAB2600, s5;
	s5 =	sadd.s32 $0xE200, s5;
	[smem:$0x7FB] =	sst s0  }
0x14: {  	s0 =	simm.s32 $0xAF00;
	s4 =	sadd.s32 s4, s13;
	[dreg:$0xd] =	wrdreg s5  }
0x15: {  	s23 =	sadd.s32 s7, s13;
	s7 =	sshrl.u32 s24, $0x3;
	[dreg:$0x8] =	wrdreg s4  }
0x16: {  	[dreg:$0x9] =	wrdreg s23;
	s4 =	sshllo.u32 s3, $0x1;
	s7 =	sadd.s32 s8, s7  }
0x17: {  	s23 =	sadd.s32 $0x80, s12;
	s16 =	smul.u32 $0x9C400, s4;
	[dreg:$0xa] =	wrdreg s7  }
0x18: {  	s7 =	sadd.s32 s9, s26;
	s24 =	sshll.u32 s23, $0x6;
	s5 =	sshll.u32 s23, $0x4  }
0x19: {  	[dreg:$0xb] =	wrdreg s7;
	s7 =	sadd.s32 s9, s11;
	s11 =	sadd.s32 s8, s21  }
0x1a: {  	s21 =	sadd.s32 s10, s2;
	s24 =	sadd.s32 s24, s2;
	s5 =	sadd.s32 s5, s17  }
0x1b: {  	s13 =	sadd.s32 s10, s16;
	s22 =	sshrl.u32 s16, $0x3;
	[dreg:$0x11] =	wrdreg s5  }
0x1c: {  	s16 =	simm.s32 $0x4F;
	s10 =	sshll.u32 s25, $0x6;
	[dreg:$0xe] =	wrdreg s21  }
0x1d: {  	[dreg:$0x10] =	wrdreg s24;
	s9 =	sshrl.u32 s13, $0x3;
	s16 =	simm.s32 @!p0 $0x4E  }
0x1e: {  	s13 =	sadd.s32 $0x180, s12;
	s26 =	sadd.s32 s10, s2;
	s9 =	sadd.s32 s8, s9  }
0x1f: {  	s23 =	sshll.u32 s13, $0x6;
	s13 =	sshll.u32 s13, $0x4;
	[dreg:$0x12] =	wrdreg s26  }
0x20: {  	[dreg:$0xc] =	wrdreg s9;
	s9 =	sadd.s32 s8, s22;
	s8 =	sadd.s32 s13, s17  }
0x21: {  	s22 =	sadd.s32 s14, s17;
	s13 =	sadd.s32 $0x80, s20;
	[dreg:$0x15] =	wrdreg s8  }
0x22: {  	s14 =	sshll.u32 s25, $0x4;
	s29 =	sadd.s32 s23, s2;
	[dreg:$0x18] =	wrdreg s13  }
0x23: {  	s25 =	sadd.s32 $0x200, s12;
	s12 =	smul.u32 $0x4E200, s3;
	[dreg:$0xf] =	wrdreg s22  }
0x24: {  	s5 =	sadd.s32 s14, s17;
	s14 =	sshll.u32 s25, $0x6;
	[dreg:$0x14] =	wrdreg s29  }
0x25: {  	p0 =	seq.s32 s3, $0x0;
	[dreg:$0x13] =	wrdreg s5;
	s30 =	sadd.s32 s14, s2  }
0x26: {  	s5 =	sshll.u32 s25, $0x4;
	s23 =	sadd.s32 s12, s20;
	s25 =	sadd.s32 s12, s13  }
0x27: {  	s14 =	sadd.s32 $0x100, s20;
	s5 =	sadd.s32 s5, s17;
	s10 =	sshll.u32 s25, $0x3  }
0x28: {  	s12 =	sadd.s32 s12, s14;
	s25 =	sadd.s32 $0x12C00, s11;
	[dreg:$0x19] =	wrdreg s14  }
0x29: {  	[dreg:$0x16] =	wrdreg s30;
	s8 =	sshll.u32 s12, $0x3;
	s12 =	smul.u32 $0x4E20, s3  }
0x2a: {  	[dreg:$0x17] =	wrdreg s5;
	s5 =	sshll.u32 s23, $0x3;
	s23 =	smul.u32 $0x27100, s4  }
0x2b: {  	[dreg:$0x1d] =	wrdreg s25;
	s25 =	sadd.s32 $0x200, s20;
	s5 =	sadd.s32 s15, s5  }
0x2c: {  	s17 =	sand.u32 $0x1FFFFC00, s8;
	s8 =	smul.u32 $0x1388000, s3;
	[smem:$0x7FD] =	sst s25  }
0x2d: {  	s25 =	simm.s32 $0x6;
	[dreg:$0x1a] =	wrdreg s5;
	s5 =	sand.u32 $0x1FFFFC00, s10  }
0x2e: {  	s11 =	sadd.s32 s20, s23;
	s10 =	simm.s32 $0x80;
	s5 =	sadd.s32 s15, s5  }
0x2f: {  	[dreg:$0x1b] =	wrdreg s5;
	s5 =	sadd.s32 s15, s17;
	s17 =	sadd.s32 $0x12C00, s9  }
0x30: {  	[dreg:$0x1c] =	wrdreg s5;
	s5 =	sadd.s32 $0x4B00, s7;
	s7 =	sadd.s32 s23, s13  }
0x31: {  	s13 =	sadd.s32 s23, s14;
	[smem:$0x7FA] =	sst s17;
	s23 =	sadd.s32 $0x180, s20  }
0x32: {  	[dreg:$0x1e] =	wrdreg s5;
	s3 =	sshll.u32 s7, $0x3;
	s5 =	sshll.u32 s11, $0x3  }
.Ltmp0:
0x33: {  	s7 =	sshll.u32 s13, $0x3;
	[smem:$0x7FC] =	sst s23;
	(pc) =	sbr.rel .LBB2_1-.Ltmp0, $4  }
0x34: {  	s13 =	simm.s32 $0x4;
	s3 =	sand.u32 $0x1FFFFC00, s3;
	s5 =	sadd.s32 s15, s5  }
0x35: {  	s14 =	sand.u32 $0x1FFFFC00, s7;
	[dreg:$0x1f] =	wrdreg s5;
	s3 =	sadd.s32 s15, s3  }
0x36: {  	v1 =	vimm.f32 $1.000000000e+00;
	s23 =	simm.s32 $0x5;
	[smem:$0x7F8] =	sst s3;
	s3 =	sadd.s32 s15, s14  }
0x37: {  	v2 =	vimm.f32 $0.0e+00;
	v3 =	vlaneseq.u32;
	v0 =	vmov s12;
	s14 =	smul.u32 $0x9C4000, s4;
	s4 =	simm.s32 $0x0;
	[smem:$0x7F9] =	sst s3  }
.LBB2_51:
0x38: {  	[bflag:$0x0] =	sbarrier.arrive $0xFFFF  }
0x39: {  	s5 =	sld [smem:$0x7FA];
	_ =	sdelay $0x1  }
0x3a: {  	s3 =	simm.s32 @p2 $0x1FC8  }
0x3b: {  	[hbm:s5], [sflag:s3] =	dma.local @p2 [spmem:s4], $0xC80  }
0x3c: {  	s3 =	simm.s32 @p2 $0x8  }
0x3d: {  	_ =	swait.ge @p2 [sflag:s3], $0xC80  }
0x3e: {  	[sflag:s3] =	ssyncset.done @p2 $0x0  }
0x3f: {  	[sflag:s3] =	ssyncadd.s32 @p2 $0xFFFFF380;
	s3 =	rddreg [dreg:$0xc]  }
0x40: {  	[hbm:s3], [sflag:s20] =	dma.local @!p2 [spmem:s7], $0x1400  }
0x41: {  	s3 =	simm.s32 @!p2 $0x8  }
0x42: {  	_ =	swait.ge @!p2 [sflag:s3], $0x1400  }
0x43: {  	s19 =	sld [smem:$0x7F7]  }
0x44: {  	s20 =	sld [smem:$0x7FB];
	_ =	sdelay $0x1  }
0x45: {  	s4 =	sadd.s32 $0x1, s19  }
0x46: {  	p3 =	sne.s32 s4, s20  }
.Ltmp1:
0x47: {  	_ = 	snop;
	(pc) =	sbr.rel @!p3 .LBB2_52-.Ltmp1, $4  }
0x48: {  	[sflag:s3] =	ssyncset.done @!p2 $0x0  }
0x49: {  	[sflag:s3] =	ssyncadd.s32 @!p2 $0xFFFFEC00  }
0x4a: {  	[bflag:$0x0] =	sbarrier.arrive $0xFFFF  }
0x4b: {  	s18 =	simm.s32 $0x0  }
.LBB2_1:
0x4c: {  	[smem:$0x7F7] =	sst s4  }
0x4d: {  	s3 =	rddreg [dreg:$0x6]  }
0x4e: {  	[tilespmem:s18], [sflag:$0x7] =	stream.linear.gather [hbm4b:s3+s18], $0x2700, $0x38;
	[tilespmem:$0x1E710] =	vst v63  }
0x4f: {  	s19 =	rddreg [dreg:$0x7];
	s20 =	simm.s32 $0x2780  }
0x50: {  	[tilespmem:s20], [sflag:$0x7] =	stream.linear.gather [hbm4b:s19+s18], $0x2700, $0x38;
	[tilespmem:$0x1E710] =	vst v63  }
0x51: {  	s4 =	simm.s32 @!p1 $0x2700;
	s5 =	rddreg [dreg:$0x8];
	s3 =	simm.s32 @!p1 $0x0  }
0x52: {  	[tilespmem:s4], [sflag:$0x7] =	stream.linear.gather @!p1 [hbm4b:s5+s3], $0x80, $0x38;
	[tilespmem:$0x1E710] =	vst v63  }
0x53: {  	s4 =	simm.s32 @!p1 $0x4E80;
	s5 =	rddreg [dreg:$0x9]  }
0x54: {  	[tilespmem:s4], [sflag:$0x7] =	stream.linear.gather @!p1 [hbm4b:s5+s3], $0x80, $0x38;
	[tilespmem:$0x1E710] =	vst v63  }
0x55: {  	s3 =	simm.s32 $0x40;
	s4 =	simm.s32 $0x0  }
.LBB2_2:
0x56: {  	p3 =	sne.s32 s3, $0x1FC0;
	[tilespmem:s4+$0x10F00] =	vst v1;
	s5 =	smov.u32 s3;
	s3 =	sadd.s32 $0x40, s3  }
.Ltmp2:
0x57: {  	[tilespmem:s4+$0x11700] =	vst v2;
	(pc) =	sbr.rel @p3 .LBB2_2-.Ltmp2, $2  }
0x58: {  	_ =	sdelay $0x2  }
0x59: {  	s4 =	sshra.s32 s5, $0x2  }
0x5a: {  	[tilespmem:s4+$0x10F00] =	vst v1  }
0x5b: {  	[tilespmem:s4+$0x11700] =	vst v2;
	s3 =	rddreg [dreg:$0xd];
	s19 =	simm.s32 $0x11F00  }
0x5c: {  	[tilespmem:s19], [sflag:$0x8] =	stream.linear.gather [hbm4b:s3+s18], $0x10, $0x38;
	[tilespmem:$0x1E710] =	vst v63  }
0x5d: {  	_ =	swait.ge [sflag:s28], $0x10  }
0x5e: {  	[sflag:s28] =	ssyncset.done $0x0  }
0x5f: {  	s20 =	simm.s32 $0x7;
	[sflag:s28] =	ssyncadd.s32 $0xFFFFFFF0  }
0x60: {  	v4 =	vld [tilespmem:$0x11F00];
	_ =	swait.ge [sflag:s20], $0x2700  }
0x61: {  	[sflag:s20] =	ssyncset.done $0x0  }
0x62: {  	[sflag:s20] =	ssyncadd.s32 $0xFFFFD900  }
0x63: {  	_ =	swait.ge [sflag:s20], $0x2700  }
0x64: {  	[sflag:s20] =	ssyncset.done $0x0  }
0x65: {  	s3 =	simm.s32 @!p1 $0x7;
	[sflag:s20] =	ssyncadd.s32 $0xFFFFD900  }
0x66: {  	_ =	swait.ge @!p1 [sflag:s3], $0x80  }
0x67: {  	[sflag:s3] =	ssyncset.done @!p1 $0x0  }
0x68: {  	[sflag:s3] =	ssyncadd.s32 @!p1 $0xFFFFFF80  }
0x69: {  	_ =	swait.ge @!p1 [sflag:s3], $0x80  }
0x6a: {  	[sflag:s3] =	ssyncset.done @!p1 $0x0  }
0x6b: {  	s4 =	simm.s32 $0x100;
	[sflag:s3] =	ssyncadd.s32 @!p1 $0xFFFFFF80;
	s3 =	simm.s32 $0x0  }
.LBB2_4:
0x6c: {  	p3 =	sne.s32 s4, $0x7F00;
	[tilespmem:s3+$0xAF30] =	vst v2;
	s5 =	smov.u32 s4;
	s4 =	sadd.s32 $0x100, s4  }
.Ltmp3:
0x6d: {  	[tilespmem:s3+$0xAF20] =	vst v2;
	(pc) =	sbr.rel @p3 .LBB2_4-.Ltmp3, $3  }
0x6e: {  	[tilespmem:s3+$0xAF00] =	vst v2  }
0x6f: {  	[tilespmem:s3+$0xAF10] =	vst v2;
	_ =	sdelay $0x1  }
0x70: {  	s3 =	sshra.s32 s5, $0x2  }
0x71: {  	[tilespmem:s3+$0xAF30] =	vst v2  }
0x72: {  	[tilespmem:s3+$0xAF20] =	vst v2  }
0x73: {  	[tilespmem:s3+$0xAF00] =	vst v2  }
0x74: {  	[tilespmem:s3+$0xAF10] =	vst v2  }
0x75: {  	[spmem:s21] =	stream.linear.scatter [tilespmem:s0], [sflag:$0x8], $0x2000, $0x38;
	[tilespmem:$0x1E710] =	vst v63  }
0x76: {  	_ =	swait.ge [sflag:s28], $0x2000  }
0x77: {  	[sflag:s28] =	ssyncset.done $0x0  }
0x78: {  	s4 =	simm.s32 $0x11700;
	[sflag:s28] =	ssyncadd.s32 $0xFFFFE000  }
0x79: {  	[spmem:s22] =	stream.linear.scatter [tilespmem:s4], [sflag:$0x8], $0x800, $0x38;
	[tilespmem:$0x1E710] =	vst v63  }
0x7a: {  	_ =	swait.ge [sflag:s28], $0x800  }
0x7b: {  	[sflag:s28] =	ssyncset.done $0x0  }
0x7c: {  	[sflag:s28] =	ssyncadd.s32 $0xFFFFF800  }
0x7d: {  	[spmem:s24] =	stream.linear.scatter [tilespmem:s0], [sflag:$0x8], $0x2000, $0x38;
	[tilespmem:$0x1E710] =	vst v63  }
0x7e: {  	_ =	swait.ge [sflag:s28], $0x2000  }
0x7f: {  	[sflag:s28] =	ssyncset.done $0x0  }
0x80: {  	s19 =	rddreg [dreg:$0x11];
	[sflag:s28] =	ssyncadd.s32 $0xFFFFE000  }
0x81: {  	[spmem:s19] =	stream.linear.scatter [tilespmem:s4], [sflag:$0x8], $0x800, $0x38;
	[tilespmem:$0x1E710] =	vst v63  }
0x82: {  	_ =	swait.ge [sflag:s28], $0x800  }
0x83: {  	[sflag:s28] =	ssyncset.done $0x0  }
0x84: {  	[sflag:s28] =	ssyncadd.s32 $0xFFFFF800  }
0x85: {  	[spmem:s26] =	stream.linear.scatter [tilespmem:s0], [sflag:$0x8], $0x2000, $0x38;
	[tilespmem:$0x1E710] =	vst v63  }
0x86: {  	_ =	swait.ge [sflag:s28], $0x2000  }
0x87: {  	[sflag:s28] =	ssyncset.done $0x0  }
0x88: {  	s20 =	rddreg [dreg:$0x13];
	[sflag:s28] =	ssyncadd.s32 $0xFFFFE000  }
0x89: {  	[spmem:s20] =	stream.linear.scatter [tilespmem:s4], [sflag:$0x8], $0x800, $0x38;
	[tilespmem:$0x1E710] =	vst v63  }
0x8a: {  	_ =	swait.ge [sflag:s28], $0x800  }
0x8b: {  	[sflag:s28] =	ssyncset.done $0x0  }
0x8c: {  	[sflag:s28] =	ssyncadd.s32 $0xFFFFF800  }
0x8d: {  	[spmem:s29] =	stream.linear.scatter [tilespmem:s0], [sflag:$0x8], $0x2000, $0x38;
	[tilespmem:$0x1E710] =	vst v63  }
0x8e: {  	_ =	swait.ge [sflag:s28], $0x2000  }
0x8f: {  	[sflag:s28] =	ssyncset.done $0x0  }
0x90: {  	s21 =	rddreg [dreg:$0x15];
	[sflag:s28] =	ssyncadd.s32 $0xFFFFE000  }
0x91: {  	[spmem:s21] =	stream.linear.scatter [tilespmem:s4], [sflag:$0x8], $0x800, $0x38;
	[tilespmem:$0x1E710] =	vst v63  }
0x92: {  	_ =	swait.ge [sflag:s28], $0x800  }
0x93: {  	[sflag:s28] =	ssyncset.done $0x0  }
0x94: {  	[sflag:s28] =	ssyncadd.s32 $0xFFFFF800  }
0x95: {  	[spmem:s30] =	stream.linear.scatter [tilespmem:s0], [sflag:$0x8], $0x2000, $0x38;
	[tilespmem:$0x1E710] =	vst v63  }
0x96: {  	_ =	swait.ge [sflag:s28], $0x2000  }
0x97: {  	[sflag:s28] =	ssyncset.done $0x0  }
0x98: {  	s22 =	rddreg [dreg:$0x17];
	[sflag:s28] =	ssyncadd.s32 $0xFFFFE000  }
0x99: {  	[spmem:s22] =	stream.linear.scatter [tilespmem:s4], [sflag:$0x8], $0x800, $0x38;
	[tilespmem:$0x1E710] =	vst v63  }
0x9a: {  	_ =	swait.ge [sflag:s28], $0x800  }
0x9b: {  	[sflag:s28] =	ssyncset.done $0x0  }
0x9c: {  	[sflag:s28] =	ssyncadd.s32 $0xFFFFF800  }
0x9d: {  	[bflag:$0x0] =	sbarrier.arrive $0xFFFF  }
0x9e: {  	s24 =	simm.s32 $0x0;
	s26 =	rddreg [dreg:$0x1a]  }
0x9f: {  	[tilespmem:s31], [sflag:$0x1] =	stream.linear.gather [hbm4b:s26+s24], $0x2000, $0x38;
	[tilespmem:$0x1E710] =	vst v63  }
0xa0: {  	s5 =	simm.s32 $0x6F00;
	s30 =	simm.s32 $0x1;
	s29 =	rddreg [dreg:$0x1b]  }
0xa1: {  	[tilespmem:s5], [sflag:$0x2] =	stream.linear.gather [hbm4b:s29+s24], $0x2000, $0x38;
	[tilespmem:$0x1E710] =	vst v63  }
0xa2: {  	_ =	swait.ge [sflag:s30], $0x2000  }
0xa3: {  	[sflag:s30] =	ssyncset.done $0x0  }
0xa4: {  	s31 =	simm.s32 $0x0;
	[sflag:s30] =	ssyncadd.s32 $0xFFFFE000  }
0xa5: {  	v5 =	vld [tilespmem:s31+$0x0]  }
0xa6: {  	v6 =	vld [tilespmem:s31+$0x2780];
	_ =	sdelay $0x1  }
0xa7: {  	s7 =	rddreg [dreg:$0x5]  }
0xa8: {  	v7 =	vor.u32 s7, v3  }
0xa9: {  	vm0 =	vlt.s32 v7, v4;
	v5 =	vadd.s32 v0, v5  }
0xaa: {  	s3 =	simm.s32 $0x10;
	v6 =	vnsel vm0, $0x2718, v6;
	[tilespmem:s31+$0x0] =	vst v5  }
0xab: {  	s5 =	simm.s32 $0x80;
	s4 =	smov.u32 s7;
	v5 =	vld [tilespmem:s3+$0x0];
	[tilespmem:s31+$0x2780] =	vst v6  }
.LBB2_6:
0xac: {  	p3 =	sne.s32 s5, $0x1C0;
	v6 =	vld [tilespmem:s3+$0x2780];
	_ =	sdelay $0x1  }
.Ltmp4:
0xad: {  	s4 =	sadd.s32 $0x10, s4;
	(pc) =	sbr.rel @p3 .LBB2_6-.Ltmp4, $4  }
0xae: {  	v7 =	vor.u32 s4, v3  }
0xaf: {  	vm0 =	vlt.s32 v7, v4;
	v5 =	vadd.s32 v0, v5  }
0xb0: {  	s7 =	sshra.s32 s5, $0x2;
	[tilespmem:s3+$0x0] =	vst v5;
	v6 =	vnsel vm0, $0x2718, v6  }
0xb1: {  	s5 =	sadd.s32 $0x40, s5;
	v5 =	vld [tilespmem:s7+$0x0];
	[tilespmem:s3+$0x2780] =	vst v6;
	s3 =	smov.u32 s7  }
0xb2: {  	v6 =	vld [tilespmem:s3+$0x2780];
	_ =	sdelay $0x1  }
0xb3: {  	s4 =	sadd.s32 $0x10, s4  }
0xb4: {  	v7 =	vor.u32 s4, v3  }
0xb5: {  	vm0 =	vlt.s32 v7, v4;
	v5 =	vadd.s32 v0, v5  }
0xb6: {  	[tilespmem:s3+$0x0] =	vst v5;
	v5 =	vnsel vm0, $0x2718, v6  }
0xb7: {  	s26 =	simm.s32 $0x0;
	[tilespmem:s3+$0x2780] =	vst v5  }
0xb8: {  	[tilespmem:s0], [sflag:$0x4] =	stream.indirect.gather [hbm4b:s1+s10], $0x40, s26, s10, $0xb8;
	[tilespmem:$0x1E710] =	vst v63  }
0xb9: {  	s29 =	rddreg [dreg:$0x1c];
	s5 =	simm.s32 $0x8F00;
	s30 =	simm.s32 $0x2  }
0xba: {  	[tilespmem:s5], [sflag:$0x3] =	stream.linear.gather [hbm4b:s29+s26], $0x2000, $0x38;
	[tilespmem:$0x1E710] =	vst v63  }
0xbb: {  	_ =	swait.ge [sflag:s30], $0x2000  }
0xbc: {  	[sflag:s30] =	ssyncset.done $0x0  }
0xbd: {  	s31 =	simm.s32 $0x0;
	[sflag:s30] =	ssyncadd.s32 $0xFFFFE000  }
0xbe: {  	v5 =	vld [tilespmem:s31+$0x80]  }
0xbf: {  	v6 =	vld [tilespmem:s31+$0x2800];
	_ =	sdelay $0x1  }
0xc0: {  	s7 =	rddreg [dreg:$0x18]  }
0xc1: {  	v7 =	vor.u32 s7, v3  }
0xc2: {  	vm15 =	vlt.s32 v7, v4;
	v5 =	vadd.s32 v0, v5  }
0xc3: {  	s3 =	simm.s32 $0x10;
	v6 =	vnsel vm15, $0x2718, v6;
	[tilespmem:s31+$0x80] =	vst v5  }
0xc4: {  	s5 =	simm.s32 $0x80;
	s4 =	smov.u32 s7;
	v5 =	vld [tilespmem:s3+$0x80];
	[tilespmem:s31+$0x2800] =	vst v6  }
.LBB2_8:
0xc5: {  	p3 =	sne.s32 s5, $0x1C0;
	v6 =	vld [tilespmem:s3+$0x2800];
	_ =	sdelay $0x1  }
.Ltmp5:
0xc6: {  	s4 =	sadd.s32 $0x10, s4;
	(pc) =	sbr.rel @p3 .LBB2_8-.Ltmp5, $4  }
0xc7: {  	v7 =	vor.u32 s4, v3  }
0xc8: {  	vm0 =	vlt.s32 v7, v4;
	v5 =	vadd.s32 v0, v5  }
0xc9: {  	s7 =	sshra.s32 s5, $0x2;
	[tilespmem:s3+$0x80] =	vst v5;
	v6 =	vnsel vm0, $0x2718, v6  }
0xca: {  	s5 =	sadd.s32 $0x40, s5;
	v5 =	vld [tilespmem:s7+$0x80];
	[tilespmem:s3+$0x2800] =	vst v6;
	s3 =	smov.u32 s7  }
0xcb: {  	v6 =	vld [tilespmem:s3+$0x2800];
	_ =	sdelay $0x1  }
0xcc: {  	s4 =	sadd.s32 $0x10, s4  }
.Ltmp6:
0xcd: {  	s30 =	simm.s32 $0xCF00;
	s20 =	simm.s32 $0x100;
	v7 =	vor.u32 s4, v3;
	(pc) =	sbr.rel .LBB2_10-.Ltmp6, $4  }
0xce: {  	s22 =	simm.s32 $0x2880;
	s24 =	simm.s32 $0x180;
	s5 =	sld [smem:$0x7FD];
	vm0 =	vlt.s32 v7, v4;
	v5 =	vadd.s32 v0, v5  }
0xcf: {  	s26 =	simm.s32 $0x2900;
	s29 =	simm.s32 $0x200;
	s19 =	sld [smem:$0x7FC];
	[tilespmem:s3+$0x80] =	vst v5;
	v5 =	vnsel vm0, $0x2718, v6  }
0xd0: {  	s7 =	simm.s32 $0x2980;
	s31 =	rddreg [dreg:$0x19];
	s4 =	simm.s32 $0x0;
	[tilespmem:s3+$0x2800] =	vst v5  }
0xd1: {  	[tilespmem:s30], [sflag:$0x5] =	stream.indirect.gather [hbm4b:s1+s10], $0x40, s10, s10, $0xb8;
	[tilespmem:$0x1E710] =	vst v63  }
.LBB2_34:
0xd2: {  	s4 =	sadd.s32 $0x1, s4  }
0xd3: {  	p3 =	sne.s32 s4, $0x1B  }
.Ltmp7:
0xd4: {  	_ = 	snop;
	(pc) =	sbr.rel @!p3 .LBB2_35-.Ltmp7, $4  }
0xd5: {  	_ = 	snop  }
0xd6: {  	s31 =	sadd.s32 $0x180, s31;
	s20 =	sadd.s32 $0x180, s20;
	s22 =	sadd.s32 $0x180, s22  }
0xd7: {  	s19 =	sadd.s32 $0x180, s19;
	s24 =	sadd.s32 $0x180, s24;
	s26 =	sadd.s32 $0x180, s26  }
0xd8: {  	s5 =	sadd.s32 $0x180, s5;
	s29 =	sadd.s32 $0x180, s29;
	s7 =	sadd.s32 $0x180, s7  }
.LBB2_10:
0xd9: {  	s18 =	smul.u32 $0x3, s4;
	_ =	sdelay $0x1  }
0xda: {  	p3 =	sge.u32 s18, s16  }
.Ltmp8:
0xdb: {  	_ = 	snop;
	(pc) =	sbr.rel @p3 .LBB2_14-.Ltmp8, $3  }
0xdc: {  	_ =	sdelay $0x1  }
0xdd: {  	s30 =	simm.s32 $0x1  }
0xde: {  	s30 =	simm.s32 @!p0 $0x0  }
0xdf: {  	_ =	swait.ge [sflag:s13], $0x2000  }
0xe0: {  	[sflag:s13] =	ssyncset.done $0x0  }
0xe1: {  	s3 =	simm.s32 $0x0;
	[sflag:s13] =	ssyncadd.s32 $0xFFFFE000  }
0xe2: {  	v11 =	vld [tilespmem:s3+$0x4F00]  }
0xe3: {  	v12 =	vld [tilespmem:s3+$0x4F10]  }
0xe4: {  	v13 =	vld [tilespmem:s3+$0x4F20]  }
0xe5: {  	v14 =	vld [tilespmem:s3+$0x4F30]  }
0xe6: {  	v15 =	vld [tilespmem:s3+$0x4F40]  }
0xe7: {  	v16 =	vld [tilespmem:s3+$0x4F50]  }
0xe8: {  	v17 =	vld [tilespmem:s3+$0x4F60]  }
0xe9: {  	v18 =	vld [tilespmem:s3+$0x4F70]  }
0xea: {  	v19 =	vld [tilespmem:s3+$0x4F80]  }
0xeb: {  	v20 =	vld [tilespmem:s3+$0x4F90]  }
0xec: {  	v10 =	vld [tilespmem:s3+$0x4FA0]  }
0xed: {  	v9 =	vld [tilespmem:s3+$0x4FB0]  }
0xee: {  	v8 =	vld [tilespmem:s3+$0x4FC0]  }
0xef: {  	v21 =	vld [tilespmem:s3+$0xAF00]  }
0xf0: {  	v22 =	vld [tilespmem:s3+$0xAF10]  }
0xf1: {  	v7 =	vld [tilespmem:s3+$0x4FD0]  }
0xf2: {  	v23 =	vld [tilespmem:s3+$0xAF20]  }
0xf3: {  	v24 =	vld [tilespmem:s3+$0xAF30]  }
0xf4: {  	v6 =	vld [tilespmem:s3+$0x4FE0];
	v11 =	vadd.f32 v11, v21  }
0xf5: {  	v25 =	vld [tilespmem:s3+$0xAF40];
	v12 =	vadd.f32 v12, v22  }
0xf6: {  	v60 =	vld [tilespmem:s3+$0xAF50];
	v11 =	vmax.f32 v11, $0.0e+00  }
0xf7: {  	v5 =	vld [tilespmem:s3+$0x4FF0];
	v12 =	vmax.f32 v12, $0.0e+00;
	[tilespmem:s3+$0xAF00] =	vst v11;
	v11 =	vadd.f32 v13, v23  }
0xf8: {  	v26 =	vld [tilespmem:s3+$0xAF60];
	[tilespmem:s3+$0xAF10] =	vst v12;
	v12 =	vadd.f32 v14, v24  }
0xf9: {  	v61 =	vld [tilespmem:s3+$0xAF70];
	v11 =	vmax.f32 v11, $0.0e+00  }
0xfa: {  	v62 =	vld [tilespmem:s3+$0xAF80];
	v13 =	vmax.f32 v12, $0.0e+00;
	[tilespmem:s3+$0xAF20] =	vst v11;
	v11 =	vadd.f32 v15, v25  }
0xfb: {  	v63 =	vld [tilespmem:s3+$0xAF90];
	[tilespmem:s3+$0xAF30] =	vst v13;
	v13 =	vadd.f32 v16, v60  }
0xfc: {  	v12 =	vld [tilespmem:s3+$0xAFA0];
	v14 =	vmax.f32 v11, $0.0e+00  }
0xfd: {  	v11 =	vld [tilespmem:s3+$0xAFB0];
	v15 =	vmax.f32 v13, $0.0e+00;
	[tilespmem:s3+$0xAF40] =	vst v14;
	v14 =	vadd.f32 v17, v26  }
0xfe: {  	v13 =	vld [tilespmem:s3+$0xAFC0];
	[tilespmem:s3+$0xAF50] =	vst v15;
	v15 =	vadd.f32 v18, v61  }
0xff: {  	v17 =	vadd.f32 v19, v62;
	v16 =	vmax.f32 v14, $0.0e+00;
	v14 =	vld [tilespmem:s3+$0xAFD0]  }
0x100: {  	s12 =	simm.s32 $0x400;
	v18 =	vmax.f32 v15, $0.0e+00;
	v15 =	vld [tilespmem:s3+$0xAFE0];
	[tilespmem:s3+$0xAF60] =	vst v16;
	v16 =	vadd.f32 v20, v63  }
.LBB2_12:
0x101: {  	s9 =	sshra.s32 s12, $0x2;
	p3 =	sne.s32 s12, $0x7C00;
	[tilespmem:s3+$0xAF70] =	vst v18;
	v17 =	vmax.f32 v17, $0.0e+00;
	v10 =	vadd.f32 v10, v12;
	v12 =	vld [tilespmem:s3+$0xAFF0]  }
0x102: {  	v18 =	vld [tilespmem:s9+$0x4F00];
	[tilespmem:s3+$0xAF80] =	vst v17;
	v16 =	vmax.f32 v16, $0.0e+00;
	v9 =	vadd.f32 v9, v11  }
0x103: {  	v11 =	vld [tilespmem:s9+$0x4F10];
	[tilespmem:s3+$0xAF90] =	vst v16;
	v10 =	vmax.f32 v10, $0.0e+00;
	v8 =	vadd.f32 v8, v13  }
0x104: {  	v13 =	vld [tilespmem:s9+$0x4F20];
	[tilespmem:s3+$0xAFA0] =	vst v10;
	v9 =	vmax.f32 v9, $0.0e+00;
	v7 =	vadd.f32 v7, v14  }
0x105: {  	v14 =	vld [tilespmem:s9+$0x4F30];
	[tilespmem:s3+$0xAFB0] =	vst v9;
	v8 =	vmax.f32 v8, $0.0e+00;
	v6 =	vadd.f32 v6, v15  }
0x106: {  	v15 =	vld [tilespmem:s9+$0x4F40];
	[tilespmem:s3+$0xAFC0] =	vst v8;
	v7 =	vmax.f32 v7, $0.0e+00;
	v5 =	vadd.f32 v5, v12  }
0x107: {  	v12 =	vld [tilespmem:s9+$0x4F50];
	[tilespmem:s3+$0xAFD0] =	vst v7;
	v6 =	vmax.f32 v6, $0.0e+00  }
0x108: {  	v16 =	vld [tilespmem:s9+$0x4F60];
	[tilespmem:s3+$0xAFE0] =	vst v6;
	v5 =	vmax.f32 v5, $0.0e+00  }
0x109: {  	v17 =	vld [tilespmem:s9+$0x4F70];
	[tilespmem:s3+$0xAFF0] =	vst v5;
	s3 =	smov.u32 s9  }
0x10a: {  	v19 =	vld [tilespmem:s3+$0x4F80]  }
0x10b: {  	v20 =	vld [tilespmem:s3+$0x4F90]  }
0x10c: {  	v10 =	vld [tilespmem:s3+$0x4FA0]  }
0x10d: {  	v9 =	vld [tilespmem:s3+$0x4FB0]  }
0x10e: {  	v8 =	vld [tilespmem:s3+$0x4FC0]  }
0x10f: {  	v7 =	vld [tilespmem:s3+$0x4FD0]  }
0x110: {  	v6 =	vld [tilespmem:s3+$0x4FE0]  }
0x111: {  	v5 =	vld [tilespmem:s3+$0x4FF0]  }
0x112: {  	v21 =	vld [tilespmem:s3+$0xAF00]  }
0x113: {  	v22 =	vld [tilespmem:s3+$0xAF10]  }
0x114: {  	v23 =	vld [tilespmem:s3+$0xAF20]  }
0x115: {  	v24 =	vld [tilespmem:s3+$0xAF30]  }
0x116: {  	v25 =	vld [tilespmem:s3+$0xAF40]  }
0x117: {  	v18 =	vadd.f32 v18, v21;
	v21 =	vld [tilespmem:s3+$0xAF50]  }
0x118: {  	v11 =	vadd.f32 v11, v22;
	v22 =	vld [tilespmem:s3+$0xAF60]  }
0x119: {  	v18 =	vmax.f32 v18, $0.0e+00;
	v13 =	vadd.f32 v13, v23;
	v23 =	vld [tilespmem:s3+$0xAF70]  }
0x11a: {  	[tilespmem:s3+$0xAF00] =	vst v18;
	v11 =	vmax.f32 v11, $0.0e+00;
	v14 =	vadd.f32 v14, v24;
	v18 =	vld [tilespmem:s3+$0xAF80]  }
0x11b: {  	[tilespmem:s3+$0xAF10] =	vst v11;
	v11 =	vmax.f32 v13, $0.0e+00;
	v13 =	vadd.f32 v15, v25;
	v15 =	vld [tilespmem:s3+$0xAF90]  }
.Ltmp9:
0x11c: {  	[tilespmem:s3+$0xAF20] =	vst v11;
	v11 =	vmax.f32 v14, $0.0e+00;
	v14 =	vadd.f32 v12, v21;
	v12 =	vld [tilespmem:s3+$0xAFA0];
	(pc) =	sbr.rel @p3 .LBB2_12-.Ltmp9, $4  }
0x11d: {  	[tilespmem:s3+$0xAF30] =	vst v11;
	v13 =	vmax.f32 v13, $0.0e+00;
	v16 =	vadd.f32 v16, v22;
	v11 =	vld [tilespmem:s3+$0xAFB0]  }
0x11e: {  	[tilespmem:s3+$0xAF40] =	vst v13;
	v14 =	vmax.f32 v14, $0.0e+00;
	v21 =	vadd.f32 v17, v23;
	v13 =	vld [tilespmem:s3+$0xAFC0]  }
0x11f: {  	[tilespmem:s3+$0xAF50] =	vst v14;
	v16 =	vmax.f32 v16, $0.0e+00;
	v17 =	vadd.f32 v19, v18;
	v14 =	vld [tilespmem:s3+$0xAFD0]  }
0x120: {  	s12 =	sadd.s32 $0x400, s12;
	[tilespmem:s3+$0xAF60] =	vst v16;
	v18 =	vmax.f32 v21, $0.0e+00;
	v16 =	vadd.f32 v20, v15;
	v15 =	vld [tilespmem:s3+$0xAFE0]  }
0x121: {  	[tilespmem:s3+$0xAF70] =	vst v18;
	v17 =	vmax.f32 v17, $0.0e+00;
	v10 =	vadd.f32 v10, v12;
	v63 =	vld [tilespmem:s3+$0xAFF0]  }
0x122: {  	[tilespmem:s3+$0xAF80] =	vst v17;
	v16 =	vmax.f32 v16, $0.0e+00;
	v9 =	vadd.f32 v9, v11  }
0x123: {  	[tilespmem:s3+$0xAF90] =	vst v16;
	v10 =	vmax.f32 v10, $0.0e+00;
	v8 =	vadd.f32 v8, v13  }
0x124: {  	[tilespmem:s3+$0xAFA0] =	vst v10;
	v9 =	vmax.f32 v9, $0.0e+00;
	v7 =	vadd.f32 v7, v14  }
0x125: {  	[tilespmem:s3+$0xAFB0] =	vst v9;
	v8 =	vmax.f32 v8, $0.0e+00;
	v6 =	vadd.f32 v6, v15  }
0x126: {  	s9 =	smul.u32 $0x600, s4;
	[tilespmem:s3+$0xAFC0] =	vst v8;
	v7 =	vmax.f32 v7, $0.0e+00;
	v5 =	vadd.f32 v5, v63  }
0x127: {  	[tilespmem:s3+$0xAFD0] =	vst v7;
	v6 =	vmax.f32 v6, $0.0e+00  }
0x128: {  	s9 =	sshra.s32 s9, $0x2;
	[tilespmem:s3+$0xAFE0] =	vst v6;
	v5 =	vmax.f32 v5, $0.0e+00  }
0x129: {  	[tilespmem:s3+$0xAFF0] =	vst v5;
	s3 =	sadd.s32 $0x2780, s9  }
0x12a: {  	[spmem:s2] =	stream.indirect.scatter.add.f32 [tilespmem:s0], [sflag:$0x8], $0x40, s3, s10, $0xb8;
	[tilespmem:$0x1E710] =	vst v63  }
0x12b: {  	p3 =	sgt.u32 s4, $0xC;
	s9 =	simm.s32 $0x1;
	_ =	swait.ge [sflag:s28], $0x2000  }
0x12c: {  	s9 =	simm.s32 @!p3 $0x0;
	[sflag:s28] =	ssyncset.done $0x0  }
0x12d: {  	p3 =	seq.s32 s30, s9;
	[sflag:s28] =	ssyncadd.s32 $0xFFFFE000  }
0x12e: {  	s9 =	simm.s32 @!p3 $0x80;
	s11 =	simm.s32 @!p3 $0x10F00;
	s12 =	rddreg [dreg:$0x3]  }
0x12f: {  	[spmem:s12] =	stream.indirect.scatter.add.f32 @!p3 [tilespmem:s11], [sflag:$0x8], $0x10, s3, s9, $0xb8;
	[tilespmem:$0x1E710] =	vst v63  }
0x130: {  	s3 =	simm.s32 @!p3 $0x8  }
0x131: {  	_ =	swait.ge @!p3 [sflag:s3], $0x800  }
0x132: {  	[sflag:s3] =	ssyncset.done @!p3 $0x0  }
0x133: {  	[sflag:s3] =	ssyncadd.s32 @!p3 $0xFFFFF800  }
.LBB2_14:
0x134: {  	s17 =	sadd.s32 $0x3, s18  }
0x135: {  	p4 =	sge.u32 s17, s16  }
0x136: {  	s3 =	sadd.s32 @!p4 s6, s17  }
0x137: {  	s3 =	sshll.u32 @!p4 s3, $0xD  }
0x138: {  	s3 =	sadd.s32 @!p4 s8, s3  }
0x139: {  	s3 =	sshrl.u32 @!p4 s3, $0x3  }
0x13a: {  	s9 =	simm.s32 @!p4 $0x0;
	s11 =	simm.s32 @!p4 $0x4F00;
	s3 =	sadd.s32 @!p4 s15, s3  }
0x13b: {  	[tilespmem:s11], [sflag:$0x1] =	stream.linear.gather @!p4 [hbm4b:s3+s9], $0x2000, $0x38;
	[tilespmem:$0x1E710] =	vst v63  }
0x13c: {  	s3 =	sadd.s32 $0x2, s18  }
0x13d: {  	p3 =	sge.u32 s3, s16  }
.Ltmp10:
0x13e: {  	_ = 	snop;
	(pc) =	sbr.rel @p3 .LBB2_18-.Ltmp10, $1  }
0x13f: {  	_ =	sdelay $0x3  }
0x140: {  	v6 =	vmov s20  }
0x141: {  	v5 =	vmov s22;
	s9 =	simm.s32 $0x3  }
0x142: {  	_ =	swait.ge [sflag:s9], $0x2000  }
0x143: {  	[sflag:s9] =	ssyncset.done $0x0  }
0x144: {  	s11 =	simm.s32 $0x0;
	[sflag:s9] =	ssyncadd.s32 $0xFFFFE000  }
0x145: {  	v7 =	vld.idx.msk [tilespmem:v6+s11+$0x0 ss:$0x1], $0xffff  }
0x146: {  	v8 =	vld.idx.msk [tilespmem:v5+s11+$0x0 ss:$0x1], $0xffff;
	_ =	sdelay $0x2  }
0x147: {  	v9 =	vor.u32 s31, v3  }
0x148: {  	vm0 =	vlt.s32 v9, v4;
	v7 =	vadd.s32 v0, v7  }
0x149: {  	[tilespmem:v6+s11+$0x0 ss:$0x1] =	vst.idx.msk $0xffff, v7;
	v7 =	vnsel vm0, $0x2718, v8  }
0x14a: {  	s9 =	simm.s32 $0x10;
	[tilespmem:v5+s11+$0x0 ss:$0x1] =	vst.idx.msk $0xffff, v7  }
0x14b: {  	s21 =	simm.s32 $0x80;
	s12 =	smov.u32 s31;
	v7 =	vld.idx.msk [tilespmem:v6+s9+$0x0 ss:$0x1], $0xffff  }
.LBB2_16:
0x14c: {  	p5 =	sne.s32 s21, $0x1C0;
	v8 =	vld.idx.msk [tilespmem:v5+s9+$0x0 ss:$0x1], $0xffff;
	_ =	sdelay $0x2  }
0x14d: {  	s12 =	sadd.s32 $0x10, s12  }
.Ltmp11:
0x14e: {  	v9 =	vor.u32 s12, v3;
	(pc) =	sbr.rel @p5 .LBB2_16-.Ltmp11, $4  }
0x14f: {  	vm0 =	vlt.s32 v9, v4;
	v7 =	vadd.s32 v0, v7  }
0x150: {  	[tilespmem:v6+s9+$0x0 ss:$0x1] =	vst.idx.msk $0xffff, v7;
	v7 =	vnsel vm0, $0x2718, v8  }
0x151: {  	[tilespmem:v5+s9+$0x0 ss:$0x1] =	vst.idx.msk $0xffff, v7;
	s9 =	sshra.s32 s21, $0x2  }
0x152: {  	s21 =	sadd.s32 $0x40, s21;
	v7 =	vld.idx.msk [tilespmem:v6+s9+$0x0 ss:$0x1], $0xffff  }
0x153: {  	_ =	sdelay $0x3  }
0x154: {  	v8 =	vld.idx.msk [tilespmem:v5+s9+$0x0 ss:$0x1], $0xffff;
	_ =	sdelay $0x1  }
0x155: {  	s11 =	sadd.s32 $0x10, s12  }
0x156: {  	v9 =	vor.u32 s11, v3  }
0x157: {  	vm0 =	vlt.s32 v9, v4;
	v7 =	vadd.s32 v0, v7  }
0x158: {  	s21 =	sshll.u32 s3, $0x7;
	[tilespmem:v6+s9+$0x0 ss:$0x1] =	vst.idx.msk $0xffff, v7;
	v6 =	vnsel vm0, $0x2718, v8  }
0x159: {  	s12 =	sand.u32 $0x3FFFFF80, s21;
	s21 =	simm.s32 $0xEF00;
	[tilespmem:v5+s9+$0x0 ss:$0x1] =	vst.idx.msk $0xffff, v6  }
0x15a: {  	[tilespmem:s21], [sflag:$0x6] =	stream.indirect.gather [hbm4b:s1+s10], $0x40, s12, s10, $0xb8;
	[tilespmem:$0x1E710] =	vst v63  }
.LBB2_18:
0x15b: {  	s21 =	sadd.s32 $0x1, s18  }
0x15c: {  	p5 =	sge.u32 s21, s16  }
.Ltmp12:
0x15d: {  	_ = 	snop;
	(pc) =	sbr.rel @p5 .LBB2_22-.Ltmp12, $1  }
0x15e: {  	_ =	sdelay $0x3  }
0x15f: {  	_ =	swait.ge [sflag:s23], $0x2000  }
0x160: {  	[sflag:s23] =	ssyncset.done $0x0  }
0x161: {  	s12 =	simm.s32 $0x0;
	[sflag:s23] =	ssyncadd.s32 $0xFFFFE000  }
0x162: {  	v11 =	vld [tilespmem:s12+$0x6F00]  }
0x163: {  	v12 =	vld [tilespmem:s12+$0x6F10]  }
0x164: {  	v13 =	vld [tilespmem:s12+$0x6F20]  }
0x165: {  	v14 =	vld [tilespmem:s12+$0x6F30]  }
0x166: {  	v15 =	vld [tilespmem:s12+$0x6F40]  }
0x167: {  	v16 =	vld [tilespmem:s12+$0x6F50]  }
0x168: {  	v17 =	vld [tilespmem:s12+$0x6F60]  }
0x169: {  	v18 =	vld [tilespmem:s12+$0x6F70]  }
0x16a: {  	v19 =	vld [tilespmem:s12+$0x6F80]  }
0x16b: {  	v20 =	vld [tilespmem:s12+$0x6F90]  }
0x16c: {  	v10 =	vld [tilespmem:s12+$0x6FA0]  }
0x16d: {  	v9 =	vld [tilespmem:s12+$0x6FB0]  }
0x16e: {  	v8 =	vld [tilespmem:s12+$0x6FC0]  }
0x16f: {  	v21 =	vld [tilespmem:s12+$0xCF00]  }
0x170: {  	v22 =	vld [tilespmem:s12+$0xCF10]  }
0x171: {  	v7 =	vld [tilespmem:s12+$0x6FD0]  }
0x172: {  	v23 =	vld [tilespmem:s12+$0xCF20]  }
0x173: {  	v24 =	vld [tilespmem:s12+$0xCF30]  }
0x174: {  	v6 =	vld [tilespmem:s12+$0x6FE0];
	v11 =	vadd.f32 v11, v21  }
0x175: {  	v25 =	vld [tilespmem:s12+$0xCF40];
	v12 =	vadd.f32 v12, v22  }
0x176: {  	v60 =	vld [tilespmem:s12+$0xCF50];
	v11 =	vmax.f32 v11, $0.0e+00  }
0x177: {  	v5 =	vld [tilespmem:s12+$0x6FF0];
	v12 =	vmax.f32 v12, $0.0e+00;
	[tilespmem:s12+$0xCF00] =	vst v11;
	v11 =	vadd.f32 v13, v23  }
0x178: {  	v26 =	vld [tilespmem:s12+$0xCF60];
	[tilespmem:s12+$0xCF10] =	vst v12;
	v12 =	vadd.f32 v14, v24  }
0x179: {  	v61 =	vld [tilespmem:s12+$0xCF70];
	v11 =	vmax.f32 v11, $0.0e+00  }
0x17a: {  	v62 =	vld [tilespmem:s12+$0xCF80];
	v13 =	vmax.f32 v12, $0.0e+00;
	[tilespmem:s12+$0xCF20] =	vst v11;
	v11 =	vadd.f32 v15, v25  }
0x17b: {  	v63 =	vld [tilespmem:s12+$0xCF90];
	[tilespmem:s12+$0xCF30] =	vst v13;
	v13 =	vadd.f32 v16, v60  }
0x17c: {  	v12 =	vld [tilespmem:s12+$0xCFA0];
	v14 =	vmax.f32 v11, $0.0e+00  }
0x17d: {  	v11 =	vld [tilespmem:s12+$0xCFB0];
	v15 =	vmax.f32 v13, $0.0e+00;
	[tilespmem:s12+$0xCF40] =	vst v14;
	v14 =	vadd.f32 v17, v26  }
0x17e: {  	v13 =	vld [tilespmem:s12+$0xCFC0];
	[tilespmem:s12+$0xCF50] =	vst v15;
	v15 =	vadd.f32 v18, v61  }
0x17f: {  	v17 =	vadd.f32 v19, v62;
	v16 =	vmax.f32 v14, $0.0e+00;
	v14 =	vld [tilespmem:s12+$0xCFD0]  }
0x180: {  	s9 =	simm.s32 $0x400;
	v18 =	vmax.f32 v15, $0.0e+00;
	v15 =	vld [tilespmem:s12+$0xCFE0];
	[tilespmem:s12+$0xCF60] =	vst v16;
	v16 =	vadd.f32 v20, v63  }
.LBB2_20:
0x181: {  	s11 =	sshra.s32 s9, $0x2;
	p5 =	sne.s32 s9, $0x7C00;
	[tilespmem:s12+$0xCF70] =	vst v18;
	v17 =	vmax.f32 v17, $0.0e+00;
	v10 =	vadd.f32 v10, v12;
	v12 =	vld [tilespmem:s12+$0xCFF0]  }
0x182: {  	v18 =	vld [tilespmem:s11+$0x6F00];
	[tilespmem:s12+$0xCF80] =	vst v17;
	v16 =	vmax.f32 v16, $0.0e+00;
	v9 =	vadd.f32 v9, v11  }
0x183: {  	v11 =	vld [tilespmem:s11+$0x6F10];
	[tilespmem:s12+$0xCF90] =	vst v16;
	v10 =	vmax.f32 v10, $0.0e+00;
	v8 =	vadd.f32 v8, v13  }
0x184: {  	v13 =	vld [tilespmem:s11+$0x6F20];
	[tilespmem:s12+$0xCFA0] =	vst v10;
	v9 =	vmax.f32 v9, $0.0e+00;
	v7 =	vadd.f32 v7, v14  }
0x185: {  	v14 =	vld [tilespmem:s11+$0x6F30];
	[tilespmem:s12+$0xCFB0] =	vst v9;
	v8 =	vmax.f32 v8, $0.0e+00;
	v6 =	vadd.f32 v6, v15  }
0x186: {  	v15 =	vld [tilespmem:s11+$0x6F40];
	[tilespmem:s12+$0xCFC0] =	vst v8;
	v7 =	vmax.f32 v7, $0.0e+00;
	v5 =	vadd.f32 v5, v12  }
0x187: {  	v12 =	vld [tilespmem:s11+$0x6F50];
	[tilespmem:s12+$0xCFD0] =	vst v7;
	v6 =	vmax.f32 v6, $0.0e+00  }
0x188: {  	v16 =	vld [tilespmem:s11+$0x6F60];
	[tilespmem:s12+$0xCFE0] =	vst v6;
	v5 =	vmax.f32 v5, $0.0e+00  }
0x189: {  	v17 =	vld [tilespmem:s11+$0x6F70];
	[tilespmem:s12+$0xCFF0] =	vst v5;
	s12 =	smov.u32 s11  }
0x18a: {  	v19 =	vld [tilespmem:s12+$0x6F80]  }
0x18b: {  	v20 =	vld [tilespmem:s12+$0x6F90]  }
0x18c: {  	v10 =	vld [tilespmem:s12+$0x6FA0]  }
0x18d: {  	v9 =	vld [tilespmem:s12+$0x6FB0]  }
0x18e: {  	v8 =	vld [tilespmem:s12+$0x6FC0]  }
0x18f: {  	v7 =	vld [tilespmem:s12+$0x6FD0]  }
0x190: {  	v6 =	vld [tilespmem:s12+$0x6FE0]  }
0x191: {  	v5 =	vld [tilespmem:s12+$0x6FF0]  }
0x192: {  	v21 =	vld [tilespmem:s12+$0xCF00]  }
0x193: {  	v22 =	vld [tilespmem:s12+$0xCF10]  }
0x194: {  	v23 =	vld [tilespmem:s12+$0xCF20]  }
0x195: {  	v24 =	vld [tilespmem:s12+$0xCF30]  }
0x196: {  	v25 =	vld [tilespmem:s12+$0xCF40]  }
0x197: {  	v18 =	vadd.f32 v18, v21;
	v21 =	vld [tilespmem:s12+$0xCF50]  }
0x198: {  	v11 =	vadd.f32 v11, v22;
	v22 =	vld [tilespmem:s12+$0xCF60]  }
0x199: {  	v18 =	vmax.f32 v18, $0.0e+00;
	v13 =	vadd.f32 v13, v23;
	v23 =	vld [tilespmem:s12+$0xCF70]  }
0x19a: {  	[tilespmem:s12+$0xCF00] =	vst v18;
	v11 =	vmax.f32 v11, $0.0e+00;
	v14 =	vadd.f32 v14, v24;
	v18 =	vld [tilespmem:s12+$0xCF80]  }
0x19b: {  	[tilespmem:s12+$0xCF10] =	vst v11;
	v11 =	vmax.f32 v13, $0.0e+00;
	v13 =	vadd.f32 v15, v25;
	v15 =	vld [tilespmem:s12+$0xCF90]  }
.Ltmp13:
0x19c: {  	[tilespmem:s12+$0xCF20] =	vst v11;
	v11 =	vmax.f32 v14, $0.0e+00;
	v14 =	vadd.f32 v12, v21;
	v12 =	vld [tilespmem:s12+$0xCFA0];
	(pc) =	sbr.rel @p5 .LBB2_20-.Ltmp13, $4  }
0x19d: {  	[tilespmem:s12+$0xCF30] =	vst v11;
	v13 =	vmax.f32 v13, $0.0e+00;
	v16 =	vadd.f32 v16, v22;
	v11 =	vld [tilespmem:s12+$0xCFB0]  }
0x19e: {  	[tilespmem:s12+$0xCF40] =	vst v13;
	v14 =	vmax.f32 v14, $0.0e+00;
	v21 =	vadd.f32 v17, v23;
	v13 =	vld [tilespmem:s12+$0xCFC0]  }
0x19f: {  	[tilespmem:s12+$0xCF50] =	vst v14;
	v16 =	vmax.f32 v16, $0.0e+00;
	v17 =	vadd.f32 v19, v18;
	v14 =	vld [tilespmem:s12+$0xCFD0]  }
0x1a0: {  	s9 =	sadd.s32 $0x400, s9;
	[tilespmem:s12+$0xCF60] =	vst v16;
	v18 =	vmax.f32 v21, $0.0e+00;
	v16 =	vadd.f32 v20, v15;
	v15 =	vld [tilespmem:s12+$0xCFE0]  }
0x1a1: {  	[tilespmem:s12+$0xCF70] =	vst v18;
	v17 =	vmax.f32 v17, $0.0e+00;
	v10 =	vadd.f32 v10, v12;
	v63 =	vld [tilespmem:s12+$0xCFF0]  }
0x1a2: {  	[tilespmem:s12+$0xCF80] =	vst v17;
	v16 =	vmax.f32 v16, $0.0e+00;
	v9 =	vadd.f32 v9, v11  }
0x1a3: {  	[tilespmem:s12+$0xCF90] =	vst v16;
	v10 =	vmax.f32 v10, $0.0e+00;
	v8 =	vadd.f32 v8, v13  }
0x1a4: {  	[tilespmem:s12+$0xCFA0] =	vst v10;
	v9 =	vmax.f32 v9, $0.0e+00;
	v7 =	vadd.f32 v7, v14  }
0x1a5: {  	[tilespmem:s12+$0xCFB0] =	vst v9;
	v8 =	vmax.f32 v8, $0.0e+00;
	v6 =	vadd.f32 v6, v15  }
0x1a6: {  	[tilespmem:s12+$0xCFC0] =	vst v8;
	v7 =	vmax.f32 v7, $0.0e+00;
	v5 =	vadd.f32 v5, v63  }
0x1a7: {  	s9 =	sshll.u32 s21, $0x7;
	[tilespmem:s12+$0xCFD0] =	vst v7;
	v6 =	vmax.f32 v6, $0.0e+00  }
0x1a8: {  	s9 =	sand.u32 $0x3FFFFF80, s9;
	[tilespmem:s12+$0xCFE0] =	vst v6;
	v5 =	vmax.f32 v5, $0.0e+00  }
0x1a9: {  	s11 =	simm.s32 $0xCF00;
	s9 =	sadd.s32 $0x2780, s9;
	[tilespmem:s12+$0xCFF0] =	vst v5  }
0x1aa: {  	[spmem:s2] =	stream.indirect.scatter.add.f32 [tilespmem:s11], [sflag:$0x8], $0x40, s9, s10, $0xb8;
	[tilespmem:$0x1E710] =	vst v63  }
0x1ab: {  	p5 =	sgt.u32 s4, $0xC;
	s11 =	simm.s32 $0x1;
	_ =	swait.ge [sflag:s28], $0x2000  }
0x1ac: {  	s11 =	simm.s32 @!p5 $0x0;
	[sflag:s28] =	ssyncset.done $0x0  }
0x1ad: {  	p5 =	seq.s32 s30, s11;
	[sflag:s28] =	ssyncadd.s32 $0xFFFFE000  }
0x1ae: {  	s11 =	simm.s32 @!p5 $0x80;
	s12 =	simm.s32 @!p5 $0x10F00;
	s21 =	rddreg [dreg:$0x3]  }
0x1af: {  	[spmem:s21] =	stream.indirect.scatter.add.f32 @!p5 [tilespmem:s12], [sflag:$0x8], $0x10, s9, s11, $0xb8;
	[tilespmem:$0x1E710] =	vst v63  }
0x1b0: {  	s9 =	simm.s32 @!p5 $0x8  }
0x1b1: {  	_ =	swait.ge @!p5 [sflag:s9], $0x800  }
0x1b2: {  	[sflag:s9] =	ssyncset.done @!p5 $0x0  }
0x1b3: {  	[sflag:s9] =	ssyncadd.s32 @!p5 $0xFFFFF800  }
.LBB2_22:
0x1b4: {  	s21 =	sadd.s32 $0x4, s18  }
0x1b5: {  	p5 =	sge.u32 s21, s16  }
0x1b6: {  	s9 =	sadd.s32 @!p5 s6, s21  }
.Ltmp14:
0x1b7: {  	s9 =	sshll.u32 @!p5 s9, $0xD;
	(pc) =	sbr.rel @p4 .LBB2_26-.Ltmp14, $4  }
0x1b8: {  	s9 =	sadd.s32 @!p5 s8, s9  }
0x1b9: {  	s9 =	sshrl.u32 @!p5 s9, $0x3  }
0x1ba: {  	s11 =	simm.s32 @!p5 $0x0;
	s12 =	simm.s32 @!p5 $0x6F00;
	s9 =	sadd.s32 @!p5 s15, s9  }
0x1bb: {  	[tilespmem:s12], [sflag:$0x2] =	stream.linear.gather @!p5 [hbm4b:s9+s11], $0x2000, $0x38;
	[tilespmem:$0x1E710] =	vst v63  }
0x1bc: {  	v6 =	vmov s24  }
0x1bd: {  	v5 =	vmov s26;
	s9 =	simm.s32 $0x1  }
0x1be: {  	_ =	swait.ge [sflag:s9], $0x2000  }
0x1bf: {  	[sflag:s9] =	ssyncset.done $0x0  }
0x1c0: {  	s11 =	simm.s32 $0x0;
	[sflag:s9] =	ssyncadd.s32 $0xFFFFE000  }
0x1c1: {  	v7 =	vld.idx.msk [tilespmem:v6+s11+$0x0 ss:$0x1], $0xffff  }
0x1c2: {  	v8 =	vld.idx.msk [tilespmem:v5+s11+$0x0 ss:$0x1], $0xffff;
	_ =	sdelay $0x2  }
0x1c3: {  	v9 =	vor.u32 s19, v3  }
0x1c4: {  	vm0 =	vlt.s32 v9, v4;
	v7 =	vadd.s32 v0, v7  }
0x1c5: {  	[tilespmem:v6+s11+$0x0 ss:$0x1] =	vst.idx.msk $0xffff, v7;
	v7 =	vnsel vm0, $0x2718, v8  }
0x1c6: {  	s9 =	simm.s32 $0x10;
	[tilespmem:v5+s11+$0x0 ss:$0x1] =	vst.idx.msk $0xffff, v7  }
0x1c7: {  	s12 =	smov.u32 s19;
	s11 =	simm.s32 $0x80;
	v7 =	vld.idx.msk [tilespmem:v6+s9+$0x0 ss:$0x1], $0xffff  }
.LBB2_24:
0x1c8: {  	p4 =	sne.s32 s11, $0x1C0;
	v8 =	vld.idx.msk [tilespmem:v5+s9+$0x0 ss:$0x1], $0xffff;
	_ =	sdelay $0x2  }
0x1c9: {  	s12 =	sadd.s32 $0x10, s12  }
.Ltmp15:
0x1ca: {  	v9 =	vor.u32 s12, v3;
	(pc) =	sbr.rel @p4 .LBB2_24-.Ltmp15, $4  }
0x1cb: {  	vm0 =	vlt.s32 v9, v4;
	v7 =	vadd.s32 v0, v7  }
0x1cc: {  	[tilespmem:v6+s9+$0x0 ss:$0x1] =	vst.idx.msk $0xffff, v7;
	v7 =	vnsel vm0, $0x2718, v8  }
0x1cd: {  	[tilespmem:v5+s9+$0x0 ss:$0x1] =	vst.idx.msk $0xffff, v7;
	s9 =	sshra.s32 s11, $0x2  }
0x1ce: {  	s11 =	sadd.s32 $0x40, s11;
	v7 =	vld.idx.msk [tilespmem:v6+s9+$0x0 ss:$0x1], $0xffff  }
0x1cf: {  	_ =	sdelay $0x3  }
0x1d0: {  	v8 =	vld.idx.msk [tilespmem:v5+s9+$0x0 ss:$0x1], $0xffff;
	_ =	sdelay $0x1  }
0x1d1: {  	s11 =	sadd.s32 $0x10, s12  }
0x1d2: {  	v9 =	vor.u32 s11, v3  }
0x1d3: {  	vm0 =	vlt.s32 v9, v4;
	v7 =	vadd.s32 v0, v7  }
0x1d4: {  	s12 =	sshll.u32 s17, $0x7;
	[tilespmem:v6+s9+$0x0 ss:$0x1] =	vst.idx.msk $0xffff, v7;
	v6 =	vnsel vm0, $0x2718, v8  }
0x1d5: {  	s17 =	sand.u32 $0x3FFFFF80, s12;
	[tilespmem:v5+s9+$0x0 ss:$0x1] =	vst.idx.msk $0xffff, v6  }
0x1d6: {  	[tilespmem:s0], [sflag:$0x4] =	stream.indirect.gather [hbm4b:s1+s10], $0x40, s17, s10, $0xb8;
	[tilespmem:$0x1E710] =	vst v63  }
.LBB2_26:
.Ltmp16:
0x1d7: {  	(pc) =	sbr.rel @p3 .LBB2_30-.Ltmp16, $1  }
0x1d8: {  	_ =	sdelay $0x3  }
0x1d9: {  	_ =	swait.ge [sflag:s25], $0x2000  }
0x1da: {  	[sflag:s25] =	ssyncset.done $0x0  }
0x1db: {  	s12 =	simm.s32 $0x0;
	[sflag:s25] =	ssyncadd.s32 $0xFFFFE000  }
0x1dc: {  	v11 =	vld [tilespmem:s12+$0x8F00]  }
0x1dd: {  	v12 =	vld [tilespmem:s12+$0x8F10]  }
0x1de: {  	v13 =	vld [tilespmem:s12+$0x8F20]  }
0x1df: {  	v14 =	vld [tilespmem:s12+$0x8F30]  }
0x1e0: {  	v15 =	vld [tilespmem:s12+$0x8F40]  }
0x1e1: {  	v16 =	vld [tilespmem:s12+$0x8F50]  }
0x1e2: {  	v17 =	vld [tilespmem:s12+$0x8F60]  }
0x1e3: {  	v18 =	vld [tilespmem:s12+$0x8F70]  }
0x1e4: {  	v19 =	vld [tilespmem:s12+$0x8F80]  }
0x1e5: {  	v20 =	vld [tilespmem:s12+$0x8F90]  }
0x1e6: {  	v10 =	vld [tilespmem:s12+$0x8FA0]  }
0x1e7: {  	v9 =	vld [tilespmem:s12+$0x8FB0]  }
0x1e8: {  	v8 =	vld [tilespmem:s12+$0x8FC0]  }
0x1e9: {  	v21 =	vld [tilespmem:s12+$0xEF00]  }
0x1ea: {  	v22 =	vld [tilespmem:s12+$0xEF10]  }
0x1eb: {  	v7 =	vld [tilespmem:s12+$0x8FD0]  }
0x1ec: {  	v23 =	vld [tilespmem:s12+$0xEF20]  }
0x1ed: {  	v24 =	vld [tilespmem:s12+$0xEF30]  }
0x1ee: {  	v6 =	vld [tilespmem:s12+$0x8FE0];
	v11 =	vadd.f32 v11, v21  }
0x1ef: {  	v25 =	vld [tilespmem:s12+$0xEF40];
	v12 =	vadd.f32 v12, v22  }
0x1f0: {  	v60 =	vld [tilespmem:s12+$0xEF50];
	v11 =	vmax.f32 v11, $0.0e+00  }
0x1f1: {  	v5 =	vld [tilespmem:s12+$0x8FF0];
	v12 =	vmax.f32 v12, $0.0e+00;
	[tilespmem:s12+$0xEF00] =	vst v11;
	v11 =	vadd.f32 v13, v23  }
0x1f2: {  	v26 =	vld [tilespmem:s12+$0xEF60];
	[tilespmem:s12+$0xEF10] =	vst v12;
	v12 =	vadd.f32 v14, v24  }
0x1f3: {  	v61 =	vld [tilespmem:s12+$0xEF70];
	v11 =	vmax.f32 v11, $0.0e+00  }
0x1f4: {  	v62 =	vld [tilespmem:s12+$0xEF80];
	v13 =	vmax.f32 v12, $0.0e+00;
	[tilespmem:s12+$0xEF20] =	vst v11;
	v11 =	vadd.f32 v15, v25  }
0x1f5: {  	v63 =	vld [tilespmem:s12+$0xEF90];
	[tilespmem:s12+$0xEF30] =	vst v13;
	v13 =	vadd.f32 v16, v60  }
0x1f6: {  	v12 =	vld [tilespmem:s12+$0xEFA0];
	v14 =	vmax.f32 v11, $0.0e+00  }
0x1f7: {  	v11 =	vld [tilespmem:s12+$0xEFB0];
	v15 =	vmax.f32 v13, $0.0e+00;
	[tilespmem:s12+$0xEF40] =	vst v14;
	v14 =	vadd.f32 v17, v26  }
0x1f8: {  	v13 =	vld [tilespmem:s12+$0xEFC0];
	[tilespmem:s12+$0xEF50] =	vst v15;
	v15 =	vadd.f32 v18, v61  }
0x1f9: {  	v17 =	vadd.f32 v19, v62;
	v16 =	vmax.f32 v14, $0.0e+00;
	v14 =	vld [tilespmem:s12+$0xEFD0]  }
0x1fa: {  	s9 =	simm.s32 $0x400;
	v18 =	vmax.f32 v15, $0.0e+00;
	v15 =	vld [tilespmem:s12+$0xEFE0];
	[tilespmem:s12+$0xEF60] =	vst v16;
	v16 =	vadd.f32 v20, v63  }
.LBB2_28:
0x1fb: {  	s11 =	sshra.s32 s9, $0x2;
	p3 =	sne.s32 s9, $0x7C00;
	[tilespmem:s12+$0xEF70] =	vst v18;
	v17 =	vmax.f32 v17, $0.0e+00;
	v10 =	vadd.f32 v10, v12;
	v12 =	vld [tilespmem:s12+$0xEFF0]  }
0x1fc: {  	v18 =	vld [tilespmem:s11+$0x8F00];
	[tilespmem:s12+$0xEF80] =	vst v17;
	v16 =	vmax.f32 v16, $0.0e+00;
	v9 =	vadd.f32 v9, v11  }
0x1fd: {  	v11 =	vld [tilespmem:s11+$0x8F10];
	[tilespmem:s12+$0xEF90] =	vst v16;
	v10 =	vmax.f32 v10, $0.0e+00;
	v8 =	vadd.f32 v8, v13  }
0x1fe: {  	v13 =	vld [tilespmem:s11+$0x8F20];
	[tilespmem:s12+$0xEFA0] =	vst v10;
	v9 =	vmax.f32 v9, $0.0e+00;
	v7 =	vadd.f32 v7, v14  }
0x1ff: {  	v14 =	vld [tilespmem:s11+$0x8F30];
	[tilespmem:s12+$0xEFB0] =	vst v9;
	v8 =	vmax.f32 v8, $0.0e+00;
	v6 =	vadd.f32 v6, v15  }
0x200: {  	v15 =	vld [tilespmem:s11+$0x8F40];
	[tilespmem:s12+$0xEFC0] =	vst v8;
	v7 =	vmax.f32 v7, $0.0e+00;
	v5 =	vadd.f32 v5, v12  }
0x201: {  	v12 =	vld [tilespmem:s11+$0x8F50];
	[tilespmem:s12+$0xEFD0] =	vst v7;
	v6 =	vmax.f32 v6, $0.0e+00  }
0x202: {  	v16 =	vld [tilespmem:s11+$0x8F60];
	[tilespmem:s12+$0xEFE0] =	vst v6;
	v5 =	vmax.f32 v5, $0.0e+00  }
0x203: {  	v17 =	vld [tilespmem:s11+$0x8F70];
	[tilespmem:s12+$0xEFF0] =	vst v5;
	s12 =	smov.u32 s11  }
0x204: {  	v19 =	vld [tilespmem:s12+$0x8F80]  }
0x205: {  	v20 =	vld [tilespmem:s12+$0x8F90]  }
0x206: {  	v10 =	vld [tilespmem:s12+$0x8FA0]  }
0x207: {  	v9 =	vld [tilespmem:s12+$0x8FB0]  }
0x208: {  	v8 =	vld [tilespmem:s12+$0x8FC0]  }
0x209: {  	v7 =	vld [tilespmem:s12+$0x8FD0]  }
0x20a: {  	v6 =	vld [tilespmem:s12+$0x8FE0]  }
0x20b: {  	v5 =	vld [tilespmem:s12+$0x8FF0]  }
0x20c: {  	v21 =	vld [tilespmem:s12+$0xEF00]  }
0x20d: {  	v22 =	vld [tilespmem:s12+$0xEF10]  }
0x20e: {  	v23 =	vld [tilespmem:s12+$0xEF20]  }
0x20f: {  	v24 =	vld [tilespmem:s12+$0xEF30]  }
0x210: {  	v25 =	vld [tilespmem:s12+$0xEF40]  }
0x211: {  	v18 =	vadd.f32 v18, v21;
	v21 =	vld [tilespmem:s12+$0xEF50]  }
0x212: {  	v11 =	vadd.f32 v11, v22;
	v22 =	vld [tilespmem:s12+$0xEF60]  }
0x213: {  	v18 =	vmax.f32 v18, $0.0e+00;
	v13 =	vadd.f32 v13, v23;
	v23 =	vld [tilespmem:s12+$0xEF70]  }
0x214: {  	[tilespmem:s12+$0xEF00] =	vst v18;
	v11 =	vmax.f32 v11, $0.0e+00;
	v14 =	vadd.f32 v14, v24;
	v18 =	vld [tilespmem:s12+$0xEF80]  }
0x215: {  	[tilespmem:s12+$0xEF10] =	vst v11;
	v11 =	vmax.f32 v13, $0.0e+00;
	v13 =	vadd.f32 v15, v25;
	v15 =	vld [tilespmem:s12+$0xEF90]  }
.Ltmp17:
0x216: {  	[tilespmem:s12+$0xEF20] =	vst v11;
	v11 =	vmax.f32 v14, $0.0e+00;
	v14 =	vadd.f32 v12, v21;
	v12 =	vld [tilespmem:s12+$0xEFA0];
	(pc) =	sbr.rel @p3 .LBB2_28-.Ltmp17, $4  }
0x217: {  	[tilespmem:s12+$0xEF30] =	vst v11;
	v13 =	vmax.f32 v13, $0.0e+00;
	v16 =	vadd.f32 v16, v22;
	v11 =	vld [tilespmem:s12+$0xEFB0]  }
0x218: {  	[tilespmem:s12+$0xEF40] =	vst v13;
	v14 =	vmax.f32 v14, $0.0e+00;
	v21 =	vadd.f32 v17, v23;
	v13 =	vld [tilespmem:s12+$0xEFC0]  }
0x219: {  	[tilespmem:s12+$0xEF50] =	vst v14;
	v16 =	vmax.f32 v16, $0.0e+00;
	v17 =	vadd.f32 v19, v18;
	v14 =	vld [tilespmem:s12+$0xEFD0]  }
0x21a: {  	s9 =	sadd.s32 $0x400, s9;
	[tilespmem:s12+$0xEF60] =	vst v16;
	v18 =	vmax.f32 v21, $0.0e+00;
	v16 =	vadd.f32 v20, v15;
	v15 =	vld [tilespmem:s12+$0xEFE0]  }
0x21b: {  	[tilespmem:s12+$0xEF70] =	vst v18;
	v17 =	vmax.f32 v17, $0.0e+00;
	v10 =	vadd.f32 v10, v12;
	v63 =	vld [tilespmem:s12+$0xEFF0]  }
0x21c: {  	[tilespmem:s12+$0xEF80] =	vst v17;
	v16 =	vmax.f32 v16, $0.0e+00;
	v9 =	vadd.f32 v9, v11  }
0x21d: {  	[tilespmem:s12+$0xEF90] =	vst v16;
	v10 =	vmax.f32 v10, $0.0e+00;
	v8 =	vadd.f32 v8, v13  }
0x21e: {  	[tilespmem:s12+$0xEFA0] =	vst v10;
	v9 =	vmax.f32 v9, $0.0e+00;
	v7 =	vadd.f32 v7, v14  }
0x21f: {  	[tilespmem:s12+$0xEFB0] =	vst v9;
	v8 =	vmax.f32 v8, $0.0e+00;
	v6 =	vadd.f32 v6, v15  }
0x220: {  	[tilespmem:s12+$0xEFC0] =	vst v8;
	v7 =	vmax.f32 v7, $0.0e+00;
	v5 =	vadd.f32 v5, v63  }
0x221: {  	s3 =	sshll.u32 s3, $0x7;
	[tilespmem:s12+$0xEFD0] =	vst v7;
	v6 =	vmax.f32 v6, $0.0e+00  }
0x222: {  	s3 =	sand.u32 $0x3FFFFF80, s3;
	[tilespmem:s12+$0xEFE0] =	vst v6;
	v5 =	vmax.f32 v5, $0.0e+00  }
0x223: {  	s9 =	simm.s32 $0xEF00;
	s3 =	sadd.s32 $0x2780, s3;
	[tilespmem:s12+$0xEFF0] =	vst v5  }
0x224: {  	[spmem:s2] =	stream.indirect.scatter.add.f32 [tilespmem:s9], [sflag:$0x8], $0x40, s3, s10, $0xb8;
	[tilespmem:$0x1E710] =	vst v63  }
0x225: {  	p3 =	sgt.u32 s4, $0xC;
	s9 =	simm.s32 $0x1;
	_ =	swait.ge [sflag:s28], $0x2000  }
0x226: {  	s9 =	simm.s32 @!p3 $0x0;
	[sflag:s28] =	ssyncset.done $0x0  }
0x227: {  	p3 =	seq.s32 s30, s9;
	[sflag:s28] =	ssyncadd.s32 $0xFFFFE000  }
0x228: {  	s9 =	simm.s32 @!p3 $0x80;
	s11 =	simm.s32 @!p3 $0x10F00;
	s12 =	rddreg [dreg:$0x3]  }
0x229: {  	[spmem:s12] =	stream.indirect.scatter.add.f32 @!p3 [tilespmem:s11], [sflag:$0x8], $0x10, s3, s9, $0xb8;
	[tilespmem:$0x1E710] =	vst v63  }
0x22a: {  	s3 =	simm.s32 @!p3 $0x8  }
0x22b: {  	_ =	swait.ge @!p3 [sflag:s3], $0x800  }
0x22c: {  	[sflag:s3] =	ssyncset.done @!p3 $0x0  }
0x22d: {  	[sflag:s3] =	ssyncadd.s32 @!p3 $0xFFFFF800  }
.LBB2_30:
0x22e: {  	s3 =	sadd.s32 $0x5, s18  }
0x22f: {  	p3 =	sge.u32 s3, s16  }
0x230: {  	s3 =	sadd.s32 @!p3 s6, s3  }
.Ltmp18:
0x231: {  	s3 =	sshll.u32 @!p3 s3, $0xD;
	(pc) =	sbr.rel @p5 .LBB2_34-.Ltmp18, $4  }
0x232: {  	s3 =	sadd.s32 @!p3 s8, s3  }
0x233: {  	s3 =	sshrl.u32 @!p3 s3, $0x3  }
0x234: {  	s9 =	simm.s32 @!p3 $0x0;
	s11 =	simm.s32 @!p3 $0x8F00;
	s3 =	sadd.s32 @!p3 s15, s3  }
0x235: {  	[tilespmem:s11], [sflag:$0x3] =	stream.linear.gather @!p3 [hbm4b:s3+s9], $0x2000, $0x38;
	[tilespmem:$0x1E710] =	vst v63  }
0x236: {  	v6 =	vmov s29  }
0x237: {  	v5 =	vmov s7;
	s3 =	simm.s32 $0x2  }
0x238: {  	_ =	swait.ge [sflag:s3], $0x2000  }
0x239: {  	[sflag:s3] =	ssyncset.done $0x0  }
0x23a: {  	s9 =	simm.s32 $0x0;
	[sflag:s3] =	ssyncadd.s32 $0xFFFFE000  }
0x23b: {  	v7 =	vld.idx.msk [tilespmem:v6+s9+$0x0 ss:$0x1], $0xffff  }
0x23c: {  	v8 =	vld.idx.msk [tilespmem:v5+s9+$0x0 ss:$0x1], $0xffff;
	_ =	sdelay $0x2  }
0x23d: {  	v9 =	vor.u32 s5, v3  }
0x23e: {  	vm0 =	vlt.s32 v9, v4;
	v7 =	vadd.s32 v0, v7  }
0x23f: {  	[tilespmem:v6+s9+$0x0 ss:$0x1] =	vst.idx.msk $0xffff, v7;
	v7 =	vnsel vm0, $0x2718, v8  }
0x240: {  	s3 =	simm.s32 $0x10;
	[tilespmem:v5+s9+$0x0 ss:$0x1] =	vst.idx.msk $0xffff, v7  }
0x241: {  	s11 =	simm.s32 $0x80;
	s9 =	smov.u32 s5;
	v7 =	vld.idx.msk [tilespmem:v6+s3+$0x0 ss:$0x1], $0xffff  }
.LBB2_32:
0x242: {  	p3 =	sne.s32 s11, $0x1C0;
	v8 =	vld.idx.msk [tilespmem:v5+s3+$0x0 ss:$0x1], $0xffff;
	_ =	sdelay $0x2  }
0x243: {  	s9 =	sadd.s32 $0x10, s9  }
.Ltmp19:
0x244: {  	v9 =	vor.u32 s9, v3;
	(pc) =	sbr.rel @p3 .LBB2_32-.Ltmp19, $4  }
0x245: {  	vm0 =	vlt.s32 v9, v4;
	v7 =	vadd.s32 v0, v7  }
0x246: {  	[tilespmem:v6+s3+$0x0 ss:$0x1] =	vst.idx.msk $0xffff, v7;
	v7 =	vnsel vm0, $0x2718, v8  }
0x247: {  	[tilespmem:v5+s3+$0x0 ss:$0x1] =	vst.idx.msk $0xffff, v7;
	s3 =	sshra.s32 s11, $0x2  }
0x248: {  	s11 =	sadd.s32 $0x40, s11;
	v7 =	vld.idx.msk [tilespmem:v6+s3+$0x0 ss:$0x1], $0xffff  }
0x249: {  	_ =	sdelay $0x3  }
0x24a: {  	v8 =	vld.idx.msk [tilespmem:v5+s3+$0x0 ss:$0x1], $0xffff;
	_ =	sdelay $0x1  }
0x24b: {  	s9 =	sadd.s32 $0x10, s9  }
.Ltmp20:
0x24c: {  	v9 =	vor.u32 s9, v3;
	(pc) =	sbr.rel .LBB2_34-.Ltmp20, $4  }
0x24d: {  	vm0 =	vlt.s32 v9, v4;
	v7 =	vadd.s32 v0, v7  }
0x24e: {  	s18 =	sshll.u32 s21, $0x7;
	[tilespmem:v6+s3+$0x0 ss:$0x1] =	vst.idx.msk $0xffff, v7;
	v6 =	vnsel vm0, $0x2718, v8  }
0x24f: {  	s30 =	simm.s32 $0xCF00;
	s21 =	sand.u32 $0x3FFFFF80, s18;
	[tilespmem:v5+s3+$0x0 ss:$0x1] =	vst.idx.msk $0xffff, v6  }
0x250: {  	[tilespmem:s30], [sflag:$0x5] =	stream.indirect.gather [hbm4b:s1+s10], $0x40, s21, s10, $0xb8;
	[tilespmem:$0x1E710] =	vst v63  }
.LBB2_35:
0x251: {  	[bflag:$0x0] =	sbarrier.arrive $0xFFFF  }
0x252: {  	s21 =	rddreg [dreg:$0xe]  }
0x253: {  	s3 =	simm.s32 @p2 $0x1FC8;
	s5 =	rddreg [dreg:$0x1d];
	s4 =	sshrl.u32 @p2 s21, $0x3  }
0x254: {  	[hbm:s5], [sflag:s3] =	dma.local @p2 [spmem:s4], $0xC80  }
0x255: {  	s5 =	simm.s32 @p2 $0x8  }
0x256: {  	_ =	swait.ge @p2 [sflag:s5], $0xC80  }
0x257: {  	[sflag:s5] =	ssyncset.done @p2 $0x0;
	s22 =	rddreg [dreg:$0xf]  }
0x258: {  	s9 =	rddreg [dreg:$0x1e];
	[sflag:s5] =	ssyncadd.s32 @p2 $0xFFFFF380;
	s7 =	sshrl.u32 @p2 s22, $0x3  }
0x259: {  	[hbm:s9], [sflag:s3] =	dma.local @p2 [spmem:s7], $0x320  }
0x25a: {  	s3 =	stileid.u32;
	_ =	swait.ge @p2 [sflag:s5], $0x320  }
0x25b: {  	s7 =	sshrl.u32 @!p2 s21, $0x3;
	s3 =	sshll.u32 @!p2 s3, $0x6;
	[sflag:s5] =	ssyncset.done @p2 $0x0  }
0x25c: {  	s20 =	sor.u32 @!p2 $0x1C08, s3;
	s3 =	rddreg [dreg:$0xa];
	[sflag:s5] =	ssyncadd.s32 @p2 $0xFFFFFCE0  }
0x25d: {  	[hbm:s3], [sflag:s20] =	dma.local @!p2 [spmem:s7], $0x1400  }
0x25e: {  	s3 =	simm.s32 @!p2 $0x8  }
0x25f: {  	_ =	swait.ge @!p2 [sflag:s3], $0x1400  }
0x260: {  	[sflag:s3] =	ssyncset.done @!p2 $0x0  }
0x261: {  	s5 =	sshrl.u32 @!p2 s22, $0x3;
	s9 =	rddreg [dreg:$0xb];
	[sflag:s3] =	ssyncadd.s32 @!p2 $0xFFFFEC00  }
0x262: {  	[hbm:s9], [sflag:s20] =	dma.local @!p2 [spmem:s5], $0x500  }
0x263: {  	_ =	swait.ge @!p2 [sflag:s3], $0x500  }
0x264: {  	[sflag:s3] =	ssyncset.done @!p2 $0x0  }
0x265: {  	[sflag:s3] =	ssyncadd.s32 @!p2 $0xFFFFFB00  }
0x266: {  	s5 =	simm.s32 $0x100;
	s3 =	simm.s32 $0x0;
	[bflag:$0x0] =	sbarrier.arrive $0xFFFF  }
.LBB2_36:
0x267: {  	p3 =	sne.s32 s5, $0x7F00;
	[tilespmem:s3+$0xAF30] =	vst v2;
	s9 =	smov.u32 s5;
	s5 =	sadd.s32 $0x100, s5  }
.Ltmp21:
0x268: {  	[tilespmem:s3+$0xAF20] =	vst v2;
	(pc) =	sbr.rel @p3 .LBB2_36-.Ltmp21, $3  }
0x269: {  	[tilespmem:s3+$0xAF00] =	vst v2  }
0x26a: {  	[tilespmem:s3+$0xAF10] =	vst v2;
	_ =	sdelay $0x1  }
0x26b: {  	s3 =	sshra.s32 s9, $0x2  }
0x26c: {  	[tilespmem:s3+$0xAF30] =	vst v2  }
0x26d: {  	[tilespmem:s3+$0xAF20] =	vst v2  }
0x26e: {  	[tilespmem:s3+$0xAF00] =	vst v2  }
0x26f: {  	[tilespmem:s3+$0xAF10] =	vst v2  }
0x270: {  	[spmem:s21] =	stream.linear.scatter [tilespmem:s0], [sflag:$0x8], $0x2000, $0x38;
	[tilespmem:$0x1E710] =	vst v63  }
0x271: {  	_ =	swait.ge [sflag:s28], $0x2000  }
0x272: {  	[sflag:s28] =	ssyncset.done $0x0  }
0x273: {  	s24 =	rddreg [dreg:$0x10];
	[sflag:s28] =	ssyncadd.s32 $0xFFFFE000  }
0x274: {  	[spmem:s24] =	stream.linear.scatter [tilespmem:s0], [sflag:$0x8], $0x2000, $0x38;
	[tilespmem:$0x1E710] =	vst v63  }
0x275: {  	_ =	swait.ge [sflag:s28], $0x2000  }
0x276: {  	[sflag:s28] =	ssyncset.done $0x0  }
0x277: {  	s26 =	rddreg [dreg:$0x12];
	[sflag:s28] =	ssyncadd.s32 $0xFFFFE000  }
0x278: {  	[spmem:s26] =	stream.linear.scatter [tilespmem:s0], [sflag:$0x8], $0x2000, $0x38;
	[tilespmem:$0x1E710] =	vst v63  }
0x279: {  	_ =	swait.ge [sflag:s28], $0x2000  }
0x27a: {  	[sflag:s28] =	ssyncset.done $0x0  }
0x27b: {  	s29 =	rddreg [dreg:$0x14];
	[sflag:s28] =	ssyncadd.s32 $0xFFFFE000  }
0x27c: {  	[spmem:s29] =	stream.linear.scatter [tilespmem:s0], [sflag:$0x8], $0x2000, $0x38;
	[tilespmem:$0x1E710] =	vst v63  }
0x27d: {  	_ =	swait.ge [sflag:s28], $0x2000  }
0x27e: {  	[sflag:s28] =	ssyncset.done $0x0  }
0x27f: {  	s30 =	rddreg [dreg:$0x16];
	[sflag:s28] =	ssyncadd.s32 $0xFFFFE000  }
0x280: {  	[spmem:s30] =	stream.linear.scatter [tilespmem:s0], [sflag:$0x8], $0x2000, $0x38;
	[tilespmem:$0x1E710] =	vst v63  }
0x281: {  	_ =	swait.ge [sflag:s28], $0x2000  }
0x282: {  	[sflag:s28] =	ssyncset.done $0x0  }
0x283: {  	[sflag:s28] =	ssyncadd.s32 $0xFFFFE000  }
0x284: {  	[bflag:$0x0] =	sbarrier.arrive $0xFFFF  }
0x285: {  	s18 =	rddreg [dreg:$0x1f]  }
0x286: {  	s5 =	simm.s32 $0x0;
	s31 =	simm.s32 $0x4F00;
	s19 =	sld [smem:$0x7F8]  }
0x287: {  	[tilespmem:s31], [sflag:$0x1] =	stream.linear.gather [hbm4b:s18+s5], $0x2000, $0x38;
	[tilespmem:$0x1E710] =	vst v63  }
0x288: {  	s9 =	simm.s32 $0x6F00;
	s11 =	simm.s32 $0x1  }
0x289: {  	[tilespmem:s9], [sflag:$0x2] =	stream.linear.gather [hbm4b:s19+s5], $0x2000, $0x38;
	[tilespmem:$0x1E710] =	vst v63  }
0x28a: {  	_ =	swait.ge [sflag:s11], $0x2000  }
0x28b: {  	[sflag:s11] =	ssyncset.done $0x0  }
0x28c: {  	[sflag:s11] =	ssyncadd.s32 $0xFFFFE000  }
0x28d: {  	v4 =	vld [tilespmem:$0x0]  }
0x28e: {  	v5 =	vld [tilespmem:$0x10]  }
0x28f: {  	v6 =	vld [tilespmem:$0x20]  }
0x290: {  	v7 =	vld [tilespmem:$0x30]  }
0x291: {  	v8 =	vld [tilespmem:$0x40]  }
0x292: {  	v9 =	vld [tilespmem:$0x50];
	v4 =	vadd.s32 $0x2710, v4  }
0x293: {  	[tilespmem:$0x0] =	vst v4;
	v4 =	vadd.s32 $0x2710, v5;
	v5 =	vld [tilespmem:$0x60]  }
0x294: {  	v58 =	vld [tilespmem:$0x70];
	[tilespmem:$0x10] =	vst v4;
	v4 =	vadd.s32 $0x2710, v6  }
0x295: {  	[tilespmem:$0x20] =	vst v4;
	v4 =	vadd.s32 $0x2710, v7  }
0x296: {  	[tilespmem:$0x30] =	vst v4;
	v4 =	vadd.s32 $0x2710, v8  }
0x297: {  	[tilespmem:$0x40] =	vst v4;
	v4 =	vadd.s32 $0x2710, v9  }
0x298: {  	[tilespmem:$0x50] =	vst v4;
	v4 =	vadd.s32 $0x2710, v5  }
0x299: {  	[tilespmem:$0x60] =	vst v4;
	v4 =	vadd.s32 $0x2710, v58  }
0x29a: {  	s12 =	sld [smem:$0x7F9];
	[tilespmem:$0x70] =	vst v4  }
0x29b: {  	[tilespmem:s0], [sflag:$0x4] =	stream.indirect.gather [hbm4b:s1+s10], $0x40, s5, s10, $0xb8;
	[tilespmem:$0x1E710] =	vst v63  }
0x29c: {  	s17 =	simm.s32 $0x8F00;
	s18 =	simm.s32 $0x2  }
0x29d: {  	[tilespmem:s17], [sflag:$0x3] =	stream.linear.gather [hbm4b:s12+s5], $0x2000, $0x38;
	[tilespmem:$0x1E710] =	vst v63  }
0x29e: {  	_ =	swait.ge [sflag:s18], $0x2000  }
0x29f: {  	[sflag:s18] =	ssyncset.done $0x0  }
0x2a0: {  	[sflag:s18] =	ssyncadd.s32 $0xFFFFE000  }
0x2a1: {  	v4 =	vld [tilespmem:$0x80]  }
0x2a2: {  	v5 =	vld [tilespmem:$0x90]  }
0x2a3: {  	v59 =	vld [tilespmem:$0xA0]  }
0x2a4: {  	v60 =	vld [tilespmem:$0xB0]  }
0x2a5: {  	v61 =	vld [tilespmem:$0xC0]  }
0x2a6: {  	v62 =	vld [tilespmem:$0xD0];
	v4 =	vadd.s32 $0x2710, v4  }
0x2a7: {  	[tilespmem:$0x80] =	vst v4;
	v4 =	vadd.s32 $0x2710, v5;
	v5 =	vld [tilespmem:$0xE0]  }
0x2a8: {  	v63 =	vld [tilespmem:$0xF0];
	[tilespmem:$0x90] =	vst v4;
	v4 =	vadd.s32 $0x2710, v59  }
0x2a9: {  	[tilespmem:$0xA0] =	vst v4;
	v4 =	vadd.s32 $0x2710, v60  }
0x2aa: {  	[tilespmem:$0xB0] =	vst v4;
	v4 =	vadd.s32 $0x2710, v61  }
.Ltmp22:
0x2ab: {  	[tilespmem:$0xC0] =	vst v4;
	v4 =	vadd.s32 $0x2710, v62;
	(pc) =	sbr.rel .LBB2_38-.Ltmp22, $4  }
0x2ac: {  	[tilespmem:$0xD0] =	vst v4;
	v4 =	vadd.s32 $0x2710, v5  }
0x2ad: {  	[tilespmem:$0xE0] =	vst v4;
	v4 =	vadd.s32 $0x2710, v63  }
0x2ae: {  	s19 =	simm.s32 $0xCF00;
	[tilespmem:$0xF0] =	vst v4  }
0x2af: {  	[tilespmem:s19], [sflag:$0x5] =	stream.indirect.gather [hbm4b:s1+s10], $0x40, s10, s10, $0xb8;
	[tilespmem:$0x1E710] =	vst v63  }
.LBB2_50:
0x2b0: {  	s3 =	sadd.s32 $0x5, s18  }
0x2b1: {  	p3 =	sge.u32 s3, s16  }
0x2b2: {  	s3 =	sadd.s32 @!p3 s6, s3  }
0x2b3: {  	s3 =	sshll.u32 @!p3 s3, $0xD  }
0x2b4: {  	s3 =	sadd.s32 @!p3 s14, s3  }
0x2b5: {  	s3 =	sshrl.u32 @!p3 s3, $0x3  }
0x2b6: {  	s9 =	simm.s32 @!p3 $0x0;
	s11 =	simm.s32 @!p3 $0x8F00;
	s3 =	sadd.s32 @!p3 s15, s3  }
0x2b7: {  	[tilespmem:s11], [sflag:$0x3] =	stream.linear.gather @!p3 [hbm4b:s3+s9], $0x2000, $0x38;
	[tilespmem:$0x1E710] =	vst v63  }
0x2b8: {  	s3 =	simm.s32 @!p4 $0x2  }
0x2b9: {  	_ =	swait.ge @!p4 [sflag:s3], $0x2000  }
0x2ba: {  	s9 =	sshll.u32 @!p4 s19, $0x7;
	[sflag:s3] =	ssyncset.done @!p4 $0x0  }
0x2bb: {  	[sflag:s3] =	ssyncadd.s32 @!p4 $0xFFFFE000;
	s3 =	sand.u32 @!p4 $0x3FFFFF80, s9  }
0x2bc: {  	v4 =	vld @!p4 [tilespmem:s3+$0x0]  }
0x2bd: {  	v5 =	vld @!p4 [tilespmem:s3+$0x10]  }
0x2be: {  	v6 =	vld @!p4 [tilespmem:s3+$0x20]  }
0x2bf: {  	v7 =	vld @!p4 [tilespmem:s3+$0x30]  }
0x2c0: {  	v8 =	vld @!p4 [tilespmem:s3+$0x40]  }
0x2c1: {  	v9 =	vld @!p4 [tilespmem:s3+$0x50];
	v4 =	vadd.s32 @!p4 $0x2710, v4  }
0x2c2: {  	[tilespmem:s3+$0x0] =	vst @!p4 v4;
	v4 =	vadd.s32 @!p4 $0x2710, v5;
	v5 =	vld @!p4 [tilespmem:s3+$0x60]  }
0x2c3: {  	[tilespmem:s3+$0x10] =	vst @!p4 v4;
	v4 =	vadd.s32 @!p4 $0x2710, v6;
	v6 =	vld @!p4 [tilespmem:s3+$0x70]  }
0x2c4: {  	s5 =	sadd.s32 $0x1, s5;
	[tilespmem:s3+$0x20] =	vst @!p4 v4;
	v4 =	vadd.s32 @!p4 $0x2710, v7  }
0x2c5: {  	p3 =	sne.s32 s5, $0x1B;
	[tilespmem:s3+$0x30] =	vst @!p4 v4;
	v4 =	vadd.s32 @!p4 $0x2710, v8  }
.Ltmp23:
0x2c6: {  	[tilespmem:s3+$0x40] =	vst @!p4 v4;
	v4 =	vadd.s32 @!p4 $0x2710, v9;
	(pc) =	sbr.rel @!p3 .LBB2_51-.Ltmp23, $4  }
0x2c7: {  	[tilespmem:s3+$0x50] =	vst @!p4 v4;
	v4 =	vadd.s32 @!p4 $0x2710, v5  }
0x2c8: {  	[tilespmem:s3+$0x60] =	vst @!p4 v4;
	v4 =	vadd.s32 @!p4 $0x2710, v6  }
0x2c9: {  	s11 =	simm.s32 @!p4 $0xCF00;
	s9 =	simm.s32 @!p4 $0x80;
	[tilespmem:s3+$0x70] =	vst @!p4 v4  }
0x2ca: {  	[tilespmem:s11], [sflag:$0x5] =	stream.indirect.gather @!p4 [hbm4b:s1+s9], $0x40, s3, s9, $0xb8;
	[tilespmem:$0x1E710] =	vst v63  }
.LBB2_38:
0x2cb: {  	s18 =	smul.u32 $0x3, s5;
	_ =	sdelay $0x1  }
0x2cc: {  	p3 =	sge.u32 s18, s16  }
.Ltmp24:
0x2cd: {  	_ = 	snop;
	(pc) =	sbr.rel @p3 .LBB2_42-.Ltmp24, $1  }
0x2ce: {  	_ =	sdelay $0x3  }
0x2cf: {  	_ =	swait.ge [sflag:s13], $0x2000  }
0x2d0: {  	[sflag:s13] =	ssyncset.done $0x0  }
0x2d1: {  	s3 =	simm.s32 $0x0;
	[sflag:s13] =	ssyncadd.s32 $0xFFFFE000  }
0x2d2: {  	v10 =	vld [tilespmem:s3+$0x4F00]  }
0x2d3: {  	v11 =	vld [tilespmem:s3+$0x4F10]  }
0x2d4: {  	v12 =	vld [tilespmem:s3+$0x4F20]  }
0x2d5: {  	v13 =	vld [tilespmem:s3+$0x4F30]  }
0x2d6: {  	v14 =	vld [tilespmem:s3+$0x4F40]  }
0x2d7: {  	v15 =	vld [tilespmem:s3+$0x4F50]  }
0x2d8: {  	v16 =	vld [tilespmem:s3+$0x4F60]  }
0x2d9: {  	v17 =	vld [tilespmem:s3+$0x4F70]  }
0x2da: {  	v18 =	vld [tilespmem:s3+$0x4F80]  }
0x2db: {  	v19 =	vld [tilespmem:s3+$0x4F90]  }
0x2dc: {  	v9 =	vld [tilespmem:s3+$0x4FA0]  }
0x2dd: {  	v8 =	vld [tilespmem:s3+$0x4FB0]  }
0x2de: {  	v7 =	vld [tilespmem:s3+$0x4FC0]  }
0x2df: {  	v20 =	vld [tilespmem:s3+$0xAF00]  }
0x2e0: {  	v21 =	vld [tilespmem:s3+$0xAF10]  }
0x2e1: {  	v6 =	vld [tilespmem:s3+$0x4FD0]  }
0x2e2: {  	v22 =	vld [tilespmem:s3+$0xAF20]  }
0x2e3: {  	v23 =	vld [tilespmem:s3+$0xAF30]  }
0x2e4: {  	v5 =	vld [tilespmem:s3+$0x4FE0];
	v10 =	vadd.f32 v10, v20  }
0x2e5: {  	v24 =	vld [tilespmem:s3+$0xAF40];
	v11 =	vadd.f32 v11, v21  }
0x2e6: {  	v60 =	vld [tilespmem:s3+$0xAF50];
	v10 =	vmax.f32 v10, $0.0e+00  }
0x2e7: {  	v4 =	vld [tilespmem:s3+$0x4FF0];
	v11 =	vmax.f32 v11, $0.0e+00;
	[tilespmem:s3+$0xAF00] =	vst v10;
	v10 =	vadd.f32 v12, v22  }
0x2e8: {  	v25 =	vld [tilespmem:s3+$0xAF60];
	[tilespmem:s3+$0xAF10] =	vst v11;
	v11 =	vadd.f32 v13, v23  }
0x2e9: {  	v61 =	vld [tilespmem:s3+$0xAF70];
	v10 =	vmax.f32 v10, $0.0e+00  }
0x2ea: {  	v62 =	vld [tilespmem:s3+$0xAF80];
	v12 =	vmax.f32 v11, $0.0e+00;
	[tilespmem:s3+$0xAF20] =	vst v10;
	v10 =	vadd.f32 v14, v24  }
0x2eb: {  	v63 =	vld [tilespmem:s3+$0xAF90];
	[tilespmem:s3+$0xAF30] =	vst v12;
	v12 =	vadd.f32 v15, v60  }
0x2ec: {  	v11 =	vld [tilespmem:s3+$0xAFA0];
	v13 =	vmax.f32 v10, $0.0e+00  }
0x2ed: {  	v10 =	vld [tilespmem:s3+$0xAFB0];
	v14 =	vmax.f32 v12, $0.0e+00;
	[tilespmem:s3+$0xAF40] =	vst v13;
	v13 =	vadd.f32 v16, v25  }
0x2ee: {  	v12 =	vld [tilespmem:s3+$0xAFC0];
	[tilespmem:s3+$0xAF50] =	vst v14;
	v14 =	vadd.f32 v17, v61  }
0x2ef: {  	v16 =	vadd.f32 v18, v62;
	v15 =	vmax.f32 v13, $0.0e+00;
	v13 =	vld [tilespmem:s3+$0xAFD0]  }
0x2f0: {  	s9 =	simm.s32 $0x400;
	v17 =	vmax.f32 v14, $0.0e+00;
	v14 =	vld [tilespmem:s3+$0xAFE0];
	[tilespmem:s3+$0xAF60] =	vst v15;
	v15 =	vadd.f32 v19, v63  }
.LBB2_40:
0x2f1: {  	s11 =	sshra.s32 s9, $0x2;
	p3 =	sne.s32 s9, $0x7C00;
	[tilespmem:s3+$0xAF70] =	vst v17;
	v16 =	vmax.f32 v16, $0.0e+00;
	v9 =	vadd.f32 v9, v11;
	v11 =	vld [tilespmem:s3+$0xAFF0]  }
0x2f2: {  	v17 =	vld [tilespmem:s11+$0x4F00];
	[tilespmem:s3+$0xAF80] =	vst v16;
	v15 =	vmax.f32 v15, $0.0e+00;
	v8 =	vadd.f32 v8, v10  }
0x2f3: {  	v10 =	vld [tilespmem:s11+$0x4F10];
	[tilespmem:s3+$0xAF90] =	vst v15;
	v9 =	vmax.f32 v9, $0.0e+00;
	v7 =	vadd.f32 v7, v12  }
0x2f4: {  	v12 =	vld [tilespmem:s11+$0x4F20];
	[tilespmem:s3+$0xAFA0] =	vst v9;
	v8 =	vmax.f32 v8, $0.0e+00;
	v6 =	vadd.f32 v6, v13  }
0x2f5: {  	v13 =	vld [tilespmem:s11+$0x4F30];
	[tilespmem:s3+$0xAFB0] =	vst v8;
	v7 =	vmax.f32 v7, $0.0e+00;
	v5 =	vadd.f32 v5, v14  }
0x2f6: {  	v14 =	vld [tilespmem:s11+$0x4F40];
	[tilespmem:s3+$0xAFC0] =	vst v7;
	v6 =	vmax.f32 v6, $0.0e+00;
	v4 =	vadd.f32 v4, v11  }
0x2f7: {  	v11 =	vld [tilespmem:s11+$0x4F50];
	[tilespmem:s3+$0xAFD0] =	vst v6;
	v5 =	vmax.f32 v5, $0.0e+00  }
0x2f8: {  	v15 =	vld [tilespmem:s11+$0x4F60];
	[tilespmem:s3+$0xAFE0] =	vst v5;
	v4 =	vmax.f32 v4, $0.0e+00  }
0x2f9: {  	v16 =	vld [tilespmem:s11+$0x4F70];
	[tilespmem:s3+$0xAFF0] =	vst v4;
	s3 =	smov.u32 s11  }
0x2fa: {  	v18 =	vld [tilespmem:s3+$0x4F80]  }
0x2fb: {  	v19 =	vld [tilespmem:s3+$0x4F90]  }
0x2fc: {  	v9 =	vld [tilespmem:s3+$0x4FA0]  }
0x2fd: {  	v8 =	vld [tilespmem:s3+$0x4FB0]  }
0x2fe: {  	v7 =	vld [tilespmem:s3+$0x4FC0]  }
0x2ff: {  	v6 =	vld [tilespmem:s3+$0x4FD0]  }
0x300: {  	v5 =	vld [tilespmem:s3+$0x4FE0]  }
0x301: {  	v4 =	vld [tilespmem:s3+$0x4FF0]  }
0x302: {  	v20 =	vld [tilespmem:s3+$0xAF00]  }
0x303: {  	v21 =	vld [tilespmem:s3+$0xAF10]  }
0x304: {  	v22 =	vld [tilespmem:s3+$0xAF20]  }
0x305: {  	v23 =	vld [tilespmem:s3+$0xAF30]  }
0x306: {  	v24 =	vld [tilespmem:s3+$0xAF40]  }
0x307: {  	v17 =	vadd.f32 v17, v20;
	v20 =	vld [tilespmem:s3+$0xAF50]  }
0x308: {  	v10 =	vadd.f32 v10, v21;
	v21 =	vld [tilespmem:s3+$0xAF60]  }
0x309: {  	v17 =	vmax.f32 v17, $0.0e+00;
	v12 =	vadd.f32 v12, v22;
	v22 =	vld [tilespmem:s3+$0xAF70]  }
0x30a: {  	[tilespmem:s3+$0xAF00] =	vst v17;
	v10 =	vmax.f32 v10, $0.0e+00;
	v13 =	vadd.f32 v13, v23;
	v17 =	vld [tilespmem:s3+$0xAF80]  }
0x30b: {  	[tilespmem:s3+$0xAF10] =	vst v10;
	v10 =	vmax.f32 v12, $0.0e+00;
	v12 =	vadd.f32 v14, v24;
	v14 =	vld [tilespmem:s3+$0xAF90]  }
.Ltmp25:
0x30c: {  	[tilespmem:s3+$0xAF20] =	vst v10;
	v10 =	vmax.f32 v13, $0.0e+00;
	v13 =	vadd.f32 v11, v20;
	v11 =	vld [tilespmem:s3+$0xAFA0];
	(pc) =	sbr.rel @p3 .LBB2_40-.Ltmp25, $4  }
0x30d: {  	[tilespmem:s3+$0xAF30] =	vst v10;
	v12 =	vmax.f32 v12, $0.0e+00;
	v15 =	vadd.f32 v15, v21;
	v10 =	vld [tilespmem:s3+$0xAFB0]  }
0x30e: {  	[tilespmem:s3+$0xAF40] =	vst v12;
	v13 =	vmax.f32 v13, $0.0e+00;
	v20 =	vadd.f32 v16, v22;
	v12 =	vld [tilespmem:s3+$0xAFC0]  }
0x30f: {  	[tilespmem:s3+$0xAF50] =	vst v13;
	v15 =	vmax.f32 v15, $0.0e+00;
	v16 =	vadd.f32 v18, v17;
	v13 =	vld [tilespmem:s3+$0xAFD0]  }
0x310: {  	s9 =	sadd.s32 $0x400, s9;
	[tilespmem:s3+$0xAF60] =	vst v15;
	v17 =	vmax.f32 v20, $0.0e+00;
	v15 =	vadd.f32 v19, v14;
	v14 =	vld [tilespmem:s3+$0xAFE0]  }
0x311: {  	[tilespmem:s3+$0xAF70] =	vst v17;
	v16 =	vmax.f32 v16, $0.0e+00;
	v9 =	vadd.f32 v9, v11;
	v63 =	vld [tilespmem:s3+$0xAFF0]  }
0x312: {  	[tilespmem:s3+$0xAF80] =	vst v16;
	v15 =	vmax.f32 v15, $0.0e+00;
	v8 =	vadd.f32 v8, v10  }
0x313: {  	[tilespmem:s3+$0xAF90] =	vst v15;
	v9 =	vmax.f32 v9, $0.0e+00;
	v7 =	vadd.f32 v7, v12  }
0x314: {  	[tilespmem:s3+$0xAFA0] =	vst v9;
	v8 =	vmax.f32 v8, $0.0e+00;
	v6 =	vadd.f32 v6, v13  }
0x315: {  	[tilespmem:s3+$0xAFB0] =	vst v8;
	v7 =	vmax.f32 v7, $0.0e+00;
	v5 =	vadd.f32 v5, v14  }
0x316: {  	s9 =	smul.u32 $0x600, s5;
	[tilespmem:s3+$0xAFC0] =	vst v7;
	v6 =	vmax.f32 v6, $0.0e+00;
	v4 =	vadd.f32 v4, v63  }
0x317: {  	[tilespmem:s3+$0xAFD0] =	vst v6;
	v5 =	vmax.f32 v5, $0.0e+00  }
0x318: {  	s9 =	sshra.s32 s9, $0x2;
	[tilespmem:s3+$0xAFE0] =	vst v5;
	v4 =	vmax.f32 v4, $0.0e+00  }
0x319: {  	s19 =	sadd.s32 $0x2780, s9;
	[tilespmem:s3+$0xAFF0] =	vst v4  }
0x31a: {  	[spmem:s2] =	stream.indirect.scatter.add.f32 [tilespmem:s0], [sflag:$0x8], $0x40, s19, s10, $0xb8;
	[tilespmem:$0x1E710] =	vst v63  }
0x31b: {  	_ =	swait.ge [sflag:s28], $0x2000  }
0x31c: {  	[sflag:s28] =	ssyncset.done $0x0  }
0x31d: {  	[sflag:s28] =	ssyncadd.s32 $0xFFFFE000  }
.LBB2_42:
0x31e: {  	s17 =	sadd.s32 $0x3, s18  }
0x31f: {  	p3 =	sge.u32 s17, s16  }
0x320: {  	s3 =	sadd.s32 @!p3 s6, s17  }
0x321: {  	s3 =	sshll.u32 @!p3 s3, $0xD  }
0x322: {  	s3 =	sadd.s32 @!p3 s14, s3  }
0x323: {  	s3 =	sshrl.u32 @!p3 s3, $0x3  }
0x324: {  	s9 =	simm.s32 @!p3 $0x0;
	s11 =	simm.s32 @!p3 $0x4F00;
	s3 =	sadd.s32 @!p3 s15, s3  }
0x325: {  	[tilespmem:s11], [sflag:$0x1] =	stream.linear.gather @!p3 [hbm4b:s3+s9], $0x2000, $0x38;
	[tilespmem:$0x1E710] =	vst v63  }
0x326: {  	s3 =	sadd.s32 $0x2, s18  }
0x327: {  	p5 =	sge.u32 s3, s16  }
0x328: {  	s9 =	simm.s32 @!p5 $0x3  }
0x329: {  	_ =	swait.ge @!p5 [sflag:s9], $0x2000  }
0x32a: {  	s11 =	sshll.u32 @!p5 s3, $0x7;
	[sflag:s9] =	ssyncset.done @!p5 $0x0  }
0x32b: {  	[sflag:s9] =	ssyncadd.s32 @!p5 $0xFFFFE000;
	s9 =	sand.u32 @!p5 $0x3FFFFF80, s11  }
0x32c: {  	v4 =	vld @!p5 [tilespmem:s9+$0x0]  }
0x32d: {  	v5 =	vld @!p5 [tilespmem:s9+$0x10]  }
0x32e: {  	v6 =	vld @!p5 [tilespmem:s9+$0x20]  }
0x32f: {  	v7 =	vld @!p5 [tilespmem:s9+$0x30]  }
0x330: {  	v8 =	vld @!p5 [tilespmem:s9+$0x40]  }
0x331: {  	v9 =	vld @!p5 [tilespmem:s9+$0x50];
	v4 =	vadd.s32 @!p5 $0x2710, v4  }
0x332: {  	[tilespmem:s9+$0x0] =	vst @!p5 v4;
	v4 =	vadd.s32 @!p5 $0x2710, v5;
	v5 =	vld @!p5 [tilespmem:s9+$0x60]  }
0x333: {  	[tilespmem:s9+$0x10] =	vst @!p5 v4;
	v4 =	vadd.s32 @!p5 $0x2710, v6;
	v6 =	vld @!p5 [tilespmem:s9+$0x70]  }
0x334: {  	s19 =	sadd.s32 $0x1, s18;
	[tilespmem:s9+$0x20] =	vst @!p5 v4;
	v4 =	vadd.s32 @!p5 $0x2710, v7  }
0x335: {  	p4 =	sge.u32 s19, s16;
	[tilespmem:s9+$0x30] =	vst @!p5 v4;
	v4 =	vadd.s32 @!p5 $0x2710, v8  }
.Ltmp26:
0x336: {  	[tilespmem:s9+$0x40] =	vst @!p5 v4;
	v4 =	vadd.s32 @!p5 $0x2710, v9;
	(pc) =	sbr.rel @p4 .LBB2_46-.Ltmp26, $4  }
0x337: {  	[tilespmem:s9+$0x50] =	vst @!p5 v4;
	v4 =	vadd.s32 @!p5 $0x2710, v5  }
0x338: {  	[tilespmem:s9+$0x60] =	vst @!p5 v4;
	v4 =	vadd.s32 @!p5 $0x2710, v6  }
0x339: {  	s12 =	simm.s32 @!p5 $0xEF00;
	s11 =	simm.s32 @!p5 $0x80;
	[tilespmem:s9+$0x70] =	vst @!p5 v4  }
0x33a: {  	[tilespmem:s12], [sflag:$0x6] =	stream.indirect.gather @!p5 [hbm4b:s1+s11], $0x40, s9, s11, $0xb8;
	[tilespmem:$0x1E710] =	vst v63  }
0x33b: {  	_ =	swait.ge [sflag:s23], $0x2000  }
0x33c: {  	[sflag:s23] =	ssyncset.done $0x0  }
0x33d: {  	s12 =	simm.s32 $0x0;
	[sflag:s23] =	ssyncadd.s32 $0xFFFFE000  }
0x33e: {  	v10 =	vld [tilespmem:s12+$0x6F00]  }
0x33f: {  	v11 =	vld [tilespmem:s12+$0x6F10]  }
0x340: {  	v12 =	vld [tilespmem:s12+$0x6F20]  }
0x341: {  	v13 =	vld [tilespmem:s12+$0x6F30]  }
0x342: {  	v14 =	vld [tilespmem:s12+$0x6F40]  }
0x343: {  	v15 =	vld [tilespmem:s12+$0x6F50]  }
0x344: {  	v16 =	vld [tilespmem:s12+$0x6F60]  }
0x345: {  	v17 =	vld [tilespmem:s12+$0x6F70]  }
0x346: {  	v18 =	vld [tilespmem:s12+$0x6F80]  }
0x347: {  	v19 =	vld [tilespmem:s12+$0x6F90]  }
0x348: {  	v9 =	vld [tilespmem:s12+$0x6FA0]  }
0x349: {  	v8 =	vld [tilespmem:s12+$0x6FB0]  }
0x34a: {  	v7 =	vld [tilespmem:s12+$0x6FC0]  }
0x34b: {  	v20 =	vld [tilespmem:s12+$0xCF00]  }
0x34c: {  	v21 =	vld [tilespmem:s12+$0xCF10]  }
0x34d: {  	v6 =	vld [tilespmem:s12+$0x6FD0]  }
0x34e: {  	v22 =	vld [tilespmem:s12+$0xCF20]  }
0x34f: {  	v23 =	vld [tilespmem:s12+$0xCF30]  }
0x350: {  	v5 =	vld [tilespmem:s12+$0x6FE0];
	v10 =	vadd.f32 v10, v20  }
0x351: {  	v24 =	vld [tilespmem:s12+$0xCF40];
	v11 =	vadd.f32 v11, v21  }
0x352: {  	v60 =	vld [tilespmem:s12+$0xCF50];
	v10 =	vmax.f32 v10, $0.0e+00  }
0x353: {  	v4 =	vld [tilespmem:s12+$0x6FF0];
	v11 =	vmax.f32 v11, $0.0e+00;
	[tilespmem:s12+$0xCF00] =	vst v10;
	v10 =	vadd.f32 v12, v22  }
0x354: {  	v25 =	vld [tilespmem:s12+$0xCF60];
	[tilespmem:s12+$0xCF10] =	vst v11;
	v11 =	vadd.f32 v13, v23  }
0x355: {  	v61 =	vld [tilespmem:s12+$0xCF70];
	v10 =	vmax.f32 v10, $0.0e+00  }
0x356: {  	v62 =	vld [tilespmem:s12+$0xCF80];
	v12 =	vmax.f32 v11, $0.0e+00;
	[tilespmem:s12+$0xCF20] =	vst v10;
	v10 =	vadd.f32 v14, v24  }
0x357: {  	v63 =	vld [tilespmem:s12+$0xCF90];
	[tilespmem:s12+$0xCF30] =	vst v12;
	v12 =	vadd.f32 v15, v60  }
0x358: {  	v11 =	vld [tilespmem:s12+$0xCFA0];
	v13 =	vmax.f32 v10, $0.0e+00  }
0x359: {  	v10 =	vld [tilespmem:s12+$0xCFB0];
	v14 =	vmax.f32 v12, $0.0e+00;
	[tilespmem:s12+$0xCF40] =	vst v13;
	v13 =	vadd.f32 v16, v25  }
0x35a: {  	v12 =	vld [tilespmem:s12+$0xCFC0];
	[tilespmem:s12+$0xCF50] =	vst v14;
	v14 =	vadd.f32 v17, v61  }
0x35b: {  	v16 =	vadd.f32 v18, v62;
	v15 =	vmax.f32 v13, $0.0e+00;
	v13 =	vld [tilespmem:s12+$0xCFD0]  }
0x35c: {  	s9 =	simm.s32 $0x400;
	v17 =	vmax.f32 v14, $0.0e+00;
	v14 =	vld [tilespmem:s12+$0xCFE0];
	[tilespmem:s12+$0xCF60] =	vst v15;
	v15 =	vadd.f32 v19, v63  }
.LBB2_44:
0x35d: {  	s11 =	sshra.s32 s9, $0x2;
	p4 =	sne.s32 s9, $0x7C00;
	[tilespmem:s12+$0xCF70] =	vst v17;
	v16 =	vmax.f32 v16, $0.0e+00;
	v9 =	vadd.f32 v9, v11;
	v11 =	vld [tilespmem:s12+$0xCFF0]  }
0x35e: {  	v17 =	vld [tilespmem:s11+$0x6F00];
	[tilespmem:s12+$0xCF80] =	vst v16;
	v15 =	vmax.f32 v15, $0.0e+00;
	v8 =	vadd.f32 v8, v10  }
0x35f: {  	v10 =	vld [tilespmem:s11+$0x6F10];
	[tilespmem:s12+$0xCF90] =	vst v15;
	v9 =	vmax.f32 v9, $0.0e+00;
	v7 =	vadd.f32 v7, v12  }
0x360: {  	v12 =	vld [tilespmem:s11+$0x6F20];
	[tilespmem:s12+$0xCFA0] =	vst v9;
	v8 =	vmax.f32 v8, $0.0e+00;
	v6 =	vadd.f32 v6, v13  }
0x361: {  	v13 =	vld [tilespmem:s11+$0x6F30];
	[tilespmem:s12+$0xCFB0] =	vst v8;
	v7 =	vmax.f32 v7, $0.0e+00;
	v5 =	vadd.f32 v5, v14  }
0x362: {  	v14 =	vld [tilespmem:s11+$0x6F40];
	[tilespmem:s12+$0xCFC0] =	vst v7;
	v6 =	vmax.f32 v6, $0.0e+00;
	v4 =	vadd.f32 v4, v11  }
0x363: {  	v11 =	vld [tilespmem:s11+$0x6F50];
	[tilespmem:s12+$0xCFD0] =	vst v6;
	v5 =	vmax.f32 v5, $0.0e+00  }
0x364: {  	v15 =	vld [tilespmem:s11+$0x6F60];
	[tilespmem:s12+$0xCFE0] =	vst v5;
	v4 =	vmax.f32 v4, $0.0e+00  }
0x365: {  	v16 =	vld [tilespmem:s11+$0x6F70];
	[tilespmem:s12+$0xCFF0] =	vst v4;
	s12 =	smov.u32 s11  }
0x366: {  	v18 =	vld [tilespmem:s12+$0x6F80]  }
0x367: {  	v19 =	vld [tilespmem:s12+$0x6F90]  }
0x368: {  	v9 =	vld [tilespmem:s12+$0x6FA0]  }
0x369: {  	v8 =	vld [tilespmem:s12+$0x6FB0]  }
0x36a: {  	v7 =	vld [tilespmem:s12+$0x6FC0]  }
0x36b: {  	v6 =	vld [tilespmem:s12+$0x6FD0]  }
0x36c: {  	v5 =	vld [tilespmem:s12+$0x6FE0]  }
0x36d: {  	v4 =	vld [tilespmem:s12+$0x6FF0]  }
0x36e: {  	v20 =	vld [tilespmem:s12+$0xCF00]  }
0x36f: {  	v21 =	vld [tilespmem:s12+$0xCF10]  }
0x370: {  	v22 =	vld [tilespmem:s12+$0xCF20]  }
0x371: {  	v23 =	vld [tilespmem:s12+$0xCF30]  }
0x372: {  	v24 =	vld [tilespmem:s12+$0xCF40]  }
0x373: {  	v17 =	vadd.f32 v17, v20;
	v20 =	vld [tilespmem:s12+$0xCF50]  }
0x374: {  	v10 =	vadd.f32 v10, v21;
	v21 =	vld [tilespmem:s12+$0xCF60]  }
0x375: {  	v17 =	vmax.f32 v17, $0.0e+00;
	v12 =	vadd.f32 v12, v22;
	v22 =	vld [tilespmem:s12+$0xCF70]  }
0x376: {  	[tilespmem:s12+$0xCF00] =	vst v17;
	v10 =	vmax.f32 v10, $0.0e+00;
	v13 =	vadd.f32 v13, v23;
	v17 =	vld [tilespmem:s12+$0xCF80]  }
0x377: {  	[tilespmem:s12+$0xCF10] =	vst v10;
	v10 =	vmax.f32 v12, $0.0e+00;
	v12 =	vadd.f32 v14, v24;
	v14 =	vld [tilespmem:s12+$0xCF90]  }
.Ltmp27:
0x378: {  	[tilespmem:s12+$0xCF20] =	vst v10;
	v10 =	vmax.f32 v13, $0.0e+00;
	v13 =	vadd.f32 v11, v20;
	v11 =	vld [tilespmem:s12+$0xCFA0];
	(pc) =	sbr.rel @p4 .LBB2_44-.Ltmp27, $4  }
0x379: {  	[tilespmem:s12+$0xCF30] =	vst v10;
	v12 =	vmax.f32 v12, $0.0e+00;
	v15 =	vadd.f32 v15, v21;
	v10 =	vld [tilespmem:s12+$0xCFB0]  }
0x37a: {  	[tilespmem:s12+$0xCF40] =	vst v12;
	v13 =	vmax.f32 v13, $0.0e+00;
	v20 =	vadd.f32 v16, v22;
	v12 =	vld [tilespmem:s12+$0xCFC0]  }
0x37b: {  	[tilespmem:s12+$0xCF50] =	vst v13;
	v15 =	vmax.f32 v15, $0.0e+00;
	v16 =	vadd.f32 v18, v17;
	v13 =	vld [tilespmem:s12+$0xCFD0]  }
0x37c: {  	s9 =	sadd.s32 $0x400, s9;
	[tilespmem:s12+$0xCF60] =	vst v15;
	v17 =	vmax.f32 v20, $0.0e+00;
	v15 =	vadd.f32 v19, v14;
	v14 =	vld [tilespmem:s12+$0xCFE0]  }
0x37d: {  	[tilespmem:s12+$0xCF70] =	vst v17;
	v16 =	vmax.f32 v16, $0.0e+00;
	v9 =	vadd.f32 v9, v11;
	v63 =	vld [tilespmem:s12+$0xCFF0]  }
0x37e: {  	[tilespmem:s12+$0xCF80] =	vst v16;
	v15 =	vmax.f32 v15, $0.0e+00;
	v8 =	vadd.f32 v8, v10  }
0x37f: {  	[tilespmem:s12+$0xCF90] =	vst v15;
	v9 =	vmax.f32 v9, $0.0e+00;
	v7 =	vadd.f32 v7, v12  }
0x380: {  	[tilespmem:s12+$0xCFA0] =	vst v9;
	v8 =	vmax.f32 v8, $0.0e+00;
	v6 =	vadd.f32 v6, v13  }
0x381: {  	[tilespmem:s12+$0xCFB0] =	vst v8;
	v7 =	vmax.f32 v7, $0.0e+00;
	v5 =	vadd.f32 v5, v14  }
0x382: {  	[tilespmem:s12+$0xCFC0] =	vst v7;
	v6 =	vmax.f32 v6, $0.0e+00;
	v4 =	vadd.f32 v4, v63  }
0x383: {  	s9 =	sshll.u32 s19, $0x7;
	[tilespmem:s12+$0xCFD0] =	vst v6;
	v5 =	vmax.f32 v5, $0.0e+00  }
0x384: {  	s9 =	sand.u32 $0x3FFFFF80, s9;
	[tilespmem:s12+$0xCFE0] =	vst v5;
	v4 =	vmax.f32 v4, $0.0e+00  }
0x385: {  	s11 =	simm.s32 $0xCF00;
	s9 =	sadd.s32 $0x2780, s9;
	[tilespmem:s12+$0xCFF0] =	vst v4  }
0x386: {  	[spmem:s2] =	stream.indirect.scatter.add.f32 [tilespmem:s11], [sflag:$0x8], $0x40, s9, s10, $0xb8;
	[tilespmem:$0x1E710] =	vst v63  }
0x387: {  	_ =	swait.ge [sflag:s28], $0x2000  }
0x388: {  	[sflag:s28] =	ssyncset.done $0x0  }
0x389: {  	[sflag:s28] =	ssyncadd.s32 $0xFFFFE000  }
.LBB2_46:
0x38a: {  	s19 =	sadd.s32 $0x4, s18  }
0x38b: {  	p4 =	sge.u32 s19, s16  }
0x38c: {  	s9 =	sadd.s32 @!p4 s6, s19  }
0x38d: {  	s9 =	sshll.u32 @!p4 s9, $0xD  }
0x38e: {  	s9 =	sadd.s32 @!p4 s14, s9  }
0x38f: {  	s9 =	sshrl.u32 @!p4 s9, $0x3  }
0x390: {  	s11 =	simm.s32 @!p4 $0x0;
	s12 =	simm.s32 @!p4 $0x6F00;
	s9 =	sadd.s32 @!p4 s15, s9  }
0x391: {  	[tilespmem:s12], [sflag:$0x2] =	stream.linear.gather @!p4 [hbm4b:s9+s11], $0x2000, $0x38;
	[tilespmem:$0x1E710] =	vst v63  }
0x392: {  	s9 =	simm.s32 @!p3 $0x1  }
0x393: {  	_ =	swait.ge @!p3 [sflag:s9], $0x2000  }
0x394: {  	s11 =	sshll.u32 @!p3 s17, $0x7;
	[sflag:s9] =	ssyncset.done @!p3 $0x0  }
0x395: {  	[sflag:s9] =	ssyncadd.s32 @!p3 $0xFFFFE000;
	s9 =	sand.u32 @!p3 $0x3FFFFF80, s11  }
0x396: {  	v4 =	vld @!p3 [tilespmem:s9+$0x0]  }
0x397: {  	v5 =	vld @!p3 [tilespmem:s9+$0x10]  }
0x398: {  	v6 =	vld @!p3 [tilespmem:s9+$0x20]  }
0x399: {  	v7 =	vld @!p3 [tilespmem:s9+$0x30]  }
0x39a: {  	v8 =	vld @!p3 [tilespmem:s9+$0x40]  }
0x39b: {  	v9 =	vld @!p3 [tilespmem:s9+$0x50];
	v4 =	vadd.s32 @!p3 $0x2710, v4  }
0x39c: {  	[tilespmem:s9+$0x0] =	vst @!p3 v4;
	v4 =	vadd.s32 @!p3 $0x2710, v5;
	v5 =	vld @!p3 [tilespmem:s9+$0x60]  }
0x39d: {  	[tilespmem:s9+$0x10] =	vst @!p3 v4;
	v4 =	vadd.s32 @!p3 $0x2710, v6;
	v6 =	vld @!p3 [tilespmem:s9+$0x70]  }
0x39e: {  	[tilespmem:s9+$0x20] =	vst @!p3 v4;
	v4 =	vadd.s32 @!p3 $0x2710, v7  }
0x39f: {  	[tilespmem:s9+$0x30] =	vst @!p3 v4;
	v4 =	vadd.s32 @!p3 $0x2710, v8  }
.Ltmp28:
0x3a0: {  	[tilespmem:s9+$0x40] =	vst @!p3 v4;
	v4 =	vadd.s32 @!p3 $0x2710, v9;
	(pc) =	sbr.rel @p5 .LBB2_50-.Ltmp28, $4  }
0x3a1: {  	[tilespmem:s9+$0x50] =	vst @!p3 v4;
	v4 =	vadd.s32 @!p3 $0x2710, v5  }
0x3a2: {  	[tilespmem:s9+$0x60] =	vst @!p3 v4;
	v4 =	vadd.s32 @!p3 $0x2710, v6  }
0x3a3: {  	s12 =	simm.s32 @!p3 $0xAF00;
	s11 =	simm.s32 @!p3 $0x80;
	[tilespmem:s9+$0x70] =	vst @!p3 v4  }
0x3a4: {  	[tilespmem:s12], [sflag:$0x4] =	stream.indirect.gather @!p3 [hbm4b:s1+s11], $0x40, s9, s11, $0xb8;
	[tilespmem:$0x1E710] =	vst v63  }
0x3a5: {  	_ =	swait.ge [sflag:s25], $0x2000  }
0x3a6: {  	[sflag:s25] =	ssyncset.done $0x0  }
0x3a7: {  	s12 =	simm.s32 $0x0;
	[sflag:s25] =	ssyncadd.s32 $0xFFFFE000  }
0x3a8: {  	v10 =	vld [tilespmem:s12+$0x8F00]  }
0x3a9: {  	v11 =	vld [tilespmem:s12+$0x8F10]  }
0x3aa: {  	v12 =	vld [tilespmem:s12+$0x8F20]  }
0x3ab: {  	v13 =	vld [tilespmem:s12+$0x8F30]  }
0x3ac: {  	v14 =	vld [tilespmem:s12+$0x8F40]  }
0x3ad: {  	v15 =	vld [tilespmem:s12+$0x8F50]  }
0x3ae: {  	v16 =	vld [tilespmem:s12+$0x8F60]  }
0x3af: {  	v17 =	vld [tilespmem:s12+$0x8F70]  }
0x3b0: {  	v18 =	vld [tilespmem:s12+$0x8F80]  }
0x3b1: {  	v19 =	vld [tilespmem:s12+$0x8F90]  }
0x3b2: {  	v9 =	vld [tilespmem:s12+$0x8FA0]  }
0x3b3: {  	v8 =	vld [tilespmem:s12+$0x8FB0]  }
0x3b4: {  	v7 =	vld [tilespmem:s12+$0x8FC0]  }
0x3b5: {  	v20 =	vld [tilespmem:s12+$0xEF00]  }
0x3b6: {  	v21 =	vld [tilespmem:s12+$0xEF10]  }
0x3b7: {  	v6 =	vld [tilespmem:s12+$0x8FD0]  }
0x3b8: {  	v22 =	vld [tilespmem:s12+$0xEF20]  }
0x3b9: {  	v23 =	vld [tilespmem:s12+$0xEF30]  }
0x3ba: {  	v5 =	vld [tilespmem:s12+$0x8FE0];
	v10 =	vadd.f32 v10, v20  }
0x3bb: {  	v24 =	vld [tilespmem:s12+$0xEF40];
	v11 =	vadd.f32 v11, v21  }
0x3bc: {  	v60 =	vld [tilespmem:s12+$0xEF50];
	v10 =	vmax.f32 v10, $0.0e+00  }
0x3bd: {  	v4 =	vld [tilespmem:s12+$0x8FF0];
	v11 =	vmax.f32 v11, $0.0e+00;
	[tilespmem:s12+$0xEF00] =	vst v10;
	v10 =	vadd.f32 v12, v22  }
0x3be: {  	v25 =	vld [tilespmem:s12+$0xEF60];
	[tilespmem:s12+$0xEF10] =	vst v11;
	v11 =	vadd.f32 v13, v23  }
0x3bf: {  	v61 =	vld [tilespmem:s12+$0xEF70];
	v10 =	vmax.f32 v10, $0.0e+00  }
0x3c0: {  	v62 =	vld [tilespmem:s12+$0xEF80];
	v12 =	vmax.f32 v11, $0.0e+00;
	[tilespmem:s12+$0xEF20] =	vst v10;
	v10 =	vadd.f32 v14, v24  }
0x3c1: {  	v63 =	vld [tilespmem:s12+$0xEF90];
	[tilespmem:s12+$0xEF30] =	vst v12;
	v12 =	vadd.f32 v15, v60  }
0x3c2: {  	v11 =	vld [tilespmem:s12+$0xEFA0];
	v13 =	vmax.f32 v10, $0.0e+00  }
0x3c3: {  	v10 =	vld [tilespmem:s12+$0xEFB0];
	v14 =	vmax.f32 v12, $0.0e+00;
	[tilespmem:s12+$0xEF40] =	vst v13;
	v13 =	vadd.f32 v16, v25  }
0x3c4: {  	v12 =	vld [tilespmem:s12+$0xEFC0];
	[tilespmem:s12+$0xEF50] =	vst v14;
	v14 =	vadd.f32 v17, v61  }
0x3c5: {  	v16 =	vadd.f32 v18, v62;
	v15 =	vmax.f32 v13, $0.0e+00;
	v13 =	vld [tilespmem:s12+$0xEFD0]  }
0x3c6: {  	s9 =	simm.s32 $0x400;
	v17 =	vmax.f32 v14, $0.0e+00;
	v14 =	vld [tilespmem:s12+$0xEFE0];
	[tilespmem:s12+$0xEF60] =	vst v15;
	v15 =	vadd.f32 v19, v63  }
.LBB2_48:
0x3c7: {  	s11 =	sshra.s32 s9, $0x2;
	p3 =	sne.s32 s9, $0x7C00;
	[tilespmem:s12+$0xEF70] =	vst v17;
	v16 =	vmax.f32 v16, $0.0e+00;
	v9 =	vadd.f32 v9, v11;
	v11 =	vld [tilespmem:s12+$0xEFF0]  }
0x3c8: {  	v17 =	vld [tilespmem:s11+$0x8F00];
	[tilespmem:s12+$0xEF80] =	vst v16;
	v15 =	vmax.f32 v15, $0.0e+00;
	v8 =	vadd.f32 v8, v10  }
0x3c9: {  	v10 =	vld [tilespmem:s11+$0x8F10];
	[tilespmem:s12+$0xEF90] =	vst v15;
	v9 =	vmax.f32 v9, $0.0e+00;
	v7 =	vadd.f32 v7, v12  }
0x3ca: {  	v12 =	vld [tilespmem:s11+$0x8F20];
	[tilespmem:s12+$0xEFA0] =	vst v9;
	v8 =	vmax.f32 v8, $0.0e+00;
	v6 =	vadd.f32 v6, v13  }
0x3cb: {  	v13 =	vld [tilespmem:s11+$0x8F30];
	[tilespmem:s12+$0xEFB0] =	vst v8;
	v7 =	vmax.f32 v7, $0.0e+00;
	v5 =	vadd.f32 v5, v14  }
0x3cc: {  	v14 =	vld [tilespmem:s11+$0x8F40];
	[tilespmem:s12+$0xEFC0] =	vst v7;
	v6 =	vmax.f32 v6, $0.0e+00;
	v4 =	vadd.f32 v4, v11  }
0x3cd: {  	v11 =	vld [tilespmem:s11+$0x8F50];
	[tilespmem:s12+$0xEFD0] =	vst v6;
	v5 =	vmax.f32 v5, $0.0e+00  }
0x3ce: {  	v15 =	vld [tilespmem:s11+$0x8F60];
	[tilespmem:s12+$0xEFE0] =	vst v5;
	v4 =	vmax.f32 v4, $0.0e+00  }
0x3cf: {  	v16 =	vld [tilespmem:s11+$0x8F70];
	[tilespmem:s12+$0xEFF0] =	vst v4;
	s12 =	smov.u32 s11  }
0x3d0: {  	v18 =	vld [tilespmem:s12+$0x8F80]  }
0x3d1: {  	v19 =	vld [tilespmem:s12+$0x8F90]  }
0x3d2: {  	v9 =	vld [tilespmem:s12+$0x8FA0]  }
0x3d3: {  	v8 =	vld [tilespmem:s12+$0x8FB0]  }
0x3d4: {  	v7 =	vld [tilespmem:s12+$0x8FC0]  }
0x3d5: {  	v6 =	vld [tilespmem:s12+$0x8FD0]  }
0x3d6: {  	v5 =	vld [tilespmem:s12+$0x8FE0]  }
0x3d7: {  	v4 =	vld [tilespmem:s12+$0x8FF0]  }
0x3d8: {  	v20 =	vld [tilespmem:s12+$0xEF00]  }
0x3d9: {  	v21 =	vld [tilespmem:s12+$0xEF10]  }
0x3da: {  	v22 =	vld [tilespmem:s12+$0xEF20]  }
0x3db: {  	v23 =	vld [tilespmem:s12+$0xEF30]  }
0x3dc: {  	v24 =	vld [tilespmem:s12+$0xEF40]  }
0x3dd: {  	v17 =	vadd.f32 v17, v20;
	v20 =	vld [tilespmem:s12+$0xEF50]  }
0x3de: {  	v10 =	vadd.f32 v10, v21;
	v21 =	vld [tilespmem:s12+$0xEF60]  }
0x3df: {  	v17 =	vmax.f32 v17, $0.0e+00;
	v12 =	vadd.f32 v12, v22;
	v22 =	vld [tilespmem:s12+$0xEF70]  }
0x3e0: {  	[tilespmem:s12+$0xEF00] =	vst v17;
	v10 =	vmax.f32 v10, $0.0e+00;
	v13 =	vadd.f32 v13, v23;
	v17 =	vld [tilespmem:s12+$0xEF80]  }
0x3e1: {  	[tilespmem:s12+$0xEF10] =	vst v10;
	v10 =	vmax.f32 v12, $0.0e+00;
	v12 =	vadd.f32 v14, v24;
	v14 =	vld [tilespmem:s12+$0xEF90]  }
.Ltmp29:
0x3e2: {  	[tilespmem:s12+$0xEF20] =	vst v10;
	v10 =	vmax.f32 v13, $0.0e+00;
	v13 =	vadd.f32 v11, v20;
	v11 =	vld [tilespmem:s12+$0xEFA0];
	(pc) =	sbr.rel @p3 .LBB2_48-.Ltmp29, $4  }
0x3e3: {  	[tilespmem:s12+$0xEF30] =	vst v10;
	v12 =	vmax.f32 v12, $0.0e+00;
	v15 =	vadd.f32 v15, v21;
	v10 =	vld [tilespmem:s12+$0xEFB0]  }
0x3e4: {  	[tilespmem:s12+$0xEF40] =	vst v12;
	v13 =	vmax.f32 v13, $0.0e+00;
	v20 =	vadd.f32 v16, v22;
	v12 =	vld [tilespmem:s12+$0xEFC0]  }
0x3e5: {  	[tilespmem:s12+$0xEF50] =	vst v13;
	v15 =	vmax.f32 v15, $0.0e+00;
	v16 =	vadd.f32 v18, v17;
	v13 =	vld [tilespmem:s12+$0xEFD0]  }
0x3e6: {  	s9 =	sadd.s32 $0x400, s9;
	[tilespmem:s12+$0xEF60] =	vst v15;
	v17 =	vmax.f32 v20, $0.0e+00;
	v15 =	vadd.f32 v19, v14;
	v14 =	vld [tilespmem:s12+$0xEFE0]  }
0x3e7: {  	[tilespmem:s12+$0xEF70] =	vst v17;
	v16 =	vmax.f32 v16, $0.0e+00;
	v9 =	vadd.f32 v9, v11;
	v63 =	vld [tilespmem:s12+$0xEFF0]  }
0x3e8: {  	[tilespmem:s12+$0xEF80] =	vst v16;
	v15 =	vmax.f32 v15, $0.0e+00;
	v8 =	vadd.f32 v8, v10  }
0x3e9: {  	[tilespmem:s12+$0xEF90] =	vst v15;
	v9 =	vmax.f32 v9, $0.0e+00;
	v7 =	vadd.f32 v7, v12  }
0x3ea: {  	[tilespmem:s12+$0xEFA0] =	vst v9;
	v8 =	vmax.f32 v8, $0.0e+00;
	v6 =	vadd.f32 v6, v13  }
0x3eb: {  	[tilespmem:s12+$0xEFB0] =	vst v8;
	v7 =	vmax.f32 v7, $0.0e+00;
	v5 =	vadd.f32 v5, v14  }
0x3ec: {  	[tilespmem:s12+$0xEFC0] =	vst v7;
	v6 =	vmax.f32 v6, $0.0e+00;
	v4 =	vadd.f32 v4, v63  }
0x3ed: {  	s3 =	sshll.u32 s3, $0x7;
	[tilespmem:s12+$0xEFD0] =	vst v6;
	v5 =	vmax.f32 v5, $0.0e+00  }
0x3ee: {  	s3 =	sand.u32 $0x3FFFFF80, s3;
	[tilespmem:s12+$0xEFE0] =	vst v5;
	v4 =	vmax.f32 v4, $0.0e+00  }
.Ltmp30:
0x3ef: {  	s9 =	simm.s32 $0xEF00;
	s3 =	sadd.s32 $0x2780, s3;
	[tilespmem:s12+$0xEFF0] =	vst v4;
	(pc) =	sbr.rel .LBB2_50-.Ltmp30, $4  }
0x3f0: {  	[spmem:s2] =	stream.indirect.scatter.add.f32 [tilespmem:s9], [sflag:$0x8], $0x40, s3, s10, $0xb8;
	[tilespmem:$0x1E710] =	vst v63  }
0x3f1: {  	_ =	swait.ge [sflag:s28], $0x2000  }
0x3f2: {  	[sflag:s28] =	ssyncset.done $0x0  }
0x3f3: {  	[sflag:s28] =	ssyncadd.s32 $0xFFFFE000  }
.LBB2_52:
0x3f4: {  	_ =	sfence.sel $0x180000  }
0x3f5: {  	[bflag:$0x0] =	sbarrier.arrive $0xFFFF  }
0x3f6: {  	_ =	strace $0x90000047  }
0x3f7: {  	s0 =	stileid.u32;
	[bflag:$0x2] =	sbarrier.arrive $0xFFFF  }
0x3f8: {  	p0 =	sne.s32 s0, $0x0;
	s0 =	rddreg [dreg:$0x4]  }
0x3f9: {  	s0 =	sadd.s32 @!p0 $0x100000, s0  }
0x3fa: {  	[sflag:s0] =	ssyncadd.tile.s32 @!p0 $0x1;
	_ =	shalt  }
.Lfunc_end2:
_tile_overlayer_lowered:
.L_overlay_start_2:
0x3fb: {  	(tag) =	ssettag $0x2  }
0x3fc: {  	s0 =	rddreg [dreg:$0x0];
	s2 =	stileid.u32  }
0x3fd: {  	s1 =	rddreg [dreg:$0x1];
	p0 =	sne.s32 s2, $0x0  }
0x3fe: {  	s3 =	rddreg [dreg:$0x2];
	[bflag:$0x3] =	sbarrier.arrive $0xFFFF;
	s2 =	simm.s32 @!p0 $0x1C08  }
0x3ff: {  	[timem:s3], [sflag:s2] =	dma.local @!p0 [hbm:s0], s1  }
0x400: {  	s0 =	simm.s32 @!p0 $0x8  }
0x401: {  	_ =	swait.ge @!p0 [sflag:s0], s1  }
0x402: {  	s1 =	ssub.s32 @!p0 $0x0, s1;
	[sflag:s0] =	ssyncset.done @!p0 $0x0  }
0x403: {  	[sflag:s0] =	ssyncadd.s32 @!p0 s1  }
0x404: {  	[bflag:$0x3] =	sbarrier.arrive $0xFFFF  }
0x405: {  	_ =	shalt  }

</sc_bundles>
